<compile_context>
chip_gen: v7x
topology: tpu7x:2x2x1
jax: 0.10.2.dev20260603
libtpu: 0.0.44.dev20260713+nightly
codegen_flags: <defaults>
</compile_context>

<pallas_src>
import functools

import jax
import jax.numpy as jnp
from jax import lax
from jax.experimental import pallas as pl
from jax.experimental.pallas import tpu as pltpu
from jax.experimental.pallas import tpu_sc as plsc

_F = 13
_SP = _F * _F
_CLASSES = 80
_ATTRS = 85
_B = 64
_T = 50
_TP = 64
_N_CELLS = _B * 3 * _SP
_EPS = 1e-12

_AW = (116.0 / 416.0, 156.0 / 416.0, 373.0 / 416.0,
       30.0 / 416.0, 62.0 / 416.0, 59.0 / 416.0,
       10.0 / 416.0, 16.0 / 416.0, 33.0 / 416.0)
_AH = (90.0 / 416.0, 198.0 / 416.0, 326.0 / 416.0,
       61.0 / 416.0, 45.0 / 416.0, 119.0 / 416.0,
       13.0 / 416.0, 30.0 / 416.0, 23.0 / 416.0)


def _lane_splat(vec, lane):
    dnums = lax.GatherDimensionNumbers(
        offset_dims=(), collapsed_slice_dims=(0,), start_index_map=(0,))
    return lax.gather(vec, lane[:, None], dnums, (1,),
                      mode=lax.GatherScatterMode.PROMISE_IN_BOUNDS)


def _sc_body(tgt_hbm, pf_hbm, out1_hbm, out2_hbm, tv, idx, vals, ob, sem):
    wid = lax.axis_index("s") * 2 + lax.axis_index("c")

    for bi in range(2):
        b = wid * 2 + bi
        pltpu.sync_copy(tgt_hbm.at[b], tv)

        keys = []
        ckeys = []
        lanes = []
        for g in range(4):
            sl = pl.ds(g * 16, 16)
            cx = tv[0, sl]
            cy = tv[1, sl]
            w = tv[2, sl]
            h = tv[3, sl]
            cl = tv[4, sl]
            lane_t = lax.iota(jnp.int32, 16) + g * 16

            wh = w * h
            best = jnp.full((16,), -1.0, jnp.float32)
            bidx = jnp.zeros((16,), jnp.int32)
            for a in range(9):
                inter = jnp.minimum(w, _AW[a]) * jnp.minimum(h, _AH[a])
                union = wh + (_AW[a] * _AH[a]) - inter
                iou = inter / union
                upd = iou > best
                best = jnp.where(upd, iou, best)
                bidx = jnp.where(upd, jnp.full((16,), a, jnp.int32), bidx)

            valid = (bidx < 3) & (lane_t < _T)
            fx = cx * float(_F)
            fy = cy * float(_F)
            gx = fx.astype(jnp.int32)
            gy = fy.astype(jnp.int32)
            tx = fx - gx.astype(jnp.float32)
            ty = fy - gy.astype(jnp.float32)
            clsi = cl.astype(jnp.int32)
            clsc = jnp.clip(clsi, 0, _CLASSES - 1)
            clsok = (cl < float(_CLASSES)) & (cl >= 0.0)

            key = (bidx * _F + gy) * _F + gx
            key = jnp.where(valid, key, -1 - lane_t)
            ckey = jnp.where(valid & clsok, key * _CLASSES + clsc, -1 - lane_t)

            aw_s = jnp.where(bidx == 0, _AW[0], jnp.where(bidx == 1, _AW[1], _AW[2]))
            ah_s = jnp.where(bidx == 0, _AH[0], jnp.where(bidx == 1, _AH[1], _AH[2]))
            rw = jnp.maximum(w, _EPS) / aw_s
            rh = jnp.maximum(h, _EPS) / ah_s

            sp = gy * _F + gx
            base = (b * 255 + bidx * _ATTRS) * _SP + sp
            base = jnp.where(valid, base, 0)
            for ch in range(5):
                idx[ch, sl] = base + ch * _SP
            idx[5, sl] = base + (5 + clsc) * _SP

            ob[0, sl] = tx
            ob[1, sl] = ty
            ob[2, sl] = rw
            ob[3, sl] = rh
            ob[6, sl] = 2.0 - wh
            keys.append(key)
            ckeys.append(ckey)
            lanes.append(lane_t)

        copies = [pltpu.async_copy(pf_hbm.at[idx.at[j]], vals.at[j], sem)
                  for j in range(6)]

        def body(j, carry):
            win = list(carry[0:4])
            cwin = list(carry[4:8])
            for gj in range(4):
                lane = jnp.full((16,), j, jnp.int32)
                kvj = _lane_splat(keys[gj], lane)
                kcj = _lane_splat(ckeys[gj], lane)
                jj = lane + gj * 16
                for g in range(4):
                    earlier = lanes[g] < jj
                    win[g] = jnp.where((keys[g] == kvj) & earlier, 0, win[g])
                    cwin[g] = jnp.where((ckeys[g] == kcj) & earlier, 0, cwin[g])
            return tuple(win) + tuple(cwin)

        one = jnp.ones((16,), jnp.int32)
        zero = jnp.zeros((16,), jnp.int32)
        init = (tuple(jnp.where(k >= 0, one, zero) for k in keys)
                + tuple(jnp.where(k >= 0, one, zero) for k in ckeys))
        carry = lax.fori_loop(0, 16, body, init)

        for g in range(4):
            sl = pl.ds(g * 16, 16)
            isw = carry[g] > 0
            winf = jnp.where(isw, 1.0, 0.0)
            cwinf = jnp.where(carry[4 + g] > 0, 1.0, 0.0)
            ob[0, sl] = ob[0, sl] * winf
            ob[1, sl] = ob[1, sl] * winf
            ob[2, sl] = jnp.where(isw, ob[2, sl], 1.0)
            ob[3, sl] = jnp.where(isw, ob[3, sl], 1.0)
            ob[4, sl] = winf
            ob[5, sl] = cwinf
            ob[6, sl] = ob[6, sl] * winf

        for c in copies:
            c.wait()
        pltpu.sync_copy(ob, out1_hbm.at[b])
        pltpu.sync_copy(vals, out2_hbm.at[b])


@functools.cache
def _sc_kernel():
    return pl.kernel(
        _sc_body,
        out_type=[jax.ShapeDtypeStruct((_B, 7, _TP), jnp.float32),
                  jax.ShapeDtypeStruct((_B, 6, _TP), jnp.float32)],
        mesh=plsc.VectorSubcoreMesh(core_axis_name="c", subcore_axis_name="s"),
        scratch_types=[
            pltpu.VMEM((5, _TP), jnp.float32),
            pltpu.VMEM((6, _TP), jnp.int32),
            pltpu.VMEM((6, _TP), jnp.float32),
            pltpu.VMEM((7, _TP), jnp.float32),
            pltpu.SemaphoreType.DMA,
        ],
    )


def _tc_body(pf_ref, sc1_ref, sc2_ref, out_ref, acc):
    i = pl.program_id(0)

    @pl.when(i == 0)
    def _init():
        acc[0] = 0.0
        acc[1] = 0.0
        acc[2] = 0.0

    z = pf_ref[0]
    ch = lax.broadcasted_iota(jnp.int32, (255, 1), 0) % _ATTRS
    p = jax.nn.sigmoid(z)
    bce0 = -jnp.maximum(jnp.log(1.0 - p + _EPS), -100.0)
    sq = z * z
    is_sq = (ch == 2) | (ch == 3)
    val = jnp.where(is_sq, sq, bce0)
    acc[0] = acc[0] + jnp.sum(jnp.where(ch < 4, val, 0.0))
    acc[1] = acc[1] + jnp.sum(jnp.where(ch == 4, bce0, 0.0))
    acc[2] = acc[2] + jnp.sum(jnp.where(ch >= 5, bce0, 0.0))

    @pl.when(i == pl.num_programs(0) - 1)
    def _finish():
        s1t = sc1_ref[:, :, :]
        zz = sc2_ref[:, :, :]
        pz = jax.nn.sigmoid(zz)
        l0 = jnp.maximum(jnp.log(1.0 - pz + _EPS), -100.0)
        l1 = jnp.maximum(jnp.log(pz + _EPS), -100.0)
        d = l0 - l1
        cx = jnp.sum(s1t[:, 0] * d[:, 0])
        cy = jnp.sum(s1t[:, 1] * d[:, 1])
        tw = jnp.log(s1t[:, 2])
        th = jnp.log(s1t[:, 3])
        cw = jnp.sum(tw * tw - 2.0 * zz[:, 2] * tw)
        chh = jnp.sum(th * th - 2.0 * zz[:, 3] * th)
        co = jnp.sum(s1t[:, 4] * d[:, 4])
        cc = jnp.sum(s1t[:, 5] * d[:, 5])
        s1 = jnp.sum(s1t[:, 6])
        s2 = jnp.sum(s1t[:, 4])
        n = float(_N_CELLS)
        total = ((acc[0] + cx + cy + cw + chh) / n) * s1 \
            + (acc[1] + co) \
            + 5.0 * ((acc[2] + cc) / (n * _CLASSES)) * s2
        out_ref[0, 0] = total


def kernel(predict_feature, targets):
    pf_flat = predict_feature.reshape(-1)
    pf3 = predict_feature.reshape(_B, 255, _SP)
    tgt = jnp.transpose(targets, (0, 2, 1))
    tgt = jnp.pad(tgt, ((0, 0), (0, 0), (0, _TP - _T)))

    sc1, sc2 = _sc_kernel()(tgt, pf_flat)

    out = pl.pallas_call(
        _tc_body,
        grid=(_B,),
        in_specs=[
            pl.BlockSpec((1, 255, _SP), lambda i: (i, 0, 0)),
            pl.BlockSpec((_B, 7, _TP), lambda i: (0, 0, 0)),
            pl.BlockSpec((_B, 6, _TP), lambda i: (0, 0, 0)),
        ],
        out_specs=pl.BlockSpec(memory_space=pltpu.SMEM),
        out_shape=jax.ShapeDtypeStruct((1, 1), jnp.float32),
        scratch_shapes=[pltpu.SMEM((3,), jnp.float32)],
    )(pf3, sc1, sc2)
    return out[0, 0]

# --- scband reference (transcript-rebuilt; emitter-appended) ---
"""Pipeline reference for scband-yolo-v3-loss-89575837926028 (READ-ONLY COPY).

The authoritative reference and input builder live on the scoring server;
editing this copy changes nothing except your own understanding.
"""

import jax, jax.numpy as jnp
import numpy as np

ANCHORS = np.asarray([[[116, 90], [156, 198], [373, 326]],
                      [[30, 61], [62, 45], [59, 119]],
                      [[10, 13], [16, 30], [33, 23]]], dtype=np.float32)
IMG_W = 416.0
IMG_H = 416.0
CLASSES = 80
BBOX_ATTRS = 4 + 1 + CLASSES
F = 13
LAMBDA_XY = 1.0
LAMBDA_WH = 1.0
LAMBDA_NOOBJ = 1.0
LAMBDA_OBJ = 1.0
LAMBDA_CLASS = 5.0
LAMBDA_CONF = 1.0


def _normd_anchors():
    a = ANCHORS.copy()
    a[:, :, 0] /= IMG_W
    a[:, :, 1] /= IMG_H
    return jnp.asarray(a.reshape(9, 2))


def setup_inputs(seed: int = 0) -> dict:
    key = jax.random.key(seed)
    k1, k2 = jax.random.split(key)
    predict_feature = jax.random.normal(k1, (64, 3 * BBOX_ATTRS, F, F), dtype=jnp.float32)
    targets = jax.random.uniform(k2, (64, 50, 5), dtype=jnp.float32)
    return {"predict_feature": predict_feature, "targets": targets}


def decode_pyramid_target(targets, na):
    # targets: [B, T, 5] = (cx, cy, w, h, class) normalized to [0,1)
    B, T, _ = targets.shape
    w = targets[..., 2]
    h = targets[..., 3]
    aw = na[:, 0]
    ah = na[:, 1]
    # jaccard of (0,0,w,h) box vs (0,0,aw,ah) anchor box (as in jaccard_tensor)
    inter = jnp.minimum(w[..., None], aw[None, None, :]) * jnp.minimum(h[..., None], ah[None, None, :])
    union = (w * h)[..., None] + (aw * ah)[None, None, :] - inter
    ious = inter / union
    anch_idx = jnp.argmax(ious, axis=-1)              # [B, T] in [0, 9)
    valid = anch_idx < 3                              # 13x13 level uses anchor indices 0,1,2
    pa = anch_idx % 3
    fb = targets[..., :4] * F
    gx = jnp.floor(fb[..., 0]).astype(jnp.int32)
    gy = jnp.floor(fb[..., 1]).astype(jnp.int32)
    tx = fb[..., 0] - gx.astype(jnp.float32)
    ty = fb[..., 1] - gy.astype(jnp.float32)
    tw = jnp.log(jnp.maximum(w, 1e-12) / aw[anch_idx])
    th = jnp.log(jnp.maximum(h, 1e-12) / ah[anch_idx])
    cls = targets[..., 4].astype(jnp.int32)
    bidx = jnp.broadcast_to(jnp.arange(B)[:, None], (B, T))
    bidx = jnp.where(valid, bidx, B)  # out-of-range batch index -> dropped by scatter

    def scat(vals, init):
        return jnp.full((B, 3, F, F), init, jnp.float32).at[bidx, pa, gy, gx].set(vals, mode='drop')

    ones_t = jnp.ones((B, T), jnp.float32)
    zeros_t = jnp.zeros((B, T), jnp.float32)
    target_x = scat(tx, 0.0)
    target_y = scat(ty, 0.0)
    target_w = scat(tw, 0.0)
    target_h = scat(th, 0.0)
    t_lw_xw = scat(w, 0.0)
    t_lw_yh = scat(h, 0.0)
    t_obj_conf = scat(ones_t, 0.0)
    t_obj_mask = scat(ones_t, 0.0)
    t_noobj_mask = scat(zeros_t, 1.0)
    t_cls = jnp.zeros((B, 3, F, F, CLASSES), jnp.float32).at[bidx, pa, gy, gx, cls].set(1.0, mode='drop')
    return (target_x, target_y, target_w, target_h, t_lw_xw, t_lw_yh, t_obj_conf, t_cls, t_obj_mask, t_noobj_mask)


def compute_loss(predict_feature, dec):
    (tx, ty, tw, th, lw_xw, lw_yh, t_obj, t_cls, omask, nmask) = dec
    B = predict_feature.shape[0]
    pf = predict_feature.reshape(B, 3, BBOX_ATTRS, F, F).transpose(0, 1, 3, 4, 2)
    px = jax.nn.sigmoid(pf[..., 0])
    py = jax.nn.sigmoid(pf[..., 1])
    pw = pf[..., 2]
    ph = pf[..., 3]
    pobj = jax.nn.sigmoid(pf[..., 4])
    pcls = jax.nn.sigmoid(pf[..., 5:])

    def bce_mean(p, t):
        eps = 1e-12
        l = -(t * jnp.maximum(jnp.log(p + eps), -100.0) + (1.0 - t) * jnp.maximum(jnp.log(1.0 - p + eps), -100.0))
        return jnp.mean(l)

    def mse_mean(p, t):
        return jnp.mean((p - t) ** 2)

    scale = 2.0 - lw_xw * lw_yh
    loss_x = jnp.sum(bce_mean(px, tx) * scale * omask)
    loss_y = jnp.sum(bce_mean(py, ty) * scale * omask)
    loss_w = jnp.sum(mse_mean(pw, tw) * scale * omask)
    loss_h = jnp.sum(mse_mean(ph, th) * scale * omask)
    loss_obj = jnp.sum(bce_mean(pobj, t_obj) * omask)
    loss_noobj = jnp.sum(bce_mean(pobj, t_obj) * nmask)
    loss_cls = jnp.sum(bce_mean(pcls, t_cls) * omask)
    total = (LAMBDA_XY * (loss_x + loss_y)
             + LAMBDA_WH * (loss_w + loss_h)
             + LAMBDA_CONF * (LAMBDA_OBJ * loss_obj + LAMBDA_NOOBJ * loss_noobj)
             + LAMBDA_CLASS * loss_cls)
    return total


def reference(predict_feature, targets):
    na = _normd_anchors()
    dec = decode_pyramid_target(targets, na)
    return compute_loss(predict_feature, dec)

if __name__ == "__main__":
    import jax
    _d = setup_inputs()
    print(jax.jit(kernel)(*tuple(_d.values())))

</pallas_src>

<mosaic_0001>
#map = affine_map<(d0, d1) -> (0, 0, 0)>
#map1 = affine_map<(d0, d1) -> (0)>
module attributes {stable_mosaic.version = 14 : i64} {
  func.func @_sc_body(%arg0: i32, %arg1: i32, %arg2: memref<64x5x64xf32, #tpu.memory_space<hbm>>, %arg3: memref<2758080xf32, #tpu.memory_space<hbm>>, %arg4: memref<64x7x64xf32, #tpu.memory_space<hbm>>, %arg5: memref<64x6x64xf32, #tpu.memory_space<hbm>>, %arg6: memref<5x64xf32, #tpu.memory_space<vmem>>, %arg7: memref<6x64xi32, #tpu.memory_space<vmem>>, %arg8: memref<6x64xf32, #tpu.memory_space<vmem>>, %arg9: memref<7x64xf32, #tpu.memory_space<vmem>>, %arg10: memref<!tpu.dma_semaphore, #tpu.memory_space<semaphore_mem>>) attributes {dimension_semantics = [#tpu.dimension_semantics<core_parallel>, #tpu.dimension_semantics<subcore_parallel>], iteration_bounds = array<i64: 2, 16>, scalar_prefetch = 0 : i64, scratch_operands = 5 : i64, tpu.core_type = #tpu.core_type<sc_vector_subcore>, window_params = [{transform_indices = #map}, {transform_indices = #map1}, {transform_indices = #map}, {transform_indices = #map}]} {
    %mul3A = arith.constant 2 : i32
    %mul3A_0 = arith.muli %arg1, %mul3A : i32
    %add3A = arith.addi %mul3A_0, %arg0 : i32
    %mul3A_1 = arith.constant 2 : i32
    %mul3A_2 = arith.muli %add3A, %mul3A_1 : i32
    %add3A_3 = arith.constant 0 : i32
    %add3A_4 = arith.addi %mul3A_2, %add3A_3 : i32
    "tpu.region"() ({
      %run_scoped3A = tpu.sem_alloc : memref<!tpu.dma_semaphore, #tpu.memory_space<semaphore_mem>>
      %dma_start3A_4138 = arith.constant 0 : i32
      %dma_start3A_4139 = arith.constant 0 : i32
      %dma_start3A_4140 = tpu.memref_slice %arg2[%add3A_4, %dma_start3A_4138, %dma_start3A_4139] : memref<64x5x64xf32, #tpu.memory_space<hbm>> -> memref<1x5x64xf32, #tpu.memory_space<hbm>>
      %dma_start3A_4141 = tpu.memref_squeeze %dma_start3A_4140 : memref<1x5x64xf32, #tpu.memory_space<hbm>> -> memref<5x64xf32, #tpu.memory_space<hbm>>
      %dma_start3A_4142 = arith.constant 0 : i32
      %dma_start3A_4143 = arith.constant 0 : i32
      %dma_start3A_4144 = tpu.memref_slice %arg2[%add3A_4, %dma_start3A_4142, %dma_start3A_4143] : memref<64x5x64xf32, #tpu.memory_space<hbm>> -> memref<1x5x64xf32, #tpu.memory_space<hbm>>
      %dma_start3A_4145 = tpu.memref_squeeze %dma_start3A_4144 : memref<1x5x64xf32, #tpu.memory_space<hbm>> -> memref<5x64xf32, #tpu.memory_space<hbm>>
      tpu.enqueue_dma source(%dma_start3A_4145 : memref<5x64xf32, #tpu.memory_space<hbm>>) target(%arg6 : memref<5x64xf32, #tpu.memory_space<vmem>>) target_semaphore(%run_scoped3A : memref<!tpu.dma_semaphore, #tpu.memory_space<semaphore_mem>>)
      %dma_wait3A_4146 = arith.constant 0 : i32
      %dma_wait3A_4147 = arith.constant 0 : i32
      %dma_wait3A_4148 = tpu.memref_slice %arg2[%add3A_4, %dma_wait3A_4146, %dma_wait3A_4147] : memref<64x5x64xf32, #tpu.memory_space<hbm>> -> memref<1x5x64xf32, #tpu.memory_space<hbm>>
      %dma_wait3A_4149 = tpu.memref_squeeze %dma_wait3A_4148 : memref<1x5x64xf32, #tpu.memory_space<hbm>> -> memref<5x64xf32, #tpu.memory_space<hbm>>
      %dma_wait3A_4150 = arith.constant 0 : i32
      %dma_wait3A_4151 = arith.constant 0 : i32
      %dma_wait3A_4152 = tpu.memref_slice %arg2[%add3A_4, %dma_wait3A_4150, %dma_wait3A_4151] : memref<64x5x64xf32, #tpu.memory_space<hbm>> -> memref<1x5x64xf32, #tpu.memory_space<hbm>>
      %dma_wait3A_4153 = tpu.memref_squeeze %dma_wait3A_4152 : memref<1x5x64xf32, #tpu.memory_space<hbm>> -> memref<5x64xf32, #tpu.memory_space<hbm>>
      tpu.wait_dma2 semaphore(%run_scoped3A : memref<!tpu.dma_semaphore, #tpu.memory_space<semaphore_mem>>) src(%dma_wait3A_4153 : memref<5x64xf32, #tpu.memory_space<hbm>>) dst(%arg6 : memref<5x64xf32, #tpu.memory_space<vmem>>)
      tpu.yield
    }) : () -> ()
    %get3A = arith.constant 0 : i32
    %get3A_5 = arith.index_cast %get3A : i32 to index
    %get3A_6 = arith.constant 0 : index
    %get3A_7 = tpu.vector_load %arg6[%get3A_5, %get3A_6] {strides = array<i32>} : memref<5x64xf32, #tpu.memory_space<vmem>>, vector<1x16xf32>,
    %get3A_8 = vector.shape_cast %get3A_7 : vector<1x16xf32> to vector<16xf32>
    %get3A_9 = arith.constant 1 : i32
    %get3A_10 = arith.index_cast %get3A_9 : i32 to index
    %get3A_11 = arith.constant 0 : index
    %get3A_12 = tpu.vector_load %arg6[%get3A_10, %get3A_11] {strides = array<i32>} : memref<5x64xf32, #tpu.memory_space<vmem>>, vector<1x16xf32>,
    %get3A_13 = vector.shape_cast %get3A_12 : vector<1x16xf32> to vector<16xf32>
    %get3A_14 = arith.constant 2 : i32
    %get3A_15 = arith.index_cast %get3A_14 : i32 to index
    %get3A_16 = arith.constant 0 : index
    %get3A_17 = tpu.vector_load %arg6[%get3A_15, %get3A_16] {strides = array<i32>} : memref<5x64xf32, #tpu.memory_space<vmem>>, vector<1x16xf32>,
    %get3A_18 = vector.shape_cast %get3A_17 : vector<1x16xf32> to vector<16xf32>
    %get3A_19 = arith.constant 3 : i32
    %get3A_20 = arith.index_cast %get3A_19 : i32 to index
    %get3A_21 = arith.constant 0 : index
    %get3A_22 = tpu.vector_load %arg6[%get3A_20, %get3A_21] {strides = array<i32>} : memref<5x64xf32, #tpu.memory_space<vmem>>, vector<1x16xf32>,
    %get3A_23 = vector.shape_cast %get3A_22 : vector<1x16xf32> to vector<16xf32>
    %get3A_24 = arith.constant 4 : i32
    %get3A_25 = arith.index_cast %get3A_24 : i32 to index
    %get3A_26 = arith.constant 0 : index
    %get3A_27 = tpu.vector_load %arg6[%get3A_25, %get3A_26] {strides = array<i32>} : memref<5x64xf32, #tpu.memory_space<vmem>>, vector<1x16xf32>,
    %get3A_28 = vector.shape_cast %get3A_27 : vector<1x16xf32> to vector<16xf32>
    %iota3A = tpu.iota {dimensions = array<i32: 0>} : vector<16xi32>
    %add3A_29 = arith.constant 0 : i32
    %add3A_30 = vector.broadcast %add3A_29 : i32 to vector<16xi32>
    %add3A_31 = arith.addi %iota3A, %add3A_30 : vector<16xi32>
    %mul3A_32 = arith.mulf %get3A_18, %get3A_23 : vector<16xf32>
    %broadcast_in_dim3A = arith.constant -1.000000e+00 : f32
    %broadcast_in_dim3A_33 = vector.broadcast %broadcast_in_dim3A : f32 to vector<16xf32>
    %broadcast_in_dim3A_34 = arith.constant 0 : i32
    %broadcast_in_dim3A_35 = vector.broadcast %broadcast_in_dim3A_34 : i32 to vector<16xi32>
    %min3A = arith.constant 0.278846145 : f32
    %min3A_36 = vector.broadcast %min3A : f32 to vector<16xf32>
    %min3A_37 = arith.minimumf %get3A_18, %min3A_36 : vector<16xf32>
    %min3A_38 = arith.constant 0.21634616 : f32
    %min3A_39 = vector.broadcast %min3A_38 : f32 to vector<16xf32>
    %min3A_40 = arith.minimumf %get3A_23, %min3A_39 : vector<16xf32>
    %mul3A_41 = arith.mulf %min3A_37, %min3A_40 : vector<16xf32>
    %add3A_42 = arith.constant 0.0603272914 : f32
    %add3A_43 = vector.broadcast %add3A_42 : f32 to vector<16xf32>
    %add3A_44 = arith.addf %mul3A_32, %add3A_43 : vector<16xf32>
    %sub3A = arith.subf %add3A_44, %mul3A_41 : vector<16xf32>
    %div3A = arith.divf %mul3A_41, %sub3A : vector<16xf32>
    %gt3A = arith.cmpf ogt, %div3A, %broadcast_in_dim3A_33 : vector<16xf32>
    %select_n3A = arith.select %gt3A, %div3A, %broadcast_in_dim3A_33 : vector<16xi1>, vector<16xf32>
    %broadcast_in_dim3A_45 = arith.constant 0 : i32
    %broadcast_in_dim3A_46 = vector.broadcast %broadcast_in_dim3A_45 : i32 to vector<16xi32>
    %select_n3A_47 = arith.select %gt3A, %broadcast_in_dim3A_46, %broadcast_in_dim3A_35 : vector<16xi1>, vector<16xi32>
    %min3A_48 = arith.constant 3.750000e-01 : f32
    %min3A_49 = vector.broadcast %min3A_48 : f32 to vector<16xf32>
    %min3A_50 = arith.minimumf %get3A_18, %min3A_49 : vector<16xf32>
    %min3A_51 = arith.constant 0.475961536 : f32
    %min3A_52 = vector.broadcast %min3A_51 : f32 to vector<16xf32>
    %min3A_53 = arith.minimumf %get3A_23, %min3A_52 : vector<16xf32>
    %mul3A_54 = arith.mulf %min3A_50, %min3A_53 : vector<16xf32>
    %add3A_55 = arith.constant 0.178485572 : f32
    %add3A_56 = vector.broadcast %add3A_55 : f32 to vector<16xf32>
    %add3A_57 = arith.addf %mul3A_32, %add3A_56 : vector<16xf32>
    %sub3A_58 = arith.subf %add3A_57, %mul3A_54 : vector<16xf32>
    %div3A_59 = arith.divf %mul3A_54, %sub3A_58 : vector<16xf32>
    %gt3A_60 = arith.cmpf ogt, %div3A_59, %select_n3A : vector<16xf32>
    %select_n3A_61 = arith.select %gt3A_60, %div3A_59, %select_n3A : vector<16xi1>, vector<16xf32>
    %broadcast_in_dim3A_62 = arith.constant 1 : i32
    %broadcast_in_dim3A_63 = vector.broadcast %broadcast_in_dim3A_62 : i32 to vector<16xi32>
    %select_n3A_64 = arith.select %gt3A_60, %broadcast_in_dim3A_63, %select_n3A_47 : vector<16xi1>, vector<16xi32>
    %min3A_65 = arith.constant 0.896634638 : f32
    %min3A_66 = vector.broadcast %min3A_65 : f32 to vector<16xf32>
    %min3A_67 = arith.minimumf %get3A_18, %min3A_66 : vector<16xf32>
    %min3A_68 = arith.constant 0.783653855 : f32
    %min3A_69 = vector.broadcast %min3A_68 : f32 to vector<16xf32>
    %min3A_70 = arith.minimumf %get3A_23, %min3A_69 : vector<16xf32>
    %mul3A_71 = arith.mulf %min3A_67, %min3A_70 : vector<16xf32>
    %add3A_72 = arith.constant 0.702651143 : f32
    %add3A_73 = vector.broadcast %add3A_72 : f32 to vector<16xf32>
    %add3A_74 = arith.addf %mul3A_32, %add3A_73 : vector<16xf32>
    %sub3A_75 = arith.subf %add3A_74, %mul3A_71 : vector<16xf32>
    %div3A_76 = arith.divf %mul3A_71, %sub3A_75 : vector<16xf32>
    %gt3A_77 = arith.cmpf ogt, %div3A_76, %select_n3A_61 : vector<16xf32>
    %select_n3A_78 = arith.select %gt3A_77, %div3A_76, %select_n3A_61 : vector<16xi1>, vector<16xf32>
    %broadcast_in_dim3A_79 = arith.constant 2 : i32
    %broadcast_in_dim3A_80 = vector.broadcast %broadcast_in_dim3A_79 : i32 to vector<16xi32>
    %select_n3A_81 = arith.select %gt3A_77, %broadcast_in_dim3A_80, %select_n3A_64 : vector<16xi1>, vector<16xi32>
    %min3A_82 = arith.constant 0.072115384 : f32
    %min3A_83 = vector.broadcast %min3A_82 : f32 to vector<16xf32>
    %min3A_84 = arith.minimumf %get3A_18, %min3A_83 : vector<16xf32>
    %min3A_85 = arith.constant 0.146634609 : f32
    %min3A_86 = vector.broadcast %min3A_85 : f32 to vector<16xf32>
    %min3A_87 = arith.minimumf %get3A_23, %min3A_86 : vector<16xf32>
    %mul3A_88 = arith.mulf %min3A_84, %min3A_87 : vector<16xf32>
    %add3A_89 = arith.constant 0.0105746118 : f32
    %add3A_90 = vector.broadcast %add3A_89 : f32 to vector<16xf32>
    %add3A_91 = arith.addf %mul3A_32, %add3A_90 : vector<16xf32>
    %sub3A_92 = arith.subf %add3A_91, %mul3A_88 : vector<16xf32>
    %div3A_93 = arith.divf %mul3A_88, %sub3A_92 : vector<16xf32>
    %gt3A_94 = arith.cmpf ogt, %div3A_93, %select_n3A_78 : vector<16xf32>
    %select_n3A_95 = arith.select %gt3A_94, %div3A_93, %select_n3A_78 : vector<16xi1>, vector<16xf32>
    %broadcast_in_dim3A_96 = arith.constant 3 : i32
    %broadcast_in_dim3A_97 = vector.broadcast %broadcast_in_dim3A_96 : i32 to vector<16xi32>
    %select_n3A_98 = arith.select %gt3A_94, %broadcast_in_dim3A_97, %select_n3A_81 : vector<16xi1>, vector<16xi32>
    %min3A_99 = arith.constant 0.149038464 : f32
    %min3A_100 = vector.broadcast %min3A_99 : f32 to vector<16xf32>
    %min3A_101 = arith.minimumf %get3A_18, %min3A_100 : vector<16xf32>
    %min3A_102 = arith.constant 0.10817308 : f32
    %min3A_103 = vector.broadcast %min3A_102 : f32 to vector<16xf32>
    %min3A_104 = arith.minimumf %get3A_23, %min3A_103 : vector<16xf32>
    %mul3A_105 = arith.mulf %min3A_101, %min3A_104 : vector<16xf32>
    %add3A_106 = arith.constant 0.0161219481 : f32
    %add3A_107 = vector.broadcast %add3A_106 : f32 to vector<16xf32>
    %add3A_108 = arith.addf %mul3A_32, %add3A_107 : vector<16xf32>
    %sub3A_109 = arith.subf %add3A_108, %mul3A_105 : vector<16xf32>
    %div3A_110 = arith.divf %mul3A_105, %sub3A_109 : vector<16xf32>
    %gt3A_111 = arith.cmpf ogt, %div3A_110, %select_n3A_95 : vector<16xf32>
    %select_n3A_112 = arith.select %gt3A_111, %div3A_110, %select_n3A_95 : vector<16xi1>, vector<16xf32>
    %broadcast_in_dim3A_113 = arith.constant 4 : i32
    %broadcast_in_dim3A_114 = vector.broadcast %broadcast_in_dim3A_113 : i32 to vector<16xi32>
    %select_n3A_115 = arith.select %gt3A_111, %broadcast_in_dim3A_114, %select_n3A_98 : vector<16xi1>, vector<16xi32>
    %min3A_116 = arith.constant 0.141826928 : f32
    %min3A_117 = vector.broadcast %min3A_116 : f32 to vector<16xf32>
    %min3A_118 = arith.minimumf %get3A_18, %min3A_117 : vector<16xf32>
    %min3A_119 = arith.constant 0.286057681 : f32
    %min3A_120 = vector.broadcast %min3A_119 : f32 to vector<16xf32>
    %min3A_121 = arith.minimumf %get3A_23, %min3A_120 : vector<16xf32>
    %mul3A_122 = arith.mulf %min3A_118, %min3A_121 : vector<16xf32>
    %add3A_123 = arith.constant 0.0405706838 : f32
    %add3A_124 = vector.broadcast %add3A_123 : f32 to vector<16xf32>
    %add3A_125 = arith.addf %mul3A_32, %add3A_124 : vector<16xf32>
    %sub3A_126 = arith.subf %add3A_125, %mul3A_122 : vector<16xf32>
    %div3A_127 = arith.divf %mul3A_122, %sub3A_126 : vector<16xf32>
    %gt3A_128 = arith.cmpf ogt, %div3A_127, %select_n3A_112 : vector<16xf32>
    %select_n3A_129 = arith.select %gt3A_128, %div3A_127, %select_n3A_112 : vector<16xi1>, vector<16xf32>
    %broadcast_in_dim3A_130 = arith.constant 5 : i32
    %broadcast_in_dim3A_131 = vector.broadcast %broadcast_in_dim3A_130 : i32 to vector<16xi32>
    %select_n3A_132 = arith.select %gt3A_128, %broadcast_in_dim3A_131, %select_n3A_115 : vector<16xi1>, vector<16xi32>
    %min3A_133 = arith.constant 0.024038462 : f32
    %min3A_134 = vector.broadcast %min3A_133 : f32 to vector<16xf32>
    %min3A_135 = arith.minimumf %get3A_18, %min3A_134 : vector<16xf32>
    %min3A_136 = arith.constant 3.125000e-02 : f32
    %min3A_137 = vector.broadcast %min3A_136 : f32 to vector<16xf32>
    %min3A_138 = arith.minimumf %get3A_23, %min3A_137 : vector<16xf32>
    %mul3A_139 = arith.mulf %min3A_135, %min3A_138 : vector<16xf32>
    %add3A_140 = arith.constant 7.51201937E-4 : f32
    %add3A_141 = vector.broadcast %add3A_140 : f32 to vector<16xf32>
    %add3A_142 = arith.addf %mul3A_32, %add3A_141 : vector<16xf32>
    %sub3A_143 = arith.subf %add3A_142, %mul3A_139 : vector<16xf32>
    %div3A_144 = arith.divf %mul3A_139, %sub3A_143 : vector<16xf32>
    %gt3A_145 = arith.cmpf ogt, %div3A_144, %select_n3A_129 : vector<16xf32>
    %select_n3A_146 = arith.select %gt3A_145, %div3A_144, %select_n3A_129 : vector<16xi1>, vector<16xf32>
    %broadcast_in_dim3A_147 = arith.constant 6 : i32
    %broadcast_in_dim3A_148 = vector.broadcast %broadcast_in_dim3A_147 : i32 to vector<16xi32>
    %select_n3A_149 = arith.select %gt3A_145, %broadcast_in_dim3A_148, %select_n3A_132 : vector<16xi1>, vector<16xi32>
    %min3A_150 = arith.constant 0.0384615399 : f32
    %min3A_151 = vector.broadcast %min3A_150 : f32 to vector<16xf32>
    %min3A_152 = arith.minimumf %get3A_18, %min3A_151 : vector<16xf32>
    %min3A_153 = arith.constant 0.072115384 : f32
    %min3A_154 = vector.broadcast %min3A_153 : f32 to vector<16xf32>
    %min3A_155 = arith.minimumf %get3A_23, %min3A_154 : vector<16xf32>
    %mul3A_156 = arith.mulf %min3A_152, %min3A_155 : vector<16xf32>
    %add3A_157 = arith.constant 0.00277366862 : f32
    %add3A_158 = vector.broadcast %add3A_157 : f32 to vector<16xf32>
    %add3A_159 = arith.addf %mul3A_32, %add3A_158 : vector<16xf32>
    %sub3A_160 = arith.subf %add3A_159, %mul3A_156 : vector<16xf32>
    %div3A_161 = arith.divf %mul3A_156, %sub3A_160 : vector<16xf32>
    %gt3A_162 = arith.cmpf ogt, %div3A_161, %select_n3A_146 : vector<16xf32>
    %select_n3A_163 = arith.select %gt3A_162, %div3A_161, %select_n3A_146 : vector<16xi1>, vector<16xf32>
    %broadcast_in_dim3A_164 = arith.constant 7 : i32
    %broadcast_in_dim3A_165 = vector.broadcast %broadcast_in_dim3A_164 : i32 to vector<16xi32>
    %select_n3A_166 = arith.select %gt3A_162, %broadcast_in_dim3A_165, %select_n3A_149 : vector<16xi1>, vector<16xi32>
    %min3A_167 = arith.constant 0.0793269202 : f32
    %min3A_168 = vector.broadcast %min3A_167 : f32 to vector<16xf32>
    %min3A_169 = arith.minimumf %get3A_18, %min3A_168 : vector<16xf32>
    %min3A_170 = arith.constant 0.0552884601 : f32
    %min3A_171 = vector.broadcast %min3A_170 : f32 to vector<16xf32>
    %min3A_172 = arith.minimumf %get3A_23, %min3A_171 : vector<16xf32>
    %mul3A_173 = arith.mulf %min3A_169, %min3A_172 : vector<16xf32>
    %add3A_174 = arith.constant 0.00438586343 : f32
    %add3A_175 = vector.broadcast %add3A_174 : f32 to vector<16xf32>
    %add3A_176 = arith.addf %mul3A_32, %add3A_175 : vector<16xf32>
    %sub3A_177 = arith.subf %add3A_176, %mul3A_173 : vector<16xf32>
    %div3A_178 = arith.divf %mul3A_173, %sub3A_177 : vector<16xf32>
    %gt3A_179 = arith.cmpf ogt, %div3A_178, %select_n3A_163 : vector<16xf32>
    %select_n3A_180 = arith.select %gt3A_179, %div3A_178, %select_n3A_163 : vector<16xi1>, vector<16xf32>
    %broadcast_in_dim3A_181 = arith.constant 8 : i32
    %broadcast_in_dim3A_182 = vector.broadcast %broadcast_in_dim3A_181 : i32 to vector<16xi32>
    %select_n3A_183 = arith.select %gt3A_179, %broadcast_in_dim3A_182, %select_n3A_166 : vector<16xi1>, vector<16xi32>
    %lt3A = arith.constant 3 : i32
    %lt3A_184 = vector.broadcast %lt3A : i32 to vector<16xi32>
    %lt3A_185 = arith.cmpi slt, %select_n3A_183, %lt3A_184 : vector<16xi32>
    %lt3A_186 = arith.constant 50 : i32
    %lt3A_187 = vector.broadcast %lt3A_186 : i32 to vector<16xi32>
    %lt3A_188 = arith.cmpi slt, %add3A_31, %lt3A_187 : vector<16xi32>
    %and3A = arith.andi %lt3A_185, %lt3A_188 : vector<16xi1>
    %mul3A_189 = arith.constant 1.300000e+01 : f32
    %mul3A_190 = vector.broadcast %mul3A_189 : f32 to vector<16xf32>
    %mul3A_191 = arith.mulf %get3A_8, %mul3A_190 : vector<16xf32>
    %mul3A_192 = arith.constant 1.300000e+01 : f32
    %mul3A_193 = vector.broadcast %mul3A_192 : f32 to vector<16xf32>
    %mul3A_194 = arith.mulf %get3A_13, %mul3A_193 : vector<16xf32>
    %convert_element_type3A = arith.fptosi %mul3A_191 : vector<16xf32> to vector<16xi32>
    %convert_element_type3A_195 = arith.fptosi %mul3A_194 : vector<16xf32> to vector<16xi32>
    %convert_element_type3A_196 = arith.sitofp %convert_element_type3A : vector<16xi32> to vector<16xf32>
    %sub3A_197 = arith.subf %mul3A_191, %convert_element_type3A_196 : vector<16xf32>
    %convert_element_type3A_198 = arith.sitofp %convert_element_type3A_195 : vector<16xi32> to vector<16xf32>
    %sub3A_199 = arith.subf %mul3A_194, %convert_element_type3A_198 : vector<16xf32>
    %convert_element_type3A_200 = arith.fptosi %get3A_28 : vector<16xf32> to vector<16xi32>
    %jit3A = arith.constant 0 : i32
    %jit3A_201 = arith.constant 79 : i32
    %max3A = vector.broadcast %jit3A : i32 to vector<16xi32>
    %max3A_202 = arith.maxsi %max3A, %convert_element_type3A_200 : vector<16xi32>
    %min3A_203 = vector.broadcast %jit3A_201 : i32 to vector<16xi32>
    %min3A_204 = arith.minsi %min3A_203, %max3A_202 : vector<16xi32>
    %lt3A_205 = arith.constant 8.000000e+01 : f32
    %lt3A_206 = vector.broadcast %lt3A_205 : f32 to vector<16xf32>
    %lt3A_207 = arith.cmpf olt, %get3A_28, %lt3A_206 : vector<16xf32>
    %ge3A = arith.constant 0.000000e+00 : f32
    %ge3A_208 = vector.broadcast %ge3A : f32 to vector<16xf32>
    %ge3A_209 = arith.cmpf oge, %get3A_28, %ge3A_208 : vector<16xf32>
    %and3A_210 = arith.andi %lt3A_207, %ge3A_209 : vector<16xi1>
    %mul3A_211 = arith.constant 13 : i32
    %mul3A_212 = vector.broadcast %mul3A_211 : i32 to vector<16xi32>
    %mul3A_213 = arith.muli %select_n3A_183, %mul3A_212 : vector<16xi32>
    %add3A_214 = arith.addi %mul3A_213, %convert_element_type3A_195 : vector<16xi32>
    %mul3A_215 = arith.constant 13 : i32
    %mul3A_216 = vector.broadcast %mul3A_215 : i32 to vector<16xi32>
    %mul3A_217 = arith.muli %add3A_214, %mul3A_216 : vector<16xi32>
    %add3A_218 = arith.addi %mul3A_217, %convert_element_type3A : vector<16xi32>
    %sub3A_219 = arith.constant -1 : i32
    %sub3A_220 = vector.broadcast %sub3A_219 : i32 to vector<16xi32>
    %sub3A_221 = arith.subi %sub3A_220, %add3A_31 : vector<16xi32>
    %select_n3A_222 = arith.select %and3A, %add3A_218, %sub3A_221 : vector<16xi1>, vector<16xi32>
    %and3A_223 = arith.andi %and3A, %and3A_210 : vector<16xi1>
    %mul3A_224 = arith.constant 80 : i32
    %mul3A_225 = vector.broadcast %mul3A_224 : i32 to vector<16xi32>
    %mul3A_226 = arith.muli %select_n3A_222, %mul3A_225 : vector<16xi32>
    %add3A_227 = arith.addi %mul3A_226, %min3A_204 : vector<16xi32>
    %sub3A_228 = arith.constant -1 : i32
    %sub3A_229 = vector.broadcast %sub3A_228 : i32 to vector<16xi32>
    %sub3A_230 = arith.subi %sub3A_229, %add3A_31 : vector<16xi32>
    %select_n3A_231 = arith.select %and3A_223, %add3A_227, %sub3A_230 : vector<16xi1>, vector<16xi32>
    %eq3A = arith.constant 0 : i32
    %eq3A_232 = vector.broadcast %eq3A : i32 to vector<16xi32>
    %eq3A_233 = arith.cmpi eq, %select_n3A_183, %eq3A_232 : vector<16xi32>
    %eq3A_234 = arith.constant 1 : i32
    %eq3A_235 = vector.broadcast %eq3A_234 : i32 to vector<16xi32>
    %eq3A_236 = arith.cmpi eq, %select_n3A_183, %eq3A_235 : vector<16xi32>
    %jit3A_237 = arith.constant 3.750000e-01 : f32
    %jit3A_238 = arith.constant 0.896634638 : f32
    %broadcast_in_dim3A_239 = vector.broadcast %jit3A_237 : f32 to vector<16xf32>
    %broadcast_in_dim3A_240 = vector.broadcast %jit3A_238 : f32 to vector<16xf32>
    %select_n3A_241 = arith.select %eq3A_236, %broadcast_in_dim3A_239, %broadcast_in_dim3A_240 : vector<16xi1>, vector<16xf32>
    %jit3A_242 = arith.constant 0.278846145 : f32
    %broadcast_in_dim3A_243 = vector.broadcast %jit3A_242 : f32 to vector<16xf32>
    %select_n3A_244 = arith.select %eq3A_233, %broadcast_in_dim3A_243, %select_n3A_241 : vector<16xi1>, vector<16xf32>
    %eq3A_245 = arith.constant 0 : i32
    %eq3A_246 = vector.broadcast %eq3A_245 : i32 to vector<16xi32>
    %eq3A_247 = arith.cmpi eq, %select_n3A_183, %eq3A_246 : vector<16xi32>
    %eq3A_248 = arith.constant 1 : i32
    %eq3A_249 = vector.broadcast %eq3A_248 : i32 to vector<16xi32>
    %eq3A_250 = arith.cmpi eq, %select_n3A_183, %eq3A_249 : vector<16xi32>
    %jit3A_251 = arith.constant 0.475961536 : f32
    %jit3A_252 = arith.constant 0.783653855 : f32
    %broadcast_in_dim3A_253 = vector.broadcast %jit3A_251 : f32 to vector<16xf32>
    %broadcast_in_dim3A_254 = vector.broadcast %jit3A_252 : f32 to vector<16xf32>
    %select_n3A_255 = arith.select %eq3A_250, %broadcast_in_dim3A_253, %broadcast_in_dim3A_254 : vector<16xi1>, vector<16xf32>
    %jit3A_256 = arith.constant 0.21634616 : f32
    %broadcast_in_dim3A_257 = vector.broadcast %jit3A_256 : f32 to vector<16xf32>
    %select_n3A_258 = arith.select %eq3A_247, %broadcast_in_dim3A_257, %select_n3A_255 : vector<16xi1>, vector<16xf32>
    %max3A_259 = arith.constant 9.99999996E-13 : f32
    %max3A_260 = vector.broadcast %max3A_259 : f32 to vector<16xf32>
    %max3A_261 = arith.maximumf %get3A_18, %max3A_260 : vector<16xf32>
    %div3A_262 = arith.divf %max3A_261, %select_n3A_244 : vector<16xf32>
    %max3A_263 = arith.constant 9.99999996E-13 : f32
    %max3A_264 = vector.broadcast %max3A_263 : f32 to vector<16xf32>
    %max3A_265 = arith.maximumf %get3A_23, %max3A_264 : vector<16xf32>
    %div3A_266 = arith.divf %max3A_265, %select_n3A_258 : vector<16xf32>
    %mul3A_267 = arith.constant 13 : i32
    %mul3A_268 = vector.broadcast %mul3A_267 : i32 to vector<16xi32>
    %mul3A_269 = arith.muli %convert_element_type3A_195, %mul3A_268 : vector<16xi32>
    %add3A_270 = arith.addi %mul3A_269, %convert_element_type3A : vector<16xi32>
    %mul3A_271 = arith.constant 255 : i32
    %mul3A_272 = arith.muli %add3A_4, %mul3A_271 : i32
    %mul3A_273 = arith.constant 85 : i32
    %mul3A_274 = vector.broadcast %mul3A_273 : i32 to vector<16xi32>
    %mul3A_275 = arith.muli %select_n3A_183, %mul3A_274 : vector<16xi32>
    %add3A_276 = vector.broadcast %mul3A_272 : i32 to vector<16xi32>
    %add3A_277 = arith.addi %add3A_276, %mul3A_275 : vector<16xi32>
    %mul3A_278 = arith.constant 169 : i32
    %mul3A_279 = vector.broadcast %mul3A_278 : i32 to vector<16xi32>
    %mul3A_280 = arith.muli %add3A_277, %mul3A_279 : vector<16xi32>
    %add3A_281 = arith.addi %mul3A_280, %add3A_270 : vector<16xi32>
    %jit3A_282 = arith.constant 0 : i32
    %broadcast_in_dim3A_283 = vector.broadcast %jit3A_282 : i32 to vector<16xi32>
    %select_n3A_284 = arith.select %and3A, %add3A_281, %broadcast_in_dim3A_283 : vector<16xi1>, vector<16xi32>
    %add3A_285 = arith.constant 0 : i32
    %add3A_286 = vector.broadcast %add3A_285 : i32 to vector<16xi32>
    %add3A_287 = arith.addi %select_n3A_284, %add3A_286 : vector<16xi32>
    %swap3A = arith.constant 0 : i32
    %swap3A_288 = arith.index_cast %swap3A : i32 to index
    %swap3A_289 = arith.constant 0 : index
    %swap3A_290 = tpu.vector_load %arg7[%swap3A_288, %swap3A_289] {strides = array<i32>} : memref<6x64xi32, #tpu.memory_space<vmem>>, vector<1x16xi32>,
    %swap3A_291 = vector.shape_cast %swap3A_290 : vector<1x16xi32> to vector<16xi32>
    %swap3A_292 = vector.shape_cast %add3A_287 : vector<16xi32> to vector<1x16xi32>
    tpu.vector_store %arg7[%swap3A_288, %swap3A_289], %swap3A_292 {strides = array<i32>} : memref<6x64xi32, #tpu.memory_space<vmem>>, vector<1x16xi32>,
    %add3A_293 = arith.constant 169 : i32
    %add3A_294 = vector.broadcast %add3A_293 : i32 to vector<16xi32>
    %add3A_295 = arith.addi %select_n3A_284, %add3A_294 : vector<16xi32>
    %swap3A_296 = arith.constant 1 : i32
    %swap3A_297 = arith.index_cast %swap3A_296 : i32 to index
    %swap3A_298 = arith.constant 0 : index
    %swap3A_299 = tpu.vector_load %arg7[%swap3A_297, %swap3A_298] {strides = array<i32>} : memref<6x64xi32, #tpu.memory_space<vmem>>, vector<1x16xi32>,
    %swap3A_300 = vector.shape_cast %swap3A_299 : vector<1x16xi32> to vector<16xi32>
    %swap3A_301 = vector.shape_cast %add3A_295 : vector<16xi32> to vector<1x16xi32>
    tpu.vector_store %arg7[%swap3A_297, %swap3A_298], %swap3A_301 {strides = array<i32>} : memref<6x64xi32, #tpu.memory_space<vmem>>, vector<1x16xi32>,
    %add3A_302 = arith.constant 338 : i32
    %add3A_303 = vector.broadcast %add3A_302 : i32 to vector<16xi32>
    %add3A_304 = arith.addi %select_n3A_284, %add3A_303 : vector<16xi32>
    %swap3A_305 = arith.constant 2 : i32
    %swap3A_306 = arith.index_cast %swap3A_305 : i32 to index
    %swap3A_307 = arith.constant 0 : index
    %swap3A_308 = tpu.vector_load %arg7[%swap3A_306, %swap3A_307] {strides = array<i32>} : memref<6x64xi32, #tpu.memory_space<vmem>>, vector<1x16xi32>,
    %swap3A_309 = vector.shape_cast %swap3A_308 : vector<1x16xi32> to vector<16xi32>
    %swap3A_310 = vector.shape_cast %add3A_304 : vector<16xi32> to vector<1x16xi32>
    tpu.vector_store %arg7[%swap3A_306, %swap3A_307], %swap3A_310 {strides = array<i32>} : memref<6x64xi32, #tpu.memory_space<vmem>>, vector<1x16xi32>,
    %add3A_311 = arith.constant 507 : i32
    %add3A_312 = vector.broadcast %add3A_311 : i32 to vector<16xi32>
    %add3A_313 = arith.addi %select_n3A_284, %add3A_312 : vector<16xi32>
    %swap3A_314 = arith.constant 3 : i32
    %swap3A_315 = arith.index_cast %swap3A_314 : i32 to index
    %swap3A_316 = arith.constant 0 : index
    %swap3A_317 = tpu.vector_load %arg7[%swap3A_315, %swap3A_316] {strides = array<i32>} : memref<6x64xi32, #tpu.memory_space<vmem>>, vector<1x16xi32>,
    %swap3A_318 = vector.shape_cast %swap3A_317 : vector<1x16xi32> to vector<16xi32>
    %swap3A_319 = vector.shape_cast %add3A_313 : vector<16xi32> to vector<1x16xi32>
    tpu.vector_store %arg7[%swap3A_315, %swap3A_316], %swap3A_319 {strides = array<i32>} : memref<6x64xi32, #tpu.memory_space<vmem>>, vector<1x16xi32>,
    %add3A_320 = arith.constant 676 : i32
    %add3A_321 = vector.broadcast %add3A_320 : i32 to vector<16xi32>
    %add3A_322 = arith.addi %select_n3A_284, %add3A_321 : vector<16xi32>
    %swap3A_323 = arith.constant 4 : i32
    %swap3A_324 = arith.index_cast %swap3A_323 : i32 to index
    %swap3A_325 = arith.constant 0 : index
    %swap3A_326 = tpu.vector_load %arg7[%swap3A_324, %swap3A_325] {strides = array<i32>} : memref<6x64xi32, #tpu.memory_space<vmem>>, vector<1x16xi32>,
    %swap3A_327 = vector.shape_cast %swap3A_326 : vector<1x16xi32> to vector<16xi32>
    %swap3A_328 = vector.shape_cast %add3A_322 : vector<16xi32> to vector<1x16xi32>
    tpu.vector_store %arg7[%swap3A_324, %swap3A_325], %swap3A_328 {strides = array<i32>} : memref<6x64xi32, #tpu.memory_space<vmem>>, vector<1x16xi32>,
    %add3A_329 = arith.constant 5 : i32
    %add3A_330 = vector.broadcast %add3A_329 : i32 to vector<16xi32>
    %add3A_331 = arith.addi %add3A_330, %min3A_204 : vector<16xi32>
    %mul3A_332 = arith.constant 169 : i32
    %mul3A_333 = vector.broadcast %mul3A_332 : i32 to vector<16xi32>
    %mul3A_334 = arith.muli %add3A_331, %mul3A_333 : vector<16xi32>
    %add3A_335 = arith.addi %select_n3A_284, %mul3A_334 : vector<16xi32>
    %swap3A_336 = arith.constant 5 : i32
    %swap3A_337 = arith.index_cast %swap3A_336 : i32 to index
    %swap3A_338 = arith.constant 0 : index
    %swap3A_339 = tpu.vector_load %arg7[%swap3A_337, %swap3A_338] {strides = array<i32>} : memref<6x64xi32, #tpu.memory_space<vmem>>, vector<1x16xi32>,
    %swap3A_340 = vector.shape_cast %swap3A_339 : vector<1x16xi32> to vector<16xi32>
    %swap3A_341 = vector.shape_cast %add3A_335 : vector<16xi32> to vector<1x16xi32>
    tpu.vector_store %arg7[%swap3A_337, %swap3A_338], %swap3A_341 {strides = array<i32>} : memref<6x64xi32, #tpu.memory_space<vmem>>, vector<1x16xi32>,
    %swap3A_342 = arith.constant 0 : i32
    %swap3A_343 = arith.index_cast %swap3A_342 : i32 to index
    %swap3A_344 = arith.constant 0 : index
    %swap3A_345 = tpu.vector_load %arg9[%swap3A_343, %swap3A_344] {strides = array<i32>} : memref<7x64xf32, #tpu.memory_space<vmem>>, vector<1x16xf32>,
    %swap3A_346 = vector.shape_cast %swap3A_345 : vector<1x16xf32> to vector<16xf32>
    %swap3A_347 = vector.shape_cast %sub3A_197 : vector<16xf32> to vector<1x16xf32>
    tpu.vector_store %arg9[%swap3A_343, %swap3A_344], %swap3A_347 {strides = array<i32>} : memref<7x64xf32, #tpu.memory_space<vmem>>, vector<1x16xf32>,
    %swap3A_348 = arith.constant 1 : i32
    %swap3A_349 = arith.index_cast %swap3A_348 : i32 to index
    %swap3A_350 = arith.constant 0 : index
    %swap3A_351 = tpu.vector_load %arg9[%swap3A_349, %swap3A_350] {strides = array<i32>} : memref<7x64xf32, #tpu.memory_space<vmem>>, vector<1x16xf32>,
    %swap3A_352 = vector.shape_cast %swap3A_351 : vector<1x16xf32> to vector<16xf32>
    %swap3A_353 = vector.shape_cast %sub3A_199 : vector<16xf32> to vector<1x16xf32>
    tpu.vector_store %arg9[%swap3A_349, %swap3A_350], %swap3A_353 {strides = array<i32>} : memref<7x64xf32, #tpu.memory_space<vmem>>, vector<1x16xf32>,
    %swap3A_354 = arith.constant 2 : i32
    %swap3A_355 = arith.index_cast %swap3A_354 : i32 to index
    %swap3A_356 = arith.constant 0 : index
    %swap3A_357 = tpu.vector_load %arg9[%swap3A_355, %swap3A_356] {strides = array<i32>} : memref<7x64xf32, #tpu.memory_space<vmem>>, vector<1x16xf32>,
    %swap3A_358 = vector.shape_cast %swap3A_357 : vector<1x16xf32> to vector<16xf32>
    %swap3A_359 = vector.shape_cast %div3A_262 : vector<16xf32> to vector<1x16xf32>
    tpu.vector_store %arg9[%swap3A_355, %swap3A_356], %swap3A_359 {strides = array<i32>} : memref<7x64xf32, #tpu.memory_space<vmem>>, vector<1x16xf32>,
    %swap3A_360 = arith.constant 3 : i32
    %swap3A_361 = arith.index_cast %swap3A_360 : i32 to index
    %swap3A_362 = arith.constant 0 : index
    %swap3A_363 = tpu.vector_load %arg9[%swap3A_361, %swap3A_362] {strides = array<i32>} : memref<7x64xf32, #tpu.memory_space<vmem>>, vector<1x16xf32>,
    %swap3A_364 = vector.shape_cast %swap3A_363 : vector<1x16xf32> to vector<16xf32>
    %swap3A_365 = vector.shape_cast %div3A_266 : vector<16xf32> to vector<1x16xf32>
    tpu.vector_store %arg9[%swap3A_361, %swap3A_362], %swap3A_365 {strides = array<i32>} : memref<7x64xf32, #tpu.memory_space<vmem>>, vector<1x16xf32>,
    %sub3A_366 = arith.constant 2.000000e+00 : f32
    %sub3A_367 = vector.broadcast %sub3A_366 : f32 to vector<16xf32>
    %sub3A_368 = arith.subf %sub3A_367, %mul3A_32 : vector<16xf32>
    %swap3A_369 = arith.constant 6 : i32
    %swap3A_370 = arith.index_cast %swap3A_369 : i32 to index
    %swap3A_371 = arith.constant 0 : index
    %swap3A_372 = tpu.vector_load %arg9[%swap3A_370, %swap3A_371] {strides = array<i32>} : memref<7x64xf32, #tpu.memory_space<vmem>>, vector<1x16xf32>,
    %swap3A_373 = vector.shape_cast %swap3A_372 : vector<1x16xf32> to vector<16xf32>
    %swap3A_374 = vector.shape_cast %sub3A_368 : vector<16xf32> to vector<1x16xf32>
    tpu.vector_store %arg9[%swap3A_370, %swap3A_371], %swap3A_374 {strides = array<i32>} : memref<7x64xf32, #tpu.memory_space<vmem>>, vector<1x16xf32>,
    %get3A_375 = arith.constant 0 : i32
    %get3A_376 = arith.index_cast %get3A_375 : i32 to index
    %get3A_377 = arith.constant 16 : index
    %get3A_378 = tpu.vector_load %arg6[%get3A_376, %get3A_377] {strides = array<i32>} : memref<5x64xf32, #tpu.memory_space<vmem>>, vector<1x16xf32>,
    %get3A_379 = vector.shape_cast %get3A_378 : vector<1x16xf32> to vector<16xf32>
    %get3A_380 = arith.constant 1 : i32
    %get3A_381 = arith.index_cast %get3A_380 : i32 to index
    %get3A_382 = arith.constant 16 : index
    %get3A_383 = tpu.vector_load %arg6[%get3A_381, %get3A_382] {strides = array<i32>} : memref<5x64xf32, #tpu.memory_space<vmem>>, vector<1x16xf32>,
    %get3A_384 = vector.shape_cast %get3A_383 : vector<1x16xf32> to vector<16xf32>
    %get3A_385 = arith.constant 2 : i32
    %get3A_386 = arith.index_cast %get3A_385 : i32 to index
    %get3A_387 = arith.constant 16 : index
    %get3A_388 = tpu.vector_load %arg6[%get3A_386, %get3A_387] {strides = array<i32>} : memref<5x64xf32, #tpu.memory_space<vmem>>, vector<1x16xf32>,
    %get3A_389 = vector.shape_cast %get3A_388 : vector<1x16xf32> to vector<16xf32>
    %get3A_390 = arith.constant 3 : i32
    %get3A_391 = arith.index_cast %get3A_390 : i32 to index
    %get3A_392 = arith.constant 16 : index
    %get3A_393 = tpu.vector_load %arg6[%get3A_391, %get3A_392] {strides = array<i32>} : memref<5x64xf32, #tpu.memory_space<vmem>>, vector<1x16xf32>,
    %get3A_394 = vector.shape_cast %get3A_393 : vector<1x16xf32> to vector<16xf32>
    %get3A_395 = arith.constant 4 : i32
    %get3A_396 = arith.index_cast %get3A_395 : i32 to index
    %get3A_397 = arith.constant 16 : index
    %get3A_398 = tpu.vector_load %arg6[%get3A_396, %get3A_397] {strides = array<i32>} : memref<5x64xf32, #tpu.memory_space<vmem>>, vector<1x16xf32>,
    %get3A_399 = vector.shape_cast %get3A_398 : vector<1x16xf32> to vector<16xf32>
    %iota3A_400 = tpu.iota {dimensions = array<i32: 0>} : vector<16xi32>
    %add3A_401 = arith.constant 16 : i32
    %add3A_402 = vector.broadcast %add3A_401 : i32 to vector<16xi32>
    %add3A_403 = arith.addi %iota3A_400, %add3A_402 : vector<16xi32>
    %mul3A_404 = arith.mulf %get3A_389, %get3A_394 : vector<16xf32>
    %broadcast_in_dim3A_405 = arith.constant -1.000000e+00 : f32
    %broadcast_in_dim3A_406 = vector.broadcast %broadcast_in_dim3A_405 : f32 to vector<16xf32>
    %broadcast_in_dim3A_407 = arith.constant 0 : i32
    %broadcast_in_dim3A_408 = vector.broadcast %broadcast_in_dim3A_407 : i32 to vector<16xi32>
    %min3A_409 = arith.constant 0.278846145 : f32
    %min3A_410 = vector.broadcast %min3A_409 : f32 to vector<16xf32>
    %min3A_411 = arith.minimumf %get3A_389, %min3A_410 : vector<16xf32>
    %min3A_412 = arith.constant 0.21634616 : f32
    %min3A_413 = vector.broadcast %min3A_412 : f32 to vector<16xf32>
    %min3A_414 = arith.minimumf %get3A_394, %min3A_413 : vector<16xf32>
    %mul3A_415 = arith.mulf %min3A_411, %min3A_414 : vector<16xf32>
    %add3A_416 = arith.constant 0.0603272914 : f32
    %add3A_417 = vector.broadcast %add3A_416 : f32 to vector<16xf32>
    %add3A_418 = arith.addf %mul3A_404, %add3A_417 : vector<16xf32>
    %sub3A_419 = arith.subf %add3A_418, %mul3A_415 : vector<16xf32>
    %div3A_420 = arith.divf %mul3A_415, %sub3A_419 : vector<16xf32>
    %gt3A_421 = arith.cmpf ogt, %div3A_420, %broadcast_in_dim3A_406 : vector<16xf32>
    %select_n3A_422 = arith.select %gt3A_421, %div3A_420, %broadcast_in_dim3A_406 : vector<16xi1>, vector<16xf32>
    %broadcast_in_dim3A_423 = arith.constant 0 : i32
    %broadcast_in_dim3A_424 = vector.broadcast %broadcast_in_dim3A_423 : i32 to vector<16xi32>
    %select_n3A_425 = arith.select %gt3A_421, %broadcast_in_dim3A_424, %broadcast_in_dim3A_408 : vector<16xi1>, vector<16xi32>
    %min3A_426 = arith.constant 3.750000e-01 : f32
    %min3A_427 = vector.broadcast %min3A_426 : f32 to vector<16xf32>
    %min3A_428 = arith.minimumf %get3A_389, %min3A_427 : vector<16xf32>
    %min3A_429 = arith.constant 0.475961536 : f32
    %min3A_430 = vector.broadcast %min3A_429 : f32 to vector<16xf32>
    %min3A_431 = arith.minimumf %get3A_394, %min3A_430 : vector<16xf32>
    %mul3A_432 = arith.mulf %min3A_428, %min3A_431 : vector<16xf32>
    %add3A_433 = arith.constant 0.178485572 : f32
    %add3A_434 = vector.broadcast %add3A_433 : f32 to vector<16xf32>
    %add3A_435 = arith.addf %mul3A_404, %add3A_434 : vector<16xf32>
    %sub3A_436 = arith.subf %add3A_435, %mul3A_432 : vector<16xf32>
    %div3A_437 = arith.divf %mul3A_432, %sub3A_436 : vector<16xf32>
    %gt3A_438 = arith.cmpf ogt, %div3A_437, %select_n3A_422 : vector<16xf32>
    %select_n3A_439 = arith.select %gt3A_438, %div3A_437, %select_n3A_422 : vector<16xi1>, vector<16xf32>
    %broadcast_in_dim3A_440 = arith.constant 1 : i32
    %broadcast_in_dim3A_441 = vector.broadcast %broadcast_in_dim3A_440 : i32 to vector<16xi32>
    %select_n3A_442 = arith.select %gt3A_438, %broadcast_in_dim3A_441, %select_n3A_425 : vector<16xi1>, vector<16xi32>
    %min3A_443 = arith.constant 0.896634638 : f32
    %min3A_444 = vector.broadcast %min3A_443 : f32 to vector<16xf32>
    %min3A_445 = arith.minimumf %get3A_389, %min3A_444 : vector<16xf32>
    %min3A_446 = arith.constant 0.783653855 : f32
    %min3A_447 = vector.broadcast %min3A_446 : f32 to vector<16xf32>
    %min3A_448 = arith.minimumf %get3A_394, %min3A_447 : vector<16xf32>
    %mul3A_449 = arith.mulf %min3A_445, %min3A_448 : vector<16xf32>
    %add3A_450 = arith.constant 0.702651143 : f32
    %add3A_451 = vector.broadcast %add3A_450 : f32 to vector<16xf32>
    %add3A_452 = arith.addf %mul3A_404, %add3A_451 : vector<16xf32>
    %sub3A_453 = arith.subf %add3A_452, %mul3A_449 : vector<16xf32>
    %div3A_454 = arith.divf %mul3A_449, %sub3A_453 : vector<16xf32>
    %gt3A_455 = arith.cmpf ogt, %div3A_454, %select_n3A_439 : vector<16xf32>
    %select_n3A_456 = arith.select %gt3A_455, %div3A_454, %select_n3A_439 : vector<16xi1>, vector<16xf32>
    %broadcast_in_dim3A_457 = arith.constant 2 : i32
    %broadcast_in_dim3A_458 = vector.broadcast %broadcast_in_dim3A_457 : i32 to vector<16xi32>
    %select_n3A_459 = arith.select %gt3A_455, %broadcast_in_dim3A_458, %select_n3A_442 : vector<16xi1>, vector<16xi32>
    %min3A_460 = arith.constant 0.072115384 : f32
    %min3A_461 = vector.broadcast %min3A_460 : f32 to vector<16xf32>
    %min3A_462 = arith.minimumf %get3A_389, %min3A_461 : vector<16xf32>
    %min3A_463 = arith.constant 0.146634609 : f32
    %min3A_464 = vector.broadcast %min3A_463 : f32 to vector<16xf32>
    %min3A_465 = arith.minimumf %get3A_394, %min3A_464 : vector<16xf32>
    %mul3A_466 = arith.mulf %min3A_462, %min3A_465 : vector<16xf32>
    %add3A_467 = arith.constant 0.0105746118 : f32
    %add3A_468 = vector.broadcast %add3A_467 : f32 to vector<16xf32>
    %add3A_469 = arith.addf %mul3A_404, %add3A_468 : vector<16xf32>
    %sub3A_470 = arith.subf %add3A_469, %mul3A_466 : vector<16xf32>
    %div3A_471 = arith.divf %mul3A_466, %sub3A_470 : vector<16xf32>
    %gt3A_472 = arith.cmpf ogt, %div3A_471, %select_n3A_456 : vector<16xf32>
    %select_n3A_473 = arith.select %gt3A_472, %div3A_471, %select_n3A_456 : vector<16xi1>, vector<16xf32>
    %broadcast_in_dim3A_474 = arith.constant 3 : i32
    %broadcast_in_dim3A_475 = vector.broadcast %broadcast_in_dim3A_474 : i32 to vector<16xi32>
    %select_n3A_476 = arith.select %gt3A_472, %broadcast_in_dim3A_475, %select_n3A_459 : vector<16xi1>, vector<16xi32>
    %min3A_477 = arith.constant 0.149038464 : f32
    %min3A_478 = vector.broadcast %min3A_477 : f32 to vector<16xf32>
    %min3A_479 = arith.minimumf %get3A_389, %min3A_478 : vector<16xf32>
    %min3A_480 = arith.constant 0.10817308 : f32
    %min3A_481 = vector.broadcast %min3A_480 : f32 to vector<16xf32>
    %min3A_482 = arith.minimumf %get3A_394, %min3A_481 : vector<16xf32>
    %mul3A_483 = arith.mulf %min3A_479, %min3A_482 : vector<16xf32>
    %add3A_484 = arith.constant 0.0161219481 : f32
    %add3A_485 = vector.broadcast %add3A_484 : f32 to vector<16xf32>
    %add3A_486 = arith.addf %mul3A_404, %add3A_485 : vector<16xf32>
    %sub3A_487 = arith.subf %add3A_486, %mul3A_483 : vector<16xf32>
    %div3A_488 = arith.divf %mul3A_483, %sub3A_487 : vector<16xf32>
    %gt3A_489 = arith.cmpf ogt, %div3A_488, %select_n3A_473 : vector<16xf32>
    %select_n3A_490 = arith.select %gt3A_489, %div3A_488, %select_n3A_473 : vector<16xi1>, vector<16xf32>
    %broadcast_in_dim3A_491 = arith.constant 4 : i32
    %broadcast_in_dim3A_492 = vector.broadcast %broadcast_in_dim3A_491 : i32 to vector<16xi32>
    %select_n3A_493 = arith.select %gt3A_489, %broadcast_in_dim3A_492, %select_n3A_476 : vector<16xi1>, vector<16xi32>
    %min3A_494 = arith.constant 0.141826928 : f32
    %min3A_495 = vector.broadcast %min3A_494 : f32 to vector<16xf32>
    %min3A_496 = arith.minimumf %get3A_389, %min3A_495 : vector<16xf32>
    %min3A_497 = arith.constant 0.286057681 : f32
    %min3A_498 = vector.broadcast %min3A_497 : f32 to vector<16xf32>
    %min3A_499 = arith.minimumf %get3A_394, %min3A_498 : vector<16xf32>
    %mul3A_500 = arith.mulf %min3A_496, %min3A_499 : vector<16xf32>
    %add3A_501 = arith.constant 0.0405706838 : f32
    %add3A_502 = vector.broadcast %add3A_501 : f32 to vector<16xf32>
    %add3A_503 = arith.addf %mul3A_404, %add3A_502 : vector<16xf32>
    %sub3A_504 = arith.subf %add3A_503, %mul3A_500 : vector<16xf32>
    %div3A_505 = arith.divf %mul3A_500, %sub3A_504 : vector<16xf32>
    %gt3A_506 = arith.cmpf ogt, %div3A_505, %select_n3A_490 : vector<16xf32>
    %select_n3A_507 = arith.select %gt3A_506, %div3A_505, %select_n3A_490 : vector<16xi1>, vector<16xf32>
    %broadcast_in_dim3A_508 = arith.constant 5 : i32
    %broadcast_in_dim3A_509 = vector.broadcast %broadcast_in_dim3A_508 : i32 to vector<16xi32>
    %select_n3A_510 = arith.select %gt3A_506, %broadcast_in_dim3A_509, %select_n3A_493 : vector<16xi1>, vector<16xi32>
    %min3A_511 = arith.constant 0.024038462 : f32
    %min3A_512 = vector.broadcast %min3A_511 : f32 to vector<16xf32>
    %min3A_513 = arith.minimumf %get3A_389, %min3A_512 : vector<16xf32>
    %min3A_514 = arith.constant 3.125000e-02 : f32
    %min3A_515 = vector.broadcast %min3A_514 : f32 to vector<16xf32>
    %min3A_516 = arith.minimumf %get3A_394, %min3A_515 : vector<16xf32>
    %mul3A_517 = arith.mulf %min3A_513, %min3A_516 : vector<16xf32>
    %add3A_518 = arith.constant 7.51201937E-4 : f32
    %add3A_519 = vector.broadcast %add3A_518 : f32 to vector<16xf32>
    %add3A_520 = arith.addf %mul3A_404, %add3A_519 : vector<16xf32>
    %sub3A_521 = arith.subf %add3A_520, %mul3A_517 : vector<16xf32>
    %div3A_522 = arith.divf %mul3A_517, %sub3A_521 : vector<16xf32>
    %gt3A_523 = arith.cmpf ogt, %div3A_522, %select_n3A_507 : vector<16xf32>
    %select_n3A_524 = arith.select %gt3A_523, %div3A_522, %select_n3A_507 : vector<16xi1>, vector<16xf32>
    %broadcast_in_dim3A_525 = arith.constant 6 : i32
    %broadcast_in_dim3A_526 = vector.broadcast %broadcast_in_dim3A_525 : i32 to vector<16xi32>
    %select_n3A_527 = arith.select %gt3A_523, %broadcast_in_dim3A_526, %select_n3A_510 : vector<16xi1>, vector<16xi32>
    %min3A_528 = arith.constant 0.0384615399 : f32
    %min3A_529 = vector.broadcast %min3A_528 : f32 to vector<16xf32>
    %min3A_530 = arith.minimumf %get3A_389, %min3A_529 : vector<16xf32>
    %min3A_531 = arith.constant 0.072115384 : f32
    %min3A_532 = vector.broadcast %min3A_531 : f32 to vector<16xf32>
    %min3A_533 = arith.minimumf %get3A_394, %min3A_532 : vector<16xf32>
    %mul3A_534 = arith.mulf %min3A_530, %min3A_533 : vector<16xf32>
    %add3A_535 = arith.constant 0.00277366862 : f32
    %add3A_536 = vector.broadcast %add3A_535 : f32 to vector<16xf32>
    %add3A_537 = arith.addf %mul3A_404, %add3A_536 : vector<16xf32>
    %sub3A_538 = arith.subf %add3A_537, %mul3A_534 : vector<16xf32>
    %div3A_539 = arith.divf %mul3A_534, %sub3A_538 : vector<16xf32>
    %gt3A_540 = arith.cmpf ogt, %div3A_539, %select_n3A_524 : vector<16xf32>
    %select_n3A_541 = arith.select %gt3A_540, %div3A_539, %select_n3A_524 : vector<16xi1>, vector<16xf32>
    %broadcast_in_dim3A_542 = arith.constant 7 : i32
    %broadcast_in_dim3A_543 = vector.broadcast %broadcast_in_dim3A_542 : i32 to vector<16xi32>
    %select_n3A_544 = arith.select %gt3A_540, %broadcast_in_dim3A_543, %select_n3A_527 : vector<16xi1>, vector<16xi32>
    %min3A_545 = arith.constant 0.0793269202 : f32
    %min3A_546 = vector.broadcast %min3A_545 : f32 to vector<16xf32>
    %min3A_547 = arith.minimumf %get3A_389, %min3A_546 : vector<16xf32>
    %min3A_548 = arith.constant 0.0552884601 : f32
    %min3A_549 = vector.broadcast %min3A_548 : f32 to vector<16xf32>
    %min3A_550 = arith.minimumf %get3A_394, %min3A_549 : vector<16xf32>
    %mul3A_551 = arith.mulf %min3A_547, %min3A_550 : vector<16xf32>
    %add3A_552 = arith.constant 0.00438586343 : f32
    %add3A_553 = vector.broadcast %add3A_552 : f32 to vector<16xf32>
    %add3A_554 = arith.addf %mul3A_404, %add3A_553 : vector<16xf32>
    %sub3A_555 = arith.subf %add3A_554, %mul3A_551 : vector<16xf32>
    %div3A_556 = arith.divf %mul3A_551, %sub3A_555 : vector<16xf32>
    %gt3A_557 = arith.cmpf ogt, %div3A_556, %select_n3A_541 : vector<16xf32>
    %select_n3A_558 = arith.select %gt3A_557, %div3A_556, %select_n3A_541 : vector<16xi1>, vector<16xf32>
    %broadcast_in_dim3A_559 = arith.constant 8 : i32
    %broadcast_in_dim3A_560 = vector.broadcast %broadcast_in_dim3A_559 : i32 to vector<16xi32>
    %select_n3A_561 = arith.select %gt3A_557, %broadcast_in_dim3A_560, %select_n3A_544 : vector<16xi1>, vector<16xi32>
    %lt3A_562 = arith.constant 3 : i32
    %lt3A_563 = vector.broadcast %lt3A_562 : i32 to vector<16xi32>
    %lt3A_564 = arith.cmpi slt, %select_n3A_561, %lt3A_563 : vector<16xi32>
    %lt3A_565 = arith.constant 50 : i32
    %lt3A_566 = vector.broadcast %lt3A_565 : i32 to vector<16xi32>
    %lt3A_567 = arith.cmpi slt, %add3A_403, %lt3A_566 : vector<16xi32>
    %and3A_568 = arith.andi %lt3A_564, %lt3A_567 : vector<16xi1>
    %mul3A_569 = arith.constant 1.300000e+01 : f32
    %mul3A_570 = vector.broadcast %mul3A_569 : f32 to vector<16xf32>
    %mul3A_571 = arith.mulf %get3A_379, %mul3A_570 : vector<16xf32>
    %mul3A_572 = arith.constant 1.300000e+01 : f32
    %mul3A_573 = vector.broadcast %mul3A_572 : f32 to vector<16xf32>
    %mul3A_574 = arith.mulf %get3A_384, %mul3A_573 : vector<16xf32>
    %convert_element_type3A_575 = arith.fptosi %mul3A_571 : vector<16xf32> to vector<16xi32>
    %convert_element_type3A_576 = arith.fptosi %mul3A_574 : vector<16xf32> to vector<16xi32>
    %convert_element_type3A_577 = arith.sitofp %convert_element_type3A_575 : vector<16xi32> to vector<16xf32>
    %sub3A_578 = arith.subf %mul3A_571, %convert_element_type3A_577 : vector<16xf32>
    %convert_element_type3A_579 = arith.sitofp %convert_element_type3A_576 : vector<16xi32> to vector<16xf32>
    %sub3A_580 = arith.subf %mul3A_574, %convert_element_type3A_579 : vector<16xf32>
    %convert_element_type3A_581 = arith.fptosi %get3A_399 : vector<16xf32> to vector<16xi32>
    %jit3A_582 = arith.constant 0 : i32
    %jit3A_583 = arith.constant 79 : i32
    %max3A_584 = vector.broadcast %jit3A_582 : i32 to vector<16xi32>
    %max3A_585 = arith.maxsi %max3A_584, %convert_element_type3A_581 : vector<16xi32>
    %min3A_586 = vector.broadcast %jit3A_583 : i32 to vector<16xi32>
    %min3A_587 = arith.minsi %min3A_586, %max3A_585 : vector<16xi32>
    %lt3A_588 = arith.constant 8.000000e+01 : f32
    %lt3A_589 = vector.broadcast %lt3A_588 : f32 to vector<16xf32>
    %lt3A_590 = arith.cmpf olt, %get3A_399, %lt3A_589 : vector<16xf32>
    %ge3A_591 = arith.constant 0.000000e+00 : f32
    %ge3A_592 = vector.broadcast %ge3A_591 : f32 to vector<16xf32>
    %ge3A_593 = arith.cmpf oge, %get3A_399, %ge3A_592 : vector<16xf32>
    %and3A_594 = arith.andi %lt3A_590, %ge3A_593 : vector<16xi1>
    %mul3A_595 = arith.constant 13 : i32
    %mul3A_596 = vector.broadcast %mul3A_595 : i32 to vector<16xi32>
    %mul3A_597 = arith.muli %select_n3A_561, %mul3A_596 : vector<16xi32>
    %add3A_598 = arith.addi %mul3A_597, %convert_element_type3A_576 : vector<16xi32>
    %mul3A_599 = arith.constant 13 : i32
    %mul3A_600 = vector.broadcast %mul3A_599 : i32 to vector<16xi32>
    %mul3A_601 = arith.muli %add3A_598, %mul3A_600 : vector<16xi32>
    %add3A_602 = arith.addi %mul3A_601, %convert_element_type3A_575 : vector<16xi32>
    %sub3A_603 = arith.constant -1 : i32
    %sub3A_604 = vector.broadcast %sub3A_603 : i32 to vector<16xi32>
    %sub3A_605 = arith.subi %sub3A_604, %add3A_403 : vector<16xi32>
    %select_n3A_606 = arith.select %and3A_568, %add3A_602, %sub3A_605 : vector<16xi1>, vector<16xi32>
    %and3A_607 = arith.andi %and3A_568, %and3A_594 : vector<16xi1>
    %mul3A_608 = arith.constant 80 : i32
    %mul3A_609 = vector.broadcast %mul3A_608 : i32 to vector<16xi32>
    %mul3A_610 = arith.muli %select_n3A_606, %mul3A_609 : vector<16xi32>
    %add3A_611 = arith.addi %mul3A_610, %min3A_587 : vector<16xi32>
    %sub3A_612 = arith.constant -1 : i32
    %sub3A_613 = vector.broadcast %sub3A_612 : i32 to vector<16xi32>
    %sub3A_614 = arith.subi %sub3A_613, %add3A_403 : vector<16xi32>
    %select_n3A_615 = arith.select %and3A_607, %add3A_611, %sub3A_614 : vector<16xi1>, vector<16xi32>
    %eq3A_616 = arith.constant 0 : i32
    %eq3A_617 = vector.broadcast %eq3A_616 : i32 to vector<16xi32>
    %eq3A_618 = arith.cmpi eq, %select_n3A_561, %eq3A_617 : vector<16xi32>
    %eq3A_619 = arith.constant 1 : i32
    %eq3A_620 = vector.broadcast %eq3A_619 : i32 to vector<16xi32>
    %eq3A_621 = arith.cmpi eq, %select_n3A_561, %eq3A_620 : vector<16xi32>
    %jit3A_622 = arith.constant 3.750000e-01 : f32
    %jit3A_623 = arith.constant 0.896634638 : f32
    %broadcast_in_dim3A_624 = vector.broadcast %jit3A_622 : f32 to vector<16xf32>
    %broadcast_in_dim3A_625 = vector.broadcast %jit3A_623 : f32 to vector<16xf32>
    %select_n3A_626 = arith.select %eq3A_621, %broadcast_in_dim3A_624, %broadcast_in_dim3A_625 : vector<16xi1>, vector<16xf32>
    %jit3A_627 = arith.constant 0.278846145 : f32
    %broadcast_in_dim3A_628 = vector.broadcast %jit3A_627 : f32 to vector<16xf32>
    %select_n3A_629 = arith.select %eq3A_618, %broadcast_in_dim3A_628, %select_n3A_626 : vector<16xi1>, vector<16xf32>
    %eq3A_630 = arith.constant 0 : i32
    %eq3A_631 = vector.broadcast %eq3A_630 : i32 to vector<16xi32>
    %eq3A_632 = arith.cmpi eq, %select_n3A_561, %eq3A_631 : vector<16xi32>
    %eq3A_633 = arith.constant 1 : i32
    %eq3A_634 = vector.broadcast %eq3A_633 : i32 to vector<16xi32>
    %eq3A_635 = arith.cmpi eq, %select_n3A_561, %eq3A_634 : vector<16xi32>
    %jit3A_636 = arith.constant 0.475961536 : f32
    %jit3A_637 = arith.constant 0.783653855 : f32
    %broadcast_in_dim3A_638 = vector.broadcast %jit3A_636 : f32 to vector<16xf32>
    %broadcast_in_dim3A_639 = vector.broadcast %jit3A_637 : f32 to vector<16xf32>
    %select_n3A_640 = arith.select %eq3A_635, %broadcast_in_dim3A_638, %broadcast_in_dim3A_639 : vector<16xi1>, vector<16xf32>
    %jit3A_641 = arith.constant 0.21634616 : f32
    %broadcast_in_dim3A_642 = vector.broadcast %jit3A_641 : f32 to vector<16xf32>
    %select_n3A_643 = arith.select %eq3A_632, %broadcast_in_dim3A_642, %select_n3A_640 : vector<16xi1>, vector<16xf32>
    %max3A_644 = arith.constant 9.99999996E-13 : f32
    %max3A_645 = vector.broadcast %max3A_644 : f32 to vector<16xf32>
    %max3A_646 = arith.maximumf %get3A_389, %max3A_645 : vector<16xf32>
    %div3A_647 = arith.divf %max3A_646, %select_n3A_629 : vector<16xf32>
    %max3A_648 = arith.constant 9.99999996E-13 : f32
    %max3A_649 = vector.broadcast %max3A_648 : f32 to vector<16xf32>
    %max3A_650 = arith.maximumf %get3A_394, %max3A_649 : vector<16xf32>
    %div3A_651 = arith.divf %max3A_650, %select_n3A_643 : vector<16xf32>
    %mul3A_652 = arith.constant 13 : i32
    %mul3A_653 = vector.broadcast %mul3A_652 : i32 to vector<16xi32>
    %mul3A_654 = arith.muli %convert_element_type3A_576, %mul3A_653 : vector<16xi32>
    %add3A_655 = arith.addi %mul3A_654, %convert_element_type3A_575 : vector<16xi32>
    %mul3A_656 = arith.constant 255 : i32
    %mul3A_657 = arith.muli %add3A_4, %mul3A_656 : i32
    %mul3A_658 = arith.constant 85 : i32
    %mul3A_659 = vector.broadcast %mul3A_658 : i32 to vector<16xi32>
    %mul3A_660 = arith.muli %select_n3A_561, %mul3A_659 : vector<16xi32>
    %add3A_661 = vector.broadcast %mul3A_657 : i32 to vector<16xi32>
    %add3A_662 = arith.addi %add3A_661, %mul3A_660 : vector<16xi32>
    %mul3A_663 = arith.constant 169 : i32
    %mul3A_664 = vector.broadcast %mul3A_663 : i32 to vector<16xi32>
    %mul3A_665 = arith.muli %add3A_662, %mul3A_664 : vector<16xi32>
    %add3A_666 = arith.addi %mul3A_665, %add3A_655 : vector<16xi32>
    %jit3A_667 = arith.constant 0 : i32
    %broadcast_in_dim3A_668 = vector.broadcast %jit3A_667 : i32 to vector<16xi32>
    %select_n3A_669 = arith.select %and3A_568, %add3A_666, %broadcast_in_dim3A_668 : vector<16xi1>, vector<16xi32>
    %add3A_670 = arith.constant 0 : i32
    %add3A_671 = vector.broadcast %add3A_670 : i32 to vector<16xi32>
    %add3A_672 = arith.addi %select_n3A_669, %add3A_671 : vector<16xi32>
    %swap3A_673 = arith.constant 0 : i32
    %swap3A_674 = arith.index_cast %swap3A_673 : i32 to index
    %swap3A_675 = arith.constant 16 : index
    %swap3A_676 = tpu.vector_load %arg7[%swap3A_674, %swap3A_675] {strides = array<i32>} : memref<6x64xi32, #tpu.memory_space<vmem>>, vector<1x16xi32>,
    %swap3A_677 = vector.shape_cast %swap3A_676 : vector<1x16xi32> to vector<16xi32>
    %swap3A_678 = vector.shape_cast %add3A_672 : vector<16xi32> to vector<1x16xi32>
    tpu.vector_store %arg7[%swap3A_674, %swap3A_675], %swap3A_678 {strides = array<i32>} : memref<6x64xi32, #tpu.memory_space<vmem>>, vector<1x16xi32>,
    %add3A_679 = arith.constant 169 : i32
    %add3A_680 = vector.broadcast %add3A_679 : i32 to vector<16xi32>
    %add3A_681 = arith.addi %select_n3A_669, %add3A_680 : vector<16xi32>
    %swap3A_682 = arith.constant 1 : i32
    %swap3A_683 = arith.index_cast %swap3A_682 : i32 to index
    %swap3A_684 = arith.constant 16 : index
    %swap3A_685 = tpu.vector_load %arg7[%swap3A_683, %swap3A_684] {strides = array<i32>} : memref<6x64xi32, #tpu.memory_space<vmem>>, vector<1x16xi32>,
    %swap3A_686 = vector.shape_cast %swap3A_685 : vector<1x16xi32> to vector<16xi32>
    %swap3A_687 = vector.shape_cast %add3A_681 : vector<16xi32> to vector<1x16xi32>
    tpu.vector_store %arg7[%swap3A_683, %swap3A_684], %swap3A_687 {strides = array<i32>} : memref<6x64xi32, #tpu.memory_space<vmem>>, vector<1x16xi32>,
    %add3A_688 = arith.constant 338 : i32
    %add3A_689 = vector.broadcast %add3A_688 : i32 to vector<16xi32>
    %add3A_690 = arith.addi %select_n3A_669, %add3A_689 : vector<16xi32>
    %swap3A_691 = arith.constant 2 : i32
    %swap3A_692 = arith.index_cast %swap3A_691 : i32 to index
    %swap3A_693 = arith.constant 16 : index
    %swap3A_694 = tpu.vector_load %arg7[%swap3A_692, %swap3A_693] {strides = array<i32>} : memref<6x64xi32, #tpu.memory_space<vmem>>, vector<1x16xi32>,
    %swap3A_695 = vector.shape_cast %swap3A_694 : vector<1x16xi32> to vector<16xi32>
    %swap3A_696 = vector.shape_cast %add3A_690 : vector<16xi32> to vector<1x16xi32>
    tpu.vector_store %arg7[%swap3A_692, %swap3A_693], %swap3A_696 {strides = array<i32>} : memref<6x64xi32, #tpu.memory_space<vmem>>, vector<1x16xi32>,
    %add3A_697 = arith.constant 507 : i32
    %add3A_698 = vector.broadcast %add3A_697 : i32 to vector<16xi32>
    %add3A_699 = arith.addi %select_n3A_669, %add3A_698 : vector<16xi32>
    %swap3A_700 = arith.constant 3 : i32
    %swap3A_701 = arith.index_cast %swap3A_700 : i32 to index
    %swap3A_702 = arith.constant 16 : index
    %swap3A_703 = tpu.vector_load %arg7[%swap3A_701, %swap3A_702] {strides = array<i32>} : memref<6x64xi32, #tpu.memory_space<vmem>>, vector<1x16xi32>,
    %swap3A_704 = vector.shape_cast %swap3A_703 : vector<1x16xi32> to vector<16xi32>
    %swap3A_705 = vector.shape_cast %add3A_699 : vector<16xi32> to vector<1x16xi32>
    tpu.vector_store %arg7[%swap3A_701, %swap3A_702], %swap3A_705 {strides = array<i32>} : memref<6x64xi32, #tpu.memory_space<vmem>>, vector<1x16xi32>,
    %add3A_706 = arith.constant 676 : i32
    %add3A_707 = vector.broadcast %add3A_706 : i32 to vector<16xi32>
    %add3A_708 = arith.addi %select_n3A_669, %add3A_707 : vector<16xi32>
    %swap3A_709 = arith.constant 4 : i32
    %swap3A_710 = arith.index_cast %swap3A_709 : i32 to index
    %swap3A_711 = arith.constant 16 : index
    %swap3A_712 = tpu.vector_load %arg7[%swap3A_710, %swap3A_711] {strides = array<i32>} : memref<6x64xi32, #tpu.memory_space<vmem>>, vector<1x16xi32>,
    %swap3A_713 = vector.shape_cast %swap3A_712 : vector<1x16xi32> to vector<16xi32>
    %swap3A_714 = vector.shape_cast %add3A_708 : vector<16xi32> to vector<1x16xi32>
    tpu.vector_store %arg7[%swap3A_710, %swap3A_711], %swap3A_714 {strides = array<i32>} : memref<6x64xi32, #tpu.memory_space<vmem>>, vector<1x16xi32>,
    %add3A_715 = arith.constant 5 : i32
    %add3A_716 = vector.broadcast %add3A_715 : i32 to vector<16xi32>
    %add3A_717 = arith.addi %add3A_716, %min3A_587 : vector<16xi32>
    %mul3A_718 = arith.constant 169 : i32
    %mul3A_719 = vector.broadcast %mul3A_718 : i32 to vector<16xi32>
    %mul3A_720 = arith.muli %add3A_717, %mul3A_719 : vector<16xi32>
    %add3A_721 = arith.addi %select_n3A_669, %mul3A_720 : vector<16xi32>
    %swap3A_722 = arith.constant 5 : i32
    %swap3A_723 = arith.index_cast %swap3A_722 : i32 to index
    %swap3A_724 = arith.constant 16 : index
    %swap3A_725 = tpu.vector_load %arg7[%swap3A_723, %swap3A_724] {strides = array<i32>} : memref<6x64xi32, #tpu.memory_space<vmem>>, vector<1x16xi32>,
    %swap3A_726 = vector.shape_cast %swap3A_725 : vector<1x16xi32> to vector<16xi32>
    %swap3A_727 = vector.shape_cast %add3A_721 : vector<16xi32> to vector<1x16xi32>
    tpu.vector_store %arg7[%swap3A_723, %swap3A_724], %swap3A_727 {strides = array<i32>} : memref<6x64xi32, #tpu.memory_space<vmem>>, vector<1x16xi32>,
    %swap3A_728 = arith.constant 0 : i32
    %swap3A_729 = arith.index_cast %swap3A_728 : i32 to index
    %swap3A_730 = arith.constant 16 : index
    %swap3A_731 = tpu.vector_load %arg9[%swap3A_729, %swap3A_730] {strides = array<i32>} : memref<7x64xf32, #tpu.memory_space<vmem>>, vector<1x16xf32>,
    %swap3A_732 = vector.shape_cast %swap3A_731 : vector<1x16xf32> to vector<16xf32>
    %swap3A_733 = vector.shape_cast %sub3A_578 : vector<16xf32> to vector<1x16xf32>
    tpu.vector_store %arg9[%swap3A_729, %swap3A_730], %swap3A_733 {strides = array<i32>} : memref<7x64xf32, #tpu.memory_space<vmem>>, vector<1x16xf32>,
    %swap3A_734 = arith.constant 1 : i32
    %swap3A_735 = arith.index_cast %swap3A_734 : i32 to index
    %swap3A_736 = arith.constant 16 : index
    %swap3A_737 = tpu.vector_load %arg9[%swap3A_735, %swap3A_736] {strides = array<i32>} : memref<7x64xf32, #tpu.memory_space<vmem>>, vector<1x16xf32>,
    %swap3A_738 = vector.shape_cast %swap3A_737 : vector<1x16xf32> to vector<16xf32>
    %swap3A_739 = vector.shape_cast %sub3A_580 : vector<16xf32> to vector<1x16xf32>
    tpu.vector_store %arg9[%swap3A_735, %swap3A_736], %swap3A_739 {strides = array<i32>} : memref<7x64xf32, #tpu.memory_space<vmem>>, vector<1x16xf32>,
    %swap3A_740 = arith.constant 2 : i32
    %swap3A_741 = arith.index_cast %swap3A_740 : i32 to index
    %swap3A_742 = arith.constant 16 : index
    %swap3A_743 = tpu.vector_load %arg9[%swap3A_741, %swap3A_742] {strides = array<i32>} : memref<7x64xf32, #tpu.memory_space<vmem>>, vector<1x16xf32>,
    %swap3A_744 = vector.shape_cast %swap3A_743 : vector<1x16xf32> to vector<16xf32>
    %swap3A_745 = vector.shape_cast %div3A_647 : vector<16xf32> to vector<1x16xf32>
    tpu.vector_store %arg9[%swap3A_741, %swap3A_742], %swap3A_745 {strides = array<i32>} : memref<7x64xf32, #tpu.memory_space<vmem>>, vector<1x16xf32>,
    %swap3A_746 = arith.constant 3 : i32
    %swap3A_747 = arith.index_cast %swap3A_746 : i32 to index
    %swap3A_748 = arith.constant 16 : index
    %swap3A_749 = tpu.vector_load %arg9[%swap3A_747, %swap3A_748] {strides = array<i32>} : memref<7x64xf32, #tpu.memory_space<vmem>>, vector<1x16xf32>,
    %swap3A_750 = vector.shape_cast %swap3A_749 : vector<1x16xf32> to vector<16xf32>
    %swap3A_751 = vector.shape_cast %div3A_651 : vector<16xf32> to vector<1x16xf32>
    tpu.vector_store %arg9[%swap3A_747, %swap3A_748], %swap3A_751 {strides = array<i32>} : memref<7x64xf32, #tpu.memory_space<vmem>>, vector<1x16xf32>,
    %sub3A_752 = arith.constant 2.000000e+00 : f32
    %sub3A_753 = vector.broadcast %sub3A_752 : f32 to vector<16xf32>
    %sub3A_754 = arith.subf %sub3A_753, %mul3A_404 : vector<16xf32>
    %swap3A_755 = arith.constant 6 : i32
    %swap3A_756 = arith.index_cast %swap3A_755 : i32 to index
    %swap3A_757 = arith.constant 16 : index
    %swap3A_758 = tpu.vector_load %arg9[%swap3A_756, %swap3A_757] {strides = array<i32>} : memref<7x64xf32, #tpu.memory_space<vmem>>, vector<1x16xf32>,
    %swap3A_759 = vector.shape_cast %swap3A_758 : vector<1x16xf32> to vector<16xf32>
    %swap3A_760 = vector.shape_cast %sub3A_754 : vector<16xf32> to vector<1x16xf32>
    tpu.vector_store %arg9[%swap3A_756, %swap3A_757], %swap3A_760 {strides = array<i32>} : memref<7x64xf32, #tpu.memory_space<vmem>>, vector<1x16xf32>,
    %get3A_761 = arith.constant 0 : i32
    %get3A_762 = arith.index_cast %get3A_761 : i32 to index
    %get3A_763 = arith.constant 32 : index
    %get3A_764 = tpu.vector_load %arg6[%get3A_762, %get3A_763] {strides = array<i32>} : memref<5x64xf32, #tpu.memory_space<vmem>>, vector<1x16xf32>,
    %get3A_765 = vector.shape_cast %get3A_764 : vector<1x16xf32> to vector<16xf32>
    %get3A_766 = arith.constant 1 : i32
    %get3A_767 = arith.index_cast %get3A_766 : i32 to index
    %get3A_768 = arith.constant 32 : index
    %get3A_769 = tpu.vector_load %arg6[%get3A_767, %get3A_768] {strides = array<i32>} : memref<5x64xf32, #tpu.memory_space<vmem>>, vector<1x16xf32>,
    %get3A_770 = vector.shape_cast %get3A_769 : vector<1x16xf32> to vector<16xf32>
    %get3A_771 = arith.constant 2 : i32
    %get3A_772 = arith.index_cast %get3A_771 : i32 to index
    %get3A_773 = arith.constant 32 : index
    %get3A_774 = tpu.vector_load %arg6[%get3A_772, %get3A_773] {strides = array<i32>} : memref<5x64xf32, #tpu.memory_space<vmem>>, vector<1x16xf32>,
    %get3A_775 = vector.shape_cast %get3A_774 : vector<1x16xf32> to vector<16xf32>
    %get3A_776 = arith.constant 3 : i32
    %get3A_777 = arith.index_cast %get3A_776 : i32 to index
    %get3A_778 = arith.constant 32 : index
    %get3A_779 = tpu.vector_load %arg6[%get3A_777, %get3A_778] {strides = array<i32>} : memref<5x64xf32, #tpu.memory_space<vmem>>, vector<1x16xf32>,
    %get3A_780 = vector.shape_cast %get3A_779 : vector<1x16xf32> to vector<16xf32>
    %get3A_781 = arith.constant 4 : i32
    %get3A_782 = arith.index_cast %get3A_781 : i32 to index
    %get3A_783 = arith.constant 32 : index
    %get3A_784 = tpu.vector_load %arg6[%get3A_782, %get3A_783] {strides = array<i32>} : memref<5x64xf32, #tpu.memory_space<vmem>>, vector<1x16xf32>,
    %get3A_785 = vector.shape_cast %get3A_784 : vector<1x16xf32> to vector<16xf32>
    %iota3A_786 = tpu.iota {dimensions = array<i32: 0>} : vector<16xi32>
    %add3A_787 = arith.constant 32 : i32
    %add3A_788 = vector.broadcast %add3A_787 : i32 to vector<16xi32>
    %add3A_789 = arith.addi %iota3A_786, %add3A_788 : vector<16xi32>
    %mul3A_790 = arith.mulf %get3A_775, %get3A_780 : vector<16xf32>
    %broadcast_in_dim3A_791 = arith.constant -1.000000e+00 : f32
    %broadcast_in_dim3A_792 = vector.broadcast %broadcast_in_dim3A_791 : f32 to vector<16xf32>
    %broadcast_in_dim3A_793 = arith.constant 0 : i32
    %broadcast_in_dim3A_794 = vector.broadcast %broadcast_in_dim3A_793 : i32 to vector<16xi32>
    %min3A_795 = arith.constant 0.278846145 : f32
    %min3A_796 = vector.broadcast %min3A_795 : f32 to vector<16xf32>
    %min3A_797 = arith.minimumf %get3A_775, %min3A_796 : vector<16xf32>
    %min3A_798 = arith.constant 0.21634616 : f32
    %min3A_799 = vector.broadcast %min3A_798 : f32 to vector<16xf32>
    %min3A_800 = arith.minimumf %get3A_780, %min3A_799 : vector<16xf32>
    %mul3A_801 = arith.mulf %min3A_797, %min3A_800 : vector<16xf32>
    %add3A_802 = arith.constant 0.0603272914 : f32
    %add3A_803 = vector.broadcast %add3A_802 : f32 to vector<16xf32>
    %add3A_804 = arith.addf %mul3A_790, %add3A_803 : vector<16xf32>
    %sub3A_805 = arith.subf %add3A_804, %mul3A_801 : vector<16xf32>
    %div3A_806 = arith.divf %mul3A_801, %sub3A_805 : vector<16xf32>
    %gt3A_807 = arith.cmpf ogt, %div3A_806, %broadcast_in_dim3A_792 : vector<16xf32>
    %select_n3A_808 = arith.select %gt3A_807, %div3A_806, %broadcast_in_dim3A_792 : vector<16xi1>, vector<16xf32>
    %broadcast_in_dim3A_809 = arith.constant 0 : i32
    %broadcast_in_dim3A_810 = vector.broadcast %broadcast_in_dim3A_809 : i32 to vector<16xi32>
    %select_n3A_811 = arith.select %gt3A_807, %broadcast_in_dim3A_810, %broadcast_in_dim3A_794 : vector<16xi1>, vector<16xi32>
    %min3A_812 = arith.constant 3.750000e-01 : f32
    %min3A_813 = vector.broadcast %min3A_812 : f32 to vector<16xf32>
    %min3A_814 = arith.minimumf %get3A_775, %min3A_813 : vector<16xf32>
    %min3A_815 = arith.constant 0.475961536 : f32
    %min3A_816 = vector.broadcast %min3A_815 : f32 to vector<16xf32>
    %min3A_817 = arith.minimumf %get3A_780, %min3A_816 : vector<16xf32>
    %mul3A_818 = arith.mulf %min3A_814, %min3A_817 : vector<16xf32>
    %add3A_819 = arith.constant 0.178485572 : f32
    %add3A_820 = vector.broadcast %add3A_819 : f32 to vector<16xf32>
    %add3A_821 = arith.addf %mul3A_790, %add3A_820 : vector<16xf32>
    %sub3A_822 = arith.subf %add3A_821, %mul3A_818 : vector<16xf32>
    %div3A_823 = arith.divf %mul3A_818, %sub3A_822 : vector<16xf32>
    %gt3A_824 = arith.cmpf ogt, %div3A_823, %select_n3A_808 : vector<16xf32>
    %select_n3A_825 = arith.select %gt3A_824, %div3A_823, %select_n3A_808 : vector<16xi1>, vector<16xf32>
    %broadcast_in_dim3A_826 = arith.constant 1 : i32
    %broadcast_in_dim3A_827 = vector.broadcast %broadcast_in_dim3A_826 : i32 to vector<16xi32>
    %select_n3A_828 = arith.select %gt3A_824, %broadcast_in_dim3A_827, %select_n3A_811 : vector<16xi1>, vector<16xi32>
    %min3A_829 = arith.constant 0.896634638 : f32
    %min3A_830 = vector.broadcast %min3A_829 : f32 to vector<16xf32>
    %min3A_831 = arith.minimumf %get3A_775, %min3A_830 : vector<16xf32>
    %min3A_832 = arith.constant 0.783653855 : f32
    %min3A_833 = vector.broadcast %min3A_832 : f32 to vector<16xf32>
    %min3A_834 = arith.minimumf %get3A_780, %min3A_833 : vector<16xf32>
    %mul3A_835 = arith.mulf %min3A_831, %min3A_834 : vector<16xf32>
    %add3A_836 = arith.constant 0.702651143 : f32
    %add3A_837 = vector.broadcast %add3A_836 : f32 to vector<16xf32>
    %add3A_838 = arith.addf %mul3A_790, %add3A_837 : vector<16xf32>
    %sub3A_839 = arith.subf %add3A_838, %mul3A_835 : vector<16xf32>
    %div3A_840 = arith.divf %mul3A_835, %sub3A_839 : vector<16xf32>
    %gt3A_841 = arith.cmpf ogt, %div3A_840, %select_n3A_825 : vector<16xf32>
    %select_n3A_842 = arith.select %gt3A_841, %div3A_840, %select_n3A_825 : vector<16xi1>, vector<16xf32>
    %broadcast_in_dim3A_843 = arith.constant 2 : i32
    %broadcast_in_dim3A_844 = vector.broadcast %broadcast_in_dim3A_843 : i32 to vector<16xi32>
    %select_n3A_845 = arith.select %gt3A_841, %broadcast_in_dim3A_844, %select_n3A_828 : vector<16xi1>, vector<16xi32>
    %min3A_846 = arith.constant 0.072115384 : f32
    %min3A_847 = vector.broadcast %min3A_846 : f32 to vector<16xf32>
    %min3A_848 = arith.minimumf %get3A_775, %min3A_847 : vector<16xf32>
    %min3A_849 = arith.constant 0.146634609 : f32
    %min3A_850 = vector.broadcast %min3A_849 : f32 to vector<16xf32>
    %min3A_851 = arith.minimumf %get3A_780, %min3A_850 : vector<16xf32>
    %mul3A_852 = arith.mulf %min3A_848, %min3A_851 : vector<16xf32>
    %add3A_853 = arith.constant 0.0105746118 : f32
    %add3A_854 = vector.broadcast %add3A_853 : f32 to vector<16xf32>
    %add3A_855 = arith.addf %mul3A_790, %add3A_854 : vector<16xf32>
    %sub3A_856 = arith.subf %add3A_855, %mul3A_852 : vector<16xf32>
    %div3A_857 = arith.divf %mul3A_852, %sub3A_856 : vector<16xf32>
    %gt3A_858 = arith.cmpf ogt, %div3A_857, %select_n3A_842 : vector<16xf32>
    %select_n3A_859 = arith.select %gt3A_858, %div3A_857, %select_n3A_842 : vector<16xi1>, vector<16xf32>
    %broadcast_in_dim3A_860 = arith.constant 3 : i32
    %broadcast_in_dim3A_861 = vector.broadcast %broadcast_in_dim3A_860 : i32 to vector<16xi32>
    %select_n3A_862 = arith.select %gt3A_858, %broadcast_in_dim3A_861, %select_n3A_845 : vector<16xi1>, vector<16xi32>
    %min3A_863 = arith.constant 0.149038464 : f32
    %min3A_864 = vector.broadcast %min3A_863 : f32 to vector<16xf32>
    %min3A_865 = arith.minimumf %get3A_775, %min3A_864 : vector<16xf32>
    %min3A_866 = arith.constant 0.10817308 : f32
    %min3A_867 = vector.broadcast %min3A_866 : f32 to vector<16xf32>
    %min3A_868 = arith.minimumf %get3A_780, %min3A_867 : vector<16xf32>
    %mul3A_869 = arith.mulf %min3A_865, %min3A_868 : vector<16xf32>
    %add3A_870 = arith.constant 0.0161219481 : f32
    %add3A_871 = vector.broadcast %add3A_870 : f32 to vector<16xf32>
    %add3A_872 = arith.addf %mul3A_790, %add3A_871 : vector<16xf32>
    %sub3A_873 = arith.subf %add3A_872, %mul3A_869 : vector<16xf32>
    %div3A_874 = arith.divf %mul3A_869, %sub3A_873 : vector<16xf32>
    %gt3A_875 = arith.cmpf ogt, %div3A_874, %select_n3A_859 : vector<16xf32>
    %select_n3A_876 = arith.select %gt3A_875, %div3A_874, %select_n3A_859 : vector<16xi1>, vector<16xf32>
    %broadcast_in_dim3A_877 = arith.constant 4 : i32
    %broadcast_in_dim3A_878 = vector.broadcast %broadcast_in_dim3A_877 : i32 to vector<16xi32>
    %select_n3A_879 = arith.select %gt3A_875, %broadcast_in_dim3A_878, %select_n3A_862 : vector<16xi1>, vector<16xi32>
    %min3A_880 = arith.constant 0.141826928 : f32
    %min3A_881 = vector.broadcast %min3A_880 : f32 to vector<16xf32>
    %min3A_882 = arith.minimumf %get3A_775, %min3A_881 : vector<16xf32>
    %min3A_883 = arith.constant 0.286057681 : f32
    %min3A_884 = vector.broadcast %min3A_883 : f32 to vector<16xf32>
    %min3A_885 = arith.minimumf %get3A_780, %min3A_884 : vector<16xf32>
    %mul3A_886 = arith.mulf %min3A_882, %min3A_885 : vector<16xf32>
    %add3A_887 = arith.constant 0.0405706838 : f32
    %add3A_888 = vector.broadcast %add3A_887 : f32 to vector<16xf32>
    %add3A_889 = arith.addf %mul3A_790, %add3A_888 : vector<16xf32>
    %sub3A_890 = arith.subf %add3A_889, %mul3A_886 : vector<16xf32>
    %div3A_891 = arith.divf %mul3A_886, %sub3A_890 : vector<16xf32>
    %gt3A_892 = arith.cmpf ogt, %div3A_891, %select_n3A_876 : vector<16xf32>
    %select_n3A_893 = arith.select %gt3A_892, %div3A_891, %select_n3A_876 : vector<16xi1>, vector<16xf32>
    %broadcast_in_dim3A_894 = arith.constant 5 : i32
    %broadcast_in_dim3A_895 = vector.broadcast %broadcast_in_dim3A_894 : i32 to vector<16xi32>
    %select_n3A_896 = arith.select %gt3A_892, %broadcast_in_dim3A_895, %select_n3A_879 : vector<16xi1>, vector<16xi32>
    %min3A_897 = arith.constant 0.024038462 : f32
    %min3A_898 = vector.broadcast %min3A_897 : f32 to vector<16xf32>
    %min3A_899 = arith.minimumf %get3A_775, %min3A_898 : vector<16xf32>
    %min3A_900 = arith.constant 3.125000e-02 : f32
    %min3A_901 = vector.broadcast %min3A_900 : f32 to vector<16xf32>
    %min3A_902 = arith.minimumf %get3A_780, %min3A_901 : vector<16xf32>
    %mul3A_903 = arith.mulf %min3A_899, %min3A_902 : vector<16xf32>
    %add3A_904 = arith.constant 7.51201937E-4 : f32
    %add3A_905 = vector.broadcast %add3A_904 : f32 to vector<16xf32>
    %add3A_906 = arith.addf %mul3A_790, %add3A_905 : vector<16xf32>
    %sub3A_907 = arith.subf %add3A_906, %mul3A_903 : vector<16xf32>
    %div3A_908 = arith.divf %mul3A_903, %sub3A_907 : vector<16xf32>
    %gt3A_909 = arith.cmpf ogt, %div3A_908, %select_n3A_893 : vector<16xf32>
    %select_n3A_910 = arith.select %gt3A_909, %div3A_908, %select_n3A_893 : vector<16xi1>, vector<16xf32>
    %broadcast_in_dim3A_911 = arith.constant 6 : i32
    %broadcast_in_dim3A_912 = vector.broadcast %broadcast_in_dim3A_911 : i32 to vector<16xi32>
    %select_n3A_913 = arith.select %gt3A_909, %broadcast_in_dim3A_912, %select_n3A_896 : vector<16xi1>, vector<16xi32>
    %min3A_914 = arith.constant 0.0384615399 : f32
    %min3A_915 = vector.broadcast %min3A_914 : f32 to vector<16xf32>
    %min3A_916 = arith.minimumf %get3A_775, %min3A_915 : vector<16xf32>
    %min3A_917 = arith.constant 0.072115384 : f32
    %min3A_918 = vector.broadcast %min3A_917 : f32 to vector<16xf32>
    %min3A_919 = arith.minimumf %get3A_780, %min3A_918 : vector<16xf32>
    %mul3A_920 = arith.mulf %min3A_916, %min3A_919 : vector<16xf32>
    %add3A_921 = arith.constant 0.00277366862 : f32
    %add3A_922 = vector.broadcast %add3A_921 : f32 to vector<16xf32>
    %add3A_923 = arith.addf %mul3A_790, %add3A_922 : vector<16xf32>
    %sub3A_924 = arith.subf %add3A_923, %mul3A_920 : vector<16xf32>
    %div3A_925 = arith.divf %mul3A_920, %sub3A_924 : vector<16xf32>
    %gt3A_926 = arith.cmpf ogt, %div3A_925, %select_n3A_910 : vector<16xf32>
    %select_n3A_927 = arith.select %gt3A_926, %div3A_925, %select_n3A_910 : vector<16xi1>, vector<16xf32>
    %broadcast_in_dim3A_928 = arith.constant 7 : i32
    %broadcast_in_dim3A_929 = vector.broadcast %broadcast_in_dim3A_928 : i32 to vector<16xi32>
    %select_n3A_930 = arith.select %gt3A_926, %broadcast_in_dim3A_929, %select_n3A_913 : vector<16xi1>, vector<16xi32>
    %min3A_931 = arith.constant 0.0793269202 : f32
    %min3A_932 = vector.broadcast %min3A_931 : f32 to vector<16xf32>
    %min3A_933 = arith.minimumf %get3A_775, %min3A_932 : vector<16xf32>
    %min3A_934 = arith.constant 0.0552884601 : f32
    %min3A_935 = vector.broadcast %min3A_934 : f32 to vector<16xf32>
    %min3A_936 = arith.minimumf %get3A_780, %min3A_935 : vector<16xf32>
    %mul3A_937 = arith.mulf %min3A_933, %min3A_936 : vector<16xf32>
    %add3A_938 = arith.constant 0.00438586343 : f32
    %add3A_939 = vector.broadcast %add3A_938 : f32 to vector<16xf32>
    %add3A_940 = arith.addf %mul3A_790, %add3A_939 : vector<16xf32>
    %sub3A_941 = arith.subf %add3A_940, %mul3A_937 : vector<16xf32>
    %div3A_942 = arith.divf %mul3A_937, %sub3A_941 : vector<16xf32>
    %gt3A_943 = arith.cmpf ogt, %div3A_942, %select_n3A_927 : vector<16xf32>
    %select_n3A_944 = arith.select %gt3A_943, %div3A_942, %select_n3A_927 : vector<16xi1>, vector<16xf32>
    %broadcast_in_dim3A_945 = arith.constant 8 : i32
    %broadcast_in_dim3A_946 = vector.broadcast %broadcast_in_dim3A_945 : i32 to vector<16xi32>
    %select_n3A_947 = arith.select %gt3A_943, %broadcast_in_dim3A_946, %select_n3A_930 : vector<16xi1>, vector<16xi32>
    %lt3A_948 = arith.constant 3 : i32
    %lt3A_949 = vector.broadcast %lt3A_948 : i32 to vector<16xi32>
    %lt3A_950 = arith.cmpi slt, %select_n3A_947, %lt3A_949 : vector<16xi32>
    %lt3A_951 = arith.constant 50 : i32
    %lt3A_952 = vector.broadcast %lt3A_951 : i32 to vector<16xi32>
    %lt3A_953 = arith.cmpi slt, %add3A_789, %lt3A_952 : vector<16xi32>
    %and3A_954 = arith.andi %lt3A_950, %lt3A_953 : vector<16xi1>
    %mul3A_955 = arith.constant 1.300000e+01 : f32
    %mul3A_956 = vector.broadcast %mul3A_955 : f32 to vector<16xf32>
    %mul3A_957 = arith.mulf %get3A_765, %mul3A_956 : vector<16xf32>
    %mul3A_958 = arith.constant 1.300000e+01 : f32
    %mul3A_959 = vector.broadcast %mul3A_958 : f32 to vector<16xf32>
    %mul3A_960 = arith.mulf %get3A_770, %mul3A_959 : vector<16xf32>
    %convert_element_type3A_961 = arith.fptosi %mul3A_957 : vector<16xf32> to vector<16xi32>
    %convert_element_type3A_962 = arith.fptosi %mul3A_960 : vector<16xf32> to vector<16xi32>
    %convert_element_type3A_963 = arith.sitofp %convert_element_type3A_961 : vector<16xi32> to vector<16xf32>
    %sub3A_964 = arith.subf %mul3A_957, %convert_element_type3A_963 : vector<16xf32>
    %convert_element_type3A_965 = arith.sitofp %convert_element_type3A_962 : vector<16xi32> to vector<16xf32>
    %sub3A_966 = arith.subf %mul3A_960, %convert_element_type3A_965 : vector<16xf32>
    %convert_element_type3A_967 = arith.fptosi %get3A_785 : vector<16xf32> to vector<16xi32>
    %jit3A_968 = arith.constant 0 : i32
    %jit3A_969 = arith.constant 79 : i32
    %max3A_970 = vector.broadcast %jit3A_968 : i32 to vector<16xi32>
    %max3A_971 = arith.maxsi %max3A_970, %convert_element_type3A_967 : vector<16xi32>
    %min3A_972 = vector.broadcast %jit3A_969 : i32 to vector<16xi32>
    %min3A_973 = arith.minsi %min3A_972, %max3A_971 : vector<16xi32>
    %lt3A_974 = arith.constant 8.000000e+01 : f32
    %lt3A_975 = vector.broadcast %lt3A_974 : f32 to vector<16xf32>
    %lt3A_976 = arith.cmpf olt, %get3A_785, %lt3A_975 : vector<16xf32>
    %ge3A_977 = arith.constant 0.000000e+00 : f32
    %ge3A_978 = vector.broadcast %ge3A_977 : f32 to vector<16xf32>
    %ge3A_979 = arith.cmpf oge, %get3A_785, %ge3A_978 : vector<16xf32>
    %and3A_980 = arith.andi %lt3A_976, %ge3A_979 : vector<16xi1>
    %mul3A_981 = arith.constant 13 : i32
    %mul3A_982 = vector.broadcast %mul3A_981 : i32 to vector<16xi32>
    %mul3A_983 = arith.muli %select_n3A_947, %mul3A_982 : vector<16xi32>
    %add3A_984 = arith.addi %mul3A_983, %convert_element_type3A_962 : vector<16xi32>
    %mul3A_985 = arith.constant 13 : i32
    %mul3A_986 = vector.broadcast %mul3A_985 : i32 to vector<16xi32>
    %mul3A_987 = arith.muli %add3A_984, %mul3A_986 : vector<16xi32>
    %add3A_988 = arith.addi %mul3A_987, %convert_element_type3A_961 : vector<16xi32>
    %sub3A_989 = arith.constant -1 : i32
    %sub3A_990 = vector.broadcast %sub3A_989 : i32 to vector<16xi32>
    %sub3A_991 = arith.subi %sub3A_990, %add3A_789 : vector<16xi32>
    %select_n3A_992 = arith.select %and3A_954, %add3A_988, %sub3A_991 : vector<16xi1>, vector<16xi32>
    %and3A_993 = arith.andi %and3A_954, %and3A_980 : vector<16xi1>
    %mul3A_994 = arith.constant 80 : i32
    %mul3A_995 = vector.broadcast %mul3A_994 : i32 to vector<16xi32>
    %mul3A_996 = arith.muli %select_n3A_992, %mul3A_995 : vector<16xi32>
    %add3A_997 = arith.addi %mul3A_996, %min3A_973 : vector<16xi32>
    %sub3A_998 = arith.constant -1 : i32
    %sub3A_999 = vector.broadcast %sub3A_998 : i32 to vector<16xi32>
    %sub3A_1000 = arith.subi %sub3A_999, %add3A_789 : vector<16xi32>
    %select_n3A_1001 = arith.select %and3A_993, %add3A_997, %sub3A_1000 : vector<16xi1>, vector<16xi32>
    %eq3A_1002 = arith.constant 0 : i32
    %eq3A_1003 = vector.broadcast %eq3A_1002 : i32 to vector<16xi32>
    %eq3A_1004 = arith.cmpi eq, %select_n3A_947, %eq3A_1003 : vector<16xi32>
    %eq3A_1005 = arith.constant 1 : i32
    %eq3A_1006 = vector.broadcast %eq3A_1005 : i32 to vector<16xi32>
    %eq3A_1007 = arith.cmpi eq, %select_n3A_947, %eq3A_1006 : vector<16xi32>
    %jit3A_1008 = arith.constant 3.750000e-01 : f32
    %jit3A_1009 = arith.constant 0.896634638 : f32
    %broadcast_in_dim3A_1010 = vector.broadcast %jit3A_1008 : f32 to vector<16xf32>
    %broadcast_in_dim3A_1011 = vector.broadcast %jit3A_1009 : f32 to vector<16xf32>
    %select_n3A_1012 = arith.select %eq3A_1007, %broadcast_in_dim3A_1010, %broadcast_in_dim3A_1011 : vector<16xi1>, vector<16xf32>
    %jit3A_1013 = arith.constant 0.278846145 : f32
    %broadcast_in_dim3A_1014 = vector.broadcast %jit3A_1013 : f32 to vector<16xf32>
    %select_n3A_1015 = arith.select %eq3A_1004, %broadcast_in_dim3A_1014, %select_n3A_1012 : vector<16xi1>, vector<16xf32>
    %eq3A_1016 = arith.constant 0 : i32
    %eq3A_1017 = vector.broadcast %eq3A_1016 : i32 to vector<16xi32>
    %eq3A_1018 = arith.cmpi eq, %select_n3A_947, %eq3A_1017 : vector<16xi32>
    %eq3A_1019 = arith.constant 1 : i32
    %eq3A_1020 = vector.broadcast %eq3A_1019 : i32 to vector<16xi32>
    %eq3A_1021 = arith.cmpi eq, %select_n3A_947, %eq3A_1020 : vector<16xi32>
    %jit3A_1022 = arith.constant 0.475961536 : f32
    %jit3A_1023 = arith.constant 0.783653855 : f32
    %broadcast_in_dim3A_1024 = vector.broadcast %jit3A_1022 : f32 to vector<16xf32>
    %broadcast_in_dim3A_1025 = vector.broadcast %jit3A_1023 : f32 to vector<16xf32>
    %select_n3A_1026 = arith.select %eq3A_1021, %broadcast_in_dim3A_1024, %broadcast_in_dim3A_1025 : vector<16xi1>, vector<16xf32>
    %jit3A_1027 = arith.constant 0.21634616 : f32
    %broadcast_in_dim3A_1028 = vector.broadcast %jit3A_1027 : f32 to vector<16xf32>
    %select_n3A_1029 = arith.select %eq3A_1018, %broadcast_in_dim3A_1028, %select_n3A_1026 : vector<16xi1>, vector<16xf32>
    %max3A_1030 = arith.constant 9.99999996E-13 : f32
    %max3A_1031 = vector.broadcast %max3A_1030 : f32 to vector<16xf32>
    %max3A_1032 = arith.maximumf %get3A_775, %max3A_1031 : vector<16xf32>
    %div3A_1033 = arith.divf %max3A_1032, %select_n3A_1015 : vector<16xf32>
    %max3A_1034 = arith.constant 9.99999996E-13 : f32
    %max3A_1035 = vector.broadcast %max3A_1034 : f32 to vector<16xf32>
    %max3A_1036 = arith.maximumf %get3A_780, %max3A_1035 : vector<16xf32>
    %div3A_1037 = arith.divf %max3A_1036, %select_n3A_1029 : vector<16xf32>
    %mul3A_1038 = arith.constant 13 : i32
    %mul3A_1039 = vector.broadcast %mul3A_1038 : i32 to vector<16xi32>
    %mul3A_1040 = arith.muli %convert_element_type3A_962, %mul3A_1039 : vector<16xi32>
    %add3A_1041 = arith.addi %mul3A_1040, %convert_element_type3A_961 : vector<16xi32>
    %mul3A_1042 = arith.constant 255 : i32
    %mul3A_1043 = arith.muli %add3A_4, %mul3A_1042 : i32
    %mul3A_1044 = arith.constant 85 : i32
    %mul3A_1045 = vector.broadcast %mul3A_1044 : i32 to vector<16xi32>
    %mul3A_1046 = arith.muli %select_n3A_947, %mul3A_1045 : vector<16xi32>
    %add3A_1047 = vector.broadcast %mul3A_1043 : i32 to vector<16xi32>
    %add3A_1048 = arith.addi %add3A_1047, %mul3A_1046 : vector<16xi32>
    %mul3A_1049 = arith.constant 169 : i32
    %mul3A_1050 = vector.broadcast %mul3A_1049 : i32 to vector<16xi32>
    %mul3A_1051 = arith.muli %add3A_1048, %mul3A_1050 : vector<16xi32>
    %add3A_1052 = arith.addi %mul3A_1051, %add3A_1041 : vector<16xi32>
    %jit3A_1053 = arith.constant 0 : i32
    %broadcast_in_dim3A_1054 = vector.broadcast %jit3A_1053 : i32 to vector<16xi32>
    %select_n3A_1055 = arith.select %and3A_954, %add3A_1052, %broadcast_in_dim3A_1054 : vector<16xi1>, vector<16xi32>
    %add3A_1056 = arith.constant 0 : i32
    %add3A_1057 = vector.broadcast %add3A_1056 : i32 to vector<16xi32>
    %add3A_1058 = arith.addi %select_n3A_1055, %add3A_1057 : vector<16xi32>
    %swap3A_1059 = arith.constant 0 : i32
    %swap3A_1060 = arith.index_cast %swap3A_1059 : i32 to index
    %swap3A_1061 = arith.constant 32 : index
    %swap3A_1062 = tpu.vector_load %arg7[%swap3A_1060, %swap3A_1061] {strides = array<i32>} : memref<6x64xi32, #tpu.memory_space<vmem>>, vector<1x16xi32>,
    %swap3A_1063 = vector.shape_cast %swap3A_1062 : vector<1x16xi32> to vector<16xi32>
    %swap3A_1064 = vector.shape_cast %add3A_1058 : vector<16xi32> to vector<1x16xi32>
    tpu.vector_store %arg7[%swap3A_1060, %swap3A_1061], %swap3A_1064 {strides = array<i32>} : memref<6x64xi32, #tpu.memory_space<vmem>>, vector<1x16xi32>,
    %add3A_1065 = arith.constant 169 : i32
    %add3A_1066 = vector.broadcast %add3A_1065 : i32 to vector<16xi32>
    %add3A_1067 = arith.addi %select_n3A_1055, %add3A_1066 : vector<16xi32>
    %swap3A_1068 = arith.constant 1 : i32
    %swap3A_1069 = arith.index_cast %swap3A_1068 : i32 to index
    %swap3A_1070 = arith.constant 32 : index
    %swap3A_1071 = tpu.vector_load %arg7[%swap3A_1069, %swap3A_1070] {strides = array<i32>} : memref<6x64xi32, #tpu.memory_space<vmem>>, vector<1x16xi32>,
    %swap3A_1072 = vector.shape_cast %swap3A_1071 : vector<1x16xi32> to vector<16xi32>
    %swap3A_1073 = vector.shape_cast %add3A_1067 : vector<16xi32> to vector<1x16xi32>
    tpu.vector_store %arg7[%swap3A_1069, %swap3A_1070], %swap3A_1073 {strides = array<i32>} : memref<6x64xi32, #tpu.memory_space<vmem>>, vector<1x16xi32>,
    %add3A_1074 = arith.constant 338 : i32
    %add3A_1075 = vector.broadcast %add3A_1074 : i32 to vector<16xi32>
    %add3A_1076 = arith.addi %select_n3A_1055, %add3A_1075 : vector<16xi32>
    %swap3A_1077 = arith.constant 2 : i32
    %swap3A_1078 = arith.index_cast %swap3A_1077 : i32 to index
    %swap3A_1079 = arith.constant 32 : index
    %swap3A_1080 = tpu.vector_load %arg7[%swap3A_1078, %swap3A_1079] {strides = array<i32>} : memref<6x64xi32, #tpu.memory_space<vmem>>, vector<1x16xi32>,
    %swap3A_1081 = vector.shape_cast %swap3A_1080 : vector<1x16xi32> to vector<16xi32>
    %swap3A_1082 = vector.shape_cast %add3A_1076 : vector<16xi32> to vector<1x16xi32>
    tpu.vector_store %arg7[%swap3A_1078, %swap3A_1079], %swap3A_1082 {strides = array<i32>} : memref<6x64xi32, #tpu.memory_space<vmem>>, vector<1x16xi32>,
    %add3A_1083 = arith.constant 507 : i32
    %add3A_1084 = vector.broadcast %add3A_1083 : i32 to vector<16xi32>
    %add3A_1085 = arith.addi %select_n3A_1055, %add3A_1084 : vector<16xi32>
    %swap3A_1086 = arith.constant 3 : i32
    %swap3A_1087 = arith.index_cast %swap3A_1086 : i32 to index
    %swap3A_1088 = arith.constant 32 : index
    %swap3A_1089 = tpu.vector_load %arg7[%swap3A_1087, %swap3A_1088] {strides = array<i32>} : memref<6x64xi32, #tpu.memory_space<vmem>>, vector<1x16xi32>,
    %swap3A_1090 = vector.shape_cast %swap3A_1089 : vector<1x16xi32> to vector<16xi32>
    %swap3A_1091 = vector.shape_cast %add3A_1085 : vector<16xi32> to vector<1x16xi32>
    tpu.vector_store %arg7[%swap3A_1087, %swap3A_1088], %swap3A_1091 {strides = array<i32>} : memref<6x64xi32, #tpu.memory_space<vmem>>, vector<1x16xi32>,
    %add3A_1092 = arith.constant 676 : i32
    %add3A_1093 = vector.broadcast %add3A_1092 : i32 to vector<16xi32>
    %add3A_1094 = arith.addi %select_n3A_1055, %add3A_1093 : vector<16xi32>
    %swap3A_1095 = arith.constant 4 : i32
    %swap3A_1096 = arith.index_cast %swap3A_1095 : i32 to index
    %swap3A_1097 = arith.constant 32 : index
    %swap3A_1098 = tpu.vector_load %arg7[%swap3A_1096, %swap3A_1097] {strides = array<i32>} : memref<6x64xi32, #tpu.memory_space<vmem>>, vector<1x16xi32>,
    %swap3A_1099 = vector.shape_cast %swap3A_1098 : vector<1x16xi32> to vector<16xi32>
    %swap3A_1100 = vector.shape_cast %add3A_1094 : vector<16xi32> to vector<1x16xi32>
    tpu.vector_store %arg7[%swap3A_1096, %swap3A_1097], %swap3A_1100 {strides = array<i32>} : memref<6x64xi32, #tpu.memory_space<vmem>>, vector<1x16xi32>,
    %add3A_1101 = arith.constant 5 : i32
    %add3A_1102 = vector.broadcast %add3A_1101 : i32 to vector<16xi32>
    %add3A_1103 = arith.addi %add3A_1102, %min3A_973 : vector<16xi32>
    %mul3A_1104 = arith.constant 169 : i32
    %mul3A_1105 = vector.broadcast %mul3A_1104 : i32 to vector<16xi32>
    %mul3A_1106 = arith.muli %add3A_1103, %mul3A_1105 : vector<16xi32>
    %add3A_1107 = arith.addi %select_n3A_1055, %mul3A_1106 : vector<16xi32>
    %swap3A_1108 = arith.constant 5 : i32
    %swap3A_1109 = arith.index_cast %swap3A_1108 : i32 to index
    %swap3A_1110 = arith.constant 32 : index
    %swap3A_1111 = tpu.vector_load %arg7[%swap3A_1109, %swap3A_1110] {strides = array<i32>} : memref<6x64xi32, #tpu.memory_space<vmem>>, vector<1x16xi32>,
    %swap3A_1112 = vector.shape_cast %swap3A_1111 : vector<1x16xi32> to vector<16xi32>
    %swap3A_1113 = vector.shape_cast %add3A_1107 : vector<16xi32> to vector<1x16xi32>
    tpu.vector_store %arg7[%swap3A_1109, %swap3A_1110], %swap3A_1113 {strides = array<i32>} : memref<6x64xi32, #tpu.memory_space<vmem>>, vector<1x16xi32>,
    %swap3A_1114 = arith.constant 0 : i32
    %swap3A_1115 = arith.index_cast %swap3A_1114 : i32 to index
    %swap3A_1116 = arith.constant 32 : index
    %swap3A_1117 = tpu.vector_load %arg9[%swap3A_1115, %swap3A_1116] {strides = array<i32>} : memref<7x64xf32, #tpu.memory_space<vmem>>, vector<1x16xf32>,
    %swap3A_1118 = vector.shape_cast %swap3A_1117 : vector<1x16xf32> to vector<16xf32>
    %swap3A_1119 = vector.shape_cast %sub3A_964 : vector<16xf32> to vector<1x16xf32>
    tpu.vector_store %arg9[%swap3A_1115, %swap3A_1116], %swap3A_1119 {strides = array<i32>} : memref<7x64xf32, #tpu.memory_space<vmem>>, vector<1x16xf32>,
    %swap3A_1120 = arith.constant 1 : i32
    %swap3A_1121 = arith.index_cast %swap3A_1120 : i32 to index
    %swap3A_1122 = arith.constant 32 : index
    %swap3A_1123 = tpu.vector_load %arg9[%swap3A_1121, %swap3A_1122] {strides = array<i32>} : memref<7x64xf32, #tpu.memory_space<vmem>>, vector<1x16xf32>,
    %swap3A_1124 = vector.shape_cast %swap3A_1123 : vector<1x16xf32> to vector<16xf32>
    %swap3A_1125 = vector.shape_cast %sub3A_966 : vector<16xf32> to vector<1x16xf32>
    tpu.vector_store %arg9[%swap3A_1121, %swap3A_1122], %swap3A_1125 {strides = array<i32>} : memref<7x64xf32, #tpu.memory_space<vmem>>, vector<1x16xf32>,
    %swap3A_1126 = arith.constant 2 : i32
    %swap3A_1127 = arith.index_cast %swap3A_1126 : i32 to index
    %swap3A_1128 = arith.constant 32 : index
    %swap3A_1129 = tpu.vector_load %arg9[%swap3A_1127, %swap3A_1128] {strides = array<i32>} : memref<7x64xf32, #tpu.memory_space<vmem>>, vector<1x16xf32>,
    %swap3A_1130 = vector.shape_cast %swap3A_1129 : vector<1x16xf32> to vector<16xf32>
    %swap3A_1131 = vector.shape_cast %div3A_1033 : vector<16xf32> to vector<1x16xf32>
    tpu.vector_store %arg9[%swap3A_1127, %swap3A_1128], %swap3A_1131 {strides = array<i32>} : memref<7x64xf32, #tpu.memory_space<vmem>>, vector<1x16xf32>,
    %swap3A_1132 = arith.constant 3 : i32
    %swap3A_1133 = arith.index_cast %swap3A_1132 : i32 to index
    %swap3A_1134 = arith.constant 32 : index
    %swap3A_1135 = tpu.vector_load %arg9[%swap3A_1133, %swap3A_1134] {strides = array<i32>} : memref<7x64xf32, #tpu.memory_space<vmem>>, vector<1x16xf32>,
    %swap3A_1136 = vector.shape_cast %swap3A_1135 : vector<1x16xf32> to vector<16xf32>
    %swap3A_1137 = vector.shape_cast %div3A_1037 : vector<16xf32> to vector<1x16xf32>
    tpu.vector_store %arg9[%swap3A_1133, %swap3A_1134], %swap3A_1137 {strides = array<i32>} : memref<7x64xf32, #tpu.memory_space<vmem>>, vector<1x16xf32>,
    %sub3A_1138 = arith.constant 2.000000e+00 : f32
    %sub3A_1139 = vector.broadcast %sub3A_1138 : f32 to vector<16xf32>
    %sub3A_1140 = arith.subf %sub3A_1139, %mul3A_790 : vector<16xf32>
    %swap3A_1141 = arith.constant 6 : i32
    %swap3A_1142 = arith.index_cast %swap3A_1141 : i32 to index
    %swap3A_1143 = arith.constant 32 : index
    %swap3A_1144 = tpu.vector_load %arg9[%swap3A_1142, %swap3A_1143] {strides = array<i32>} : memref<7x64xf32, #tpu.memory_space<vmem>>, vector<1x16xf32>,
    %swap3A_1145 = vector.shape_cast %swap3A_1144 : vector<1x16xf32> to vector<16xf32>
    %swap3A_1146 = vector.shape_cast %sub3A_1140 : vector<16xf32> to vector<1x16xf32>
    tpu.vector_store %arg9[%swap3A_1142, %swap3A_1143], %swap3A_1146 {strides = array<i32>} : memref<7x64xf32, #tpu.memory_space<vmem>>, vector<1x16xf32>,
    %get3A_1147 = arith.constant 0 : i32
    %get3A_1148 = arith.index_cast %get3A_1147 : i32 to index
    %get3A_1149 = arith.constant 48 : index
    %get3A_1150 = tpu.vector_load %arg6[%get3A_1148, %get3A_1149] {strides = array<i32>} : memref<5x64xf32, #tpu.memory_space<vmem>>, vector<1x16xf32>,
    %get3A_1151 = vector.shape_cast %get3A_1150 : vector<1x16xf32> to vector<16xf32>
    %get3A_1152 = arith.constant 1 : i32
    %get3A_1153 = arith.index_cast %get3A_1152 : i32 to index
    %get3A_1154 = arith.constant 48 : index
    %get3A_1155 = tpu.vector_load %arg6[%get3A_1153, %get3A_1154] {strides = array<i32>} : memref<5x64xf32, #tpu.memory_space<vmem>>, vector<1x16xf32>,
    %get3A_1156 = vector.shape_cast %get3A_1155 : vector<1x16xf32> to vector<16xf32>
    %get3A_1157 = arith.constant 2 : i32
    %get3A_1158 = arith.index_cast %get3A_1157 : i32 to index
    %get3A_1159 = arith.constant 48 : index
    %get3A_1160 = tpu.vector_load %arg6[%get3A_1158, %get3A_1159] {strides = array<i32>} : memref<5x64xf32, #tpu.memory_space<vmem>>, vector<1x16xf32>,
    %get3A_1161 = vector.shape_cast %get3A_1160 : vector<1x16xf32> to vector<16xf32>
    %get3A_1162 = arith.constant 3 : i32
    %get3A_1163 = arith.index_cast %get3A_1162 : i32 to index
    %get3A_1164 = arith.constant 48 : index
    %get3A_1165 = tpu.vector_load %arg6[%get3A_1163, %get3A_1164] {strides = array<i32>} : memref<5x64xf32, #tpu.memory_space<vmem>>, vector<1x16xf32>,
    %get3A_1166 = vector.shape_cast %get3A_1165 : vector<1x16xf32> to vector<16xf32>
    %get3A_1167 = arith.constant 4 : i32
    %get3A_1168 = arith.index_cast %get3A_1167 : i32 to index
    %get3A_1169 = arith.constant 48 : index
    %get3A_1170 = tpu.vector_load %arg6[%get3A_1168, %get3A_1169] {strides = array<i32>} : memref<5x64xf32, #tpu.memory_space<vmem>>, vector<1x16xf32>,
    %get3A_1171 = vector.shape_cast %get3A_1170 : vector<1x16xf32> to vector<16xf32>
    %iota3A_1172 = tpu.iota {dimensions = array<i32: 0>} : vector<16xi32>
    %add3A_1173 = arith.constant 48 : i32
    %add3A_1174 = vector.broadcast %add3A_1173 : i32 to vector<16xi32>
    %add3A_1175 = arith.addi %iota3A_1172, %add3A_1174 : vector<16xi32>
    %mul3A_1176 = arith.mulf %get3A_1161, %get3A_1166 : vector<16xf32>
    %broadcast_in_dim3A_1177 = arith.constant -1.000000e+00 : f32
    %broadcast_in_dim3A_1178 = vector.broadcast %broadcast_in_dim3A_1177 : f32 to vector<16xf32>
    %broadcast_in_dim3A_1179 = arith.constant 0 : i32
    %broadcast_in_dim3A_1180 = vector.broadcast %broadcast_in_dim3A_1179 : i32 to vector<16xi32>
    %min3A_1181 = arith.constant 0.278846145 : f32
    %min3A_1182 = vector.broadcast %min3A_1181 : f32 to vector<16xf32>
    %min3A_1183 = arith.minimumf %get3A_1161, %min3A_1182 : vector<16xf32>
    %min3A_1184 = arith.constant 0.21634616 : f32
    %min3A_1185 = vector.broadcast %min3A_1184 : f32 to vector<16xf32>
    %min3A_1186 = arith.minimumf %get3A_1166, %min3A_1185 : vector<16xf32>
    %mul3A_1187 = arith.mulf %min3A_1183, %min3A_1186 : vector<16xf32>
    %add3A_1188 = arith.constant 0.0603272914 : f32
    %add3A_1189 = vector.broadcast %add3A_1188 : f32 to vector<16xf32>
    %add3A_1190 = arith.addf %mul3A_1176, %add3A_1189 : vector<16xf32>
    %sub3A_1191 = arith.subf %add3A_1190, %mul3A_1187 : vector<16xf32>
    %div3A_1192 = arith.divf %mul3A_1187, %sub3A_1191 : vector<16xf32>
    %gt3A_1193 = arith.cmpf ogt, %div3A_1192, %broadcast_in_dim3A_1178 : vector<16xf32>
    %select_n3A_1194 = arith.select %gt3A_1193, %div3A_1192, %broadcast_in_dim3A_1178 : vector<16xi1>, vector<16xf32>
    %broadcast_in_dim3A_1195 = arith.constant 0 : i32
    %broadcast_in_dim3A_1196 = vector.broadcast %broadcast_in_dim3A_1195 : i32 to vector<16xi32>
    %select_n3A_1197 = arith.select %gt3A_1193, %broadcast_in_dim3A_1196, %broadcast_in_dim3A_1180 : vector<16xi1>, vector<16xi32>
    %min3A_1198 = arith.constant 3.750000e-01 : f32
    %min3A_1199 = vector.broadcast %min3A_1198 : f32 to vector<16xf32>
    %min3A_1200 = arith.minimumf %get3A_1161, %min3A_1199 : vector<16xf32>
    %min3A_1201 = arith.constant 0.475961536 : f32
    %min3A_1202 = vector.broadcast %min3A_1201 : f32 to vector<16xf32>
    %min3A_1203 = arith.minimumf %get3A_1166, %min3A_1202 : vector<16xf32>
    %mul3A_1204 = arith.mulf %min3A_1200, %min3A_1203 : vector<16xf32>
    %add3A_1205 = arith.constant 0.178485572 : f32
    %add3A_1206 = vector.broadcast %add3A_1205 : f32 to vector<16xf32>
    %add3A_1207 = arith.addf %mul3A_1176, %add3A_1206 : vector<16xf32>
    %sub3A_1208 = arith.subf %add3A_1207, %mul3A_1204 : vector<16xf32>
    %div3A_1209 = arith.divf %mul3A_1204, %sub3A_1208 : vector<16xf32>
    %gt3A_1210 = arith.cmpf ogt, %div3A_1209, %select_n3A_1194 : vector<16xf32>
    %select_n3A_1211 = arith.select %gt3A_1210, %div3A_1209, %select_n3A_1194 : vector<16xi1>, vector<16xf32>
    %broadcast_in_dim3A_1212 = arith.constant 1 : i32
    %broadcast_in_dim3A_1213 = vector.broadcast %broadcast_in_dim3A_1212 : i32 to vector<16xi32>
    %select_n3A_1214 = arith.select %gt3A_1210, %broadcast_in_dim3A_1213, %select_n3A_1197 : vector<16xi1>, vector<16xi32>
    %min3A_1215 = arith.constant 0.896634638 : f32
    %min3A_1216 = vector.broadcast %min3A_1215 : f32 to vector<16xf32>
    %min3A_1217 = arith.minimumf %get3A_1161, %min3A_1216 : vector<16xf32>
    %min3A_1218 = arith.constant 0.783653855 : f32
    %min3A_1219 = vector.broadcast %min3A_1218 : f32 to vector<16xf32>
    %min3A_1220 = arith.minimumf %get3A_1166, %min3A_1219 : vector<16xf32>
    %mul3A_1221 = arith.mulf %min3A_1217, %min3A_1220 : vector<16xf32>
    %add3A_1222 = arith.constant 0.702651143 : f32
    %add3A_1223 = vector.broadcast %add3A_1222 : f32 to vector<16xf32>
    %add3A_1224 = arith.addf %mul3A_1176, %add3A_1223 : vector<16xf32>
    %sub3A_1225 = arith.subf %add3A_1224, %mul3A_1221 : vector<16xf32>
    %div3A_1226 = arith.divf %mul3A_1221, %sub3A_1225 : vector<16xf32>
    %gt3A_1227 = arith.cmpf ogt, %div3A_1226, %select_n3A_1211 : vector<16xf32>
    %select_n3A_1228 = arith.select %gt3A_1227, %div3A_1226, %select_n3A_1211 : vector<16xi1>, vector<16xf32>
    %broadcast_in_dim3A_1229 = arith.constant 2 : i32
    %broadcast_in_dim3A_1230 = vector.broadcast %broadcast_in_dim3A_1229 : i32 to vector<16xi32>
    %select_n3A_1231 = arith.select %gt3A_1227, %broadcast_in_dim3A_1230, %select_n3A_1214 : vector<16xi1>, vector<16xi32>
    %min3A_1232 = arith.constant 0.072115384 : f32
    %min3A_1233 = vector.broadcast %min3A_1232 : f32 to vector<16xf32>
    %min3A_1234 = arith.minimumf %get3A_1161, %min3A_1233 : vector<16xf32>
    %min3A_1235 = arith.constant 0.146634609 : f32
    %min3A_1236 = vector.broadcast %min3A_1235 : f32 to vector<16xf32>
    %min3A_1237 = arith.minimumf %get3A_1166, %min3A_1236 : vector<16xf32>
    %mul3A_1238 = arith.mulf %min3A_1234, %min3A_1237 : vector<16xf32>
    %add3A_1239 = arith.constant 0.0105746118 : f32
    %add3A_1240 = vector.broadcast %add3A_1239 : f32 to vector<16xf32>
    %add3A_1241 = arith.addf %mul3A_1176, %add3A_1240 : vector<16xf32>
    %sub3A_1242 = arith.subf %add3A_1241, %mul3A_1238 : vector<16xf32>
    %div3A_1243 = arith.divf %mul3A_1238, %sub3A_1242 : vector<16xf32>
    %gt3A_1244 = arith.cmpf ogt, %div3A_1243, %select_n3A_1228 : vector<16xf32>
    %select_n3A_1245 = arith.select %gt3A_1244, %div3A_1243, %select_n3A_1228 : vector<16xi1>, vector<16xf32>
    %broadcast_in_dim3A_1246 = arith.constant 3 : i32
    %broadcast_in_dim3A_1247 = vector.broadcast %broadcast_in_dim3A_1246 : i32 to vector<16xi32>
    %select_n3A_1248 = arith.select %gt3A_1244, %broadcast_in_dim3A_1247, %select_n3A_1231 : vector<16xi1>, vector<16xi32>
    %min3A_1249 = arith.constant 0.149038464 : f32
    %min3A_1250 = vector.broadcast %min3A_1249 : f32 to vector<16xf32>
    %min3A_1251 = arith.minimumf %get3A_1161, %min3A_1250 : vector<16xf32>
    %min3A_1252 = arith.constant 0.10817308 : f32
    %min3A_1253 = vector.broadcast %min3A_1252 : f32 to vector<16xf32>
    %min3A_1254 = arith.minimumf %get3A_1166, %min3A_1253 : vector<16xf32>
    %mul3A_1255 = arith.mulf %min3A_1251, %min3A_1254 : vector<16xf32>
    %add3A_1256 = arith.constant 0.0161219481 : f32
    %add3A_1257 = vector.broadcast %add3A_1256 : f32 to vector<16xf32>
    %add3A_1258 = arith.addf %mul3A_1176, %add3A_1257 : vector<16xf32>
    %sub3A_1259 = arith.subf %add3A_1258, %mul3A_1255 : vector<16xf32>
    %div3A_1260 = arith.divf %mul3A_1255, %sub3A_1259 : vector<16xf32>
    %gt3A_1261 = arith.cmpf ogt, %div3A_1260, %select_n3A_1245 : vector<16xf32>
    %select_n3A_1262 = arith.select %gt3A_1261, %div3A_1260, %select_n3A_1245 : vector<16xi1>, vector<16xf32>
    %broadcast_in_dim3A_1263 = arith.constant 4 : i32
    %broadcast_in_dim3A_1264 = vector.broadcast %broadcast_in_dim3A_1263 : i32 to vector<16xi32>
    %select_n3A_1265 = arith.select %gt3A_1261, %broadcast_in_dim3A_1264, %select_n3A_1248 : vector<16xi1>, vector<16xi32>
    %min3A_1266 = arith.constant 0.141826928 : f32
    %min3A_1267 = vector.broadcast %min3A_1266 : f32 to vector<16xf32>
    %min3A_1268 = arith.minimumf %get3A_1161, %min3A_1267 : vector<16xf32>
    %min3A_1269 = arith.constant 0.286057681 : f32
    %min3A_1270 = vector.broadcast %min3A_1269 : f32 to vector<16xf32>
    %min3A_1271 = arith.minimumf %get3A_1166, %min3A_1270 : vector<16xf32>
    %mul3A_1272 = arith.mulf %min3A_1268, %min3A_1271 : vector<16xf32>
    %add3A_1273 = arith.constant 0.0405706838 : f32
    %add3A_1274 = vector.broadcast %add3A_1273 : f32 to vector<16xf32>
    %add3A_1275 = arith.addf %mul3A_1176, %add3A_1274 : vector<16xf32>
    %sub3A_1276 = arith.subf %add3A_1275, %mul3A_1272 : vector<16xf32>
    %div3A_1277 = arith.divf %mul3A_1272, %sub3A_1276 : vector<16xf32>
    %gt3A_1278 = arith.cmpf ogt, %div3A_1277, %select_n3A_1262 : vector<16xf32>
    %select_n3A_1279 = arith.select %gt3A_1278, %div3A_1277, %select_n3A_1262 : vector<16xi1>, vector<16xf32>
    %broadcast_in_dim3A_1280 = arith.constant 5 : i32
    %broadcast_in_dim3A_1281 = vector.broadcast %broadcast_in_dim3A_1280 : i32 to vector<16xi32>
    %select_n3A_1282 = arith.select %gt3A_1278, %broadcast_in_dim3A_1281, %select_n3A_1265 : vector<16xi1>, vector<16xi32>
    %min3A_1283 = arith.constant 0.024038462 : f32
    %min3A_1284 = vector.broadcast %min3A_1283 : f32 to vector<16xf32>
    %min3A_1285 = arith.minimumf %get3A_1161, %min3A_1284 : vector<16xf32>
    %min3A_1286 = arith.constant 3.125000e-02 : f32
    %min3A_1287 = vector.broadcast %min3A_1286 : f32 to vector<16xf32>
    %min3A_1288 = arith.minimumf %get3A_1166, %min3A_1287 : vector<16xf32>
    %mul3A_1289 = arith.mulf %min3A_1285, %min3A_1288 : vector<16xf32>
    %add3A_1290 = arith.constant 7.51201937E-4 : f32
    %add3A_1291 = vector.broadcast %add3A_1290 : f32 to vector<16xf32>
    %add3A_1292 = arith.addf %mul3A_1176, %add3A_1291 : vector<16xf32>
    %sub3A_1293 = arith.subf %add3A_1292, %mul3A_1289 : vector<16xf32>
    %div3A_1294 = arith.divf %mul3A_1289, %sub3A_1293 : vector<16xf32>
    %gt3A_1295 = arith.cmpf ogt, %div3A_1294, %select_n3A_1279 : vector<16xf32>
    %select_n3A_1296 = arith.select %gt3A_1295, %div3A_1294, %select_n3A_1279 : vector<16xi1>, vector<16xf32>
    %broadcast_in_dim3A_1297 = arith.constant 6 : i32
    %broadcast_in_dim3A_1298 = vector.broadcast %broadcast_in_dim3A_1297 : i32 to vector<16xi32>
    %select_n3A_1299 = arith.select %gt3A_1295, %broadcast_in_dim3A_1298, %select_n3A_1282 : vector<16xi1>, vector<16xi32>
    %min3A_1300 = arith.constant 0.0384615399 : f32
    %min3A_1301 = vector.broadcast %min3A_1300 : f32 to vector<16xf32>
    %min3A_1302 = arith.minimumf %get3A_1161, %min3A_1301 : vector<16xf32>
    %min3A_1303 = arith.constant 0.072115384 : f32
    %min3A_1304 = vector.broadcast %min3A_1303 : f32 to vector<16xf32>
    %min3A_1305 = arith.minimumf %get3A_1166, %min3A_1304 : vector<16xf32>
    %mul3A_1306 = arith.mulf %min3A_1302, %min3A_1305 : vector<16xf32>
    %add3A_1307 = arith.constant 0.00277366862 : f32
    %add3A_1308 = vector.broadcast %add3A_1307 : f32 to vector<16xf32>
    %add3A_1309 = arith.addf %mul3A_1176, %add3A_1308 : vector<16xf32>
    %sub3A_1310 = arith.subf %add3A_1309, %mul3A_1306 : vector<16xf32>
    %div3A_1311 = arith.divf %mul3A_1306, %sub3A_1310 : vector<16xf32>
    %gt3A_1312 = arith.cmpf ogt, %div3A_1311, %select_n3A_1296 : vector<16xf32>
    %select_n3A_1313 = arith.select %gt3A_1312, %div3A_1311, %select_n3A_1296 : vector<16xi1>, vector<16xf32>
    %broadcast_in_dim3A_1314 = arith.constant 7 : i32
    %broadcast_in_dim3A_1315 = vector.broadcast %broadcast_in_dim3A_1314 : i32 to vector<16xi32>
    %select_n3A_1316 = arith.select %gt3A_1312, %broadcast_in_dim3A_1315, %select_n3A_1299 : vector<16xi1>, vector<16xi32>
    %min3A_1317 = arith.constant 0.0793269202 : f32
    %min3A_1318 = vector.broadcast %min3A_1317 : f32 to vector<16xf32>
    %min3A_1319 = arith.minimumf %get3A_1161, %min3A_1318 : vector<16xf32>
    %min3A_1320 = arith.constant 0.0552884601 : f32
    %min3A_1321 = vector.broadcast %min3A_1320 : f32 to vector<16xf32>
    %min3A_1322 = arith.minimumf %get3A_1166, %min3A_1321 : vector<16xf32>
    %mul3A_1323 = arith.mulf %min3A_1319, %min3A_1322 : vector<16xf32>
    %add3A_1324 = arith.constant 0.00438586343 : f32
    %add3A_1325 = vector.broadcast %add3A_1324 : f32 to vector<16xf32>
    %add3A_1326 = arith.addf %mul3A_1176, %add3A_1325 : vector<16xf32>
    %sub3A_1327 = arith.subf %add3A_1326, %mul3A_1323 : vector<16xf32>
    %div3A_1328 = arith.divf %mul3A_1323, %sub3A_1327 : vector<16xf32>
    %gt3A_1329 = arith.cmpf ogt, %div3A_1328, %select_n3A_1313 : vector<16xf32>
    %select_n3A_1330 = arith.select %gt3A_1329, %div3A_1328, %select_n3A_1313 : vector<16xi1>, vector<16xf32>
    %broadcast_in_dim3A_1331 = arith.constant 8 : i32
    %broadcast_in_dim3A_1332 = vector.broadcast %broadcast_in_dim3A_1331 : i32 to vector<16xi32>
    %select_n3A_1333 = arith.select %gt3A_1329, %broadcast_in_dim3A_1332, %select_n3A_1316 : vector<16xi1>, vector<16xi32>
    %lt3A_1334 = arith.constant 3 : i32
    %lt3A_1335 = vector.broadcast %lt3A_1334 : i32 to vector<16xi32>
    %lt3A_1336 = arith.cmpi slt, %select_n3A_1333, %lt3A_1335 : vector<16xi32>
    %lt3A_1337 = arith.constant 50 : i32
    %lt3A_1338 = vector.broadcast %lt3A_1337 : i32 to vector<16xi32>
    %lt3A_1339 = arith.cmpi slt, %add3A_1175, %lt3A_1338 : vector<16xi32>
    %and3A_1340 = arith.andi %lt3A_1336, %lt3A_1339 : vector<16xi1>
    %mul3A_1341 = arith.constant 1.300000e+01 : f32
    %mul3A_1342 = vector.broadcast %mul3A_1341 : f32 to vector<16xf32>
    %mul3A_1343 = arith.mulf %get3A_1151, %mul3A_1342 : vector<16xf32>
    %mul3A_1344 = arith.constant 1.300000e+01 : f32
    %mul3A_1345 = vector.broadcast %mul3A_1344 : f32 to vector<16xf32>
    %mul3A_1346 = arith.mulf %get3A_1156, %mul3A_1345 : vector<16xf32>
    %convert_element_type3A_1347 = arith.fptosi %mul3A_1343 : vector<16xf32> to vector<16xi32>
    %convert_element_type3A_1348 = arith.fptosi %mul3A_1346 : vector<16xf32> to vector<16xi32>
    %convert_element_type3A_1349 = arith.sitofp %convert_element_type3A_1347 : vector<16xi32> to vector<16xf32>
    %sub3A_1350 = arith.subf %mul3A_1343, %convert_element_type3A_1349 : vector<16xf32>
    %convert_element_type3A_1351 = arith.sitofp %convert_element_type3A_1348 : vector<16xi32> to vector<16xf32>
    %sub3A_1352 = arith.subf %mul3A_1346, %convert_element_type3A_1351 : vector<16xf32>
    %convert_element_type3A_1353 = arith.fptosi %get3A_1171 : vector<16xf32> to vector<16xi32>
    %jit3A_1354 = arith.constant 0 : i32
    %jit3A_1355 = arith.constant 79 : i32
    %max3A_1356 = vector.broadcast %jit3A_1354 : i32 to vector<16xi32>
    %max3A_1357 = arith.maxsi %max3A_1356, %convert_element_type3A_1353 : vector<16xi32>
    %min3A_1358 = vector.broadcast %jit3A_1355 : i32 to vector<16xi32>
    %min3A_1359 = arith.minsi %min3A_1358, %max3A_1357 : vector<16xi32>
    %lt3A_1360 = arith.constant 8.000000e+01 : f32
    %lt3A_1361 = vector.broadcast %lt3A_1360 : f32 to vector<16xf32>
    %lt3A_1362 = arith.cmpf olt, %get3A_1171, %lt3A_1361 : vector<16xf32>
    %ge3A_1363 = arith.constant 0.000000e+00 : f32
    %ge3A_1364 = vector.broadcast %ge3A_1363 : f32 to vector<16xf32>
    %ge3A_1365 = arith.cmpf oge, %get3A_1171, %ge3A_1364 : vector<16xf32>
    %and3A_1366 = arith.andi %lt3A_1362, %ge3A_1365 : vector<16xi1>
    %mul3A_1367 = arith.constant 13 : i32
    %mul3A_1368 = vector.broadcast %mul3A_1367 : i32 to vector<16xi32>
    %mul3A_1369 = arith.muli %select_n3A_1333, %mul3A_1368 : vector<16xi32>
    %add3A_1370 = arith.addi %mul3A_1369, %convert_element_type3A_1348 : vector<16xi32>
    %mul3A_1371 = arith.constant 13 : i32
    %mul3A_1372 = vector.broadcast %mul3A_1371 : i32 to vector<16xi32>
    %mul3A_1373 = arith.muli %add3A_1370, %mul3A_1372 : vector<16xi32>
    %add3A_1374 = arith.addi %mul3A_1373, %convert_element_type3A_1347 : vector<16xi32>
    %sub3A_1375 = arith.constant -1 : i32
    %sub3A_1376 = vector.broadcast %sub3A_1375 : i32 to vector<16xi32>
    %sub3A_1377 = arith.subi %sub3A_1376, %add3A_1175 : vector<16xi32>
    %select_n3A_1378 = arith.select %and3A_1340, %add3A_1374, %sub3A_1377 : vector<16xi1>, vector<16xi32>
    %and3A_1379 = arith.andi %and3A_1340, %and3A_1366 : vector<16xi1>
    %mul3A_1380 = arith.constant 80 : i32
    %mul3A_1381 = vector.broadcast %mul3A_1380 : i32 to vector<16xi32>
    %mul3A_1382 = arith.muli %select_n3A_1378, %mul3A_1381 : vector<16xi32>
    %add3A_1383 = arith.addi %mul3A_1382, %min3A_1359 : vector<16xi32>
    %sub3A_1384 = arith.constant -1 : i32
    %sub3A_1385 = vector.broadcast %sub3A_1384 : i32 to vector<16xi32>
    %sub3A_1386 = arith.subi %sub3A_1385, %add3A_1175 : vector<16xi32>
    %select_n3A_1387 = arith.select %and3A_1379, %add3A_1383, %sub3A_1386 : vector<16xi1>, vector<16xi32>
    %eq3A_1388 = arith.constant 0 : i32
    %eq3A_1389 = vector.broadcast %eq3A_1388 : i32 to vector<16xi32>
    %eq3A_1390 = arith.cmpi eq, %select_n3A_1333, %eq3A_1389 : vector<16xi32>
    %eq3A_1391 = arith.constant 1 : i32
    %eq3A_1392 = vector.broadcast %eq3A_1391 : i32 to vector<16xi32>
    %eq3A_1393 = arith.cmpi eq, %select_n3A_1333, %eq3A_1392 : vector<16xi32>
    %jit3A_1394 = arith.constant 3.750000e-01 : f32
    %jit3A_1395 = arith.constant 0.896634638 : f32
    %broadcast_in_dim3A_1396 = vector.broadcast %jit3A_1394 : f32 to vector<16xf32>
    %broadcast_in_dim3A_1397 = vector.broadcast %jit3A_1395 : f32 to vector<16xf32>
    %select_n3A_1398 = arith.select %eq3A_1393, %broadcast_in_dim3A_1396, %broadcast_in_dim3A_1397 : vector<16xi1>, vector<16xf32>
    %jit3A_1399 = arith.constant 0.278846145 : f32
    %broadcast_in_dim3A_1400 = vector.broadcast %jit3A_1399 : f32 to vector<16xf32>
    %select_n3A_1401 = arith.select %eq3A_1390, %broadcast_in_dim3A_1400, %select_n3A_1398 : vector<16xi1>, vector<16xf32>
    %eq3A_1402 = arith.constant 0 : i32
    %eq3A_1403 = vector.broadcast %eq3A_1402 : i32 to vector<16xi32>
    %eq3A_1404 = arith.cmpi eq, %select_n3A_1333, %eq3A_1403 : vector<16xi32>
    %eq3A_1405 = arith.constant 1 : i32
    %eq3A_1406 = vector.broadcast %eq3A_1405 : i32 to vector<16xi32>
    %eq3A_1407 = arith.cmpi eq, %select_n3A_1333, %eq3A_1406 : vector<16xi32>
    %jit3A_1408 = arith.constant 0.475961536 : f32
    %jit3A_1409 = arith.constant 0.783653855 : f32
    %broadcast_in_dim3A_1410 = vector.broadcast %jit3A_1408 : f32 to vector<16xf32>
    %broadcast_in_dim3A_1411 = vector.broadcast %jit3A_1409 : f32 to vector<16xf32>
    %select_n3A_1412 = arith.select %eq3A_1407, %broadcast_in_dim3A_1410, %broadcast_in_dim3A_1411 : vector<16xi1>, vector<16xf32>
    %jit3A_1413 = arith.constant 0.21634616 : f32
    %broadcast_in_dim3A_1414 = vector.broadcast %jit3A_1413 : f32 to vector<16xf32>
    %select_n3A_1415 = arith.select %eq3A_1404, %broadcast_in_dim3A_1414, %select_n3A_1412 : vector<16xi1>, vector<16xf32>
    %max3A_1416 = arith.constant 9.99999996E-13 : f32
    %max3A_1417 = vector.broadcast %max3A_1416 : f32 to vector<16xf32>
    %max3A_1418 = arith.maximumf %get3A_1161, %max3A_1417 : vector<16xf32>
    %div3A_1419 = arith.divf %max3A_1418, %select_n3A_1401 : vector<16xf32>
    %max3A_1420 = arith.constant 9.99999996E-13 : f32
    %max3A_1421 = vector.broadcast %max3A_1420 : f32 to vector<16xf32>
    %max3A_1422 = arith.maximumf %get3A_1166, %max3A_1421 : vector<16xf32>
    %div3A_1423 = arith.divf %max3A_1422, %select_n3A_1415 : vector<16xf32>
    %mul3A_1424 = arith.constant 13 : i32
    %mul3A_1425 = vector.broadcast %mul3A_1424 : i32 to vector<16xi32>
    %mul3A_1426 = arith.muli %convert_element_type3A_1348, %mul3A_1425 : vector<16xi32>
    %add3A_1427 = arith.addi %mul3A_1426, %convert_element_type3A_1347 : vector<16xi32>
    %mul3A_1428 = arith.constant 255 : i32
    %mul3A_1429 = arith.muli %add3A_4, %mul3A_1428 : i32
    %mul3A_1430 = arith.constant 85 : i32
    %mul3A_1431 = vector.broadcast %mul3A_1430 : i32 to vector<16xi32>
    %mul3A_1432 = arith.muli %select_n3A_1333, %mul3A_1431 : vector<16xi32>
    %add3A_1433 = vector.broadcast %mul3A_1429 : i32 to vector<16xi32>
    %add3A_1434 = arith.addi %add3A_1433, %mul3A_1432 : vector<16xi32>
    %mul3A_1435 = arith.constant 169 : i32
    %mul3A_1436 = vector.broadcast %mul3A_1435 : i32 to vector<16xi32>
    %mul3A_1437 = arith.muli %add3A_1434, %mul3A_1436 : vector<16xi32>
    %add3A_1438 = arith.addi %mul3A_1437, %add3A_1427 : vector<16xi32>
    %jit3A_1439 = arith.constant 0 : i32
    %broadcast_in_dim3A_1440 = vector.broadcast %jit3A_1439 : i32 to vector<16xi32>
    %select_n3A_1441 = arith.select %and3A_1340, %add3A_1438, %broadcast_in_dim3A_1440 : vector<16xi1>, vector<16xi32>
    %add3A_1442 = arith.constant 0 : i32
    %add3A_1443 = vector.broadcast %add3A_1442 : i32 to vector<16xi32>
    %add3A_1444 = arith.addi %select_n3A_1441, %add3A_1443 : vector<16xi32>
    %swap3A_1445 = arith.constant 0 : i32
    %swap3A_1446 = arith.index_cast %swap3A_1445 : i32 to index
    %swap3A_1447 = arith.constant 48 : index
    %swap3A_1448 = tpu.vector_load %arg7[%swap3A_1446, %swap3A_1447] {strides = array<i32>} : memref<6x64xi32, #tpu.memory_space<vmem>>, vector<1x16xi32>,
    %swap3A_1449 = vector.shape_cast %swap3A_1448 : vector<1x16xi32> to vector<16xi32>
    %swap3A_1450 = vector.shape_cast %add3A_1444 : vector<16xi32> to vector<1x16xi32>
    tpu.vector_store %arg7[%swap3A_1446, %swap3A_1447], %swap3A_1450 {strides = array<i32>} : memref<6x64xi32, #tpu.memory_space<vmem>>, vector<1x16xi32>,
    %add3A_1451 = arith.constant 169 : i32
    %add3A_1452 = vector.broadcast %add3A_1451 : i32 to vector<16xi32>
    %add3A_1453 = arith.addi %select_n3A_1441, %add3A_1452 : vector<16xi32>
    %swap3A_1454 = arith.constant 1 : i32
    %swap3A_1455 = arith.index_cast %swap3A_1454 : i32 to index
    %swap3A_1456 = arith.constant 48 : index
    %swap3A_1457 = tpu.vector_load %arg7[%swap3A_1455, %swap3A_1456] {strides = array<i32>} : memref<6x64xi32, #tpu.memory_space<vmem>>, vector<1x16xi32>,
    %swap3A_1458 = vector.shape_cast %swap3A_1457 : vector<1x16xi32> to vector<16xi32>
    %swap3A_1459 = vector.shape_cast %add3A_1453 : vector<16xi32> to vector<1x16xi32>
    tpu.vector_store %arg7[%swap3A_1455, %swap3A_1456], %swap3A_1459 {strides = array<i32>} : memref<6x64xi32, #tpu.memory_space<vmem>>, vector<1x16xi32>,
    %add3A_1460 = arith.constant 338 : i32
    %add3A_1461 = vector.broadcast %add3A_1460 : i32 to vector<16xi32>
    %add3A_1462 = arith.addi %select_n3A_1441, %add3A_1461 : vector<16xi32>
    %swap3A_1463 = arith.constant 2 : i32
    %swap3A_1464 = arith.index_cast %swap3A_1463 : i32 to index
    %swap3A_1465 = arith.constant 48 : index
    %swap3A_1466 = tpu.vector_load %arg7[%swap3A_1464, %swap3A_1465] {strides = array<i32>} : memref<6x64xi32, #tpu.memory_space<vmem>>, vector<1x16xi32>,
    %swap3A_1467 = vector.shape_cast %swap3A_1466 : vector<1x16xi32> to vector<16xi32>
    %swap3A_1468 = vector.shape_cast %add3A_1462 : vector<16xi32> to vector<1x16xi32>
    tpu.vector_store %arg7[%swap3A_1464, %swap3A_1465], %swap3A_1468 {strides = array<i32>} : memref<6x64xi32, #tpu.memory_space<vmem>>, vector<1x16xi32>,
    %add3A_1469 = arith.constant 507 : i32
    %add3A_1470 = vector.broadcast %add3A_1469 : i32 to vector<16xi32>
    %add3A_1471 = arith.addi %select_n3A_1441, %add3A_1470 : vector<16xi32>
    %swap3A_1472 = arith.constant 3 : i32
    %swap3A_1473 = arith.index_cast %swap3A_1472 : i32 to index
    %swap3A_1474 = arith.constant 48 : index
    %swap3A_1475 = tpu.vector_load %arg7[%swap3A_1473, %swap3A_1474] {strides = array<i32>} : memref<6x64xi32, #tpu.memory_space<vmem>>, vector<1x16xi32>,
    %swap3A_1476 = vector.shape_cast %swap3A_1475 : vector<1x16xi32> to vector<16xi32>
    %swap3A_1477 = vector.shape_cast %add3A_1471 : vector<16xi32> to vector<1x16xi32>
    tpu.vector_store %arg7[%swap3A_1473, %swap3A_1474], %swap3A_1477 {strides = array<i32>} : memref<6x64xi32, #tpu.memory_space<vmem>>, vector<1x16xi32>,
    %add3A_1478 = arith.constant 676 : i32
    %add3A_1479 = vector.broadcast %add3A_1478 : i32 to vector<16xi32>
    %add3A_1480 = arith.addi %select_n3A_1441, %add3A_1479 : vector<16xi32>
    %swap3A_1481 = arith.constant 4 : i32
    %swap3A_1482 = arith.index_cast %swap3A_1481 : i32 to index
    %swap3A_1483 = arith.constant 48 : index
    %swap3A_1484 = tpu.vector_load %arg7[%swap3A_1482, %swap3A_1483] {strides = array<i32>} : memref<6x64xi32, #tpu.memory_space<vmem>>, vector<1x16xi32>,
    %swap3A_1485 = vector.shape_cast %swap3A_1484 : vector<1x16xi32> to vector<16xi32>
    %swap3A_1486 = vector.shape_cast %add3A_1480 : vector<16xi32> to vector<1x16xi32>
    tpu.vector_store %arg7[%swap3A_1482, %swap3A_1483], %swap3A_1486 {strides = array<i32>} : memref<6x64xi32, #tpu.memory_space<vmem>>, vector<1x16xi32>,
    %add3A_1487 = arith.constant 5 : i32
    %add3A_1488 = vector.broadcast %add3A_1487 : i32 to vector<16xi32>
    %add3A_1489 = arith.addi %add3A_1488, %min3A_1359 : vector<16xi32>
    %mul3A_1490 = arith.constant 169 : i32
    %mul3A_1491 = vector.broadcast %mul3A_1490 : i32 to vector<16xi32>
    %mul3A_1492 = arith.muli %add3A_1489, %mul3A_1491 : vector<16xi32>
    %add3A_1493 = arith.addi %select_n3A_1441, %mul3A_1492 : vector<16xi32>
    %swap3A_1494 = arith.constant 5 : i32
    %swap3A_1495 = arith.index_cast %swap3A_1494 : i32 to index
    %swap3A_1496 = arith.constant 48 : index
    %swap3A_1497 = tpu.vector_load %arg7[%swap3A_1495, %swap3A_1496] {strides = array<i32>} : memref<6x64xi32, #tpu.memory_space<vmem>>, vector<1x16xi32>,
    %swap3A_1498 = vector.shape_cast %swap3A_1497 : vector<1x16xi32> to vector<16xi32>
    %swap3A_1499 = vector.shape_cast %add3A_1493 : vector<16xi32> to vector<1x16xi32>
    tpu.vector_store %arg7[%swap3A_1495, %swap3A_1496], %swap3A_1499 {strides = array<i32>} : memref<6x64xi32, #tpu.memory_space<vmem>>, vector<1x16xi32>,
    %swap3A_1500 = arith.constant 0 : i32
    %swap3A_1501 = arith.index_cast %swap3A_1500 : i32 to index
    %swap3A_1502 = arith.constant 48 : index
    %swap3A_1503 = tpu.vector_load %arg9[%swap3A_1501, %swap3A_1502] {strides = array<i32>} : memref<7x64xf32, #tpu.memory_space<vmem>>, vector<1x16xf32>,
    %swap3A_1504 = vector.shape_cast %swap3A_1503 : vector<1x16xf32> to vector<16xf32>
    %swap3A_1505 = vector.shape_cast %sub3A_1350 : vector<16xf32> to vector<1x16xf32>
    tpu.vector_store %arg9[%swap3A_1501, %swap3A_1502], %swap3A_1505 {strides = array<i32>} : memref<7x64xf32, #tpu.memory_space<vmem>>, vector<1x16xf32>,
    %swap3A_1506 = arith.constant 1 : i32
    %swap3A_1507 = arith.index_cast %swap3A_1506 : i32 to index
    %swap3A_1508 = arith.constant 48 : index
    %swap3A_1509 = tpu.vector_load %arg9[%swap3A_1507, %swap3A_1508] {strides = array<i32>} : memref<7x64xf32, #tpu.memory_space<vmem>>, vector<1x16xf32>,
    %swap3A_1510 = vector.shape_cast %swap3A_1509 : vector<1x16xf32> to vector<16xf32>
    %swap3A_1511 = vector.shape_cast %sub3A_1352 : vector<16xf32> to vector<1x16xf32>
    tpu.vector_store %arg9[%swap3A_1507, %swap3A_1508], %swap3A_1511 {strides = array<i32>} : memref<7x64xf32, #tpu.memory_space<vmem>>, vector<1x16xf32>,
    %swap3A_1512 = arith.constant 2 : i32
    %swap3A_1513 = arith.index_cast %swap3A_1512 : i32 to index
    %swap3A_1514 = arith.constant 48 : index
    %swap3A_1515 = tpu.vector_load %arg9[%swap3A_1513, %swap3A_1514] {strides = array<i32>} : memref<7x64xf32, #tpu.memory_space<vmem>>, vector<1x16xf32>,
    %swap3A_1516 = vector.shape_cast %swap3A_1515 : vector<1x16xf32> to vector<16xf32>
    %swap3A_1517 = vector.shape_cast %div3A_1419 : vector<16xf32> to vector<1x16xf32>
    tpu.vector_store %arg9[%swap3A_1513, %swap3A_1514], %swap3A_1517 {strides = array<i32>} : memref<7x64xf32, #tpu.memory_space<vmem>>, vector<1x16xf32>,
    %swap3A_1518 = arith.constant 3 : i32
    %swap3A_1519 = arith.index_cast %swap3A_1518 : i32 to index
    %swap3A_1520 = arith.constant 48 : index
    %swap3A_1521 = tpu.vector_load %arg9[%swap3A_1519, %swap3A_1520] {strides = array<i32>} : memref<7x64xf32, #tpu.memory_space<vmem>>, vector<1x16xf32>,
    %swap3A_1522 = vector.shape_cast %swap3A_1521 : vector<1x16xf32> to vector<16xf32>
    %swap3A_1523 = vector.shape_cast %div3A_1423 : vector<16xf32> to vector<1x16xf32>
    tpu.vector_store %arg9[%swap3A_1519, %swap3A_1520], %swap3A_1523 {strides = array<i32>} : memref<7x64xf32, #tpu.memory_space<vmem>>, vector<1x16xf32>,
    %sub3A_1524 = arith.constant 2.000000e+00 : f32
    %sub3A_1525 = vector.broadcast %sub3A_1524 : f32 to vector<16xf32>
    %sub3A_1526 = arith.subf %sub3A_1525, %mul3A_1176 : vector<16xf32>
    %swap3A_1527 = arith.constant 6 : i32
    %swap3A_1528 = arith.index_cast %swap3A_1527 : i32 to index
    %swap3A_1529 = arith.constant 48 : index
    %swap3A_1530 = tpu.vector_load %arg9[%swap3A_1528, %swap3A_1529] {strides = array<i32>} : memref<7x64xf32, #tpu.memory_space<vmem>>, vector<1x16xf32>,
    %swap3A_1531 = vector.shape_cast %swap3A_1530 : vector<1x16xf32> to vector<16xf32>
    %swap3A_1532 = vector.shape_cast %sub3A_1526 : vector<16xf32> to vector<1x16xf32>
    tpu.vector_store %arg9[%swap3A_1528, %swap3A_1529], %swap3A_1532 {strides = array<i32>} : memref<7x64xf32, #tpu.memory_space<vmem>>, vector<1x16xf32>,
    %dma_start3A = arith.constant 0 : i32
    %dma_start3A_1533 = arith.constant 0 : i32
    %dma_start3A_1534 = arith.constant 0 : i32
    %dma_start3A_1535 = tpu.memref_slice %arg8[%dma_start3A_1533, %dma_start3A_1534] : memref<6x64xf32, #tpu.memory_space<vmem>> -> memref<1x64xf32, #tpu.memory_space<vmem>>
    %dma_start3A_1536 = tpu.memref_squeeze %dma_start3A_1535 : memref<1x64xf32, #tpu.memory_space<vmem>> -> memref<64xf32, #tpu.memory_space<vmem>>
    %dma_start3A_1537 = arith.constant 0 : i32
    %dma_start3A_1538 = tpu.memref_slice %arg7[%dma_start3A, %dma_start3A_1537] : memref<6x64xi32, #tpu.memory_space<vmem>> -> memref<1x64xi32, #tpu.memory_space<vmem>>
    %dma_start3A_1539 = tpu.memref_squeeze %dma_start3A_1538 : memref<1x64xi32, #tpu.memory_space<vmem>> -> memref<64xi32, #tpu.memory_space<vmem>>
    %dma_start3A_1540 = arith.constant 0 : i32
    %dma_start3A_1541 = tpu.memref_slice %arg3[%dma_start3A_1540] : memref<2758080xf32, #tpu.memory_space<hbm>> -> memref<2758080xf32, #tpu.memory_space<hbm>>
    tpu.enqueue_indirect_dma source(%dma_start3A_1541 : memref<2758080xf32, #tpu.memory_space<hbm>>) target(%dma_start3A_1536 : memref<64xf32, #tpu.memory_space<vmem>>) offsets(%dma_start3A_1539 : memref<64xi32, #tpu.memory_space<vmem>>) semaphore(%arg10 : memref<!tpu.dma_semaphore, #tpu.memory_space<semaphore_mem>>)
    %dma_start3A_1542 = arith.constant 1 : i32
    %dma_start3A_1543 = arith.constant 1 : i32
    %dma_start3A_1544 = arith.constant 0 : i32
    %dma_start3A_1545 = tpu.memref_slice %arg8[%dma_start3A_1543, %dma_start3A_1544] : memref<6x64xf32, #tpu.memory_space<vmem>> -> memref<1x64xf32, #tpu.memory_space<vmem>>
    %dma_start3A_1546 = tpu.memref_squeeze %dma_start3A_1545 : memref<1x64xf32, #tpu.memory_space<vmem>> -> memref<64xf32, #tpu.memory_space<vmem>>
    %dma_start3A_1547 = arith.constant 0 : i32
    %dma_start3A_1548 = tpu.memref_slice %arg7[%dma_start3A_1542, %dma_start3A_1547] : memref<6x64xi32, #tpu.memory_space<vmem>> -> memref<1x64xi32, #tpu.memory_space<vmem>>
    %dma_start3A_1549 = tpu.memref_squeeze %dma_start3A_1548 : memref<1x64xi32, #tpu.memory_space<vmem>> -> memref<64xi32, #tpu.memory_space<vmem>>
    %dma_start3A_1550 = arith.constant 0 : i32
    %dma_start3A_1551 = tpu.memref_slice %arg3[%dma_start3A_1550] : memref<2758080xf32, #tpu.memory_space<hbm>> -> memref<2758080xf32, #tpu.memory_space<hbm>>
    tpu.enqueue_indirect_dma source(%dma_start3A_1551 : memref<2758080xf32, #tpu.memory_space<hbm>>) target(%dma_start3A_1546 : memref<64xf32, #tpu.memory_space<vmem>>) offsets(%dma_start3A_1549 : memref<64xi32, #tpu.memory_space<vmem>>) semaphore(%arg10 : memref<!tpu.dma_semaphore, #tpu.memory_space<semaphore_mem>>)
    %dma_start3A_1552 = arith.constant 2 : i32
    %dma_start3A_1553 = arith.constant 2 : i32
    %dma_start3A_1554 = arith.constant 0 : i32
    %dma_start3A_1555 = tpu.memref_slice %arg8[%dma_start3A_1553, %dma_start3A_1554] : memref<6x64xf32, #tpu.memory_space<vmem>> -> memref<1x64xf32, #tpu.memory_space<vmem>>
    %dma_start3A_1556 = tpu.memref_squeeze %dma_start3A_1555 : memref<1x64xf32, #tpu.memory_space<vmem>> -> memref<64xf32, #tpu.memory_space<vmem>>
    %dma_start3A_1557 = arith.constant 0 : i32
    %dma_start3A_1558 = tpu.memref_slice %arg7[%dma_start3A_1552, %dma_start3A_1557] : memref<6x64xi32, #tpu.memory_space<vmem>> -> memref<1x64xi32, #tpu.memory_space<vmem>>
    %dma_start3A_1559 = tpu.memref_squeeze %dma_start3A_1558 : memref<1x64xi32, #tpu.memory_space<vmem>> -> memref<64xi32, #tpu.memory_space<vmem>>
    %dma_start3A_1560 = arith.constant 0 : i32
    %dma_start3A_1561 = tpu.memref_slice %arg3[%dma_start3A_1560] : memref<2758080xf32, #tpu.memory_space<hbm>> -> memref<2758080xf32, #tpu.memory_space<hbm>>
    tpu.enqueue_indirect_dma source(%dma_start3A_1561 : memref<2758080xf32, #tpu.memory_space<hbm>>) target(%dma_start3A_1556 : memref<64xf32, #tpu.memory_space<vmem>>) offsets(%dma_start3A_1559 : memref<64xi32, #tpu.memory_space<vmem>>) semaphore(%arg10 : memref<!tpu.dma_semaphore, #tpu.memory_space<semaphore_mem>>)
    %dma_start3A_1562 = arith.constant 3 : i32
    %dma_start3A_1563 = arith.constant 3 : i32
    %dma_start3A_1564 = arith.constant 0 : i32
    %dma_start3A_1565 = tpu.memref_slice %arg8[%dma_start3A_1563, %dma_start3A_1564] : memref<6x64xf32, #tpu.memory_space<vmem>> -> memref<1x64xf32, #tpu.memory_space<vmem>>
    %dma_start3A_1566 = tpu.memref_squeeze %dma_start3A_1565 : memref<1x64xf32, #tpu.memory_space<vmem>> -> memref<64xf32, #tpu.memory_space<vmem>>
    %dma_start3A_1567 = arith.constant 0 : i32
    %dma_start3A_1568 = tpu.memref_slice %arg7[%dma_start3A_1562, %dma_start3A_1567] : memref<6x64xi32, #tpu.memory_space<vmem>> -> memref<1x64xi32, #tpu.memory_space<vmem>>
    %dma_start3A_1569 = tpu.memref_squeeze %dma_start3A_1568 : memref<1x64xi32, #tpu.memory_space<vmem>> -> memref<64xi32, #tpu.memory_space<vmem>>
    %dma_start3A_1570 = arith.constant 0 : i32
    %dma_start3A_1571 = tpu.memref_slice %arg3[%dma_start3A_1570] : memref<2758080xf32, #tpu.memory_space<hbm>> -> memref<2758080xf32, #tpu.memory_space<hbm>>
    tpu.enqueue_indirect_dma source(%dma_start3A_1571 : memref<2758080xf32, #tpu.memory_space<hbm>>) target(%dma_start3A_1566 : memref<64xf32, #tpu.memory_space<vmem>>) offsets(%dma_start3A_1569 : memref<64xi32, #tpu.memory_space<vmem>>) semaphore(%arg10 : memref<!tpu.dma_semaphore, #tpu.memory_space<semaphore_mem>>)
    %dma_start3A_1572 = arith.constant 4 : i32
    %dma_start3A_1573 = arith.constant 4 : i32
    %dma_start3A_1574 = arith.constant 0 : i32
    %dma_start3A_1575 = tpu.memref_slice %arg8[%dma_start3A_1573, %dma_start3A_1574] : memref<6x64xf32, #tpu.memory_space<vmem>> -> memref<1x64xf32, #tpu.memory_space<vmem>>
    %dma_start3A_1576 = tpu.memref_squeeze %dma_start3A_1575 : memref<1x64xf32, #tpu.memory_space<vmem>> -> memref<64xf32, #tpu.memory_space<vmem>>
    %dma_start3A_1577 = arith.constant 0 : i32
    %dma_start3A_1578 = tpu.memref_slice %arg7[%dma_start3A_1572, %dma_start3A_1577] : memref<6x64xi32, #tpu.memory_space<vmem>> -> memref<1x64xi32, #tpu.memory_space<vmem>>
    %dma_start3A_1579 = tpu.memref_squeeze %dma_start3A_1578 : memref<1x64xi32, #tpu.memory_space<vmem>> -> memref<64xi32, #tpu.memory_space<vmem>>
    %dma_start3A_1580 = arith.constant 0 : i32
    %dma_start3A_1581 = tpu.memref_slice %arg3[%dma_start3A_1580] : memref<2758080xf32, #tpu.memory_space<hbm>> -> memref<2758080xf32, #tpu.memory_space<hbm>>
    tpu.enqueue_indirect_dma source(%dma_start3A_1581 : memref<2758080xf32, #tpu.memory_space<hbm>>) target(%dma_start3A_1576 : memref<64xf32, #tpu.memory_space<vmem>>) offsets(%dma_start3A_1579 : memref<64xi32, #tpu.memory_space<vmem>>) semaphore(%arg10 : memref<!tpu.dma_semaphore, #tpu.memory_space<semaphore_mem>>)
    %dma_start3A_1582 = arith.constant 5 : i32
    %dma_start3A_1583 = arith.constant 5 : i32
    %dma_start3A_1584 = arith.constant 0 : i32
    %dma_start3A_1585 = tpu.memref_slice %arg8[%dma_start3A_1583, %dma_start3A_1584] : memref<6x64xf32, #tpu.memory_space<vmem>> -> memref<1x64xf32, #tpu.memory_space<vmem>>
    %dma_start3A_1586 = tpu.memref_squeeze %dma_start3A_1585 : memref<1x64xf32, #tpu.memory_space<vmem>> -> memref<64xf32, #tpu.memory_space<vmem>>
    %dma_start3A_1587 = arith.constant 0 : i32
    %dma_start3A_1588 = tpu.memref_slice %arg7[%dma_start3A_1582, %dma_start3A_1587] : memref<6x64xi32, #tpu.memory_space<vmem>> -> memref<1x64xi32, #tpu.memory_space<vmem>>
    %dma_start3A_1589 = tpu.memref_squeeze %dma_start3A_1588 : memref<1x64xi32, #tpu.memory_space<vmem>> -> memref<64xi32, #tpu.memory_space<vmem>>
    %dma_start3A_1590 = arith.constant 0 : i32
    %dma_start3A_1591 = tpu.memref_slice %arg3[%dma_start3A_1590] : memref<2758080xf32, #tpu.memory_space<hbm>> -> memref<2758080xf32, #tpu.memory_space<hbm>>
    tpu.enqueue_indirect_dma source(%dma_start3A_1591 : memref<2758080xf32, #tpu.memory_space<hbm>>) target(%dma_start3A_1586 : memref<64xf32, #tpu.memory_space<vmem>>) offsets(%dma_start3A_1589 : memref<64xi32, #tpu.memory_space<vmem>>) semaphore(%arg10 : memref<!tpu.dma_semaphore, #tpu.memory_space<semaphore_mem>>)
    %broadcast_in_dim3A_1592 = arith.constant 1 : i32
    %broadcast_in_dim3A_1593 = vector.broadcast %broadcast_in_dim3A_1592 : i32 to vector<16xi32>
    %broadcast_in_dim3A_1594 = arith.constant 0 : i32
    %broadcast_in_dim3A_1595 = vector.broadcast %broadcast_in_dim3A_1594 : i32 to vector<16xi32>
    %ge3A_1596 = arith.constant 0 : i32
    %ge3A_1597 = vector.broadcast %ge3A_1596 : i32 to vector<16xi32>
    %ge3A_1598 = arith.cmpi sge, %select_n3A_222, %ge3A_1597 : vector<16xi32>
    %select_n3A_1599 = arith.select %ge3A_1598, %broadcast_in_dim3A_1593, %broadcast_in_dim3A_1595 : vector<16xi1>, vector<16xi32>
    %ge3A_1600 = arith.constant 0 : i32
    %ge3A_1601 = vector.broadcast %ge3A_1600 : i32 to vector<16xi32>
    %ge3A_1602 = arith.cmpi sge, %select_n3A_606, %ge3A_1601 : vector<16xi32>
    %select_n3A_1603 = arith.select %ge3A_1602, %broadcast_in_dim3A_1593, %broadcast_in_dim3A_1595 : vector<16xi1>, vector<16xi32>
    %ge3A_1604 = arith.constant 0 : i32
    %ge3A_1605 = vector.broadcast %ge3A_1604 : i32 to vector<16xi32>
    %ge3A_1606 = arith.cmpi sge, %select_n3A_992, %ge3A_1605 : vector<16xi32>
    %select_n3A_1607 = arith.select %ge3A_1606, %broadcast_in_dim3A_1593, %broadcast_in_dim3A_1595 : vector<16xi1>, vector<16xi32>
    %ge3A_1608 = arith.constant 0 : i32
    %ge3A_1609 = vector.broadcast %ge3A_1608 : i32 to vector<16xi32>
    %ge3A_1610 = arith.cmpi sge, %select_n3A_1378, %ge3A_1609 : vector<16xi32>
    %select_n3A_1611 = arith.select %ge3A_1610, %broadcast_in_dim3A_1593, %broadcast_in_dim3A_1595 : vector<16xi1>, vector<16xi32>
    %ge3A_1612 = arith.constant 0 : i32
    %ge3A_1613 = vector.broadcast %ge3A_1612 : i32 to vector<16xi32>
    %ge3A_1614 = arith.cmpi sge, %select_n3A_231, %ge3A_1613 : vector<16xi32>
    %select_n3A_1615 = arith.select %ge3A_1614, %broadcast_in_dim3A_1593, %broadcast_in_dim3A_1595 : vector<16xi1>, vector<16xi32>
    %ge3A_1616 = arith.constant 0 : i32
    %ge3A_1617 = vector.broadcast %ge3A_1616 : i32 to vector<16xi32>
    %ge3A_1618 = arith.cmpi sge, %select_n3A_615, %ge3A_1617 : vector<16xi32>
    %select_n3A_1619 = arith.select %ge3A_1618, %broadcast_in_dim3A_1593, %broadcast_in_dim3A_1595 : vector<16xi1>, vector<16xi32>
    %ge3A_1620 = arith.constant 0 : i32
    %ge3A_1621 = vector.broadcast %ge3A_1620 : i32 to vector<16xi32>
    %ge3A_1622 = arith.cmpi sge, %select_n3A_1001, %ge3A_1621 : vector<16xi32>
    %select_n3A_1623 = arith.select %ge3A_1622, %broadcast_in_dim3A_1593, %broadcast_in_dim3A_1595 : vector<16xi1>, vector<16xi32>
    %ge3A_1624 = arith.constant 0 : i32
    %ge3A_1625 = vector.broadcast %ge3A_1624 : i32 to vector<16xi32>
    %ge3A_1626 = arith.cmpi sge, %select_n3A_1387, %ge3A_1625 : vector<16xi32>
    %select_n3A_1627 = arith.select %ge3A_1626, %broadcast_in_dim3A_1593, %broadcast_in_dim3A_1595 : vector<16xi1>, vector<16xi32>
    %scan3A = arith.constant 0 : i32
    %scan3A_1628 = arith.constant 16 : i32
    %scan3A_1629 = arith.addi %scan3A, %scan3A_1628 : i32
    %scan3A_1630 = arith.constant 1 : i32
    %scan3A_1631:8 = scf.for %scan3A_4138 = %scan3A to %scan3A_1629 step %scan3A_1630 iter_args(%scan3A_4139 = %select_n3A_1599, %scan3A_4140 = %select_n3A_1603, %scan3A_4141 = %select_n3A_1607, %scan3A_4142 = %select_n3A_1611, %scan3A_4143 = %select_n3A_1615, %scan3A_4144 = %select_n3A_1619, %scan3A_4145 = %select_n3A_1623, %scan3A_4146 = %select_n3A_1627) -> (vector<16xi32>, vector<16xi32>, vector<16xi32>, vector<16xi32>, vector<16xi32>, vector<16xi32>, vector<16xi32>, vector<16xi32>)  : i32 {
      %broadcast_in_dim3A_4147 = vector.broadcast %scan3A_4138 : i32 to vector<16xi32>
      %broadcast_in_dim3A_4148 = vector.shape_cast %broadcast_in_dim3A_4147 : vector<16xi32> to vector<16x1xi32>
      %gather3A = vector.shape_cast %broadcast_in_dim3A_4148 : vector<16x1xi32> to vector<16xi32>
      %gather3A_4149 = tpu.dynamic_gather %select_n3A_222[%gather3A] in [0] : vector<16xi32>, vector<16xi32> -> vector<16xi32>
      %broadcast_in_dim3A_4150 = vector.shape_cast %broadcast_in_dim3A_4147 : vector<16xi32> to vector<16x1xi32>
      %gather3A_4151 = vector.shape_cast %broadcast_in_dim3A_4150 : vector<16x1xi32> to vector<16xi32>
      %gather3A_4152 = tpu.dynamic_gather %select_n3A_231[%gather3A_4151] in [0] : vector<16xi32>, vector<16xi32> -> vector<16xi32>
      %add3A_4153 = arith.constant 0 : i32
      %add3A_4154 = vector.broadcast %add3A_4153 : i32 to vector<16xi32>
      %add3A_4155 = arith.addi %broadcast_in_dim3A_4147, %add3A_4154 : vector<16xi32>
      %lt3A_4156 = arith.cmpi slt, %add3A_31, %add3A_4155 : vector<16xi32>
      %eq3A_4157 = arith.cmpi eq, %select_n3A_222, %gather3A_4149 : vector<16xi32>
      %and3A_4158 = arith.andi %eq3A_4157, %lt3A_4156 : vector<16xi1>
      %jit3A_4159 = arith.constant 0 : i32
      %broadcast_in_dim3A_4160 = vector.broadcast %jit3A_4159 : i32 to vector<16xi32>
      %select_n3A_4161 = arith.select %and3A_4158, %broadcast_in_dim3A_4160, %scan3A_4139 : vector<16xi1>, vector<16xi32>
      %eq3A_4162 = arith.cmpi eq, %select_n3A_231, %gather3A_4152 : vector<16xi32>
      %and3A_4163 = arith.andi %eq3A_4162, %lt3A_4156 : vector<16xi1>
      %jit3A_4164 = arith.constant 0 : i32
      %broadcast_in_dim3A_4165 = vector.broadcast %jit3A_4164 : i32 to vector<16xi32>
      %select_n3A_4166 = arith.select %and3A_4163, %broadcast_in_dim3A_4165, %scan3A_4143 : vector<16xi1>, vector<16xi32>
      %lt3A_4167 = arith.cmpi slt, %add3A_403, %add3A_4155 : vector<16xi32>
      %eq3A_4168 = arith.cmpi eq, %select_n3A_606, %gather3A_4149 : vector<16xi32>
      %and3A_4169 = arith.andi %eq3A_4168, %lt3A_4167 : vector<16xi1>
      %jit3A_4170 = arith.constant 0 : i32
      %broadcast_in_dim3A_4171 = vector.broadcast %jit3A_4170 : i32 to vector<16xi32>
      %select_n3A_4172 = arith.select %and3A_4169, %broadcast_in_dim3A_4171, %scan3A_4140 : vector<16xi1>, vector<16xi32>
      %eq3A_4173 = arith.cmpi eq, %select_n3A_615, %gather3A_4152 : vector<16xi32>
      %and3A_4174 = arith.andi %eq3A_4173, %lt3A_4167 : vector<16xi1>
      %jit3A_4175 = arith.constant 0 : i32
      %broadcast_in_dim3A_4176 = vector.broadcast %jit3A_4175 : i32 to vector<16xi32>
      %select_n3A_4177 = arith.select %and3A_4174, %broadcast_in_dim3A_4176, %scan3A_4144 : vector<16xi1>, vector<16xi32>
      %lt3A_4178 = arith.cmpi slt, %add3A_789, %add3A_4155 : vector<16xi32>
      %eq3A_4179 = arith.cmpi eq, %select_n3A_992, %gather3A_4149 : vector<16xi32>
      %and3A_4180 = arith.andi %eq3A_4179, %lt3A_4178 : vector<16xi1>
      %jit3A_4181 = arith.constant 0 : i32
      %broadcast_in_dim3A_4182 = vector.broadcast %jit3A_4181 : i32 to vector<16xi32>
      %select_n3A_4183 = arith.select %and3A_4180, %broadcast_in_dim3A_4182, %scan3A_4141 : vector<16xi1>, vector<16xi32>
      %eq3A_4184 = arith.cmpi eq, %select_n3A_1001, %gather3A_4152 : vector<16xi32>
      %and3A_4185 = arith.andi %eq3A_4184, %lt3A_4178 : vector<16xi1>
      %jit3A_4186 = arith.constant 0 : i32
      %broadcast_in_dim3A_4187 = vector.broadcast %jit3A_4186 : i32 to vector<16xi32>
      %select_n3A_4188 = arith.select %and3A_4185, %broadcast_in_dim3A_4187, %scan3A_4145 : vector<16xi1>, vector<16xi32>
      %lt3A_4189 = arith.cmpi slt, %add3A_1175, %add3A_4155 : vector<16xi32>
      %eq3A_4190 = arith.cmpi eq, %select_n3A_1378, %gather3A_4149 : vector<16xi32>
      %and3A_4191 = arith.andi %eq3A_4190, %lt3A_4189 : vector<16xi1>
      %jit3A_4192 = arith.constant 0 : i32
      %broadcast_in_dim3A_4193 = vector.broadcast %jit3A_4192 : i32 to vector<16xi32>
      %select_n3A_4194 = arith.select %and3A_4191, %broadcast_in_dim3A_4193, %scan3A_4142 : vector<16xi1>, vector<16xi32>
      %eq3A_4195 = arith.cmpi eq, %select_n3A_1387, %gather3A_4152 : vector<16xi32>
      %and3A_4196 = arith.andi %eq3A_4195, %lt3A_4189 : vector<16xi1>
      %jit3A_4197 = arith.constant 0 : i32
      %broadcast_in_dim3A_4198 = vector.broadcast %jit3A_4197 : i32 to vector<16xi32>
      %select_n3A_4199 = arith.select %and3A_4196, %broadcast_in_dim3A_4198, %scan3A_4146 : vector<16xi1>, vector<16xi32>
      %broadcast_in_dim3A_4200 = vector.broadcast %scan3A_4138 : i32 to vector<16xi32>
      %broadcast_in_dim3A_4201 = vector.shape_cast %broadcast_in_dim3A_4200 : vector<16xi32> to vector<16x1xi32>
      %gather3A_4202 = vector.shape_cast %broadcast_in_dim3A_4201 : vector<16x1xi32> to vector<16xi32>
      %gather3A_4203 = tpu.dynamic_gather %select_n3A_606[%gather3A_4202] in [0] : vector<16xi32>, vector<16xi32> -> vector<16xi32>
      %broadcast_in_dim3A_4204 = vector.shape_cast %broadcast_in_dim3A_4200 : vector<16xi32> to vector<16x1xi32>
      %gather3A_4205 = vector.shape_cast %broadcast_in_dim3A_4204 : vector<16x1xi32> to vector<16xi32>
      %gather3A_4206 = tpu.dynamic_gather %select_n3A_615[%gather3A_4205] in [0] : vector<16xi32>, vector<16xi32> -> vector<16xi32>
      %add3A_4207 = arith.constant 16 : i32
      %add3A_4208 = vector.broadcast %add3A_4207 : i32 to vector<16xi32>
      %add3A_4209 = arith.addi %broadcast_in_dim3A_4200, %add3A_4208 : vector<16xi32>
      %lt3A_4210 = arith.cmpi slt, %add3A_31, %add3A_4209 : vector<16xi32>
      %eq3A_4211 = arith.cmpi eq, %select_n3A_222, %gather3A_4203 : vector<16xi32>
      %and3A_4212 = arith.andi %eq3A_4211, %lt3A_4210 : vector<16xi1>
      %jit3A_4213 = arith.constant 0 : i32
      %broadcast_in_dim3A_4214 = vector.broadcast %jit3A_4213 : i32 to vector<16xi32>
      %select_n3A_4215 = arith.select %and3A_4212, %broadcast_in_dim3A_4214, %select_n3A_4161 : vector<16xi1>, vector<16xi32>
      %eq3A_4216 = arith.cmpi eq, %select_n3A_231, %gather3A_4206 : vector<16xi32>
      %and3A_4217 = arith.andi %eq3A_4216, %lt3A_4210 : vector<16xi1>
      %jit3A_4218 = arith.constant 0 : i32
      %broadcast_in_dim3A_4219 = vector.broadcast %jit3A_4218 : i32 to vector<16xi32>
      %select_n3A_4220 = arith.select %and3A_4217, %broadcast_in_dim3A_4219, %select_n3A_4166 : vector<16xi1>, vector<16xi32>
      %lt3A_4221 = arith.cmpi slt, %add3A_403, %add3A_4209 : vector<16xi32>
      %eq3A_4222 = arith.cmpi eq, %select_n3A_606, %gather3A_4203 : vector<16xi32>
      %and3A_4223 = arith.andi %eq3A_4222, %lt3A_4221 : vector<16xi1>
      %jit3A_4224 = arith.constant 0 : i32
      %broadcast_in_dim3A_4225 = vector.broadcast %jit3A_4224 : i32 to vector<16xi32>
      %select_n3A_4226 = arith.select %and3A_4223, %broadcast_in_dim3A_4225, %select_n3A_4172 : vector<16xi1>, vector<16xi32>
      %eq3A_4227 = arith.cmpi eq, %select_n3A_615, %gather3A_4206 : vector<16xi32>
      %and3A_4228 = arith.andi %eq3A_4227, %lt3A_4221 : vector<16xi1>
      %jit3A_4229 = arith.constant 0 : i32
      %broadcast_in_dim3A_4230 = vector.broadcast %jit3A_4229 : i32 to vector<16xi32>
      %select_n3A_4231 = arith.select %and3A_4228, %broadcast_in_dim3A_4230, %select_n3A_4177 : vector<16xi1>, vector<16xi32>
      %lt3A_4232 = arith.cmpi slt, %add3A_789, %add3A_4209 : vector<16xi32>
      %eq3A_4233 = arith.cmpi eq, %select_n3A_992, %gather3A_4203 : vector<16xi32>
      %and3A_4234 = arith.andi %eq3A_4233, %lt3A_4232 : vector<16xi1>
      %jit3A_4235 = arith.constant 0 : i32
      %broadcast_in_dim3A_4236 = vector.broadcast %jit3A_4235 : i32 to vector<16xi32>
      %select_n3A_4237 = arith.select %and3A_4234, %broadcast_in_dim3A_4236, %select_n3A_4183 : vector<16xi1>, vector<16xi32>
      %eq3A_4238 = arith.cmpi eq, %select_n3A_1001, %gather3A_4206 : vector<16xi32>
      %and3A_4239 = arith.andi %eq3A_4238, %lt3A_4232 : vector<16xi1>
      %jit3A_4240 = arith.constant 0 : i32
      %broadcast_in_dim3A_4241 = vector.broadcast %jit3A_4240 : i32 to vector<16xi32>
      %select_n3A_4242 = arith.select %and3A_4239, %broadcast_in_dim3A_4241, %select_n3A_4188 : vector<16xi1>, vector<16xi32>
      %lt3A_4243 = arith.cmpi slt, %add3A_1175, %add3A_4209 : vector<16xi32>
      %eq3A_4244 = arith.cmpi eq, %select_n3A_1378, %gather3A_4203 : vector<16xi32>
      %and3A_4245 = arith.andi %eq3A_4244, %lt3A_4243 : vector<16xi1>
      %jit3A_4246 = arith.constant 0 : i32
      %broadcast_in_dim3A_4247 = vector.broadcast %jit3A_4246 : i32 to vector<16xi32>
      %select_n3A_4248 = arith.select %and3A_4245, %broadcast_in_dim3A_4247, %select_n3A_4194 : vector<16xi1>, vector<16xi32>
      %eq3A_4249 = arith.cmpi eq, %select_n3A_1387, %gather3A_4206 : vector<16xi32>
      %and3A_4250 = arith.andi %eq3A_4249, %lt3A_4243 : vector<16xi1>
      %jit3A_4251 = arith.constant 0 : i32
      %broadcast_in_dim3A_4252 = vector.broadcast %jit3A_4251 : i32 to vector<16xi32>
      %select_n3A_4253 = arith.select %and3A_4250, %broadcast_in_dim3A_4252, %select_n3A_4199 : vector<16xi1>, vector<16xi32>
      %broadcast_in_dim3A_4254 = vector.broadcast %scan3A_4138 : i32 to vector<16xi32>
      %broadcast_in_dim3A_4255 = vector.shape_cast %broadcast_in_dim3A_4254 : vector<16xi32> to vector<16x1xi32>
      %gather3A_4256 = vector.shape_cast %broadcast_in_dim3A_4255 : vector<16x1xi32> to vector<16xi32>
      %gather3A_4257 = tpu.dynamic_gather %select_n3A_992[%gather3A_4256] in [0] : vector<16xi32>, vector<16xi32> -> vector<16xi32>
      %broadcast_in_dim3A_4258 = vector.shape_cast %broadcast_in_dim3A_4254 : vector<16xi32> to vector<16x1xi32>
      %gather3A_4259 = vector.shape_cast %broadcast_in_dim3A_4258 : vector<16x1xi32> to vector<16xi32>
      %gather3A_4260 = tpu.dynamic_gather %select_n3A_1001[%gather3A_4259] in [0] : vector<16xi32>, vector<16xi32> -> vector<16xi32>
      %add3A_4261 = arith.constant 32 : i32
      %add3A_4262 = vector.broadcast %add3A_4261 : i32 to vector<16xi32>
      %add3A_4263 = arith.addi %broadcast_in_dim3A_4254, %add3A_4262 : vector<16xi32>
      %lt3A_4264 = arith.cmpi slt, %add3A_31, %add3A_4263 : vector<16xi32>
      %eq3A_4265 = arith.cmpi eq, %select_n3A_222, %gather3A_4257 : vector<16xi32>
      %and3A_4266 = arith.andi %eq3A_4265, %lt3A_4264 : vector<16xi1>
      %jit3A_4267 = arith.constant 0 : i32
      %broadcast_in_dim3A_4268 = vector.broadcast %jit3A_4267 : i32 to vector<16xi32>
      %select_n3A_4269 = arith.select %and3A_4266, %broadcast_in_dim3A_4268, %select_n3A_4215 : vector<16xi1>, vector<16xi32>
      %eq3A_4270 = arith.cmpi eq, %select_n3A_231, %gather3A_4260 : vector<16xi32>
      %and3A_4271 = arith.andi %eq3A_4270, %lt3A_4264 : vector<16xi1>
      %jit3A_4272 = arith.constant 0 : i32
      %broadcast_in_dim3A_4273 = vector.broadcast %jit3A_4272 : i32 to vector<16xi32>
      %select_n3A_4274 = arith.select %and3A_4271, %broadcast_in_dim3A_4273, %select_n3A_4220 : vector<16xi1>, vector<16xi32>
      %lt3A_4275 = arith.cmpi slt, %add3A_403, %add3A_4263 : vector<16xi32>
      %eq3A_4276 = arith.cmpi eq, %select_n3A_606, %gather3A_4257 : vector<16xi32>
      %and3A_4277 = arith.andi %eq3A_4276, %lt3A_4275 : vector<16xi1>
      %jit3A_4278 = arith.constant 0 : i32
      %broadcast_in_dim3A_4279 = vector.broadcast %jit3A_4278 : i32 to vector<16xi32>
      %select_n3A_4280 = arith.select %and3A_4277, %broadcast_in_dim3A_4279, %select_n3A_4226 : vector<16xi1>, vector<16xi32>
      %eq3A_4281 = arith.cmpi eq, %select_n3A_615, %gather3A_4260 : vector<16xi32>
      %and3A_4282 = arith.andi %eq3A_4281, %lt3A_4275 : vector<16xi1>
      %jit3A_4283 = arith.constant 0 : i32
      %broadcast_in_dim3A_4284 = vector.broadcast %jit3A_4283 : i32 to vector<16xi32>
      %select_n3A_4285 = arith.select %and3A_4282, %broadcast_in_dim3A_4284, %select_n3A_4231 : vector<16xi1>, vector<16xi32>
      %lt3A_4286 = arith.cmpi slt, %add3A_789, %add3A_4263 : vector<16xi32>
      %eq3A_4287 = arith.cmpi eq, %select_n3A_992, %gather3A_4257 : vector<16xi32>
      %and3A_4288 = arith.andi %eq3A_4287, %lt3A_4286 : vector<16xi1>
      %jit3A_4289 = arith.constant 0 : i32
      %broadcast_in_dim3A_4290 = vector.broadcast %jit3A_4289 : i32 to vector<16xi32>
      %select_n3A_4291 = arith.select %and3A_4288, %broadcast_in_dim3A_4290, %select_n3A_4237 : vector<16xi1>, vector<16xi32>
      %eq3A_4292 = arith.cmpi eq, %select_n3A_1001, %gather3A_4260 : vector<16xi32>
      %and3A_4293 = arith.andi %eq3A_4292, %lt3A_4286 : vector<16xi1>
      %jit3A_4294 = arith.constant 0 : i32
      %broadcast_in_dim3A_4295 = vector.broadcast %jit3A_4294 : i32 to vector<16xi32>
      %select_n3A_4296 = arith.select %and3A_4293, %broadcast_in_dim3A_4295, %select_n3A_4242 : vector<16xi1>, vector<16xi32>
      %lt3A_4297 = arith.cmpi slt, %add3A_1175, %add3A_4263 : vector<16xi32>
      %eq3A_4298 = arith.cmpi eq, %select_n3A_1378, %gather3A_4257 : vector<16xi32>
      %and3A_4299 = arith.andi %eq3A_4298, %lt3A_4297 : vector<16xi1>
      %jit3A_4300 = arith.constant 0 : i32
      %broadcast_in_dim3A_4301 = vector.broadcast %jit3A_4300 : i32 to vector<16xi32>
      %select_n3A_4302 = arith.select %and3A_4299, %broadcast_in_dim3A_4301, %select_n3A_4248 : vector<16xi1>, vector<16xi32>
      %eq3A_4303 = arith.cmpi eq, %select_n3A_1387, %gather3A_4260 : vector<16xi32>
      %and3A_4304 = arith.andi %eq3A_4303, %lt3A_4297 : vector<16xi1>
      %jit3A_4305 = arith.constant 0 : i32
      %broadcast_in_dim3A_4306 = vector.broadcast %jit3A_4305 : i32 to vector<16xi32>
      %select_n3A_4307 = arith.select %and3A_4304, %broadcast_in_dim3A_4306, %select_n3A_4253 : vector<16xi1>, vector<16xi32>
      %broadcast_in_dim3A_4308 = vector.broadcast %scan3A_4138 : i32 to vector<16xi32>
      %broadcast_in_dim3A_4309 = vector.shape_cast %broadcast_in_dim3A_4308 : vector<16xi32> to vector<16x1xi32>
      %gather3A_4310 = vector.shape_cast %broadcast_in_dim3A_4309 : vector<16x1xi32> to vector<16xi32>
      %gather3A_4311 = tpu.dynamic_gather %select_n3A_1378[%gather3A_4310] in [0] : vector<16xi32>, vector<16xi32> -> vector<16xi32>
      %broadcast_in_dim3A_4312 = vector.shape_cast %broadcast_in_dim3A_4308 : vector<16xi32> to vector<16x1xi32>
      %gather3A_4313 = vector.shape_cast %broadcast_in_dim3A_4312 : vector<16x1xi32> to vector<16xi32>
      %gather3A_4314 = tpu.dynamic_gather %select_n3A_1387[%gather3A_4313] in [0] : vector<16xi32>, vector<16xi32> -> vector<16xi32>
      %add3A_4315 = arith.constant 48 : i32
      %add3A_4316 = vector.broadcast %add3A_4315 : i32 to vector<16xi32>
      %add3A_4317 = arith.addi %broadcast_in_dim3A_4308, %add3A_4316 : vector<16xi32>
      %lt3A_4318 = arith.cmpi slt, %add3A_31, %add3A_4317 : vector<16xi32>
      %eq3A_4319 = arith.cmpi eq, %select_n3A_222, %gather3A_4311 : vector<16xi32>
      %and3A_4320 = arith.andi %eq3A_4319, %lt3A_4318 : vector<16xi1>
      %jit3A_4321 = arith.constant 0 : i32
      %broadcast_in_dim3A_4322 = vector.broadcast %jit3A_4321 : i32 to vector<16xi32>
      %select_n3A_4323 = arith.select %and3A_4320, %broadcast_in_dim3A_4322, %select_n3A_4269 : vector<16xi1>, vector<16xi32>
      %eq3A_4324 = arith.cmpi eq, %select_n3A_231, %gather3A_4314 : vector<16xi32>
      %and3A_4325 = arith.andi %eq3A_4324, %lt3A_4318 : vector<16xi1>
      %jit3A_4326 = arith.constant 0 : i32
      %broadcast_in_dim3A_4327 = vector.broadcast %jit3A_4326 : i32 to vector<16xi32>
      %select_n3A_4328 = arith.select %and3A_4325, %broadcast_in_dim3A_4327, %select_n3A_4274 : vector<16xi1>, vector<16xi32>
      %lt3A_4329 = arith.cmpi slt, %add3A_403, %add3A_4317 : vector<16xi32>
      %eq3A_4330 = arith.cmpi eq, %select_n3A_606, %gather3A_4311 : vector<16xi32>
      %and3A_4331 = arith.andi %eq3A_4330, %lt3A_4329 : vector<16xi1>
      %jit3A_4332 = arith.constant 0 : i32
      %broadcast_in_dim3A_4333 = vector.broadcast %jit3A_4332 : i32 to vector<16xi32>
      %select_n3A_4334 = arith.select %and3A_4331, %broadcast_in_dim3A_4333, %select_n3A_4280 : vector<16xi1>, vector<16xi32>
      %eq3A_4335 = arith.cmpi eq, %select_n3A_615, %gather3A_4314 : vector<16xi32>
      %and3A_4336 = arith.andi %eq3A_4335, %lt3A_4329 : vector<16xi1>
      %jit3A_4337 = arith.constant 0 : i32
      %broadcast_in_dim3A_4338 = vector.broadcast %jit3A_4337 : i32 to vector<16xi32>
      %select_n3A_4339 = arith.select %and3A_4336, %broadcast_in_dim3A_4338, %select_n3A_4285 : vector<16xi1>, vector<16xi32>
      %lt3A_4340 = arith.cmpi slt, %add3A_789, %add3A_4317 : vector<16xi32>
      %eq3A_4341 = arith.cmpi eq, %select_n3A_992, %gather3A_4311 : vector<16xi32>
      %and3A_4342 = arith.andi %eq3A_4341, %lt3A_4340 : vector<16xi1>
      %jit3A_4343 = arith.constant 0 : i32
      %broadcast_in_dim3A_4344 = vector.broadcast %jit3A_4343 : i32 to vector<16xi32>
      %select_n3A_4345 = arith.select %and3A_4342, %broadcast_in_dim3A_4344, %select_n3A_4291 : vector<16xi1>, vector<16xi32>
      %eq3A_4346 = arith.cmpi eq, %select_n3A_1001, %gather3A_4314 : vector<16xi32>
      %and3A_4347 = arith.andi %eq3A_4346, %lt3A_4340 : vector<16xi1>
      %jit3A_4348 = arith.constant 0 : i32
      %broadcast_in_dim3A_4349 = vector.broadcast %jit3A_4348 : i32 to vector<16xi32>
      %select_n3A_4350 = arith.select %and3A_4347, %broadcast_in_dim3A_4349, %select_n3A_4296 : vector<16xi1>, vector<16xi32>
      %lt3A_4351 = arith.cmpi slt, %add3A_1175, %add3A_4317 : vector<16xi32>
      %eq3A_4352 = arith.cmpi eq, %select_n3A_1378, %gather3A_4311 : vector<16xi32>
      %and3A_4353 = arith.andi %eq3A_4352, %lt3A_4351 : vector<16xi1>
      %jit3A_4354 = arith.constant 0 : i32
      %broadcast_in_dim3A_4355 = vector.broadcast %jit3A_4354 : i32 to vector<16xi32>
      %select_n3A_4356 = arith.select %and3A_4353, %broadcast_in_dim3A_4355, %select_n3A_4302 : vector<16xi1>, vector<16xi32>
      %eq3A_4357 = arith.cmpi eq, %select_n3A_1387, %gather3A_4314 : vector<16xi32>
      %and3A_4358 = arith.andi %eq3A_4357, %lt3A_4351 : vector<16xi1>
      %jit3A_4359 = arith.constant 0 : i32
      %broadcast_in_dim3A_4360 = vector.broadcast %jit3A_4359 : i32 to vector<16xi32>
      %select_n3A_4361 = arith.select %and3A_4358, %broadcast_in_dim3A_4360, %select_n3A_4307 : vector<16xi1>, vector<16xi32>
      scf.yield %select_n3A_4323, %select_n3A_4334, %select_n3A_4345, %select_n3A_4356, %select_n3A_4328, %select_n3A_4339, %select_n3A_4350, %select_n3A_4361 : vector<16xi32>, vector<16xi32>, vector<16xi32>, vector<16xi32>, vector<16xi32>, vector<16xi32>, vector<16xi32>, vector<16xi32>
    }
    %scan3A_1632 = arith.constant 16 : i32
    %gt3A_1633 = arith.constant 0 : i32
    %gt3A_1634 = vector.broadcast %gt3A_1633 : i32 to vector<16xi32>
    %gt3A_1635 = arith.cmpi sgt, %scan3A_1631#0, %gt3A_1634 : vector<16xi32>
    %jit3A_1636 = arith.constant 1.000000e+00 : f32
    %jit3A_1637 = arith.constant 0.000000e+00 : f32
    %broadcast_in_dim3A_1638 = vector.broadcast %jit3A_1636 : f32 to vector<16xf32>
    %broadcast_in_dim3A_1639 = vector.broadcast %jit3A_1637 : f32 to vector<16xf32>
    %select_n3A_1640 = arith.select %gt3A_1635, %broadcast_in_dim3A_1638, %broadcast_in_dim3A_1639 : vector<16xi1>, vector<16xf32>
    %gt3A_1641 = arith.constant 0 : i32
    %gt3A_1642 = vector.broadcast %gt3A_1641 : i32 to vector<16xi32>
    %gt3A_1643 = arith.cmpi sgt, %scan3A_1631#4, %gt3A_1642 : vector<16xi32>
    %jit3A_1644 = arith.constant 1.000000e+00 : f32
    %jit3A_1645 = arith.constant 0.000000e+00 : f32
    %broadcast_in_dim3A_1646 = vector.broadcast %jit3A_1644 : f32 to vector<16xf32>
    %broadcast_in_dim3A_1647 = vector.broadcast %jit3A_1645 : f32 to vector<16xf32>
    %select_n3A_1648 = arith.select %gt3A_1643, %broadcast_in_dim3A_1646, %broadcast_in_dim3A_1647 : vector<16xi1>, vector<16xf32>
    %get3A_1649 = arith.constant 0 : i32
    %get3A_1650 = arith.index_cast %get3A_1649 : i32 to index
    %get3A_1651 = arith.constant 0 : index
    %get3A_1652 = tpu.vector_load %arg9[%get3A_1650, %get3A_1651] {strides = array<i32>} : memref<7x64xf32, #tpu.memory_space<vmem>>, vector<1x16xf32>,
    %get3A_1653 = vector.shape_cast %get3A_1652 : vector<1x16xf32> to vector<16xf32>
    %mul3A_1654 = arith.mulf %get3A_1653, %select_n3A_1640 : vector<16xf32>
    %swap3A_1655 = arith.constant 0 : i32
    %swap3A_1656 = arith.index_cast %swap3A_1655 : i32 to index
    %swap3A_1657 = arith.constant 0 : index
    %swap3A_1658 = tpu.vector_load %arg9[%swap3A_1656, %swap3A_1657] {strides = array<i32>} : memref<7x64xf32, #tpu.memory_space<vmem>>, vector<1x16xf32>,
    %swap3A_1659 = vector.shape_cast %swap3A_1658 : vector<1x16xf32> to vector<16xf32>
    %swap3A_1660 = vector.shape_cast %mul3A_1654 : vector<16xf32> to vector<1x16xf32>
    tpu.vector_store %arg9[%swap3A_1656, %swap3A_1657], %swap3A_1660 {strides = array<i32>} : memref<7x64xf32, #tpu.memory_space<vmem>>, vector<1x16xf32>,
    %get3A_1661 = arith.constant 1 : i32
    %get3A_1662 = arith.index_cast %get3A_1661 : i32 to index
    %get3A_1663 = arith.constant 0 : index
    %get3A_1664 = tpu.vector_load %arg9[%get3A_1662, %get3A_1663] {strides = array<i32>} : memref<7x64xf32, #tpu.memory_space<vmem>>, vector<1x16xf32>,
    %get3A_1665 = vector.shape_cast %get3A_1664 : vector<1x16xf32> to vector<16xf32>
    %mul3A_1666 = arith.mulf %get3A_1665, %select_n3A_1640 : vector<16xf32>
    %swap3A_1667 = arith.constant 1 : i32
    %swap3A_1668 = arith.index_cast %swap3A_1667 : i32 to index
    %swap3A_1669 = arith.constant 0 : index
    %swap3A_1670 = tpu.vector_load %arg9[%swap3A_1668, %swap3A_1669] {strides = array<i32>} : memref<7x64xf32, #tpu.memory_space<vmem>>, vector<1x16xf32>,
    %swap3A_1671 = vector.shape_cast %swap3A_1670 : vector<1x16xf32> to vector<16xf32>
    %swap3A_1672 = vector.shape_cast %mul3A_1666 : vector<16xf32> to vector<1x16xf32>
    tpu.vector_store %arg9[%swap3A_1668, %swap3A_1669], %swap3A_1672 {strides = array<i32>} : memref<7x64xf32, #tpu.memory_space<vmem>>, vector<1x16xf32>,
    %get3A_1673 = arith.constant 2 : i32
    %get3A_1674 = arith.index_cast %get3A_1673 : i32 to index
    %get3A_1675 = arith.constant 0 : index
    %get3A_1676 = tpu.vector_load %arg9[%get3A_1674, %get3A_1675] {strides = array<i32>} : memref<7x64xf32, #tpu.memory_space<vmem>>, vector<1x16xf32>,
    %get3A_1677 = vector.shape_cast %get3A_1676 : vector<1x16xf32> to vector<16xf32>
    %jit3A_1678 = arith.constant 1.000000e+00 : f32
    %broadcast_in_dim3A_1679 = vector.broadcast %jit3A_1678 : f32 to vector<16xf32>
    %select_n3A_1680 = arith.select %gt3A_1635, %get3A_1677, %broadcast_in_dim3A_1679 : vector<16xi1>, vector<16xf32>
    %swap3A_1681 = arith.constant 2 : i32
    %swap3A_1682 = arith.index_cast %swap3A_1681 : i32 to index
    %swap3A_1683 = arith.constant 0 : index
    %swap3A_1684 = tpu.vector_load %arg9[%swap3A_1682, %swap3A_1683] {strides = array<i32>} : memref<7x64xf32, #tpu.memory_space<vmem>>, vector<1x16xf32>,
    %swap3A_1685 = vector.shape_cast %swap3A_1684 : vector<1x16xf32> to vector<16xf32>
    %swap3A_1686 = vector.shape_cast %select_n3A_1680 : vector<16xf32> to vector<1x16xf32>
    tpu.vector_store %arg9[%swap3A_1682, %swap3A_1683], %swap3A_1686 {strides = array<i32>} : memref<7x64xf32, #tpu.memory_space<vmem>>, vector<1x16xf32>,
    %get3A_1687 = arith.constant 3 : i32
    %get3A_1688 = arith.index_cast %get3A_1687 : i32 to index
    %get3A_1689 = arith.constant 0 : index
    %get3A_1690 = tpu.vector_load %arg9[%get3A_1688, %get3A_1689] {strides = array<i32>} : memref<7x64xf32, #tpu.memory_space<vmem>>, vector<1x16xf32>,
    %get3A_1691 = vector.shape_cast %get3A_1690 : vector<1x16xf32> to vector<16xf32>
    %jit3A_1692 = arith.constant 1.000000e+00 : f32
    %broadcast_in_dim3A_1693 = vector.broadcast %jit3A_1692 : f32 to vector<16xf32>
    %select_n3A_1694 = arith.select %gt3A_1635, %get3A_1691, %broadcast_in_dim3A_1693 : vector<16xi1>, vector<16xf32>
    %swap3A_1695 = arith.constant 3 : i32
    %swap3A_1696 = arith.index_cast %swap3A_1695 : i32 to index
    %swap3A_1697 = arith.constant 0 : index
    %swap3A_1698 = tpu.vector_load %arg9[%swap3A_1696, %swap3A_1697] {strides = array<i32>} : memref<7x64xf32, #tpu.memory_space<vmem>>, vector<1x16xf32>,
    %swap3A_1699 = vector.shape_cast %swap3A_1698 : vector<1x16xf32> to vector<16xf32>
    %swap3A_1700 = vector.shape_cast %select_n3A_1694 : vector<16xf32> to vector<1x16xf32>
    tpu.vector_store %arg9[%swap3A_1696, %swap3A_1697], %swap3A_1700 {strides = array<i32>} : memref<7x64xf32, #tpu.memory_space<vmem>>, vector<1x16xf32>,
    %swap3A_1701 = arith.constant 4 : i32
    %swap3A_1702 = arith.index_cast %swap3A_1701 : i32 to index
    %swap3A_1703 = arith.constant 0 : index
    %swap3A_1704 = tpu.vector_load %arg9[%swap3A_1702, %swap3A_1703] {strides = array<i32>} : memref<7x64xf32, #tpu.memory_space<vmem>>, vector<1x16xf32>,
    %swap3A_1705 = vector.shape_cast %swap3A_1704 : vector<1x16xf32> to vector<16xf32>
    %swap3A_1706 = vector.shape_cast %select_n3A_1640 : vector<16xf32> to vector<1x16xf32>
    tpu.vector_store %arg9[%swap3A_1702, %swap3A_1703], %swap3A_1706 {strides = array<i32>} : memref<7x64xf32, #tpu.memory_space<vmem>>, vector<1x16xf32>,
    %swap3A_1707 = arith.constant 5 : i32
    %swap3A_1708 = arith.index_cast %swap3A_1707 : i32 to index
    %swap3A_1709 = arith.constant 0 : index
    %swap3A_1710 = tpu.vector_load %arg9[%swap3A_1708, %swap3A_1709] {strides = array<i32>} : memref<7x64xf32, #tpu.memory_space<vmem>>, vector<1x16xf32>,
    %swap3A_1711 = vector.shape_cast %swap3A_1710 : vector<1x16xf32> to vector<16xf32>
    %swap3A_1712 = vector.shape_cast %select_n3A_1648 : vector<16xf32> to vector<1x16xf32>
    tpu.vector_store %arg9[%swap3A_1708, %swap3A_1709], %swap3A_1712 {strides = array<i32>} : memref<7x64xf32, #tpu.memory_space<vmem>>, vector<1x16xf32>,
    %get3A_1713 = arith.constant 6 : i32
    %get3A_1714 = arith.index_cast %get3A_1713 : i32 to index
    %get3A_1715 = arith.constant 0 : index
    %get3A_1716 = tpu.vector_load %arg9[%get3A_1714, %get3A_1715] {strides = array<i32>} : memref<7x64xf32, #tpu.memory_space<vmem>>, vector<1x16xf32>,
    %get3A_1717 = vector.shape_cast %get3A_1716 : vector<1x16xf32> to vector<16xf32>
    %mul3A_1718 = arith.mulf %get3A_1717, %select_n3A_1640 : vector<16xf32>
    %swap3A_1719 = arith.constant 6 : i32
    %swap3A_1720 = arith.index_cast %swap3A_1719 : i32 to index
    %swap3A_1721 = arith.constant 0 : index
    %swap3A_1722 = tpu.vector_load %arg9[%swap3A_1720, %swap3A_1721] {strides = array<i32>} : memref<7x64xf32, #tpu.memory_space<vmem>>, vector<1x16xf32>,
    %swap3A_1723 = vector.shape_cast %swap3A_1722 : vector<1x16xf32> to vector<16xf32>
    %swap3A_1724 = vector.shape_cast %mul3A_1718 : vector<16xf32> to vector<1x16xf32>
    tpu.vector_store %arg9[%swap3A_1720, %swap3A_1721], %swap3A_1724 {strides = array<i32>} : memref<7x64xf32, #tpu.memory_space<vmem>>, vector<1x16xf32>,
    %gt3A_1725 = arith.constant 0 : i32
    %gt3A_1726 = vector.broadcast %gt3A_1725 : i32 to vector<16xi32>
    %gt3A_1727 = arith.cmpi sgt, %scan3A_1631#1, %gt3A_1726 : vector<16xi32>
    %jit3A_1728 = arith.constant 1.000000e+00 : f32
    %jit3A_1729 = arith.constant 0.000000e+00 : f32
    %broadcast_in_dim3A_1730 = vector.broadcast %jit3A_1728 : f32 to vector<16xf32>
    %broadcast_in_dim3A_1731 = vector.broadcast %jit3A_1729 : f32 to vector<16xf32>
    %select_n3A_1732 = arith.select %gt3A_1727, %broadcast_in_dim3A_1730, %broadcast_in_dim3A_1731 : vector<16xi1>, vector<16xf32>
    %gt3A_1733 = arith.constant 0 : i32
    %gt3A_1734 = vector.broadcast %gt3A_1733 : i32 to vector<16xi32>
    %gt3A_1735 = arith.cmpi sgt, %scan3A_1631#5, %gt3A_1734 : vector<16xi32>
    %jit3A_1736 = arith.constant 1.000000e+00 : f32
    %jit3A_1737 = arith.constant 0.000000e+00 : f32
    %broadcast_in_dim3A_1738 = vector.broadcast %jit3A_1736 : f32 to vector<16xf32>
    %broadcast_in_dim3A_1739 = vector.broadcast %jit3A_1737 : f32 to vector<16xf32>
    %select_n3A_1740 = arith.select %gt3A_1735, %broadcast_in_dim3A_1738, %broadcast_in_dim3A_1739 : vector<16xi1>, vector<16xf32>
    %get3A_1741 = arith.constant 0 : i32
    %get3A_1742 = arith.index_cast %get3A_1741 : i32 to index
    %get3A_1743 = arith.constant 16 : index
    %get3A_1744 = tpu.vector_load %arg9[%get3A_1742, %get3A_1743] {strides = array<i32>} : memref<7x64xf32, #tpu.memory_space<vmem>>, vector<1x16xf32>,
    %get3A_1745 = vector.shape_cast %get3A_1744 : vector<1x16xf32> to vector<16xf32>
    %mul3A_1746 = arith.mulf %get3A_1745, %select_n3A_1732 : vector<16xf32>
    %swap3A_1747 = arith.constant 0 : i32
    %swap3A_1748 = arith.index_cast %swap3A_1747 : i32 to index
    %swap3A_1749 = arith.constant 16 : index
    %swap3A_1750 = tpu.vector_load %arg9[%swap3A_1748, %swap3A_1749] {strides = array<i32>} : memref<7x64xf32, #tpu.memory_space<vmem>>, vector<1x16xf32>,
    %swap3A_1751 = vector.shape_cast %swap3A_1750 : vector<1x16xf32> to vector<16xf32>
    %swap3A_1752 = vector.shape_cast %mul3A_1746 : vector<16xf32> to vector<1x16xf32>
    tpu.vector_store %arg9[%swap3A_1748, %swap3A_1749], %swap3A_1752 {strides = array<i32>} : memref<7x64xf32, #tpu.memory_space<vmem>>, vector<1x16xf32>,
    %get3A_1753 = arith.constant 1 : i32
    %get3A_1754 = arith.index_cast %get3A_1753 : i32 to index
    %get3A_1755 = arith.constant 16 : index
    %get3A_1756 = tpu.vector_load %arg9[%get3A_1754, %get3A_1755] {strides = array<i32>} : memref<7x64xf32, #tpu.memory_space<vmem>>, vector<1x16xf32>,
    %get3A_1757 = vector.shape_cast %get3A_1756 : vector<1x16xf32> to vector<16xf32>
    %mul3A_1758 = arith.mulf %get3A_1757, %select_n3A_1732 : vector<16xf32>
    %swap3A_1759 = arith.constant 1 : i32
    %swap3A_1760 = arith.index_cast %swap3A_1759 : i32 to index
    %swap3A_1761 = arith.constant 16 : index
    %swap3A_1762 = tpu.vector_load %arg9[%swap3A_1760, %swap3A_1761] {strides = array<i32>} : memref<7x64xf32, #tpu.memory_space<vmem>>, vector<1x16xf32>,
    %swap3A_1763 = vector.shape_cast %swap3A_1762 : vector<1x16xf32> to vector<16xf32>
    %swap3A_1764 = vector.shape_cast %mul3A_1758 : vector<16xf32> to vector<1x16xf32>
    tpu.vector_store %arg9[%swap3A_1760, %swap3A_1761], %swap3A_1764 {strides = array<i32>} : memref<7x64xf32, #tpu.memory_space<vmem>>, vector<1x16xf32>,
    %get3A_1765 = arith.constant 2 : i32
    %get3A_1766 = arith.index_cast %get3A_1765 : i32 to index
    %get3A_1767 = arith.constant 16 : index
    %get3A_1768 = tpu.vector_load %arg9[%get3A_1766, %get3A_1767] {strides = array<i32>} : memref<7x64xf32, #tpu.memory_space<vmem>>, vector<1x16xf32>,
    %get3A_1769 = vector.shape_cast %get3A_1768 : vector<1x16xf32> to vector<16xf32>
    %jit3A_1770 = arith.constant 1.000000e+00 : f32
    %broadcast_in_dim3A_1771 = vector.broadcast %jit3A_1770 : f32 to vector<16xf32>
    %select_n3A_1772 = arith.select %gt3A_1727, %get3A_1769, %broadcast_in_dim3A_1771 : vector<16xi1>, vector<16xf32>
    %swap3A_1773 = arith.constant 2 : i32
    %swap3A_1774 = arith.index_cast %swap3A_1773 : i32 to index
    %swap3A_1775 = arith.constant 16 : index
    %swap3A_1776 = tpu.vector_load %arg9[%swap3A_1774, %swap3A_1775] {strides = array<i32>} : memref<7x64xf32, #tpu.memory_space<vmem>>, vector<1x16xf32>,
    %swap3A_1777 = vector.shape_cast %swap3A_1776 : vector<1x16xf32> to vector<16xf32>
    %swap3A_1778 = vector.shape_cast %select_n3A_1772 : vector<16xf32> to vector<1x16xf32>
    tpu.vector_store %arg9[%swap3A_1774, %swap3A_1775], %swap3A_1778 {strides = array<i32>} : memref<7x64xf32, #tpu.memory_space<vmem>>, vector<1x16xf32>,
    %get3A_1779 = arith.constant 3 : i32
    %get3A_1780 = arith.index_cast %get3A_1779 : i32 to index
    %get3A_1781 = arith.constant 16 : index
    %get3A_1782 = tpu.vector_load %arg9[%get3A_1780, %get3A_1781] {strides = array<i32>} : memref<7x64xf32, #tpu.memory_space<vmem>>, vector<1x16xf32>,
    %get3A_1783 = vector.shape_cast %get3A_1782 : vector<1x16xf32> to vector<16xf32>
    %jit3A_1784 = arith.constant 1.000000e+00 : f32
    %broadcast_in_dim3A_1785 = vector.broadcast %jit3A_1784 : f32 to vector<16xf32>
    %select_n3A_1786 = arith.select %gt3A_1727, %get3A_1783, %broadcast_in_dim3A_1785 : vector<16xi1>, vector<16xf32>
    %swap3A_1787 = arith.constant 3 : i32
    %swap3A_1788 = arith.index_cast %swap3A_1787 : i32 to index
    %swap3A_1789 = arith.constant 16 : index
    %swap3A_1790 = tpu.vector_load %arg9[%swap3A_1788, %swap3A_1789] {strides = array<i32>} : memref<7x64xf32, #tpu.memory_space<vmem>>, vector<1x16xf32>,
    %swap3A_1791 = vector.shape_cast %swap3A_1790 : vector<1x16xf32> to vector<16xf32>
    %swap3A_1792 = vector.shape_cast %select_n3A_1786 : vector<16xf32> to vector<1x16xf32>
    tpu.vector_store %arg9[%swap3A_1788, %swap3A_1789], %swap3A_1792 {strides = array<i32>} : memref<7x64xf32, #tpu.memory_space<vmem>>, vector<1x16xf32>,
    %swap3A_1793 = arith.constant 4 : i32
    %swap3A_1794 = arith.index_cast %swap3A_1793 : i32 to index
    %swap3A_1795 = arith.constant 16 : index
    %swap3A_1796 = tpu.vector_load %arg9[%swap3A_1794, %swap3A_1795] {strides = array<i32>} : memref<7x64xf32, #tpu.memory_space<vmem>>, vector<1x16xf32>,
    %swap3A_1797 = vector.shape_cast %swap3A_1796 : vector<1x16xf32> to vector<16xf32>
    %swap3A_1798 = vector.shape_cast %select_n3A_1732 : vector<16xf32> to vector<1x16xf32>
    tpu.vector_store %arg9[%swap3A_1794, %swap3A_1795], %swap3A_1798 {strides = array<i32>} : memref<7x64xf32, #tpu.memory_space<vmem>>, vector<1x16xf32>,
    %swap3A_1799 = arith.constant 5 : i32
    %swap3A_1800 = arith.index_cast %swap3A_1799 : i32 to index
    %swap3A_1801 = arith.constant 16 : index
    %swap3A_1802 = tpu.vector_load %arg9[%swap3A_1800, %swap3A_1801] {strides = array<i32>} : memref<7x64xf32, #tpu.memory_space<vmem>>, vector<1x16xf32>,
    %swap3A_1803 = vector.shape_cast %swap3A_1802 : vector<1x16xf32> to vector<16xf32>
    %swap3A_1804 = vector.shape_cast %select_n3A_1740 : vector<16xf32> to vector<1x16xf32>
    tpu.vector_store %arg9[%swap3A_1800, %swap3A_1801], %swap3A_1804 {strides = array<i32>} : memref<7x64xf32, #tpu.memory_space<vmem>>, vector<1x16xf32>,
    %get3A_1805 = arith.constant 6 : i32
    %get3A_1806 = arith.index_cast %get3A_1805 : i32 to index
    %get3A_1807 = arith.constant 16 : index
    %get3A_1808 = tpu.vector_load %arg9[%get3A_1806, %get3A_1807] {strides = array<i32>} : memref<7x64xf32, #tpu.memory_space<vmem>>, vector<1x16xf32>,
    %get3A_1809 = vector.shape_cast %get3A_1808 : vector<1x16xf32> to vector<16xf32>
    %mul3A_1810 = arith.mulf %get3A_1809, %select_n3A_1732 : vector<16xf32>
    %swap3A_1811 = arith.constant 6 : i32
    %swap3A_1812 = arith.index_cast %swap3A_1811 : i32 to index
    %swap3A_1813 = arith.constant 16 : index
    %swap3A_1814 = tpu.vector_load %arg9[%swap3A_1812, %swap3A_1813] {strides = array<i32>} : memref<7x64xf32, #tpu.memory_space<vmem>>, vector<1x16xf32>,
    %swap3A_1815 = vector.shape_cast %swap3A_1814 : vector<1x16xf32> to vector<16xf32>
    %swap3A_1816 = vector.shape_cast %mul3A_1810 : vector<16xf32> to vector<1x16xf32>
    tpu.vector_store %arg9[%swap3A_1812, %swap3A_1813], %swap3A_1816 {strides = array<i32>} : memref<7x64xf32, #tpu.memory_space<vmem>>, vector<1x16xf32>,
    %gt3A_1817 = arith.constant 0 : i32
    %gt3A_1818 = vector.broadcast %gt3A_1817 : i32 to vector<16xi32>
    %gt3A_1819 = arith.cmpi sgt, %scan3A_1631#2, %gt3A_1818 : vector<16xi32>
    %jit3A_1820 = arith.constant 1.000000e+00 : f32
    %jit3A_1821 = arith.constant 0.000000e+00 : f32
    %broadcast_in_dim3A_1822 = vector.broadcast %jit3A_1820 : f32 to vector<16xf32>
    %broadcast_in_dim3A_1823 = vector.broadcast %jit3A_1821 : f32 to vector<16xf32>
    %select_n3A_1824 = arith.select %gt3A_1819, %broadcast_in_dim3A_1822, %broadcast_in_dim3A_1823 : vector<16xi1>, vector<16xf32>
    %gt3A_1825 = arith.constant 0 : i32
    %gt3A_1826 = vector.broadcast %gt3A_1825 : i32 to vector<16xi32>
    %gt3A_1827 = arith.cmpi sgt, %scan3A_1631#6, %gt3A_1826 : vector<16xi32>
    %jit3A_1828 = arith.constant 1.000000e+00 : f32
    %jit3A_1829 = arith.constant 0.000000e+00 : f32
    %broadcast_in_dim3A_1830 = vector.broadcast %jit3A_1828 : f32 to vector<16xf32>
    %broadcast_in_dim3A_1831 = vector.broadcast %jit3A_1829 : f32 to vector<16xf32>
    %select_n3A_1832 = arith.select %gt3A_1827, %broadcast_in_dim3A_1830, %broadcast_in_dim3A_1831 : vector<16xi1>, vector<16xf32>
    %get3A_1833 = arith.constant 0 : i32
    %get3A_1834 = arith.index_cast %get3A_1833 : i32 to index
    %get3A_1835 = arith.constant 32 : index
    %get3A_1836 = tpu.vector_load %arg9[%get3A_1834, %get3A_1835] {strides = array<i32>} : memref<7x64xf32, #tpu.memory_space<vmem>>, vector<1x16xf32>,
    %get3A_1837 = vector.shape_cast %get3A_1836 : vector<1x16xf32> to vector<16xf32>
    %mul3A_1838 = arith.mulf %get3A_1837, %select_n3A_1824 : vector<16xf32>
    %swap3A_1839 = arith.constant 0 : i32
    %swap3A_1840 = arith.index_cast %swap3A_1839 : i32 to index
    %swap3A_1841 = arith.constant 32 : index
    %swap3A_1842 = tpu.vector_load %arg9[%swap3A_1840, %swap3A_1841] {strides = array<i32>} : memref<7x64xf32, #tpu.memory_space<vmem>>, vector<1x16xf32>,
    %swap3A_1843 = vector.shape_cast %swap3A_1842 : vector<1x16xf32> to vector<16xf32>
    %swap3A_1844 = vector.shape_cast %mul3A_1838 : vector<16xf32> to vector<1x16xf32>
    tpu.vector_store %arg9[%swap3A_1840, %swap3A_1841], %swap3A_1844 {strides = array<i32>} : memref<7x64xf32, #tpu.memory_space<vmem>>, vector<1x16xf32>,
    %get3A_1845 = arith.constant 1 : i32
    %get3A_1846 = arith.index_cast %get3A_1845 : i32 to index
    %get3A_1847 = arith.constant 32 : index
    %get3A_1848 = tpu.vector_load %arg9[%get3A_1846, %get3A_1847] {strides = array<i32>} : memref<7x64xf32, #tpu.memory_space<vmem>>, vector<1x16xf32>,
    %get3A_1849 = vector.shape_cast %get3A_1848 : vector<1x16xf32> to vector<16xf32>
    %mul3A_1850 = arith.mulf %get3A_1849, %select_n3A_1824 : vector<16xf32>
    %swap3A_1851 = arith.constant 1 : i32
    %swap3A_1852 = arith.index_cast %swap3A_1851 : i32 to index
    %swap3A_1853 = arith.constant 32 : index
    %swap3A_1854 = tpu.vector_load %arg9[%swap3A_1852, %swap3A_1853] {strides = array<i32>} : memref<7x64xf32, #tpu.memory_space<vmem>>, vector<1x16xf32>,
    %swap3A_1855 = vector.shape_cast %swap3A_1854 : vector<1x16xf32> to vector<16xf32>
    %swap3A_1856 = vector.shape_cast %mul3A_1850 : vector<16xf32> to vector<1x16xf32>
    tpu.vector_store %arg9[%swap3A_1852, %swap3A_1853], %swap3A_1856 {strides = array<i32>} : memref<7x64xf32, #tpu.memory_space<vmem>>, vector<1x16xf32>,
    %get3A_1857 = arith.constant 2 : i32
    %get3A_1858 = arith.index_cast %get3A_1857 : i32 to index
    %get3A_1859 = arith.constant 32 : index
    %get3A_1860 = tpu.vector_load %arg9[%get3A_1858, %get3A_1859] {strides = array<i32>} : memref<7x64xf32, #tpu.memory_space<vmem>>, vector<1x16xf32>,
    %get3A_1861 = vector.shape_cast %get3A_1860 : vector<1x16xf32> to vector<16xf32>
    %jit3A_1862 = arith.constant 1.000000e+00 : f32
    %broadcast_in_dim3A_1863 = vector.broadcast %jit3A_1862 : f32 to vector<16xf32>
    %select_n3A_1864 = arith.select %gt3A_1819, %get3A_1861, %broadcast_in_dim3A_1863 : vector<16xi1>, vector<16xf32>
    %swap3A_1865 = arith.constant 2 : i32
    %swap3A_1866 = arith.index_cast %swap3A_1865 : i32 to index
    %swap3A_1867 = arith.constant 32 : index
    %swap3A_1868 = tpu.vector_load %arg9[%swap3A_1866, %swap3A_1867] {strides = array<i32>} : memref<7x64xf32, #tpu.memory_space<vmem>>, vector<1x16xf32>,
    %swap3A_1869 = vector.shape_cast %swap3A_1868 : vector<1x16xf32> to vector<16xf32>
    %swap3A_1870 = vector.shape_cast %select_n3A_1864 : vector<16xf32> to vector<1x16xf32>
    tpu.vector_store %arg9[%swap3A_1866, %swap3A_1867], %swap3A_1870 {strides = array<i32>} : memref<7x64xf32, #tpu.memory_space<vmem>>, vector<1x16xf32>,
    %get3A_1871 = arith.constant 3 : i32
    %get3A_1872 = arith.index_cast %get3A_1871 : i32 to index
    %get3A_1873 = arith.constant 32 : index
    %get3A_1874 = tpu.vector_load %arg9[%get3A_1872, %get3A_1873] {strides = array<i32>} : memref<7x64xf32, #tpu.memory_space<vmem>>, vector<1x16xf32>,
    %get3A_1875 = vector.shape_cast %get3A_1874 : vector<1x16xf32> to vector<16xf32>
    %jit3A_1876 = arith.constant 1.000000e+00 : f32
    %broadcast_in_dim3A_1877 = vector.broadcast %jit3A_1876 : f32 to vector<16xf32>
    %select_n3A_1878 = arith.select %gt3A_1819, %get3A_1875, %broadcast_in_dim3A_1877 : vector<16xi1>, vector<16xf32>
    %swap3A_1879 = arith.constant 3 : i32
    %swap3A_1880 = arith.index_cast %swap3A_1879 : i32 to index
    %swap3A_1881 = arith.constant 32 : index
    %swap3A_1882 = tpu.vector_load %arg9[%swap3A_1880, %swap3A_1881] {strides = array<i32>} : memref<7x64xf32, #tpu.memory_space<vmem>>, vector<1x16xf32>,
    %swap3A_1883 = vector.shape_cast %swap3A_1882 : vector<1x16xf32> to vector<16xf32>
    %swap3A_1884 = vector.shape_cast %select_n3A_1878 : vector<16xf32> to vector<1x16xf32>
    tpu.vector_store %arg9[%swap3A_1880, %swap3A_1881], %swap3A_1884 {strides = array<i32>} : memref<7x64xf32, #tpu.memory_space<vmem>>, vector<1x16xf32>,
    %swap3A_1885 = arith.constant 4 : i32
    %swap3A_1886 = arith.index_cast %swap3A_1885 : i32 to index
    %swap3A_1887 = arith.constant 32 : index
    %swap3A_1888 = tpu.vector_load %arg9[%swap3A_1886, %swap3A_1887] {strides = array<i32>} : memref<7x64xf32, #tpu.memory_space<vmem>>, vector<1x16xf32>,
    %swap3A_1889 = vector.shape_cast %swap3A_1888 : vector<1x16xf32> to vector<16xf32>
    %swap3A_1890 = vector.shape_cast %select_n3A_1824 : vector<16xf32> to vector<1x16xf32>
    tpu.vector_store %arg9[%swap3A_1886, %swap3A_1887], %swap3A_1890 {strides = array<i32>} : memref<7x64xf32, #tpu.memory_space<vmem>>, vector<1x16xf32>,
    %swap3A_1891 = arith.constant 5 : i32
    %swap3A_1892 = arith.index_cast %swap3A_1891 : i32 to index
    %swap3A_1893 = arith.constant 32 : index
    %swap3A_1894 = tpu.vector_load %arg9[%swap3A_1892, %swap3A_1893] {strides = array<i32>} : memref<7x64xf32, #tpu.memory_space<vmem>>, vector<1x16xf32>,
    %swap3A_1895 = vector.shape_cast %swap3A_1894 : vector<1x16xf32> to vector<16xf32>
    %swap3A_1896 = vector.shape_cast %select_n3A_1832 : vector<16xf32> to vector<1x16xf32>
    tpu.vector_store %arg9[%swap3A_1892, %swap3A_1893], %swap3A_1896 {strides = array<i32>} : memref<7x64xf32, #tpu.memory_space<vmem>>, vector<1x16xf32>,
    %get3A_1897 = arith.constant 6 : i32
    %get3A_1898 = arith.index_cast %get3A_1897 : i32 to index
    %get3A_1899 = arith.constant 32 : index
    %get3A_1900 = tpu.vector_load %arg9[%get3A_1898, %get3A_1899] {strides = array<i32>} : memref<7x64xf32, #tpu.memory_space<vmem>>, vector<1x16xf32>,
    %get3A_1901 = vector.shape_cast %get3A_1900 : vector<1x16xf32> to vector<16xf32>
    %mul3A_1902 = arith.mulf %get3A_1901, %select_n3A_1824 : vector<16xf32>
    %swap3A_1903 = arith.constant 6 : i32
    %swap3A_1904 = arith.index_cast %swap3A_1903 : i32 to index
    %swap3A_1905 = arith.constant 32 : index
    %swap3A_1906 = tpu.vector_load %arg9[%swap3A_1904, %swap3A_1905] {strides = array<i32>} : memref<7x64xf32, #tpu.memory_space<vmem>>, vector<1x16xf32>,
    %swap3A_1907 = vector.shape_cast %swap3A_1906 : vector<1x16xf32> to vector<16xf32>
    %swap3A_1908 = vector.shape_cast %mul3A_1902 : vector<16xf32> to vector<1x16xf32>
    tpu.vector_store %arg9[%swap3A_1904, %swap3A_1905], %swap3A_1908 {strides = array<i32>} : memref<7x64xf32, #tpu.memory_space<vmem>>, vector<1x16xf32>,
    %gt3A_1909 = arith.constant 0 : i32
    %gt3A_1910 = vector.broadcast %gt3A_1909 : i32 to vector<16xi32>
    %gt3A_1911 = arith.cmpi sgt, %scan3A_1631#3, %gt3A_1910 : vector<16xi32>
    %jit3A_1912 = arith.constant 1.000000e+00 : f32
    %jit3A_1913 = arith.constant 0.000000e+00 : f32
    %broadcast_in_dim3A_1914 = vector.broadcast %jit3A_1912 : f32 to vector<16xf32>
    %broadcast_in_dim3A_1915 = vector.broadcast %jit3A_1913 : f32 to vector<16xf32>
    %select_n3A_1916 = arith.select %gt3A_1911, %broadcast_in_dim3A_1914, %broadcast_in_dim3A_1915 : vector<16xi1>, vector<16xf32>
    %gt3A_1917 = arith.constant 0 : i32
    %gt3A_1918 = vector.broadcast %gt3A_1917 : i32 to vector<16xi32>
    %gt3A_1919 = arith.cmpi sgt, %scan3A_1631#7, %gt3A_1918 : vector<16xi32>
    %jit3A_1920 = arith.constant 1.000000e+00 : f32
    %jit3A_1921 = arith.constant 0.000000e+00 : f32
    %broadcast_in_dim3A_1922 = vector.broadcast %jit3A_1920 : f32 to vector<16xf32>
    %broadcast_in_dim3A_1923 = vector.broadcast %jit3A_1921 : f32 to vector<16xf32>
    %select_n3A_1924 = arith.select %gt3A_1919, %broadcast_in_dim3A_1922, %broadcast_in_dim3A_1923 : vector<16xi1>, vector<16xf32>
    %get3A_1925 = arith.constant 0 : i32
    %get3A_1926 = arith.index_cast %get3A_1925 : i32 to index
    %get3A_1927 = arith.constant 48 : index
    %get3A_1928 = tpu.vector_load %arg9[%get3A_1926, %get3A_1927] {strides = array<i32>} : memref<7x64xf32, #tpu.memory_space<vmem>>, vector<1x16xf32>,
    %get3A_1929 = vector.shape_cast %get3A_1928 : vector<1x16xf32> to vector<16xf32>
    %mul3A_1930 = arith.mulf %get3A_1929, %select_n3A_1916 : vector<16xf32>
    %swap3A_1931 = arith.constant 0 : i32
    %swap3A_1932 = arith.index_cast %swap3A_1931 : i32 to index
    %swap3A_1933 = arith.constant 48 : index
    %swap3A_1934 = tpu.vector_load %arg9[%swap3A_1932, %swap3A_1933] {strides = array<i32>} : memref<7x64xf32, #tpu.memory_space<vmem>>, vector<1x16xf32>,
    %swap3A_1935 = vector.shape_cast %swap3A_1934 : vector<1x16xf32> to vector<16xf32>
    %swap3A_1936 = vector.shape_cast %mul3A_1930 : vector<16xf32> to vector<1x16xf32>
    tpu.vector_store %arg9[%swap3A_1932, %swap3A_1933], %swap3A_1936 {strides = array<i32>} : memref<7x64xf32, #tpu.memory_space<vmem>>, vector<1x16xf32>,
    %get3A_1937 = arith.constant 1 : i32
    %get3A_1938 = arith.index_cast %get3A_1937 : i32 to index
    %get3A_1939 = arith.constant 48 : index
    %get3A_1940 = tpu.vector_load %arg9[%get3A_1938, %get3A_1939] {strides = array<i32>} : memref<7x64xf32, #tpu.memory_space<vmem>>, vector<1x16xf32>,
    %get3A_1941 = vector.shape_cast %get3A_1940 : vector<1x16xf32> to vector<16xf32>
    %mul3A_1942 = arith.mulf %get3A_1941, %select_n3A_1916 : vector<16xf32>
    %swap3A_1943 = arith.constant 1 : i32
    %swap3A_1944 = arith.index_cast %swap3A_1943 : i32 to index
    %swap3A_1945 = arith.constant 48 : index
    %swap3A_1946 = tpu.vector_load %arg9[%swap3A_1944, %swap3A_1945] {strides = array<i32>} : memref<7x64xf32, #tpu.memory_space<vmem>>, vector<1x16xf32>,
    %swap3A_1947 = vector.shape_cast %swap3A_1946 : vector<1x16xf32> to vector<16xf32>
    %swap3A_1948 = vector.shape_cast %mul3A_1942 : vector<16xf32> to vector<1x16xf32>
    tpu.vector_store %arg9[%swap3A_1944, %swap3A_1945], %swap3A_1948 {strides = array<i32>} : memref<7x64xf32, #tpu.memory_space<vmem>>, vector<1x16xf32>,
    %get3A_1949 = arith.constant 2 : i32
    %get3A_1950 = arith.index_cast %get3A_1949 : i32 to index
    %get3A_1951 = arith.constant 48 : index
    %get3A_1952 = tpu.vector_load %arg9[%get3A_1950, %get3A_1951] {strides = array<i32>} : memref<7x64xf32, #tpu.memory_space<vmem>>, vector<1x16xf32>,
    %get3A_1953 = vector.shape_cast %get3A_1952 : vector<1x16xf32> to vector<16xf32>
    %jit3A_1954 = arith.constant 1.000000e+00 : f32
    %broadcast_in_dim3A_1955 = vector.broadcast %jit3A_1954 : f32 to vector<16xf32>
    %select_n3A_1956 = arith.select %gt3A_1911, %get3A_1953, %broadcast_in_dim3A_1955 : vector<16xi1>, vector<16xf32>
    %swap3A_1957 = arith.constant 2 : i32
    %swap3A_1958 = arith.index_cast %swap3A_1957 : i32 to index
    %swap3A_1959 = arith.constant 48 : index
    %swap3A_1960 = tpu.vector_load %arg9[%swap3A_1958, %swap3A_1959] {strides = array<i32>} : memref<7x64xf32, #tpu.memory_space<vmem>>, vector<1x16xf32>,
    %swap3A_1961 = vector.shape_cast %swap3A_1960 : vector<1x16xf32> to vector<16xf32>
    %swap3A_1962 = vector.shape_cast %select_n3A_1956 : vector<16xf32> to vector<1x16xf32>
    tpu.vector_store %arg9[%swap3A_1958, %swap3A_1959], %swap3A_1962 {strides = array<i32>} : memref<7x64xf32, #tpu.memory_space<vmem>>, vector<1x16xf32>,
    %get3A_1963 = arith.constant 3 : i32
    %get3A_1964 = arith.index_cast %get3A_1963 : i32 to index
    %get3A_1965 = arith.constant 48 : index
    %get3A_1966 = tpu.vector_load %arg9[%get3A_1964, %get3A_1965] {strides = array<i32>} : memref<7x64xf32, #tpu.memory_space<vmem>>, vector<1x16xf32>,
    %get3A_1967 = vector.shape_cast %get3A_1966 : vector<1x16xf32> to vector<16xf32>
    %jit3A_1968 = arith.constant 1.000000e+00 : f32
    %broadcast_in_dim3A_1969 = vector.broadcast %jit3A_1968 : f32 to vector<16xf32>
    %select_n3A_1970 = arith.select %gt3A_1911, %get3A_1967, %broadcast_in_dim3A_1969 : vector<16xi1>, vector<16xf32>
    %swap3A_1971 = arith.constant 3 : i32
    %swap3A_1972 = arith.index_cast %swap3A_1971 : i32 to index
    %swap3A_1973 = arith.constant 48 : index
    %swap3A_1974 = tpu.vector_load %arg9[%swap3A_1972, %swap3A_1973] {strides = array<i32>} : memref<7x64xf32, #tpu.memory_space<vmem>>, vector<1x16xf32>,
    %swap3A_1975 = vector.shape_cast %swap3A_1974 : vector<1x16xf32> to vector<16xf32>
    %swap3A_1976 = vector.shape_cast %select_n3A_1970 : vector<16xf32> to vector<1x16xf32>
    tpu.vector_store %arg9[%swap3A_1972, %swap3A_1973], %swap3A_1976 {strides = array<i32>} : memref<7x64xf32, #tpu.memory_space<vmem>>, vector<1x16xf32>,
    %swap3A_1977 = arith.constant 4 : i32
    %swap3A_1978 = arith.index_cast %swap3A_1977 : i32 to index
    %swap3A_1979 = arith.constant 48 : index
    %swap3A_1980 = tpu.vector_load %arg9[%swap3A_1978, %swap3A_1979] {strides = array<i32>} : memref<7x64xf32, #tpu.memory_space<vmem>>, vector<1x16xf32>,
    %swap3A_1981 = vector.shape_cast %swap3A_1980 : vector<1x16xf32> to vector<16xf32>
    %swap3A_1982 = vector.shape_cast %select_n3A_1916 : vector<16xf32> to vector<1x16xf32>
    tpu.vector_store %arg9[%swap3A_1978, %swap3A_1979], %swap3A_1982 {strides = array<i32>} : memref<7x64xf32, #tpu.memory_space<vmem>>, vector<1x16xf32>,
    %swap3A_1983 = arith.constant 5 : i32
    %swap3A_1984 = arith.index_cast %swap3A_1983 : i32 to index
    %swap3A_1985 = arith.constant 48 : index
    %swap3A_1986 = tpu.vector_load %arg9[%swap3A_1984, %swap3A_1985] {strides = array<i32>} : memref<7x64xf32, #tpu.memory_space<vmem>>, vector<1x16xf32>,
    %swap3A_1987 = vector.shape_cast %swap3A_1986 : vector<1x16xf32> to vector<16xf32>
    %swap3A_1988 = vector.shape_cast %select_n3A_1924 : vector<16xf32> to vector<1x16xf32>
    tpu.vector_store %arg9[%swap3A_1984, %swap3A_1985], %swap3A_1988 {strides = array<i32>} : memref<7x64xf32, #tpu.memory_space<vmem>>, vector<1x16xf32>,
    %get3A_1989 = arith.constant 6 : i32
    %get3A_1990 = arith.index_cast %get3A_1989 : i32 to index
    %get3A_1991 = arith.constant 48 : index
    %get3A_1992 = tpu.vector_load %arg9[%get3A_1990, %get3A_1991] {strides = array<i32>} : memref<7x64xf32, #tpu.memory_space<vmem>>, vector<1x16xf32>,
    %get3A_1993 = vector.shape_cast %get3A_1992 : vector<1x16xf32> to vector<16xf32>
    %mul3A_1994 = arith.mulf %get3A_1993, %select_n3A_1916 : vector<16xf32>
    %swap3A_1995 = arith.constant 6 : i32
    %swap3A_1996 = arith.index_cast %swap3A_1995 : i32 to index
    %swap3A_1997 = arith.constant 48 : index
    %swap3A_1998 = tpu.vector_load %arg9[%swap3A_1996, %swap3A_1997] {strides = array<i32>} : memref<7x64xf32, #tpu.memory_space<vmem>>, vector<1x16xf32>,
    %swap3A_1999 = vector.shape_cast %swap3A_1998 : vector<1x16xf32> to vector<16xf32>
    %swap3A_2000 = vector.shape_cast %mul3A_1994 : vector<16xf32> to vector<1x16xf32>
    tpu.vector_store %arg9[%swap3A_1996, %swap3A_1997], %swap3A_2000 {strides = array<i32>} : memref<7x64xf32, #tpu.memory_space<vmem>>, vector<1x16xf32>,
    %dma_wait3A = arith.constant 0 : i32
    %dma_wait3A_2001 = arith.constant 0 : i32
    %dma_wait3A_2002 = arith.constant 0 : i32
    %dma_wait3A_2003 = tpu.memref_slice %arg8[%dma_wait3A_2001, %dma_wait3A_2002] : memref<6x64xf32, #tpu.memory_space<vmem>> -> memref<1x64xf32, #tpu.memory_space<vmem>>
    %dma_wait3A_2004 = tpu.memref_squeeze %dma_wait3A_2003 : memref<1x64xf32, #tpu.memory_space<vmem>> -> memref<64xf32, #tpu.memory_space<vmem>>
    %dma_wait3A_2005 = arith.constant 0 : i32
    %dma_wait3A_2006 = tpu.memref_slice %arg7[%dma_wait3A, %dma_wait3A_2005] : memref<6x64xi32, #tpu.memory_space<vmem>> -> memref<1x64xi32, #tpu.memory_space<vmem>>
    %dma_wait3A_2007 = tpu.memref_squeeze %dma_wait3A_2006 : memref<1x64xi32, #tpu.memory_space<vmem>> -> memref<64xi32, #tpu.memory_space<vmem>>
    %dma_wait3A_2008 = arith.constant 0 : i32
    %dma_wait3A_2009 = tpu.memref_slice %arg3[%dma_wait3A_2008] : memref<2758080xf32, #tpu.memory_space<hbm>> -> memref<2758080xf32, #tpu.memory_space<hbm>>
    tpu.wait_indirect_dma semaphore(%arg10 : memref<!tpu.dma_semaphore, #tpu.memory_space<semaphore_mem>>) src(%dma_wait3A_2009 : memref<2758080xf32, #tpu.memory_space<hbm>>) dst(%dma_wait3A_2004 : memref<64xf32, #tpu.memory_space<vmem>>)
    %dma_wait3A_2010 = arith.constant 1 : i32
    %dma_wait3A_2011 = arith.constant 1 : i32
    %dma_wait3A_2012 = arith.constant 0 : i32
    %dma_wait3A_2013 = tpu.memref_slice %arg8[%dma_wait3A_2011, %dma_wait3A_2012] : memref<6x64xf32, #tpu.memory_space<vmem>> -> memref<1x64xf32, #tpu.memory_space<vmem>>
    %dma_wait3A_2014 = tpu.memref_squeeze %dma_wait3A_2013 : memref<1x64xf32, #tpu.memory_space<vmem>> -> memref<64xf32, #tpu.memory_space<vmem>>
    %dma_wait3A_2015 = arith.constant 0 : i32
    %dma_wait3A_2016 = tpu.memref_slice %arg7[%dma_wait3A_2010, %dma_wait3A_2015] : memref<6x64xi32, #tpu.memory_space<vmem>> -> memref<1x64xi32, #tpu.memory_space<vmem>>
    %dma_wait3A_2017 = tpu.memref_squeeze %dma_wait3A_2016 : memref<1x64xi32, #tpu.memory_space<vmem>> -> memref<64xi32, #tpu.memory_space<vmem>>
    %dma_wait3A_2018 = arith.constant 0 : i32
    %dma_wait3A_2019 = tpu.memref_slice %arg3[%dma_wait3A_2018] : memref<2758080xf32, #tpu.memory_space<hbm>> -> memref<2758080xf32, #tpu.memory_space<hbm>>
    tpu.wait_indirect_dma semaphore(%arg10 : memref<!tpu.dma_semaphore, #tpu.memory_space<semaphore_mem>>) src(%dma_wait3A_2019 : memref<2758080xf32, #tpu.memory_space<hbm>>) dst(%dma_wait3A_2014 : memref<64xf32, #tpu.memory_space<vmem>>)
    %dma_wait3A_2020 = arith.constant 2 : i32
    %dma_wait3A_2021 = arith.constant 2 : i32
    %dma_wait3A_2022 = arith.constant 0 : i32
    %dma_wait3A_2023 = tpu.memref_slice %arg8[%dma_wait3A_2021, %dma_wait3A_2022] : memref<6x64xf32, #tpu.memory_space<vmem>> -> memref<1x64xf32, #tpu.memory_space<vmem>>
    %dma_wait3A_2024 = tpu.memref_squeeze %dma_wait3A_2023 : memref<1x64xf32, #tpu.memory_space<vmem>> -> memref<64xf32, #tpu.memory_space<vmem>>
    %dma_wait3A_2025 = arith.constant 0 : i32
    %dma_wait3A_2026 = tpu.memref_slice %arg7[%dma_wait3A_2020, %dma_wait3A_2025] : memref<6x64xi32, #tpu.memory_space<vmem>> -> memref<1x64xi32, #tpu.memory_space<vmem>>
    %dma_wait3A_2027 = tpu.memref_squeeze %dma_wait3A_2026 : memref<1x64xi32, #tpu.memory_space<vmem>> -> memref<64xi32, #tpu.memory_space<vmem>>
    %dma_wait3A_2028 = arith.constant 0 : i32
    %dma_wait3A_2029 = tpu.memref_slice %arg3[%dma_wait3A_2028] : memref<2758080xf32, #tpu.memory_space<hbm>> -> memref<2758080xf32, #tpu.memory_space<hbm>>
    tpu.wait_indirect_dma semaphore(%arg10 : memref<!tpu.dma_semaphore, #tpu.memory_space<semaphore_mem>>) src(%dma_wait3A_2029 : memref<2758080xf32, #tpu.memory_space<hbm>>) dst(%dma_wait3A_2024 : memref<64xf32, #tpu.memory_space<vmem>>)
    %dma_wait3A_2030 = arith.constant 3 : i32
    %dma_wait3A_2031 = arith.constant 3 : i32
    %dma_wait3A_2032 = arith.constant 0 : i32
    %dma_wait3A_2033 = tpu.memref_slice %arg8[%dma_wait3A_2031, %dma_wait3A_2032] : memref<6x64xf32, #tpu.memory_space<vmem>> -> memref<1x64xf32, #tpu.memory_space<vmem>>
    %dma_wait3A_2034 = tpu.memref_squeeze %dma_wait3A_2033 : memref<1x64xf32, #tpu.memory_space<vmem>> -> memref<64xf32, #tpu.memory_space<vmem>>
    %dma_wait3A_2035 = arith.constant 0 : i32
    %dma_wait3A_2036 = tpu.memref_slice %arg7[%dma_wait3A_2030, %dma_wait3A_2035] : memref<6x64xi32, #tpu.memory_space<vmem>> -> memref<1x64xi32, #tpu.memory_space<vmem>>
    %dma_wait3A_2037 = tpu.memref_squeeze %dma_wait3A_2036 : memref<1x64xi32, #tpu.memory_space<vmem>> -> memref<64xi32, #tpu.memory_space<vmem>>
    %dma_wait3A_2038 = arith.constant 0 : i32
    %dma_wait3A_2039 = tpu.memref_slice %arg3[%dma_wait3A_2038] : memref<2758080xf32, #tpu.memory_space<hbm>> -> memref<2758080xf32, #tpu.memory_space<hbm>>
    tpu.wait_indirect_dma semaphore(%arg10 : memref<!tpu.dma_semaphore, #tpu.memory_space<semaphore_mem>>) src(%dma_wait3A_2039 : memref<2758080xf32, #tpu.memory_space<hbm>>) dst(%dma_wait3A_2034 : memref<64xf32, #tpu.memory_space<vmem>>)
    %dma_wait3A_2040 = arith.constant 4 : i32
    %dma_wait3A_2041 = arith.constant 4 : i32
    %dma_wait3A_2042 = arith.constant 0 : i32
    %dma_wait3A_2043 = tpu.memref_slice %arg8[%dma_wait3A_2041, %dma_wait3A_2042] : memref<6x64xf32, #tpu.memory_space<vmem>> -> memref<1x64xf32, #tpu.memory_space<vmem>>
    %dma_wait3A_2044 = tpu.memref_squeeze %dma_wait3A_2043 : memref<1x64xf32, #tpu.memory_space<vmem>> -> memref<64xf32, #tpu.memory_space<vmem>>
    %dma_wait3A_2045 = arith.constant 0 : i32
    %dma_wait3A_2046 = tpu.memref_slice %arg7[%dma_wait3A_2040, %dma_wait3A_2045] : memref<6x64xi32, #tpu.memory_space<vmem>> -> memref<1x64xi32, #tpu.memory_space<vmem>>
    %dma_wait3A_2047 = tpu.memref_squeeze %dma_wait3A_2046 : memref<1x64xi32, #tpu.memory_space<vmem>> -> memref<64xi32, #tpu.memory_space<vmem>>
    %dma_wait3A_2048 = arith.constant 0 : i32
    %dma_wait3A_2049 = tpu.memref_slice %arg3[%dma_wait3A_2048] : memref<2758080xf32, #tpu.memory_space<hbm>> -> memref<2758080xf32, #tpu.memory_space<hbm>>
    tpu.wait_indirect_dma semaphore(%arg10 : memref<!tpu.dma_semaphore, #tpu.memory_space<semaphore_mem>>) src(%dma_wait3A_2049 : memref<2758080xf32, #tpu.memory_space<hbm>>) dst(%dma_wait3A_2044 : memref<64xf32, #tpu.memory_space<vmem>>)
    %dma_wait3A_2050 = arith.constant 5 : i32
    %dma_wait3A_2051 = arith.constant 5 : i32
    %dma_wait3A_2052 = arith.constant 0 : i32
    %dma_wait3A_2053 = tpu.memref_slice %arg8[%dma_wait3A_2051, %dma_wait3A_2052] : memref<6x64xf32, #tpu.memory_space<vmem>> -> memref<1x64xf32, #tpu.memory_space<vmem>>
    %dma_wait3A_2054 = tpu.memref_squeeze %dma_wait3A_2053 : memref<1x64xf32, #tpu.memory_space<vmem>> -> memref<64xf32, #tpu.memory_space<vmem>>
    %dma_wait3A_2055 = arith.constant 0 : i32
    %dma_wait3A_2056 = tpu.memref_slice %arg7[%dma_wait3A_2050, %dma_wait3A_2055] : memref<6x64xi32, #tpu.memory_space<vmem>> -> memref<1x64xi32, #tpu.memory_space<vmem>>
    %dma_wait3A_2057 = tpu.memref_squeeze %dma_wait3A_2056 : memref<1x64xi32, #tpu.memory_space<vmem>> -> memref<64xi32, #tpu.memory_space<vmem>>
    %dma_wait3A_2058 = arith.constant 0 : i32
    %dma_wait3A_2059 = tpu.memref_slice %arg3[%dma_wait3A_2058] : memref<2758080xf32, #tpu.memory_space<hbm>> -> memref<2758080xf32, #tpu.memory_space<hbm>>
    tpu.wait_indirect_dma semaphore(%arg10 : memref<!tpu.dma_semaphore, #tpu.memory_space<semaphore_mem>>) src(%dma_wait3A_2059 : memref<2758080xf32, #tpu.memory_space<hbm>>) dst(%dma_wait3A_2054 : memref<64xf32, #tpu.memory_space<vmem>>)
    "tpu.region"() ({
      %run_scoped3A = tpu.sem_alloc : memref<!tpu.dma_semaphore, #tpu.memory_space<semaphore_mem>>
      %dma_start3A_4138 = arith.constant 0 : i32
      %dma_start3A_4139 = arith.constant 0 : i32
      %dma_start3A_4140 = tpu.memref_slice %arg4[%add3A_4, %dma_start3A_4138, %dma_start3A_4139] : memref<64x7x64xf32, #tpu.memory_space<hbm>> -> memref<1x7x64xf32, #tpu.memory_space<hbm>>
      %dma_start3A_4141 = tpu.memref_squeeze %dma_start3A_4140 : memref<1x7x64xf32, #tpu.memory_space<hbm>> -> memref<7x64xf32, #tpu.memory_space<hbm>>
      %dma_start3A_4142 = arith.constant 0 : i32
      %dma_start3A_4143 = arith.constant 0 : i32
      %dma_start3A_4144 = tpu.memref_slice %arg4[%add3A_4, %dma_start3A_4142, %dma_start3A_4143] : memref<64x7x64xf32, #tpu.memory_space<hbm>> -> memref<1x7x64xf32, #tpu.memory_space<hbm>>
      %dma_start3A_4145 = tpu.memref_squeeze %dma_start3A_4144 : memref<1x7x64xf32, #tpu.memory_space<hbm>> -> memref<7x64xf32, #tpu.memory_space<hbm>>
      tpu.enqueue_dma source(%arg9 : memref<7x64xf32, #tpu.memory_space<vmem>>) target(%dma_start3A_4145 : memref<7x64xf32, #tpu.memory_space<hbm>>) target_semaphore(%run_scoped3A : memref<!tpu.dma_semaphore, #tpu.memory_space<semaphore_mem>>)
      %dma_wait3A_4146 = arith.constant 0 : i32
      %dma_wait3A_4147 = arith.constant 0 : i32
      %dma_wait3A_4148 = tpu.memref_slice %arg4[%add3A_4, %dma_wait3A_4146, %dma_wait3A_4147] : memref<64x7x64xf32, #tpu.memory_space<hbm>> -> memref<1x7x64xf32, #tpu.memory_space<hbm>>
      %dma_wait3A_4149 = tpu.memref_squeeze %dma_wait3A_4148 : memref<1x7x64xf32, #tpu.memory_space<hbm>> -> memref<7x64xf32, #tpu.memory_space<hbm>>
      %dma_wait3A_4150 = arith.constant 0 : i32
      %dma_wait3A_4151 = arith.constant 0 : i32
      %dma_wait3A_4152 = tpu.memref_slice %arg4[%add3A_4, %dma_wait3A_4150, %dma_wait3A_4151] : memref<64x7x64xf32, #tpu.memory_space<hbm>> -> memref<1x7x64xf32, #tpu.memory_space<hbm>>
      %dma_wait3A_4153 = tpu.memref_squeeze %dma_wait3A_4152 : memref<1x7x64xf32, #tpu.memory_space<hbm>> -> memref<7x64xf32, #tpu.memory_space<hbm>>
      tpu.wait_dma2 semaphore(%run_scoped3A : memref<!tpu.dma_semaphore, #tpu.memory_space<semaphore_mem>>) src(%arg9 : memref<7x64xf32, #tpu.memory_space<vmem>>) dst(%dma_wait3A_4153 : memref<7x64xf32, #tpu.memory_space<hbm>>)
      tpu.yield
    }) : () -> ()
    "tpu.region"() ({
      %run_scoped3A = tpu.sem_alloc : memref<!tpu.dma_semaphore, #tpu.memory_space<semaphore_mem>>
      %dma_start3A_4138 = arith.constant 0 : i32
      %dma_start3A_4139 = arith.constant 0 : i32
      %dma_start3A_4140 = tpu.memref_slice %arg5[%add3A_4, %dma_start3A_4138, %dma_start3A_4139] : memref<64x6x64xf32, #tpu.memory_space<hbm>> -> memref<1x6x64xf32, #tpu.memory_space<hbm>>
      %dma_start3A_4141 = tpu.memref_squeeze %dma_start3A_4140 : memref<1x6x64xf32, #tpu.memory_space<hbm>> -> memref<6x64xf32, #tpu.memory_space<hbm>>
      %dma_start3A_4142 = arith.constant 0 : i32
      %dma_start3A_4143 = arith.constant 0 : i32
      %dma_start3A_4144 = tpu.memref_slice %arg5[%add3A_4, %dma_start3A_4142, %dma_start3A_4143] : memref<64x6x64xf32, #tpu.memory_space<hbm>> -> memref<1x6x64xf32, #tpu.memory_space<hbm>>
      %dma_start3A_4145 = tpu.memref_squeeze %dma_start3A_4144 : memref<1x6x64xf32, #tpu.memory_space<hbm>> -> memref<6x64xf32, #tpu.memory_space<hbm>>
      tpu.enqueue_dma source(%arg8 : memref<6x64xf32, #tpu.memory_space<vmem>>) target(%dma_start3A_4145 : memref<6x64xf32, #tpu.memory_space<hbm>>) target_semaphore(%run_scoped3A : memref<!tpu.dma_semaphore, #tpu.memory_space<semaphore_mem>>)
      %dma_wait3A_4146 = arith.constant 0 : i32
      %dma_wait3A_4147 = arith.constant 0 : i32
      %dma_wait3A_4148 = tpu.memref_slice %arg5[%add3A_4, %dma_wait3A_4146, %dma_wait3A_4147] : memref<64x6x64xf32, #tpu.memory_space<hbm>> -> memref<1x6x64xf32, #tpu.memory_space<hbm>>
      %dma_wait3A_4149 = tpu.memref_squeeze %dma_wait3A_4148 : memref<1x6x64xf32, #tpu.memory_space<hbm>> -> memref<6x64xf32, #tpu.memory_space<hbm>>
      %dma_wait3A_4150 = arith.constant 0 : i32
      %dma_wait3A_4151 = arith.constant 0 : i32
      %dma_wait3A_4152 = tpu.memref_slice %arg5[%add3A_4, %dma_wait3A_4150, %dma_wait3A_4151] : memref<64x6x64xf32, #tpu.memory_space<hbm>> -> memref<1x6x64xf32, #tpu.memory_space<hbm>>
      %dma_wait3A_4153 = tpu.memref_squeeze %dma_wait3A_4152 : memref<1x6x64xf32, #tpu.memory_space<hbm>> -> memref<6x64xf32, #tpu.memory_space<hbm>>
      tpu.wait_dma2 semaphore(%run_scoped3A : memref<!tpu.dma_semaphore, #tpu.memory_space<semaphore_mem>>) src(%arg8 : memref<6x64xf32, #tpu.memory_space<vmem>>) dst(%dma_wait3A_4153 : memref<6x64xf32, #tpu.memory_space<hbm>>)
      tpu.yield
    }) : () -> ()
    %mul3A_2060 = arith.constant 2 : i32
    %mul3A_2061 = arith.muli %add3A, %mul3A_2060 : i32
    %add3A_2062 = arith.constant 1 : i32
    %add3A_2063 = arith.addi %mul3A_2061, %add3A_2062 : i32
    "tpu.region"() ({
      %run_scoped3A = tpu.sem_alloc : memref<!tpu.dma_semaphore, #tpu.memory_space<semaphore_mem>>
      %dma_start3A_4138 = arith.constant 0 : i32
      %dma_start3A_4139 = arith.constant 0 : i32
      %dma_start3A_4140 = tpu.memref_slice %arg2[%add3A_2063, %dma_start3A_4138, %dma_start3A_4139] : memref<64x5x64xf32, #tpu.memory_space<hbm>> -> memref<1x5x64xf32, #tpu.memory_space<hbm>>
      %dma_start3A_4141 = tpu.memref_squeeze %dma_start3A_4140 : memref<1x5x64xf32, #tpu.memory_space<hbm>> -> memref<5x64xf32, #tpu.memory_space<hbm>>
      %dma_start3A_4142 = arith.constant 0 : i32
      %dma_start3A_4143 = arith.constant 0 : i32
      %dma_start3A_4144 = tpu.memref_slice %arg2[%add3A_2063, %dma_start3A_4142, %dma_start3A_4143] : memref<64x5x64xf32, #tpu.memory_space<hbm>> -> memref<1x5x64xf32, #tpu.memory_space<hbm>>
      %dma_start3A_4145 = tpu.memref_squeeze %dma_start3A_4144 : memref<1x5x64xf32, #tpu.memory_space<hbm>> -> memref<5x64xf32, #tpu.memory_space<hbm>>
      tpu.enqueue_dma source(%dma_start3A_4145 : memref<5x64xf32, #tpu.memory_space<hbm>>) target(%arg6 : memref<5x64xf32, #tpu.memory_space<vmem>>) target_semaphore(%run_scoped3A : memref<!tpu.dma_semaphore, #tpu.memory_space<semaphore_mem>>)
      %dma_wait3A_4146 = arith.constant 0 : i32
      %dma_wait3A_4147 = arith.constant 0 : i32
      %dma_wait3A_4148 = tpu.memref_slice %arg2[%add3A_2063, %dma_wait3A_4146, %dma_wait3A_4147] : memref<64x5x64xf32, #tpu.memory_space<hbm>> -> memref<1x5x64xf32, #tpu.memory_space<hbm>>
      %dma_wait3A_4149 = tpu.memref_squeeze %dma_wait3A_4148 : memref<1x5x64xf32, #tpu.memory_space<hbm>> -> memref<5x64xf32, #tpu.memory_space<hbm>>
      %dma_wait3A_4150 = arith.constant 0 : i32
      %dma_wait3A_4151 = arith.constant 0 : i32
      %dma_wait3A_4152 = tpu.memref_slice %arg2[%add3A_2063, %dma_wait3A_4150, %dma_wait3A_4151] : memref<64x5x64xf32, #tpu.memory_space<hbm>> -> memref<1x5x64xf32, #tpu.memory_space<hbm>>
      %dma_wait3A_4153 = tpu.memref_squeeze %dma_wait3A_4152 : memref<1x5x64xf32, #tpu.memory_space<hbm>> -> memref<5x64xf32, #tpu.memory_space<hbm>>
      tpu.wait_dma2 semaphore(%run_scoped3A : memref<!tpu.dma_semaphore, #tpu.memory_space<semaphore_mem>>) src(%dma_wait3A_4153 : memref<5x64xf32, #tpu.memory_space<hbm>>) dst(%arg6 : memref<5x64xf32, #tpu.memory_space<vmem>>)
      tpu.yield
    }) : () -> ()
    %get3A_2064 = arith.constant 0 : i32
    %get3A_2065 = arith.index_cast %get3A_2064 : i32 to index
    %get3A_2066 = arith.constant 0 : index
    %get3A_2067 = tpu.vector_load %arg6[%get3A_2065, %get3A_2066] {strides = array<i32>} : memref<5x64xf32, #tpu.memory_space<vmem>>, vector<1x16xf32>,
    %get3A_2068 = vector.shape_cast %get3A_2067 : vector<1x16xf32> to vector<16xf32>
    %get3A_2069 = arith.constant 1 : i32
    %get3A_2070 = arith.index_cast %get3A_2069 : i32 to index
    %get3A_2071 = arith.constant 0 : index
    %get3A_2072 = tpu.vector_load %arg6[%get3A_2070, %get3A_2071] {strides = array<i32>} : memref<5x64xf32, #tpu.memory_space<vmem>>, vector<1x16xf32>,
    %get3A_2073 = vector.shape_cast %get3A_2072 : vector<1x16xf32> to vector<16xf32>
    %get3A_2074 = arith.constant 2 : i32
    %get3A_2075 = arith.index_cast %get3A_2074 : i32 to index
    %get3A_2076 = arith.constant 0 : index
    %get3A_2077 = tpu.vector_load %arg6[%get3A_2075, %get3A_2076] {strides = array<i32>} : memref<5x64xf32, #tpu.memory_space<vmem>>, vector<1x16xf32>,
    %get3A_2078 = vector.shape_cast %get3A_2077 : vector<1x16xf32> to vector<16xf32>
    %get3A_2079 = arith.constant 3 : i32
    %get3A_2080 = arith.index_cast %get3A_2079 : i32 to index
    %get3A_2081 = arith.constant 0 : index
    %get3A_2082 = tpu.vector_load %arg6[%get3A_2080, %get3A_2081] {strides = array<i32>} : memref<5x64xf32, #tpu.memory_space<vmem>>, vector<1x16xf32>,
    %get3A_2083 = vector.shape_cast %get3A_2082 : vector<1x16xf32> to vector<16xf32>
    %get3A_2084 = arith.constant 4 : i32
    %get3A_2085 = arith.index_cast %get3A_2084 : i32 to index
    %get3A_2086 = arith.constant 0 : index
    %get3A_2087 = tpu.vector_load %arg6[%get3A_2085, %get3A_2086] {strides = array<i32>} : memref<5x64xf32, #tpu.memory_space<vmem>>, vector<1x16xf32>,
    %get3A_2088 = vector.shape_cast %get3A_2087 : vector<1x16xf32> to vector<16xf32>
    %iota3A_2089 = tpu.iota {dimensions = array<i32: 0>} : vector<16xi32>
    %add3A_2090 = arith.constant 0 : i32
    %add3A_2091 = vector.broadcast %add3A_2090 : i32 to vector<16xi32>
    %add3A_2092 = arith.addi %iota3A_2089, %add3A_2091 : vector<16xi32>
    %mul3A_2093 = arith.mulf %get3A_2078, %get3A_2083 : vector<16xf32>
    %broadcast_in_dim3A_2094 = arith.constant -1.000000e+00 : f32
    %broadcast_in_dim3A_2095 = vector.broadcast %broadcast_in_dim3A_2094 : f32 to vector<16xf32>
    %broadcast_in_dim3A_2096 = arith.constant 0 : i32
    %broadcast_in_dim3A_2097 = vector.broadcast %broadcast_in_dim3A_2096 : i32 to vector<16xi32>
    %min3A_2098 = arith.constant 0.278846145 : f32
    %min3A_2099 = vector.broadcast %min3A_2098 : f32 to vector<16xf32>
    %min3A_2100 = arith.minimumf %get3A_2078, %min3A_2099 : vector<16xf32>
    %min3A_2101 = arith.constant 0.21634616 : f32
    %min3A_2102 = vector.broadcast %min3A_2101 : f32 to vector<16xf32>
    %min3A_2103 = arith.minimumf %get3A_2083, %min3A_2102 : vector<16xf32>
    %mul3A_2104 = arith.mulf %min3A_2100, %min3A_2103 : vector<16xf32>
    %add3A_2105 = arith.constant 0.0603272914 : f32
    %add3A_2106 = vector.broadcast %add3A_2105 : f32 to vector<16xf32>
    %add3A_2107 = arith.addf %mul3A_2093, %add3A_2106 : vector<16xf32>
    %sub3A_2108 = arith.subf %add3A_2107, %mul3A_2104 : vector<16xf32>
    %div3A_2109 = arith.divf %mul3A_2104, %sub3A_2108 : vector<16xf32>
    %gt3A_2110 = arith.cmpf ogt, %div3A_2109, %broadcast_in_dim3A_2095 : vector<16xf32>
    %select_n3A_2111 = arith.select %gt3A_2110, %div3A_2109, %broadcast_in_dim3A_2095 : vector<16xi1>, vector<16xf32>
    %broadcast_in_dim3A_2112 = arith.constant 0 : i32
    %broadcast_in_dim3A_2113 = vector.broadcast %broadcast_in_dim3A_2112 : i32 to vector<16xi32>
    %select_n3A_2114 = arith.select %gt3A_2110, %broadcast_in_dim3A_2113, %broadcast_in_dim3A_2097 : vector<16xi1>, vector<16xi32>
    %min3A_2115 = arith.constant 3.750000e-01 : f32
    %min3A_2116 = vector.broadcast %min3A_2115 : f32 to vector<16xf32>
    %min3A_2117 = arith.minimumf %get3A_2078, %min3A_2116 : vector<16xf32>
    %min3A_2118 = arith.constant 0.475961536 : f32
    %min3A_2119 = vector.broadcast %min3A_2118 : f32 to vector<16xf32>
    %min3A_2120 = arith.minimumf %get3A_2083, %min3A_2119 : vector<16xf32>
    %mul3A_2121 = arith.mulf %min3A_2117, %min3A_2120 : vector<16xf32>
    %add3A_2122 = arith.constant 0.178485572 : f32
    %add3A_2123 = vector.broadcast %add3A_2122 : f32 to vector<16xf32>
    %add3A_2124 = arith.addf %mul3A_2093, %add3A_2123 : vector<16xf32>
    %sub3A_2125 = arith.subf %add3A_2124, %mul3A_2121 : vector<16xf32>
    %div3A_2126 = arith.divf %mul3A_2121, %sub3A_2125 : vector<16xf32>
    %gt3A_2127 = arith.cmpf ogt, %div3A_2126, %select_n3A_2111 : vector<16xf32>
    %select_n3A_2128 = arith.select %gt3A_2127, %div3A_2126, %select_n3A_2111 : vector<16xi1>, vector<16xf32>
    %broadcast_in_dim3A_2129 = arith.constant 1 : i32
    %broadcast_in_dim3A_2130 = vector.broadcast %broadcast_in_dim3A_2129 : i32 to vector<16xi32>
    %select_n3A_2131 = arith.select %gt3A_2127, %broadcast_in_dim3A_2130, %select_n3A_2114 : vector<16xi1>, vector<16xi32>
    %min3A_2132 = arith.constant 0.896634638 : f32
    %min3A_2133 = vector.broadcast %min3A_2132 : f32 to vector<16xf32>
    %min3A_2134 = arith.minimumf %get3A_2078, %min3A_2133 : vector<16xf32>
    %min3A_2135 = arith.constant 0.783653855 : f32
    %min3A_2136 = vector.broadcast %min3A_2135 : f32 to vector<16xf32>
    %min3A_2137 = arith.minimumf %get3A_2083, %min3A_2136 : vector<16xf32>
    %mul3A_2138 = arith.mulf %min3A_2134, %min3A_2137 : vector<16xf32>
    %add3A_2139 = arith.constant 0.702651143 : f32
    %add3A_2140 = vector.broadcast %add3A_2139 : f32 to vector<16xf32>
    %add3A_2141 = arith.addf %mul3A_2093, %add3A_2140 : vector<16xf32>
    %sub3A_2142 = arith.subf %add3A_2141, %mul3A_2138 : vector<16xf32>
    %div3A_2143 = arith.divf %mul3A_2138, %sub3A_2142 : vector<16xf32>
    %gt3A_2144 = arith.cmpf ogt, %div3A_2143, %select_n3A_2128 : vector<16xf32>
    %select_n3A_2145 = arith.select %gt3A_2144, %div3A_2143, %select_n3A_2128 : vector<16xi1>, vector<16xf32>
    %broadcast_in_dim3A_2146 = arith.constant 2 : i32
    %broadcast_in_dim3A_2147 = vector.broadcast %broadcast_in_dim3A_2146 : i32 to vector<16xi32>
    %select_n3A_2148 = arith.select %gt3A_2144, %broadcast_in_dim3A_2147, %select_n3A_2131 : vector<16xi1>, vector<16xi32>
    %min3A_2149 = arith.constant 0.072115384 : f32
    %min3A_2150 = vector.broadcast %min3A_2149 : f32 to vector<16xf32>
    %min3A_2151 = arith.minimumf %get3A_2078, %min3A_2150 : vector<16xf32>
    %min3A_2152 = arith.constant 0.146634609 : f32
    %min3A_2153 = vector.broadcast %min3A_2152 : f32 to vector<16xf32>
    %min3A_2154 = arith.minimumf %get3A_2083, %min3A_2153 : vector<16xf32>
    %mul3A_2155 = arith.mulf %min3A_2151, %min3A_2154 : vector<16xf32>
    %add3A_2156 = arith.constant 0.0105746118 : f32
    %add3A_2157 = vector.broadcast %add3A_2156 : f32 to vector<16xf32>
    %add3A_2158 = arith.addf %mul3A_2093, %add3A_2157 : vector<16xf32>
    %sub3A_2159 = arith.subf %add3A_2158, %mul3A_2155 : vector<16xf32>
    %div3A_2160 = arith.divf %mul3A_2155, %sub3A_2159 : vector<16xf32>
    %gt3A_2161 = arith.cmpf ogt, %div3A_2160, %select_n3A_2145 : vector<16xf32>
    %select_n3A_2162 = arith.select %gt3A_2161, %div3A_2160, %select_n3A_2145 : vector<16xi1>, vector<16xf32>
    %broadcast_in_dim3A_2163 = arith.constant 3 : i32
    %broadcast_in_dim3A_2164 = vector.broadcast %broadcast_in_dim3A_2163 : i32 to vector<16xi32>
    %select_n3A_2165 = arith.select %gt3A_2161, %broadcast_in_dim3A_2164, %select_n3A_2148 : vector<16xi1>, vector<16xi32>
    %min3A_2166 = arith.constant 0.149038464 : f32
    %min3A_2167 = vector.broadcast %min3A_2166 : f32 to vector<16xf32>
    %min3A_2168 = arith.minimumf %get3A_2078, %min3A_2167 : vector<16xf32>
    %min3A_2169 = arith.constant 0.10817308 : f32
    %min3A_2170 = vector.broadcast %min3A_2169 : f32 to vector<16xf32>
    %min3A_2171 = arith.minimumf %get3A_2083, %min3A_2170 : vector<16xf32>
    %mul3A_2172 = arith.mulf %min3A_2168, %min3A_2171 : vector<16xf32>
    %add3A_2173 = arith.constant 0.0161219481 : f32
    %add3A_2174 = vector.broadcast %add3A_2173 : f32 to vector<16xf32>
    %add3A_2175 = arith.addf %mul3A_2093, %add3A_2174 : vector<16xf32>
    %sub3A_2176 = arith.subf %add3A_2175, %mul3A_2172 : vector<16xf32>
    %div3A_2177 = arith.divf %mul3A_2172, %sub3A_2176 : vector<16xf32>
    %gt3A_2178 = arith.cmpf ogt, %div3A_2177, %select_n3A_2162 : vector<16xf32>
    %select_n3A_2179 = arith.select %gt3A_2178, %div3A_2177, %select_n3A_2162 : vector<16xi1>, vector<16xf32>
    %broadcast_in_dim3A_2180 = arith.constant 4 : i32
    %broadcast_in_dim3A_2181 = vector.broadcast %broadcast_in_dim3A_2180 : i32 to vector<16xi32>
    %select_n3A_2182 = arith.select %gt3A_2178, %broadcast_in_dim3A_2181, %select_n3A_2165 : vector<16xi1>, vector<16xi32>
    %min3A_2183 = arith.constant 0.141826928 : f32
    %min3A_2184 = vector.broadcast %min3A_2183 : f32 to vector<16xf32>
    %min3A_2185 = arith.minimumf %get3A_2078, %min3A_2184 : vector<16xf32>
    %min3A_2186 = arith.constant 0.286057681 : f32
    %min3A_2187 = vector.broadcast %min3A_2186 : f32 to vector<16xf32>
    %min3A_2188 = arith.minimumf %get3A_2083, %min3A_2187 : vector<16xf32>
    %mul3A_2189 = arith.mulf %min3A_2185, %min3A_2188 : vector<16xf32>
    %add3A_2190 = arith.constant 0.0405706838 : f32
    %add3A_2191 = vector.broadcast %add3A_2190 : f32 to vector<16xf32>
    %add3A_2192 = arith.addf %mul3A_2093, %add3A_2191 : vector<16xf32>
    %sub3A_2193 = arith.subf %add3A_2192, %mul3A_2189 : vector<16xf32>
    %div3A_2194 = arith.divf %mul3A_2189, %sub3A_2193 : vector<16xf32>
    %gt3A_2195 = arith.cmpf ogt, %div3A_2194, %select_n3A_2179 : vector<16xf32>
    %select_n3A_2196 = arith.select %gt3A_2195, %div3A_2194, %select_n3A_2179 : vector<16xi1>, vector<16xf32>
    %broadcast_in_dim3A_2197 = arith.constant 5 : i32
    %broadcast_in_dim3A_2198 = vector.broadcast %broadcast_in_dim3A_2197 : i32 to vector<16xi32>
    %select_n3A_2199 = arith.select %gt3A_2195, %broadcast_in_dim3A_2198, %select_n3A_2182 : vector<16xi1>, vector<16xi32>
    %min3A_2200 = arith.constant 0.024038462 : f32
    %min3A_2201 = vector.broadcast %min3A_2200 : f32 to vector<16xf32>
    %min3A_2202 = arith.minimumf %get3A_2078, %min3A_2201 : vector<16xf32>
    %min3A_2203 = arith.constant 3.125000e-02 : f32
    %min3A_2204 = vector.broadcast %min3A_2203 : f32 to vector<16xf32>
    %min3A_2205 = arith.minimumf %get3A_2083, %min3A_2204 : vector<16xf32>
    %mul3A_2206 = arith.mulf %min3A_2202, %min3A_2205 : vector<16xf32>
    %add3A_2207 = arith.constant 7.51201937E-4 : f32
    %add3A_2208 = vector.broadcast %add3A_2207 : f32 to vector<16xf32>
    %add3A_2209 = arith.addf %mul3A_2093, %add3A_2208 : vector<16xf32>
    %sub3A_2210 = arith.subf %add3A_2209, %mul3A_2206 : vector<16xf32>
    %div3A_2211 = arith.divf %mul3A_2206, %sub3A_2210 : vector<16xf32>
    %gt3A_2212 = arith.cmpf ogt, %div3A_2211, %select_n3A_2196 : vector<16xf32>
    %select_n3A_2213 = arith.select %gt3A_2212, %div3A_2211, %select_n3A_2196 : vector<16xi1>, vector<16xf32>
    %broadcast_in_dim3A_2214 = arith.constant 6 : i32
    %broadcast_in_dim3A_2215 = vector.broadcast %broadcast_in_dim3A_2214 : i32 to vector<16xi32>
    %select_n3A_2216 = arith.select %gt3A_2212, %broadcast_in_dim3A_2215, %select_n3A_2199 : vector<16xi1>, vector<16xi32>
    %min3A_2217 = arith.constant 0.0384615399 : f32
    %min3A_2218 = vector.broadcast %min3A_2217 : f32 to vector<16xf32>
    %min3A_2219 = arith.minimumf %get3A_2078, %min3A_2218 : vector<16xf32>
    %min3A_2220 = arith.constant 0.072115384 : f32
    %min3A_2221 = vector.broadcast %min3A_2220 : f32 to vector<16xf32>
    %min3A_2222 = arith.minimumf %get3A_2083, %min3A_2221 : vector<16xf32>
    %mul3A_2223 = arith.mulf %min3A_2219, %min3A_2222 : vector<16xf32>
    %add3A_2224 = arith.constant 0.00277366862 : f32
    %add3A_2225 = vector.broadcast %add3A_2224 : f32 to vector<16xf32>
    %add3A_2226 = arith.addf %mul3A_2093, %add3A_2225 : vector<16xf32>
    %sub3A_2227 = arith.subf %add3A_2226, %mul3A_2223 : vector<16xf32>
    %div3A_2228 = arith.divf %mul3A_2223, %sub3A_2227 : vector<16xf32>
    %gt3A_2229 = arith.cmpf ogt, %div3A_2228, %select_n3A_2213 : vector<16xf32>
    %select_n3A_2230 = arith.select %gt3A_2229, %div3A_2228, %select_n3A_2213 : vector<16xi1>, vector<16xf32>
    %broadcast_in_dim3A_2231 = arith.constant 7 : i32
    %broadcast_in_dim3A_2232 = vector.broadcast %broadcast_in_dim3A_2231 : i32 to vector<16xi32>
    %select_n3A_2233 = arith.select %gt3A_2229, %broadcast_in_dim3A_2232, %select_n3A_2216 : vector<16xi1>, vector<16xi32>
    %min3A_2234 = arith.constant 0.0793269202 : f32
    %min3A_2235 = vector.broadcast %min3A_2234 : f32 to vector<16xf32>
    %min3A_2236 = arith.minimumf %get3A_2078, %min3A_2235 : vector<16xf32>
    %min3A_2237 = arith.constant 0.0552884601 : f32
    %min3A_2238 = vector.broadcast %min3A_2237 : f32 to vector<16xf32>
    %min3A_2239 = arith.minimumf %get3A_2083, %min3A_2238 : vector<16xf32>
    %mul3A_2240 = arith.mulf %min3A_2236, %min3A_2239 : vector<16xf32>
    %add3A_2241 = arith.constant 0.00438586343 : f32
    %add3A_2242 = vector.broadcast %add3A_2241 : f32 to vector<16xf32>
    %add3A_2243 = arith.addf %mul3A_2093, %add3A_2242 : vector<16xf32>
    %sub3A_2244 = arith.subf %add3A_2243, %mul3A_2240 : vector<16xf32>
    %div3A_2245 = arith.divf %mul3A_2240, %sub3A_2244 : vector<16xf32>
    %gt3A_2246 = arith.cmpf ogt, %div3A_2245, %select_n3A_2230 : vector<16xf32>
    %select_n3A_2247 = arith.select %gt3A_2246, %div3A_2245, %select_n3A_2230 : vector<16xi1>, vector<16xf32>
    %broadcast_in_dim3A_2248 = arith.constant 8 : i32
    %broadcast_in_dim3A_2249 = vector.broadcast %broadcast_in_dim3A_2248 : i32 to vector<16xi32>
    %select_n3A_2250 = arith.select %gt3A_2246, %broadcast_in_dim3A_2249, %select_n3A_2233 : vector<16xi1>, vector<16xi32>
    %lt3A_2251 = arith.constant 3 : i32
    %lt3A_2252 = vector.broadcast %lt3A_2251 : i32 to vector<16xi32>
    %lt3A_2253 = arith.cmpi slt, %select_n3A_2250, %lt3A_2252 : vector<16xi32>
    %lt3A_2254 = arith.constant 50 : i32
    %lt3A_2255 = vector.broadcast %lt3A_2254 : i32 to vector<16xi32>
    %lt3A_2256 = arith.cmpi slt, %add3A_2092, %lt3A_2255 : vector<16xi32>
    %and3A_2257 = arith.andi %lt3A_2253, %lt3A_2256 : vector<16xi1>
    %mul3A_2258 = arith.constant 1.300000e+01 : f32
    %mul3A_2259 = vector.broadcast %mul3A_2258 : f32 to vector<16xf32>
    %mul3A_2260 = arith.mulf %get3A_2068, %mul3A_2259 : vector<16xf32>
    %mul3A_2261 = arith.constant 1.300000e+01 : f32
    %mul3A_2262 = vector.broadcast %mul3A_2261 : f32 to vector<16xf32>
    %mul3A_2263 = arith.mulf %get3A_2073, %mul3A_2262 : vector<16xf32>
    %convert_element_type3A_2264 = arith.fptosi %mul3A_2260 : vector<16xf32> to vector<16xi32>
    %convert_element_type3A_2265 = arith.fptosi %mul3A_2263 : vector<16xf32> to vector<16xi32>
    %convert_element_type3A_2266 = arith.sitofp %convert_element_type3A_2264 : vector<16xi32> to vector<16xf32>
    %sub3A_2267 = arith.subf %mul3A_2260, %convert_element_type3A_2266 : vector<16xf32>
    %convert_element_type3A_2268 = arith.sitofp %convert_element_type3A_2265 : vector<16xi32> to vector<16xf32>
    %sub3A_2269 = arith.subf %mul3A_2263, %convert_element_type3A_2268 : vector<16xf32>
    %convert_element_type3A_2270 = arith.fptosi %get3A_2088 : vector<16xf32> to vector<16xi32>
    %jit3A_2271 = arith.constant 0 : i32
    %jit3A_2272 = arith.constant 79 : i32
    %max3A_2273 = vector.broadcast %jit3A_2271 : i32 to vector<16xi32>
    %max3A_2274 = arith.maxsi %max3A_2273, %convert_element_type3A_2270 : vector<16xi32>
    %min3A_2275 = vector.broadcast %jit3A_2272 : i32 to vector<16xi32>
    %min3A_2276 = arith.minsi %min3A_2275, %max3A_2274 : vector<16xi32>
    %lt3A_2277 = arith.constant 8.000000e+01 : f32
    %lt3A_2278 = vector.broadcast %lt3A_2277 : f32 to vector<16xf32>
    %lt3A_2279 = arith.cmpf olt, %get3A_2088, %lt3A_2278 : vector<16xf32>
    %ge3A_2280 = arith.constant 0.000000e+00 : f32
    %ge3A_2281 = vector.broadcast %ge3A_2280 : f32 to vector<16xf32>
    %ge3A_2282 = arith.cmpf oge, %get3A_2088, %ge3A_2281 : vector<16xf32>
    %and3A_2283 = arith.andi %lt3A_2279, %ge3A_2282 : vector<16xi1>
    %mul3A_2284 = arith.constant 13 : i32
    %mul3A_2285 = vector.broadcast %mul3A_2284 : i32 to vector<16xi32>
    %mul3A_2286 = arith.muli %select_n3A_2250, %mul3A_2285 : vector<16xi32>
    %add3A_2287 = arith.addi %mul3A_2286, %convert_element_type3A_2265 : vector<16xi32>
    %mul3A_2288 = arith.constant 13 : i32
    %mul3A_2289 = vector.broadcast %mul3A_2288 : i32 to vector<16xi32>
    %mul3A_2290 = arith.muli %add3A_2287, %mul3A_2289 : vector<16xi32>
    %add3A_2291 = arith.addi %mul3A_2290, %convert_element_type3A_2264 : vector<16xi32>
    %sub3A_2292 = arith.constant -1 : i32
    %sub3A_2293 = vector.broadcast %sub3A_2292 : i32 to vector<16xi32>
    %sub3A_2294 = arith.subi %sub3A_2293, %add3A_2092 : vector<16xi32>
    %select_n3A_2295 = arith.select %and3A_2257, %add3A_2291, %sub3A_2294 : vector<16xi1>, vector<16xi32>
    %and3A_2296 = arith.andi %and3A_2257, %and3A_2283 : vector<16xi1>
    %mul3A_2297 = arith.constant 80 : i32
    %mul3A_2298 = vector.broadcast %mul3A_2297 : i32 to vector<16xi32>
    %mul3A_2299 = arith.muli %select_n3A_2295, %mul3A_2298 : vector<16xi32>
    %add3A_2300 = arith.addi %mul3A_2299, %min3A_2276 : vector<16xi32>
    %sub3A_2301 = arith.constant -1 : i32
    %sub3A_2302 = vector.broadcast %sub3A_2301 : i32 to vector<16xi32>
    %sub3A_2303 = arith.subi %sub3A_2302, %add3A_2092 : vector<16xi32>
    %select_n3A_2304 = arith.select %and3A_2296, %add3A_2300, %sub3A_2303 : vector<16xi1>, vector<16xi32>
    %eq3A_2305 = arith.constant 0 : i32
    %eq3A_2306 = vector.broadcast %eq3A_2305 : i32 to vector<16xi32>
    %eq3A_2307 = arith.cmpi eq, %select_n3A_2250, %eq3A_2306 : vector<16xi32>
    %eq3A_2308 = arith.constant 1 : i32
    %eq3A_2309 = vector.broadcast %eq3A_2308 : i32 to vector<16xi32>
    %eq3A_2310 = arith.cmpi eq, %select_n3A_2250, %eq3A_2309 : vector<16xi32>
    %jit3A_2311 = arith.constant 3.750000e-01 : f32
    %jit3A_2312 = arith.constant 0.896634638 : f32
    %broadcast_in_dim3A_2313 = vector.broadcast %jit3A_2311 : f32 to vector<16xf32>
    %broadcast_in_dim3A_2314 = vector.broadcast %jit3A_2312 : f32 to vector<16xf32>
    %select_n3A_2315 = arith.select %eq3A_2310, %broadcast_in_dim3A_2313, %broadcast_in_dim3A_2314 : vector<16xi1>, vector<16xf32>
    %jit3A_2316 = arith.constant 0.278846145 : f32
    %broadcast_in_dim3A_2317 = vector.broadcast %jit3A_2316 : f32 to vector<16xf32>
    %select_n3A_2318 = arith.select %eq3A_2307, %broadcast_in_dim3A_2317, %select_n3A_2315 : vector<16xi1>, vector<16xf32>
    %eq3A_2319 = arith.constant 0 : i32
    %eq3A_2320 = vector.broadcast %eq3A_2319 : i32 to vector<16xi32>
    %eq3A_2321 = arith.cmpi eq, %select_n3A_2250, %eq3A_2320 : vector<16xi32>
    %eq3A_2322 = arith.constant 1 : i32
    %eq3A_2323 = vector.broadcast %eq3A_2322 : i32 to vector<16xi32>
    %eq3A_2324 = arith.cmpi eq, %select_n3A_2250, %eq3A_2323 : vector<16xi32>
    %jit3A_2325 = arith.constant 0.475961536 : f32
    %jit3A_2326 = arith.constant 0.783653855 : f32
    %broadcast_in_dim3A_2327 = vector.broadcast %jit3A_2325 : f32 to vector<16xf32>
    %broadcast_in_dim3A_2328 = vector.broadcast %jit3A_2326 : f32 to vector<16xf32>
    %select_n3A_2329 = arith.select %eq3A_2324, %broadcast_in_dim3A_2327, %broadcast_in_dim3A_2328 : vector<16xi1>, vector<16xf32>
    %jit3A_2330 = arith.constant 0.21634616 : f32
    %broadcast_in_dim3A_2331 = vector.broadcast %jit3A_2330 : f32 to vector<16xf32>
    %select_n3A_2332 = arith.select %eq3A_2321, %broadcast_in_dim3A_2331, %select_n3A_2329 : vector<16xi1>, vector<16xf32>
    %max3A_2333 = arith.constant 9.99999996E-13 : f32
    %max3A_2334 = vector.broadcast %max3A_2333 : f32 to vector<16xf32>
    %max3A_2335 = arith.maximumf %get3A_2078, %max3A_2334 : vector<16xf32>
    %div3A_2336 = arith.divf %max3A_2335, %select_n3A_2318 : vector<16xf32>
    %max3A_2337 = arith.constant 9.99999996E-13 : f32
    %max3A_2338 = vector.broadcast %max3A_2337 : f32 to vector<16xf32>
    %max3A_2339 = arith.maximumf %get3A_2083, %max3A_2338 : vector<16xf32>
    %div3A_2340 = arith.divf %max3A_2339, %select_n3A_2332 : vector<16xf32>
    %mul3A_2341 = arith.constant 13 : i32
    %mul3A_2342 = vector.broadcast %mul3A_2341 : i32 to vector<16xi32>
    %mul3A_2343 = arith.muli %convert_element_type3A_2265, %mul3A_2342 : vector<16xi32>
    %add3A_2344 = arith.addi %mul3A_2343, %convert_element_type3A_2264 : vector<16xi32>
    %mul3A_2345 = arith.constant 255 : i32
    %mul3A_2346 = arith.muli %add3A_2063, %mul3A_2345 : i32
    %mul3A_2347 = arith.constant 85 : i32
    %mul3A_2348 = vector.broadcast %mul3A_2347 : i32 to vector<16xi32>
    %mul3A_2349 = arith.muli %select_n3A_2250, %mul3A_2348 : vector<16xi32>
    %add3A_2350 = vector.broadcast %mul3A_2346 : i32 to vector<16xi32>
    %add3A_2351 = arith.addi %add3A_2350, %mul3A_2349 : vector<16xi32>
    %mul3A_2352 = arith.constant 169 : i32
    %mul3A_2353 = vector.broadcast %mul3A_2352 : i32 to vector<16xi32>
    %mul3A_2354 = arith.muli %add3A_2351, %mul3A_2353 : vector<16xi32>
    %add3A_2355 = arith.addi %mul3A_2354, %add3A_2344 : vector<16xi32>
    %jit3A_2356 = arith.constant 0 : i32
    %broadcast_in_dim3A_2357 = vector.broadcast %jit3A_2356 : i32 to vector<16xi32>
    %select_n3A_2358 = arith.select %and3A_2257, %add3A_2355, %broadcast_in_dim3A_2357 : vector<16xi1>, vector<16xi32>
    %add3A_2359 = arith.constant 0 : i32
    %add3A_2360 = vector.broadcast %add3A_2359 : i32 to vector<16xi32>
    %add3A_2361 = arith.addi %select_n3A_2358, %add3A_2360 : vector<16xi32>
    %swap3A_2362 = arith.constant 0 : i32
    %swap3A_2363 = arith.index_cast %swap3A_2362 : i32 to index
    %swap3A_2364 = arith.constant 0 : index
    %swap3A_2365 = tpu.vector_load %arg7[%swap3A_2363, %swap3A_2364] {strides = array<i32>} : memref<6x64xi32, #tpu.memory_space<vmem>>, vector<1x16xi32>,
    %swap3A_2366 = vector.shape_cast %swap3A_2365 : vector<1x16xi32> to vector<16xi32>
    %swap3A_2367 = vector.shape_cast %add3A_2361 : vector<16xi32> to vector<1x16xi32>
    tpu.vector_store %arg7[%swap3A_2363, %swap3A_2364], %swap3A_2367 {strides = array<i32>} : memref<6x64xi32, #tpu.memory_space<vmem>>, vector<1x16xi32>,
    %add3A_2368 = arith.constant 169 : i32
    %add3A_2369 = vector.broadcast %add3A_2368 : i32 to vector<16xi32>
    %add3A_2370 = arith.addi %select_n3A_2358, %add3A_2369 : vector<16xi32>
    %swap3A_2371 = arith.constant 1 : i32
    %swap3A_2372 = arith.index_cast %swap3A_2371 : i32 to index
    %swap3A_2373 = arith.constant 0 : index
    %swap3A_2374 = tpu.vector_load %arg7[%swap3A_2372, %swap3A_2373] {strides = array<i32>} : memref<6x64xi32, #tpu.memory_space<vmem>>, vector<1x16xi32>,
    %swap3A_2375 = vector.shape_cast %swap3A_2374 : vector<1x16xi32> to vector<16xi32>
    %swap3A_2376 = vector.shape_cast %add3A_2370 : vector<16xi32> to vector<1x16xi32>
    tpu.vector_store %arg7[%swap3A_2372, %swap3A_2373], %swap3A_2376 {strides = array<i32>} : memref<6x64xi32, #tpu.memory_space<vmem>>, vector<1x16xi32>,
    %add3A_2377 = arith.constant 338 : i32
    %add3A_2378 = vector.broadcast %add3A_2377 : i32 to vector<16xi32>
    %add3A_2379 = arith.addi %select_n3A_2358, %add3A_2378 : vector<16xi32>
    %swap3A_2380 = arith.constant 2 : i32
    %swap3A_2381 = arith.index_cast %swap3A_2380 : i32 to index
    %swap3A_2382 = arith.constant 0 : index
    %swap3A_2383 = tpu.vector_load %arg7[%swap3A_2381, %swap3A_2382] {strides = array<i32>} : memref<6x64xi32, #tpu.memory_space<vmem>>, vector<1x16xi32>,
    %swap3A_2384 = vector.shape_cast %swap3A_2383 : vector<1x16xi32> to vector<16xi32>
    %swap3A_2385 = vector.shape_cast %add3A_2379 : vector<16xi32> to vector<1x16xi32>
    tpu.vector_store %arg7[%swap3A_2381, %swap3A_2382], %swap3A_2385 {strides = array<i32>} : memref<6x64xi32, #tpu.memory_space<vmem>>, vector<1x16xi32>,
    %add3A_2386 = arith.constant 507 : i32
    %add3A_2387 = vector.broadcast %add3A_2386 : i32 to vector<16xi32>
    %add3A_2388 = arith.addi %select_n3A_2358, %add3A_2387 : vector<16xi32>
    %swap3A_2389 = arith.constant 3 : i32
    %swap3A_2390 = arith.index_cast %swap3A_2389 : i32 to index
    %swap3A_2391 = arith.constant 0 : index
    %swap3A_2392 = tpu.vector_load %arg7[%swap3A_2390, %swap3A_2391] {strides = array<i32>} : memref<6x64xi32, #tpu.memory_space<vmem>>, vector<1x16xi32>,
    %swap3A_2393 = vector.shape_cast %swap3A_2392 : vector<1x16xi32> to vector<16xi32>
    %swap3A_2394 = vector.shape_cast %add3A_2388 : vector<16xi32> to vector<1x16xi32>
    tpu.vector_store %arg7[%swap3A_2390, %swap3A_2391], %swap3A_2394 {strides = array<i32>} : memref<6x64xi32, #tpu.memory_space<vmem>>, vector<1x16xi32>,
    %add3A_2395 = arith.constant 676 : i32
    %add3A_2396 = vector.broadcast %add3A_2395 : i32 to vector<16xi32>
    %add3A_2397 = arith.addi %select_n3A_2358, %add3A_2396 : vector<16xi32>
    %swap3A_2398 = arith.constant 4 : i32
    %swap3A_2399 = arith.index_cast %swap3A_2398 : i32 to index
    %swap3A_2400 = arith.constant 0 : index
    %swap3A_2401 = tpu.vector_load %arg7[%swap3A_2399, %swap3A_2400] {strides = array<i32>} : memref<6x64xi32, #tpu.memory_space<vmem>>, vector<1x16xi32>,
    %swap3A_2402 = vector.shape_cast %swap3A_2401 : vector<1x16xi32> to vector<16xi32>
    %swap3A_2403 = vector.shape_cast %add3A_2397 : vector<16xi32> to vector<1x16xi32>
    tpu.vector_store %arg7[%swap3A_2399, %swap3A_2400], %swap3A_2403 {strides = array<i32>} : memref<6x64xi32, #tpu.memory_space<vmem>>, vector<1x16xi32>,
    %add3A_2404 = arith.constant 5 : i32
    %add3A_2405 = vector.broadcast %add3A_2404 : i32 to vector<16xi32>
    %add3A_2406 = arith.addi %add3A_2405, %min3A_2276 : vector<16xi32>
    %mul3A_2407 = arith.constant 169 : i32
    %mul3A_2408 = vector.broadcast %mul3A_2407 : i32 to vector<16xi32>
    %mul3A_2409 = arith.muli %add3A_2406, %mul3A_2408 : vector<16xi32>
    %add3A_2410 = arith.addi %select_n3A_2358, %mul3A_2409 : vector<16xi32>
    %swap3A_2411 = arith.constant 5 : i32
    %swap3A_2412 = arith.index_cast %swap3A_2411 : i32 to index
    %swap3A_2413 = arith.constant 0 : index
    %swap3A_2414 = tpu.vector_load %arg7[%swap3A_2412, %swap3A_2413] {strides = array<i32>} : memref<6x64xi32, #tpu.memory_space<vmem>>, vector<1x16xi32>,
    %swap3A_2415 = vector.shape_cast %swap3A_2414 : vector<1x16xi32> to vector<16xi32>
    %swap3A_2416 = vector.shape_cast %add3A_2410 : vector<16xi32> to vector<1x16xi32>
    tpu.vector_store %arg7[%swap3A_2412, %swap3A_2413], %swap3A_2416 {strides = array<i32>} : memref<6x64xi32, #tpu.memory_space<vmem>>, vector<1x16xi32>,
    %swap3A_2417 = arith.constant 0 : i32
    %swap3A_2418 = arith.index_cast %swap3A_2417 : i32 to index
    %swap3A_2419 = arith.constant 0 : index
    %swap3A_2420 = tpu.vector_load %arg9[%swap3A_2418, %swap3A_2419] {strides = array<i32>} : memref<7x64xf32, #tpu.memory_space<vmem>>, vector<1x16xf32>,
    %swap3A_2421 = vector.shape_cast %swap3A_2420 : vector<1x16xf32> to vector<16xf32>
    %swap3A_2422 = vector.shape_cast %sub3A_2267 : vector<16xf32> to vector<1x16xf32>
    tpu.vector_store %arg9[%swap3A_2418, %swap3A_2419], %swap3A_2422 {strides = array<i32>} : memref<7x64xf32, #tpu.memory_space<vmem>>, vector<1x16xf32>,
    %swap3A_2423 = arith.constant 1 : i32
    %swap3A_2424 = arith.index_cast %swap3A_2423 : i32 to index
    %swap3A_2425 = arith.constant 0 : index
    %swap3A_2426 = tpu.vector_load %arg9[%swap3A_2424, %swap3A_2425] {strides = array<i32>} : memref<7x64xf32, #tpu.memory_space<vmem>>, vector<1x16xf32>,
    %swap3A_2427 = vector.shape_cast %swap3A_2426 : vector<1x16xf32> to vector<16xf32>
    %swap3A_2428 = vector.shape_cast %sub3A_2269 : vector<16xf32> to vector<1x16xf32>
    tpu.vector_store %arg9[%swap3A_2424, %swap3A_2425], %swap3A_2428 {strides = array<i32>} : memref<7x64xf32, #tpu.memory_space<vmem>>, vector<1x16xf32>,
    %swap3A_2429 = arith.constant 2 : i32
    %swap3A_2430 = arith.index_cast %swap3A_2429 : i32 to index
    %swap3A_2431 = arith.constant 0 : index
    %swap3A_2432 = tpu.vector_load %arg9[%swap3A_2430, %swap3A_2431] {strides = array<i32>} : memref<7x64xf32, #tpu.memory_space<vmem>>, vector<1x16xf32>,
    %swap3A_2433 = vector.shape_cast %swap3A_2432 : vector<1x16xf32> to vector<16xf32>
    %swap3A_2434 = vector.shape_cast %div3A_2336 : vector<16xf32> to vector<1x16xf32>
    tpu.vector_store %arg9[%swap3A_2430, %swap3A_2431], %swap3A_2434 {strides = array<i32>} : memref<7x64xf32, #tpu.memory_space<vmem>>, vector<1x16xf32>,
    %swap3A_2435 = arith.constant 3 : i32
    %swap3A_2436 = arith.index_cast %swap3A_2435 : i32 to index
    %swap3A_2437 = arith.constant 0 : index
    %swap3A_2438 = tpu.vector_load %arg9[%swap3A_2436, %swap3A_2437] {strides = array<i32>} : memref<7x64xf32, #tpu.memory_space<vmem>>, vector<1x16xf32>,
    %swap3A_2439 = vector.shape_cast %swap3A_2438 : vector<1x16xf32> to vector<16xf32>
    %swap3A_2440 = vector.shape_cast %div3A_2340 : vector<16xf32> to vector<1x16xf32>
    tpu.vector_store %arg9[%swap3A_2436, %swap3A_2437], %swap3A_2440 {strides = array<i32>} : memref<7x64xf32, #tpu.memory_space<vmem>>, vector<1x16xf32>,
    %sub3A_2441 = arith.constant 2.000000e+00 : f32
    %sub3A_2442 = vector.broadcast %sub3A_2441 : f32 to vector<16xf32>
    %sub3A_2443 = arith.subf %sub3A_2442, %mul3A_2093 : vector<16xf32>
    %swap3A_2444 = arith.constant 6 : i32
    %swap3A_2445 = arith.index_cast %swap3A_2444 : i32 to index
    %swap3A_2446 = arith.constant 0 : index
    %swap3A_2447 = tpu.vector_load %arg9[%swap3A_2445, %swap3A_2446] {strides = array<i32>} : memref<7x64xf32, #tpu.memory_space<vmem>>, vector<1x16xf32>,
    %swap3A_2448 = vector.shape_cast %swap3A_2447 : vector<1x16xf32> to vector<16xf32>
    %swap3A_2449 = vector.shape_cast %sub3A_2443 : vector<16xf32> to vector<1x16xf32>
    tpu.vector_store %arg9[%swap3A_2445, %swap3A_2446], %swap3A_2449 {strides = array<i32>} : memref<7x64xf32, #tpu.memory_space<vmem>>, vector<1x16xf32>,
    %get3A_2450 = arith.constant 0 : i32
    %get3A_2451 = arith.index_cast %get3A_2450 : i32 to index
    %get3A_2452 = arith.constant 16 : index
    %get3A_2453 = tpu.vector_load %arg6[%get3A_2451, %get3A_2452] {strides = array<i32>} : memref<5x64xf32, #tpu.memory_space<vmem>>, vector<1x16xf32>,
    %get3A_2454 = vector.shape_cast %get3A_2453 : vector<1x16xf32> to vector<16xf32>
    %get3A_2455 = arith.constant 1 : i32
    %get3A_2456 = arith.index_cast %get3A_2455 : i32 to index
    %get3A_2457 = arith.constant 16 : index
    %get3A_2458 = tpu.vector_load %arg6[%get3A_2456, %get3A_2457] {strides = array<i32>} : memref<5x64xf32, #tpu.memory_space<vmem>>, vector<1x16xf32>,
    %get3A_2459 = vector.shape_cast %get3A_2458 : vector<1x16xf32> to vector<16xf32>
    %get3A_2460 = arith.constant 2 : i32
    %get3A_2461 = arith.index_cast %get3A_2460 : i32 to index
    %get3A_2462 = arith.constant 16 : index
    %get3A_2463 = tpu.vector_load %arg6[%get3A_2461, %get3A_2462] {strides = array<i32>} : memref<5x64xf32, #tpu.memory_space<vmem>>, vector<1x16xf32>,
    %get3A_2464 = vector.shape_cast %get3A_2463 : vector<1x16xf32> to vector<16xf32>
    %get3A_2465 = arith.constant 3 : i32
    %get3A_2466 = arith.index_cast %get3A_2465 : i32 to index
    %get3A_2467 = arith.constant 16 : index
    %get3A_2468 = tpu.vector_load %arg6[%get3A_2466, %get3A_2467] {strides = array<i32>} : memref<5x64xf32, #tpu.memory_space<vmem>>, vector<1x16xf32>,
    %get3A_2469 = vector.shape_cast %get3A_2468 : vector<1x16xf32> to vector<16xf32>
    %get3A_2470 = arith.constant 4 : i32
    %get3A_2471 = arith.index_cast %get3A_2470 : i32 to index
    %get3A_2472 = arith.constant 16 : index
    %get3A_2473 = tpu.vector_load %arg6[%get3A_2471, %get3A_2472] {strides = array<i32>} : memref<5x64xf32, #tpu.memory_space<vmem>>, vector<1x16xf32>,
    %get3A_2474 = vector.shape_cast %get3A_2473 : vector<1x16xf32> to vector<16xf32>
    %iota3A_2475 = tpu.iota {dimensions = array<i32: 0>} : vector<16xi32>
    %add3A_2476 = arith.constant 16 : i32
    %add3A_2477 = vector.broadcast %add3A_2476 : i32 to vector<16xi32>
    %add3A_2478 = arith.addi %iota3A_2475, %add3A_2477 : vector<16xi32>
    %mul3A_2479 = arith.mulf %get3A_2464, %get3A_2469 : vector<16xf32>
    %broadcast_in_dim3A_2480 = arith.constant -1.000000e+00 : f32
    %broadcast_in_dim3A_2481 = vector.broadcast %broadcast_in_dim3A_2480 : f32 to vector<16xf32>
    %broadcast_in_dim3A_2482 = arith.constant 0 : i32
    %broadcast_in_dim3A_2483 = vector.broadcast %broadcast_in_dim3A_2482 : i32 to vector<16xi32>
    %min3A_2484 = arith.constant 0.278846145 : f32
    %min3A_2485 = vector.broadcast %min3A_2484 : f32 to vector<16xf32>
    %min3A_2486 = arith.minimumf %get3A_2464, %min3A_2485 : vector<16xf32>
    %min3A_2487 = arith.constant 0.21634616 : f32
    %min3A_2488 = vector.broadcast %min3A_2487 : f32 to vector<16xf32>
    %min3A_2489 = arith.minimumf %get3A_2469, %min3A_2488 : vector<16xf32>
    %mul3A_2490 = arith.mulf %min3A_2486, %min3A_2489 : vector<16xf32>
    %add3A_2491 = arith.constant 0.0603272914 : f32
    %add3A_2492 = vector.broadcast %add3A_2491 : f32 to vector<16xf32>
    %add3A_2493 = arith.addf %mul3A_2479, %add3A_2492 : vector<16xf32>
    %sub3A_2494 = arith.subf %add3A_2493, %mul3A_2490 : vector<16xf32>
    %div3A_2495 = arith.divf %mul3A_2490, %sub3A_2494 : vector<16xf32>
    %gt3A_2496 = arith.cmpf ogt, %div3A_2495, %broadcast_in_dim3A_2481 : vector<16xf32>
    %select_n3A_2497 = arith.select %gt3A_2496, %div3A_2495, %broadcast_in_dim3A_2481 : vector<16xi1>, vector<16xf32>
    %broadcast_in_dim3A_2498 = arith.constant 0 : i32
    %broadcast_in_dim3A_2499 = vector.broadcast %broadcast_in_dim3A_2498 : i32 to vector<16xi32>
    %select_n3A_2500 = arith.select %gt3A_2496, %broadcast_in_dim3A_2499, %broadcast_in_dim3A_2483 : vector<16xi1>, vector<16xi32>
    %min3A_2501 = arith.constant 3.750000e-01 : f32
    %min3A_2502 = vector.broadcast %min3A_2501 : f32 to vector<16xf32>
    %min3A_2503 = arith.minimumf %get3A_2464, %min3A_2502 : vector<16xf32>
    %min3A_2504 = arith.constant 0.475961536 : f32
    %min3A_2505 = vector.broadcast %min3A_2504 : f32 to vector<16xf32>
    %min3A_2506 = arith.minimumf %get3A_2469, %min3A_2505 : vector<16xf32>
    %mul3A_2507 = arith.mulf %min3A_2503, %min3A_2506 : vector<16xf32>
    %add3A_2508 = arith.constant 0.178485572 : f32
    %add3A_2509 = vector.broadcast %add3A_2508 : f32 to vector<16xf32>
    %add3A_2510 = arith.addf %mul3A_2479, %add3A_2509 : vector<16xf32>
    %sub3A_2511 = arith.subf %add3A_2510, %mul3A_2507 : vector<16xf32>
    %div3A_2512 = arith.divf %mul3A_2507, %sub3A_2511 : vector<16xf32>
    %gt3A_2513 = arith.cmpf ogt, %div3A_2512, %select_n3A_2497 : vector<16xf32>
    %select_n3A_2514 = arith.select %gt3A_2513, %div3A_2512, %select_n3A_2497 : vector<16xi1>, vector<16xf32>
    %broadcast_in_dim3A_2515 = arith.constant 1 : i32
    %broadcast_in_dim3A_2516 = vector.broadcast %broadcast_in_dim3A_2515 : i32 to vector<16xi32>
    %select_n3A_2517 = arith.select %gt3A_2513, %broadcast_in_dim3A_2516, %select_n3A_2500 : vector<16xi1>, vector<16xi32>
    %min3A_2518 = arith.constant 0.896634638 : f32
    %min3A_2519 = vector.broadcast %min3A_2518 : f32 to vector<16xf32>
    %min3A_2520 = arith.minimumf %get3A_2464, %min3A_2519 : vector<16xf32>
    %min3A_2521 = arith.constant 0.783653855 : f32
    %min3A_2522 = vector.broadcast %min3A_2521 : f32 to vector<16xf32>
    %min3A_2523 = arith.minimumf %get3A_2469, %min3A_2522 : vector<16xf32>
    %mul3A_2524 = arith.mulf %min3A_2520, %min3A_2523 : vector<16xf32>
    %add3A_2525 = arith.constant 0.702651143 : f32
    %add3A_2526 = vector.broadcast %add3A_2525 : f32 to vector<16xf32>
    %add3A_2527 = arith.addf %mul3A_2479, %add3A_2526 : vector<16xf32>
    %sub3A_2528 = arith.subf %add3A_2527, %mul3A_2524 : vector<16xf32>
    %div3A_2529 = arith.divf %mul3A_2524, %sub3A_2528 : vector<16xf32>
    %gt3A_2530 = arith.cmpf ogt, %div3A_2529, %select_n3A_2514 : vector<16xf32>
    %select_n3A_2531 = arith.select %gt3A_2530, %div3A_2529, %select_n3A_2514 : vector<16xi1>, vector<16xf32>
    %broadcast_in_dim3A_2532 = arith.constant 2 : i32
    %broadcast_in_dim3A_2533 = vector.broadcast %broadcast_in_dim3A_2532 : i32 to vector<16xi32>
    %select_n3A_2534 = arith.select %gt3A_2530, %broadcast_in_dim3A_2533, %select_n3A_2517 : vector<16xi1>, vector<16xi32>
    %min3A_2535 = arith.constant 0.072115384 : f32
    %min3A_2536 = vector.broadcast %min3A_2535 : f32 to vector<16xf32>
    %min3A_2537 = arith.minimumf %get3A_2464, %min3A_2536 : vector<16xf32>
    %min3A_2538 = arith.constant 0.146634609 : f32
    %min3A_2539 = vector.broadcast %min3A_2538 : f32 to vector<16xf32>
    %min3A_2540 = arith.minimumf %get3A_2469, %min3A_2539 : vector<16xf32>
    %mul3A_2541 = arith.mulf %min3A_2537, %min3A_2540 : vector<16xf32>
    %add3A_2542 = arith.constant 0.0105746118 : f32
    %add3A_2543 = vector.broadcast %add3A_2542 : f32 to vector<16xf32>
    %add3A_2544 = arith.addf %mul3A_2479, %add3A_2543 : vector<16xf32>
    %sub3A_2545 = arith.subf %add3A_2544, %mul3A_2541 : vector<16xf32>
    %div3A_2546 = arith.divf %mul3A_2541, %sub3A_2545 : vector<16xf32>
    %gt3A_2547 = arith.cmpf ogt, %div3A_2546, %select_n3A_2531 : vector<16xf32>
    %select_n3A_2548 = arith.select %gt3A_2547, %div3A_2546, %select_n3A_2531 : vector<16xi1>, vector<16xf32>
    %broadcast_in_dim3A_2549 = arith.constant 3 : i32
    %broadcast_in_dim3A_2550 = vector.broadcast %broadcast_in_dim3A_2549 : i32 to vector<16xi32>
    %select_n3A_2551 = arith.select %gt3A_2547, %broadcast_in_dim3A_2550, %select_n3A_2534 : vector<16xi1>, vector<16xi32>
    %min3A_2552 = arith.constant 0.149038464 : f32
    %min3A_2553 = vector.broadcast %min3A_2552 : f32 to vector<16xf32>
    %min3A_2554 = arith.minimumf %get3A_2464, %min3A_2553 : vector<16xf32>
    %min3A_2555 = arith.constant 0.10817308 : f32
    %min3A_2556 = vector.broadcast %min3A_2555 : f32 to vector<16xf32>
    %min3A_2557 = arith.minimumf %get3A_2469, %min3A_2556 : vector<16xf32>
    %mul3A_2558 = arith.mulf %min3A_2554, %min3A_2557 : vector<16xf32>
    %add3A_2559 = arith.constant 0.0161219481 : f32
    %add3A_2560 = vector.broadcast %add3A_2559 : f32 to vector<16xf32>
    %add3A_2561 = arith.addf %mul3A_2479, %add3A_2560 : vector<16xf32>
    %sub3A_2562 = arith.subf %add3A_2561, %mul3A_2558 : vector<16xf32>
    %div3A_2563 = arith.divf %mul3A_2558, %sub3A_2562 : vector<16xf32>
    %gt3A_2564 = arith.cmpf ogt, %div3A_2563, %select_n3A_2548 : vector<16xf32>
    %select_n3A_2565 = arith.select %gt3A_2564, %div3A_2563, %select_n3A_2548 : vector<16xi1>, vector<16xf32>
    %broadcast_in_dim3A_2566 = arith.constant 4 : i32
    %broadcast_in_dim3A_2567 = vector.broadcast %broadcast_in_dim3A_2566 : i32 to vector<16xi32>
    %select_n3A_2568 = arith.select %gt3A_2564, %broadcast_in_dim3A_2567, %select_n3A_2551 : vector<16xi1>, vector<16xi32>
    %min3A_2569 = arith.constant 0.141826928 : f32
    %min3A_2570 = vector.broadcast %min3A_2569 : f32 to vector<16xf32>
    %min3A_2571 = arith.minimumf %get3A_2464, %min3A_2570 : vector<16xf32>
    %min3A_2572 = arith.constant 0.286057681 : f32
    %min3A_2573 = vector.broadcast %min3A_2572 : f32 to vector<16xf32>
    %min3A_2574 = arith.minimumf %get3A_2469, %min3A_2573 : vector<16xf32>
    %mul3A_2575 = arith.mulf %min3A_2571, %min3A_2574 : vector<16xf32>
    %add3A_2576 = arith.constant 0.0405706838 : f32
    %add3A_2577 = vector.broadcast %add3A_2576 : f32 to vector<16xf32>
    %add3A_2578 = arith.addf %mul3A_2479, %add3A_2577 : vector<16xf32>
    %sub3A_2579 = arith.subf %add3A_2578, %mul3A_2575 : vector<16xf32>
    %div3A_2580 = arith.divf %mul3A_2575, %sub3A_2579 : vector<16xf32>
    %gt3A_2581 = arith.cmpf ogt, %div3A_2580, %select_n3A_2565 : vector<16xf32>
    %select_n3A_2582 = arith.select %gt3A_2581, %div3A_2580, %select_n3A_2565 : vector<16xi1>, vector<16xf32>
    %broadcast_in_dim3A_2583 = arith.constant 5 : i32
    %broadcast_in_dim3A_2584 = vector.broadcast %broadcast_in_dim3A_2583 : i32 to vector<16xi32>
    %select_n3A_2585 = arith.select %gt3A_2581, %broadcast_in_dim3A_2584, %select_n3A_2568 : vector<16xi1>, vector<16xi32>
    %min3A_2586 = arith.constant 0.024038462 : f32
    %min3A_2587 = vector.broadcast %min3A_2586 : f32 to vector<16xf32>
    %min3A_2588 = arith.minimumf %get3A_2464, %min3A_2587 : vector<16xf32>
    %min3A_2589 = arith.constant 3.125000e-02 : f32
    %min3A_2590 = vector.broadcast %min3A_2589 : f32 to vector<16xf32>
    %min3A_2591 = arith.minimumf %get3A_2469, %min3A_2590 : vector<16xf32>
    %mul3A_2592 = arith.mulf %min3A_2588, %min3A_2591 : vector<16xf32>
    %add3A_2593 = arith.constant 7.51201937E-4 : f32
    %add3A_2594 = vector.broadcast %add3A_2593 : f32 to vector<16xf32>
    %add3A_2595 = arith.addf %mul3A_2479, %add3A_2594 : vector<16xf32>
    %sub3A_2596 = arith.subf %add3A_2595, %mul3A_2592 : vector<16xf32>
    %div3A_2597 = arith.divf %mul3A_2592, %sub3A_2596 : vector<16xf32>
    %gt3A_2598 = arith.cmpf ogt, %div3A_2597, %select_n3A_2582 : vector<16xf32>
    %select_n3A_2599 = arith.select %gt3A_2598, %div3A_2597, %select_n3A_2582 : vector<16xi1>, vector<16xf32>
    %broadcast_in_dim3A_2600 = arith.constant 6 : i32
    %broadcast_in_dim3A_2601 = vector.broadcast %broadcast_in_dim3A_2600 : i32 to vector<16xi32>
    %select_n3A_2602 = arith.select %gt3A_2598, %broadcast_in_dim3A_2601, %select_n3A_2585 : vector<16xi1>, vector<16xi32>
    %min3A_2603 = arith.constant 0.0384615399 : f32
    %min3A_2604 = vector.broadcast %min3A_2603 : f32 to vector<16xf32>
    %min3A_2605 = arith.minimumf %get3A_2464, %min3A_2604 : vector<16xf32>
    %min3A_2606 = arith.constant 0.072115384 : f32
    %min3A_2607 = vector.broadcast %min3A_2606 : f32 to vector<16xf32>
    %min3A_2608 = arith.minimumf %get3A_2469, %min3A_2607 : vector<16xf32>
    %mul3A_2609 = arith.mulf %min3A_2605, %min3A_2608 : vector<16xf32>
    %add3A_2610 = arith.constant 0.00277366862 : f32
    %add3A_2611 = vector.broadcast %add3A_2610 : f32 to vector<16xf32>
    %add3A_2612 = arith.addf %mul3A_2479, %add3A_2611 : vector<16xf32>
    %sub3A_2613 = arith.subf %add3A_2612, %mul3A_2609 : vector<16xf32>
    %div3A_2614 = arith.divf %mul3A_2609, %sub3A_2613 : vector<16xf32>
    %gt3A_2615 = arith.cmpf ogt, %div3A_2614, %select_n3A_2599 : vector<16xf32>
    %select_n3A_2616 = arith.select %gt3A_2615, %div3A_2614, %select_n3A_2599 : vector<16xi1>, vector<16xf32>
    %broadcast_in_dim3A_2617 = arith.constant 7 : i32
    %broadcast_in_dim3A_2618 = vector.broadcast %broadcast_in_dim3A_2617 : i32 to vector<16xi32>
    %select_n3A_2619 = arith.select %gt3A_2615, %broadcast_in_dim3A_2618, %select_n3A_2602 : vector<16xi1>, vector<16xi32>
    %min3A_2620 = arith.constant 0.0793269202 : f32
    %min3A_2621 = vector.broadcast %min3A_2620 : f32 to vector<16xf32>
    %min3A_2622 = arith.minimumf %get3A_2464, %min3A_2621 : vector<16xf32>
    %min3A_2623 = arith.constant 0.0552884601 : f32
    %min3A_2624 = vector.broadcast %min3A_2623 : f32 to vector<16xf32>
    %min3A_2625 = arith.minimumf %get3A_2469, %min3A_2624 : vector<16xf32>
    %mul3A_2626 = arith.mulf %min3A_2622, %min3A_2625 : vector<16xf32>
    %add3A_2627 = arith.constant 0.00438586343 : f32
    %add3A_2628 = vector.broadcast %add3A_2627 : f32 to vector<16xf32>
    %add3A_2629 = arith.addf %mul3A_2479, %add3A_2628 : vector<16xf32>
    %sub3A_2630 = arith.subf %add3A_2629, %mul3A_2626 : vector<16xf32>
    %div3A_2631 = arith.divf %mul3A_2626, %sub3A_2630 : vector<16xf32>
    %gt3A_2632 = arith.cmpf ogt, %div3A_2631, %select_n3A_2616 : vector<16xf32>
    %select_n3A_2633 = arith.select %gt3A_2632, %div3A_2631, %select_n3A_2616 : vector<16xi1>, vector<16xf32>
    %broadcast_in_dim3A_2634 = arith.constant 8 : i32
    %broadcast_in_dim3A_2635 = vector.broadcast %broadcast_in_dim3A_2634 : i32 to vector<16xi32>
    %select_n3A_2636 = arith.select %gt3A_2632, %broadcast_in_dim3A_2635, %select_n3A_2619 : vector<16xi1>, vector<16xi32>
    %lt3A_2637 = arith.constant 3 : i32
    %lt3A_2638 = vector.broadcast %lt3A_2637 : i32 to vector<16xi32>
    %lt3A_2639 = arith.cmpi slt, %select_n3A_2636, %lt3A_2638 : vector<16xi32>
    %lt3A_2640 = arith.constant 50 : i32
    %lt3A_2641 = vector.broadcast %lt3A_2640 : i32 to vector<16xi32>
    %lt3A_2642 = arith.cmpi slt, %add3A_2478, %lt3A_2641 : vector<16xi32>
    %and3A_2643 = arith.andi %lt3A_2639, %lt3A_2642 : vector<16xi1>
    %mul3A_2644 = arith.constant 1.300000e+01 : f32
    %mul3A_2645 = vector.broadcast %mul3A_2644 : f32 to vector<16xf32>
    %mul3A_2646 = arith.mulf %get3A_2454, %mul3A_2645 : vector<16xf32>
    %mul3A_2647 = arith.constant 1.300000e+01 : f32
    %mul3A_2648 = vector.broadcast %mul3A_2647 : f32 to vector<16xf32>
    %mul3A_2649 = arith.mulf %get3A_2459, %mul3A_2648 : vector<16xf32>
    %convert_element_type3A_2650 = arith.fptosi %mul3A_2646 : vector<16xf32> to vector<16xi32>
    %convert_element_type3A_2651 = arith.fptosi %mul3A_2649 : vector<16xf32> to vector<16xi32>
    %convert_element_type3A_2652 = arith.sitofp %convert_element_type3A_2650 : vector<16xi32> to vector<16xf32>
    %sub3A_2653 = arith.subf %mul3A_2646, %convert_element_type3A_2652 : vector<16xf32>
    %convert_element_type3A_2654 = arith.sitofp %convert_element_type3A_2651 : vector<16xi32> to vector<16xf32>
    %sub3A_2655 = arith.subf %mul3A_2649, %convert_element_type3A_2654 : vector<16xf32>
    %convert_element_type3A_2656 = arith.fptosi %get3A_2474 : vector<16xf32> to vector<16xi32>
    %jit3A_2657 = arith.constant 0 : i32
    %jit3A_2658 = arith.constant 79 : i32
    %max3A_2659 = vector.broadcast %jit3A_2657 : i32 to vector<16xi32>
    %max3A_2660 = arith.maxsi %max3A_2659, %convert_element_type3A_2656 : vector<16xi32>
    %min3A_2661 = vector.broadcast %jit3A_2658 : i32 to vector<16xi32>
    %min3A_2662 = arith.minsi %min3A_2661, %max3A_2660 : vector<16xi32>
    %lt3A_2663 = arith.constant 8.000000e+01 : f32
    %lt3A_2664 = vector.broadcast %lt3A_2663 : f32 to vector<16xf32>
    %lt3A_2665 = arith.cmpf olt, %get3A_2474, %lt3A_2664 : vector<16xf32>
    %ge3A_2666 = arith.constant 0.000000e+00 : f32
    %ge3A_2667 = vector.broadcast %ge3A_2666 : f32 to vector<16xf32>
    %ge3A_2668 = arith.cmpf oge, %get3A_2474, %ge3A_2667 : vector<16xf32>
    %and3A_2669 = arith.andi %lt3A_2665, %ge3A_2668 : vector<16xi1>
    %mul3A_2670 = arith.constant 13 : i32
    %mul3A_2671 = vector.broadcast %mul3A_2670 : i32 to vector<16xi32>
    %mul3A_2672 = arith.muli %select_n3A_2636, %mul3A_2671 : vector<16xi32>
    %add3A_2673 = arith.addi %mul3A_2672, %convert_element_type3A_2651 : vector<16xi32>
    %mul3A_2674 = arith.constant 13 : i32
    %mul3A_2675 = vector.broadcast %mul3A_2674 : i32 to vector<16xi32>
    %mul3A_2676 = arith.muli %add3A_2673, %mul3A_2675 : vector<16xi32>
    %add3A_2677 = arith.addi %mul3A_2676, %convert_element_type3A_2650 : vector<16xi32>
    %sub3A_2678 = arith.constant -1 : i32
    %sub3A_2679 = vector.broadcast %sub3A_2678 : i32 to vector<16xi32>
    %sub3A_2680 = arith.subi %sub3A_2679, %add3A_2478 : vector<16xi32>
    %select_n3A_2681 = arith.select %and3A_2643, %add3A_2677, %sub3A_2680 : vector<16xi1>, vector<16xi32>
    %and3A_2682 = arith.andi %and3A_2643, %and3A_2669 : vector<16xi1>
    %mul3A_2683 = arith.constant 80 : i32
    %mul3A_2684 = vector.broadcast %mul3A_2683 : i32 to vector<16xi32>
    %mul3A_2685 = arith.muli %select_n3A_2681, %mul3A_2684 : vector<16xi32>
    %add3A_2686 = arith.addi %mul3A_2685, %min3A_2662 : vector<16xi32>
    %sub3A_2687 = arith.constant -1 : i32
    %sub3A_2688 = vector.broadcast %sub3A_2687 : i32 to vector<16xi32>
    %sub3A_2689 = arith.subi %sub3A_2688, %add3A_2478 : vector<16xi32>
    %select_n3A_2690 = arith.select %and3A_2682, %add3A_2686, %sub3A_2689 : vector<16xi1>, vector<16xi32>
    %eq3A_2691 = arith.constant 0 : i32
    %eq3A_2692 = vector.broadcast %eq3A_2691 : i32 to vector<16xi32>
    %eq3A_2693 = arith.cmpi eq, %select_n3A_2636, %eq3A_2692 : vector<16xi32>
    %eq3A_2694 = arith.constant 1 : i32
    %eq3A_2695 = vector.broadcast %eq3A_2694 : i32 to vector<16xi32>
    %eq3A_2696 = arith.cmpi eq, %select_n3A_2636, %eq3A_2695 : vector<16xi32>
    %jit3A_2697 = arith.constant 3.750000e-01 : f32
    %jit3A_2698 = arith.constant 0.896634638 : f32
    %broadcast_in_dim3A_2699 = vector.broadcast %jit3A_2697 : f32 to vector<16xf32>
    %broadcast_in_dim3A_2700 = vector.broadcast %jit3A_2698 : f32 to vector<16xf32>
    %select_n3A_2701 = arith.select %eq3A_2696, %broadcast_in_dim3A_2699, %broadcast_in_dim3A_2700 : vector<16xi1>, vector<16xf32>
    %jit3A_2702 = arith.constant 0.278846145 : f32
    %broadcast_in_dim3A_2703 = vector.broadcast %jit3A_2702 : f32 to vector<16xf32>
    %select_n3A_2704 = arith.select %eq3A_2693, %broadcast_in_dim3A_2703, %select_n3A_2701 : vector<16xi1>, vector<16xf32>
    %eq3A_2705 = arith.constant 0 : i32
    %eq3A_2706 = vector.broadcast %eq3A_2705 : i32 to vector<16xi32>
    %eq3A_2707 = arith.cmpi eq, %select_n3A_2636, %eq3A_2706 : vector<16xi32>
    %eq3A_2708 = arith.constant 1 : i32
    %eq3A_2709 = vector.broadcast %eq3A_2708 : i32 to vector<16xi32>
    %eq3A_2710 = arith.cmpi eq, %select_n3A_2636, %eq3A_2709 : vector<16xi32>
    %jit3A_2711 = arith.constant 0.475961536 : f32
    %jit3A_2712 = arith.constant 0.783653855 : f32
    %broadcast_in_dim3A_2713 = vector.broadcast %jit3A_2711 : f32 to vector<16xf32>
    %broadcast_in_dim3A_2714 = vector.broadcast %jit3A_2712 : f32 to vector<16xf32>
    %select_n3A_2715 = arith.select %eq3A_2710, %broadcast_in_dim3A_2713, %broadcast_in_dim3A_2714 : vector<16xi1>, vector<16xf32>
    %jit3A_2716 = arith.constant 0.21634616 : f32
    %broadcast_in_dim3A_2717 = vector.broadcast %jit3A_2716 : f32 to vector<16xf32>
    %select_n3A_2718 = arith.select %eq3A_2707, %broadcast_in_dim3A_2717, %select_n3A_2715 : vector<16xi1>, vector<16xf32>
    %max3A_2719 = arith.constant 9.99999996E-13 : f32
    %max3A_2720 = vector.broadcast %max3A_2719 : f32 to vector<16xf32>
    %max3A_2721 = arith.maximumf %get3A_2464, %max3A_2720 : vector<16xf32>
    %div3A_2722 = arith.divf %max3A_2721, %select_n3A_2704 : vector<16xf32>
    %max3A_2723 = arith.constant 9.99999996E-13 : f32
    %max3A_2724 = vector.broadcast %max3A_2723 : f32 to vector<16xf32>
    %max3A_2725 = arith.maximumf %get3A_2469, %max3A_2724 : vector<16xf32>
    %div3A_2726 = arith.divf %max3A_2725, %select_n3A_2718 : vector<16xf32>
    %mul3A_2727 = arith.constant 13 : i32
    %mul3A_2728 = vector.broadcast %mul3A_2727 : i32 to vector<16xi32>
    %mul3A_2729 = arith.muli %convert_element_type3A_2651, %mul3A_2728 : vector<16xi32>
    %add3A_2730 = arith.addi %mul3A_2729, %convert_element_type3A_2650 : vector<16xi32>
    %mul3A_2731 = arith.constant 255 : i32
    %mul3A_2732 = arith.muli %add3A_2063, %mul3A_2731 : i32
    %mul3A_2733 = arith.constant 85 : i32
    %mul3A_2734 = vector.broadcast %mul3A_2733 : i32 to vector<16xi32>
    %mul3A_2735 = arith.muli %select_n3A_2636, %mul3A_2734 : vector<16xi32>
    %add3A_2736 = vector.broadcast %mul3A_2732 : i32 to vector<16xi32>
    %add3A_2737 = arith.addi %add3A_2736, %mul3A_2735 : vector<16xi32>
    %mul3A_2738 = arith.constant 169 : i32
    %mul3A_2739 = vector.broadcast %mul3A_2738 : i32 to vector<16xi32>
    %mul3A_2740 = arith.muli %add3A_2737, %mul3A_2739 : vector<16xi32>
    %add3A_2741 = arith.addi %mul3A_2740, %add3A_2730 : vector<16xi32>
    %jit3A_2742 = arith.constant 0 : i32
    %broadcast_in_dim3A_2743 = vector.broadcast %jit3A_2742 : i32 to vector<16xi32>
    %select_n3A_2744 = arith.select %and3A_2643, %add3A_2741, %broadcast_in_dim3A_2743 : vector<16xi1>, vector<16xi32>
    %add3A_2745 = arith.constant 0 : i32
    %add3A_2746 = vector.broadcast %add3A_2745 : i32 to vector<16xi32>
    %add3A_2747 = arith.addi %select_n3A_2744, %add3A_2746 : vector<16xi32>
    %swap3A_2748 = arith.constant 0 : i32
    %swap3A_2749 = arith.index_cast %swap3A_2748 : i32 to index
    %swap3A_2750 = arith.constant 16 : index
    %swap3A_2751 = tpu.vector_load %arg7[%swap3A_2749, %swap3A_2750] {strides = array<i32>} : memref<6x64xi32, #tpu.memory_space<vmem>>, vector<1x16xi32>,
    %swap3A_2752 = vector.shape_cast %swap3A_2751 : vector<1x16xi32> to vector<16xi32>
    %swap3A_2753 = vector.shape_cast %add3A_2747 : vector<16xi32> to vector<1x16xi32>
    tpu.vector_store %arg7[%swap3A_2749, %swap3A_2750], %swap3A_2753 {strides = array<i32>} : memref<6x64xi32, #tpu.memory_space<vmem>>, vector<1x16xi32>,
    %add3A_2754 = arith.constant 169 : i32
    %add3A_2755 = vector.broadcast %add3A_2754 : i32 to vector<16xi32>
    %add3A_2756 = arith.addi %select_n3A_2744, %add3A_2755 : vector<16xi32>
    %swap3A_2757 = arith.constant 1 : i32
    %swap3A_2758 = arith.index_cast %swap3A_2757 : i32 to index
    %swap3A_2759 = arith.constant 16 : index
    %swap3A_2760 = tpu.vector_load %arg7[%swap3A_2758, %swap3A_2759] {strides = array<i32>} : memref<6x64xi32, #tpu.memory_space<vmem>>, vector<1x16xi32>,
    %swap3A_2761 = vector.shape_cast %swap3A_2760 : vector<1x16xi32> to vector<16xi32>
    %swap3A_2762 = vector.shape_cast %add3A_2756 : vector<16xi32> to vector<1x16xi32>
    tpu.vector_store %arg7[%swap3A_2758, %swap3A_2759], %swap3A_2762 {strides = array<i32>} : memref<6x64xi32, #tpu.memory_space<vmem>>, vector<1x16xi32>,
    %add3A_2763 = arith.constant 338 : i32
    %add3A_2764 = vector.broadcast %add3A_2763 : i32 to vector<16xi32>
    %add3A_2765 = arith.addi %select_n3A_2744, %add3A_2764 : vector<16xi32>
    %swap3A_2766 = arith.constant 2 : i32
    %swap3A_2767 = arith.index_cast %swap3A_2766 : i32 to index
    %swap3A_2768 = arith.constant 16 : index
    %swap3A_2769 = tpu.vector_load %arg7[%swap3A_2767, %swap3A_2768] {strides = array<i32>} : memref<6x64xi32, #tpu.memory_space<vmem>>, vector<1x16xi32>,
    %swap3A_2770 = vector.shape_cast %swap3A_2769 : vector<1x16xi32> to vector<16xi32>
    %swap3A_2771 = vector.shape_cast %add3A_2765 : vector<16xi32> to vector<1x16xi32>
    tpu.vector_store %arg7[%swap3A_2767, %swap3A_2768], %swap3A_2771 {strides = array<i32>} : memref<6x64xi32, #tpu.memory_space<vmem>>, vector<1x16xi32>,
    %add3A_2772 = arith.constant 507 : i32
    %add3A_2773 = vector.broadcast %add3A_2772 : i32 to vector<16xi32>
    %add3A_2774 = arith.addi %select_n3A_2744, %add3A_2773 : vector<16xi32>
    %swap3A_2775 = arith.constant 3 : i32
    %swap3A_2776 = arith.index_cast %swap3A_2775 : i32 to index
    %swap3A_2777 = arith.constant 16 : index
    %swap3A_2778 = tpu.vector_load %arg7[%swap3A_2776, %swap3A_2777] {strides = array<i32>} : memref<6x64xi32, #tpu.memory_space<vmem>>, vector<1x16xi32>,
    %swap3A_2779 = vector.shape_cast %swap3A_2778 : vector<1x16xi32> to vector<16xi32>
    %swap3A_2780 = vector.shape_cast %add3A_2774 : vector<16xi32> to vector<1x16xi32>
    tpu.vector_store %arg7[%swap3A_2776, %swap3A_2777], %swap3A_2780 {strides = array<i32>} : memref<6x64xi32, #tpu.memory_space<vmem>>, vector<1x16xi32>,
    %add3A_2781 = arith.constant 676 : i32
    %add3A_2782 = vector.broadcast %add3A_2781 : i32 to vector<16xi32>
    %add3A_2783 = arith.addi %select_n3A_2744, %add3A_2782 : vector<16xi32>
    %swap3A_2784 = arith.constant 4 : i32
    %swap3A_2785 = arith.index_cast %swap3A_2784 : i32 to index
    %swap3A_2786 = arith.constant 16 : index
    %swap3A_2787 = tpu.vector_load %arg7[%swap3A_2785, %swap3A_2786] {strides = array<i32>} : memref<6x64xi32, #tpu.memory_space<vmem>>, vector<1x16xi32>,
    %swap3A_2788 = vector.shape_cast %swap3A_2787 : vector<1x16xi32> to vector<16xi32>
    %swap3A_2789 = vector.shape_cast %add3A_2783 : vector<16xi32> to vector<1x16xi32>
    tpu.vector_store %arg7[%swap3A_2785, %swap3A_2786], %swap3A_2789 {strides = array<i32>} : memref<6x64xi32, #tpu.memory_space<vmem>>, vector<1x16xi32>,
    %add3A_2790 = arith.constant 5 : i32
    %add3A_2791 = vector.broadcast %add3A_2790 : i32 to vector<16xi32>
    %add3A_2792 = arith.addi %add3A_2791, %min3A_2662 : vector<16xi32>
    %mul3A_2793 = arith.constant 169 : i32
    %mul3A_2794 = vector.broadcast %mul3A_2793 : i32 to vector<16xi32>
    %mul3A_2795 = arith.muli %add3A_2792, %mul3A_2794 : vector<16xi32>
    %add3A_2796 = arith.addi %select_n3A_2744, %mul3A_2795 : vector<16xi32>
    %swap3A_2797 = arith.constant 5 : i32
    %swap3A_2798 = arith.index_cast %swap3A_2797 : i32 to index
    %swap3A_2799 = arith.constant 16 : index
    %swap3A_2800 = tpu.vector_load %arg7[%swap3A_2798, %swap3A_2799] {strides = array<i32>} : memref<6x64xi32, #tpu.memory_space<vmem>>, vector<1x16xi32>,
    %swap3A_2801 = vector.shape_cast %swap3A_2800 : vector<1x16xi32> to vector<16xi32>
    %swap3A_2802 = vector.shape_cast %add3A_2796 : vector<16xi32> to vector<1x16xi32>
    tpu.vector_store %arg7[%swap3A_2798, %swap3A_2799], %swap3A_2802 {strides = array<i32>} : memref<6x64xi32, #tpu.memory_space<vmem>>, vector<1x16xi32>,
    %swap3A_2803 = arith.constant 0 : i32
    %swap3A_2804 = arith.index_cast %swap3A_2803 : i32 to index
    %swap3A_2805 = arith.constant 16 : index
    %swap3A_2806 = tpu.vector_load %arg9[%swap3A_2804, %swap3A_2805] {strides = array<i32>} : memref<7x64xf32, #tpu.memory_space<vmem>>, vector<1x16xf32>,
    %swap3A_2807 = vector.shape_cast %swap3A_2806 : vector<1x16xf32> to vector<16xf32>
    %swap3A_2808 = vector.shape_cast %sub3A_2653 : vector<16xf32> to vector<1x16xf32>
    tpu.vector_store %arg9[%swap3A_2804, %swap3A_2805], %swap3A_2808 {strides = array<i32>} : memref<7x64xf32, #tpu.memory_space<vmem>>, vector<1x16xf32>,
    %swap3A_2809 = arith.constant 1 : i32
    %swap3A_2810 = arith.index_cast %swap3A_2809 : i32 to index
    %swap3A_2811 = arith.constant 16 : index
    %swap3A_2812 = tpu.vector_load %arg9[%swap3A_2810, %swap3A_2811] {strides = array<i32>} : memref<7x64xf32, #tpu.memory_space<vmem>>, vector<1x16xf32>,
    %swap3A_2813 = vector.shape_cast %swap3A_2812 : vector<1x16xf32> to vector<16xf32>
    %swap3A_2814 = vector.shape_cast %sub3A_2655 : vector<16xf32> to vector<1x16xf32>
    tpu.vector_store %arg9[%swap3A_2810, %swap3A_2811], %swap3A_2814 {strides = array<i32>} : memref<7x64xf32, #tpu.memory_space<vmem>>, vector<1x16xf32>,
    %swap3A_2815 = arith.constant 2 : i32
    %swap3A_2816 = arith.index_cast %swap3A_2815 : i32 to index
    %swap3A_2817 = arith.constant 16 : index
    %swap3A_2818 = tpu.vector_load %arg9[%swap3A_2816, %swap3A_2817] {strides = array<i32>} : memref<7x64xf32, #tpu.memory_space<vmem>>, vector<1x16xf32>,
    %swap3A_2819 = vector.shape_cast %swap3A_2818 : vector<1x16xf32> to vector<16xf32>
    %swap3A_2820 = vector.shape_cast %div3A_2722 : vector<16xf32> to vector<1x16xf32>
    tpu.vector_store %arg9[%swap3A_2816, %swap3A_2817], %swap3A_2820 {strides = array<i32>} : memref<7x64xf32, #tpu.memory_space<vmem>>, vector<1x16xf32>,
    %swap3A_2821 = arith.constant 3 : i32
    %swap3A_2822 = arith.index_cast %swap3A_2821 : i32 to index
    %swap3A_2823 = arith.constant 16 : index
    %swap3A_2824 = tpu.vector_load %arg9[%swap3A_2822, %swap3A_2823] {strides = array<i32>} : memref<7x64xf32, #tpu.memory_space<vmem>>, vector<1x16xf32>,
    %swap3A_2825 = vector.shape_cast %swap3A_2824 : vector<1x16xf32> to vector<16xf32>
    %swap3A_2826 = vector.shape_cast %div3A_2726 : vector<16xf32> to vector<1x16xf32>
    tpu.vector_store %arg9[%swap3A_2822, %swap3A_2823], %swap3A_2826 {strides = array<i32>} : memref<7x64xf32, #tpu.memory_space<vmem>>, vector<1x16xf32>,
    %sub3A_2827 = arith.constant 2.000000e+00 : f32
    %sub3A_2828 = vector.broadcast %sub3A_2827 : f32 to vector<16xf32>
    %sub3A_2829 = arith.subf %sub3A_2828, %mul3A_2479 : vector<16xf32>
    %swap3A_2830 = arith.constant 6 : i32
    %swap3A_2831 = arith.index_cast %swap3A_2830 : i32 to index
    %swap3A_2832 = arith.constant 16 : index
    %swap3A_2833 = tpu.vector_load %arg9[%swap3A_2831, %swap3A_2832] {strides = array<i32>} : memref<7x64xf32, #tpu.memory_space<vmem>>, vector<1x16xf32>,
    %swap3A_2834 = vector.shape_cast %swap3A_2833 : vector<1x16xf32> to vector<16xf32>
    %swap3A_2835 = vector.shape_cast %sub3A_2829 : vector<16xf32> to vector<1x16xf32>
    tpu.vector_store %arg9[%swap3A_2831, %swap3A_2832], %swap3A_2835 {strides = array<i32>} : memref<7x64xf32, #tpu.memory_space<vmem>>, vector<1x16xf32>,
    %get3A_2836 = arith.constant 0 : i32
    %get3A_2837 = arith.index_cast %get3A_2836 : i32 to index
    %get3A_2838 = arith.constant 32 : index
    %get3A_2839 = tpu.vector_load %arg6[%get3A_2837, %get3A_2838] {strides = array<i32>} : memref<5x64xf32, #tpu.memory_space<vmem>>, vector<1x16xf32>,
    %get3A_2840 = vector.shape_cast %get3A_2839 : vector<1x16xf32> to vector<16xf32>
    %get3A_2841 = arith.constant 1 : i32
    %get3A_2842 = arith.index_cast %get3A_2841 : i32 to index
    %get3A_2843 = arith.constant 32 : index
    %get3A_2844 = tpu.vector_load %arg6[%get3A_2842, %get3A_2843] {strides = array<i32>} : memref<5x64xf32, #tpu.memory_space<vmem>>, vector<1x16xf32>,
    %get3A_2845 = vector.shape_cast %get3A_2844 : vector<1x16xf32> to vector<16xf32>
    %get3A_2846 = arith.constant 2 : i32
    %get3A_2847 = arith.index_cast %get3A_2846 : i32 to index
    %get3A_2848 = arith.constant 32 : index
    %get3A_2849 = tpu.vector_load %arg6[%get3A_2847, %get3A_2848] {strides = array<i32>} : memref<5x64xf32, #tpu.memory_space<vmem>>, vector<1x16xf32>,
    %get3A_2850 = vector.shape_cast %get3A_2849 : vector<1x16xf32> to vector<16xf32>
    %get3A_2851 = arith.constant 3 : i32
    %get3A_2852 = arith.index_cast %get3A_2851 : i32 to index
    %get3A_2853 = arith.constant 32 : index
    %get3A_2854 = tpu.vector_load %arg6[%get3A_2852, %get3A_2853] {strides = array<i32>} : memref<5x64xf32, #tpu.memory_space<vmem>>, vector<1x16xf32>,
    %get3A_2855 = vector.shape_cast %get3A_2854 : vector<1x16xf32> to vector<16xf32>
    %get3A_2856 = arith.constant 4 : i32
    %get3A_2857 = arith.index_cast %get3A_2856 : i32 to index
    %get3A_2858 = arith.constant 32 : index
    %get3A_2859 = tpu.vector_load %arg6[%get3A_2857, %get3A_2858] {strides = array<i32>} : memref<5x64xf32, #tpu.memory_space<vmem>>, vector<1x16xf32>,
    %get3A_2860 = vector.shape_cast %get3A_2859 : vector<1x16xf32> to vector<16xf32>
    %iota3A_2861 = tpu.iota {dimensions = array<i32: 0>} : vector<16xi32>
    %add3A_2862 = arith.constant 32 : i32
    %add3A_2863 = vector.broadcast %add3A_2862 : i32 to vector<16xi32>
    %add3A_2864 = arith.addi %iota3A_2861, %add3A_2863 : vector<16xi32>
    %mul3A_2865 = arith.mulf %get3A_2850, %get3A_2855 : vector<16xf32>
    %broadcast_in_dim3A_2866 = arith.constant -1.000000e+00 : f32
    %broadcast_in_dim3A_2867 = vector.broadcast %broadcast_in_dim3A_2866 : f32 to vector<16xf32>
    %broadcast_in_dim3A_2868 = arith.constant 0 : i32
    %broadcast_in_dim3A_2869 = vector.broadcast %broadcast_in_dim3A_2868 : i32 to vector<16xi32>
    %min3A_2870 = arith.constant 0.278846145 : f32
    %min3A_2871 = vector.broadcast %min3A_2870 : f32 to vector<16xf32>
    %min3A_2872 = arith.minimumf %get3A_2850, %min3A_2871 : vector<16xf32>
    %min3A_2873 = arith.constant 0.21634616 : f32
    %min3A_2874 = vector.broadcast %min3A_2873 : f32 to vector<16xf32>
    %min3A_2875 = arith.minimumf %get3A_2855, %min3A_2874 : vector<16xf32>
    %mul3A_2876 = arith.mulf %min3A_2872, %min3A_2875 : vector<16xf32>
    %add3A_2877 = arith.constant 0.0603272914 : f32
    %add3A_2878 = vector.broadcast %add3A_2877 : f32 to vector<16xf32>
    %add3A_2879 = arith.addf %mul3A_2865, %add3A_2878 : vector<16xf32>
    %sub3A_2880 = arith.subf %add3A_2879, %mul3A_2876 : vector<16xf32>
    %div3A_2881 = arith.divf %mul3A_2876, %sub3A_2880 : vector<16xf32>
    %gt3A_2882 = arith.cmpf ogt, %div3A_2881, %broadcast_in_dim3A_2867 : vector<16xf32>
    %select_n3A_2883 = arith.select %gt3A_2882, %div3A_2881, %broadcast_in_dim3A_2867 : vector<16xi1>, vector<16xf32>
    %broadcast_in_dim3A_2884 = arith.constant 0 : i32
    %broadcast_in_dim3A_2885 = vector.broadcast %broadcast_in_dim3A_2884 : i32 to vector<16xi32>
    %select_n3A_2886 = arith.select %gt3A_2882, %broadcast_in_dim3A_2885, %broadcast_in_dim3A_2869 : vector<16xi1>, vector<16xi32>
    %min3A_2887 = arith.constant 3.750000e-01 : f32
    %min3A_2888 = vector.broadcast %min3A_2887 : f32 to vector<16xf32>
    %min3A_2889 = arith.minimumf %get3A_2850, %min3A_2888 : vector<16xf32>
    %min3A_2890 = arith.constant 0.475961536 : f32
    %min3A_2891 = vector.broadcast %min3A_2890 : f32 to vector<16xf32>
    %min3A_2892 = arith.minimumf %get3A_2855, %min3A_2891 : vector<16xf32>
    %mul3A_2893 = arith.mulf %min3A_2889, %min3A_2892 : vector<16xf32>
    %add3A_2894 = arith.constant 0.178485572 : f32
    %add3A_2895 = vector.broadcast %add3A_2894 : f32 to vector<16xf32>
    %add3A_2896 = arith.addf %mul3A_2865, %add3A_2895 : vector<16xf32>
    %sub3A_2897 = arith.subf %add3A_2896, %mul3A_2893 : vector<16xf32>
    %div3A_2898 = arith.divf %mul3A_2893, %sub3A_2897 : vector<16xf32>
    %gt3A_2899 = arith.cmpf ogt, %div3A_2898, %select_n3A_2883 : vector<16xf32>
    %select_n3A_2900 = arith.select %gt3A_2899, %div3A_2898, %select_n3A_2883 : vector<16xi1>, vector<16xf32>
    %broadcast_in_dim3A_2901 = arith.constant 1 : i32
    %broadcast_in_dim3A_2902 = vector.broadcast %broadcast_in_dim3A_2901 : i32 to vector<16xi32>
    %select_n3A_2903 = arith.select %gt3A_2899, %broadcast_in_dim3A_2902, %select_n3A_2886 : vector<16xi1>, vector<16xi32>
    %min3A_2904 = arith.constant 0.896634638 : f32
    %min3A_2905 = vector.broadcast %min3A_2904 : f32 to vector<16xf32>
    %min3A_2906 = arith.minimumf %get3A_2850, %min3A_2905 : vector<16xf32>
    %min3A_2907 = arith.constant 0.783653855 : f32
    %min3A_2908 = vector.broadcast %min3A_2907 : f32 to vector<16xf32>
    %min3A_2909 = arith.minimumf %get3A_2855, %min3A_2908 : vector<16xf32>
    %mul3A_2910 = arith.mulf %min3A_2906, %min3A_2909 : vector<16xf32>
    %add3A_2911 = arith.constant 0.702651143 : f32
    %add3A_2912 = vector.broadcast %add3A_2911 : f32 to vector<16xf32>
    %add3A_2913 = arith.addf %mul3A_2865, %add3A_2912 : vector<16xf32>
    %sub3A_2914 = arith.subf %add3A_2913, %mul3A_2910 : vector<16xf32>
    %div3A_2915 = arith.divf %mul3A_2910, %sub3A_2914 : vector<16xf32>
    %gt3A_2916 = arith.cmpf ogt, %div3A_2915, %select_n3A_2900 : vector<16xf32>
    %select_n3A_2917 = arith.select %gt3A_2916, %div3A_2915, %select_n3A_2900 : vector<16xi1>, vector<16xf32>
    %broadcast_in_dim3A_2918 = arith.constant 2 : i32
    %broadcast_in_dim3A_2919 = vector.broadcast %broadcast_in_dim3A_2918 : i32 to vector<16xi32>
    %select_n3A_2920 = arith.select %gt3A_2916, %broadcast_in_dim3A_2919, %select_n3A_2903 : vector<16xi1>, vector<16xi32>
    %min3A_2921 = arith.constant 0.072115384 : f32
    %min3A_2922 = vector.broadcast %min3A_2921 : f32 to vector<16xf32>
    %min3A_2923 = arith.minimumf %get3A_2850, %min3A_2922 : vector<16xf32>
    %min3A_2924 = arith.constant 0.146634609 : f32
    %min3A_2925 = vector.broadcast %min3A_2924 : f32 to vector<16xf32>
    %min3A_2926 = arith.minimumf %get3A_2855, %min3A_2925 : vector<16xf32>
    %mul3A_2927 = arith.mulf %min3A_2923, %min3A_2926 : vector<16xf32>
    %add3A_2928 = arith.constant 0.0105746118 : f32
    %add3A_2929 = vector.broadcast %add3A_2928 : f32 to vector<16xf32>
    %add3A_2930 = arith.addf %mul3A_2865, %add3A_2929 : vector<16xf32>
    %sub3A_2931 = arith.subf %add3A_2930, %mul3A_2927 : vector<16xf32>
    %div3A_2932 = arith.divf %mul3A_2927, %sub3A_2931 : vector<16xf32>
    %gt3A_2933 = arith.cmpf ogt, %div3A_2932, %select_n3A_2917 : vector<16xf32>
    %select_n3A_2934 = arith.select %gt3A_2933, %div3A_2932, %select_n3A_2917 : vector<16xi1>, vector<16xf32>
    %broadcast_in_dim3A_2935 = arith.constant 3 : i32
    %broadcast_in_dim3A_2936 = vector.broadcast %broadcast_in_dim3A_2935 : i32 to vector<16xi32>
    %select_n3A_2937 = arith.select %gt3A_2933, %broadcast_in_dim3A_2936, %select_n3A_2920 : vector<16xi1>, vector<16xi32>
    %min3A_2938 = arith.constant 0.149038464 : f32
    %min3A_2939 = vector.broadcast %min3A_2938 : f32 to vector<16xf32>
    %min3A_2940 = arith.minimumf %get3A_2850, %min3A_2939 : vector<16xf32>
    %min3A_2941 = arith.constant 0.10817308 : f32
    %min3A_2942 = vector.broadcast %min3A_2941 : f32 to vector<16xf32>
    %min3A_2943 = arith.minimumf %get3A_2855, %min3A_2942 : vector<16xf32>
    %mul3A_2944 = arith.mulf %min3A_2940, %min3A_2943 : vector<16xf32>
    %add3A_2945 = arith.constant 0.0161219481 : f32
    %add3A_2946 = vector.broadcast %add3A_2945 : f32 to vector<16xf32>
    %add3A_2947 = arith.addf %mul3A_2865, %add3A_2946 : vector<16xf32>
    %sub3A_2948 = arith.subf %add3A_2947, %mul3A_2944 : vector<16xf32>
    %div3A_2949 = arith.divf %mul3A_2944, %sub3A_2948 : vector<16xf32>
    %gt3A_2950 = arith.cmpf ogt, %div3A_2949, %select_n3A_2934 : vector<16xf32>
    %select_n3A_2951 = arith.select %gt3A_2950, %div3A_2949, %select_n3A_2934 : vector<16xi1>, vector<16xf32>
    %broadcast_in_dim3A_2952 = arith.constant 4 : i32
    %broadcast_in_dim3A_2953 = vector.broadcast %broadcast_in_dim3A_2952 : i32 to vector<16xi32>
    %select_n3A_2954 = arith.select %gt3A_2950, %broadcast_in_dim3A_2953, %select_n3A_2937 : vector<16xi1>, vector<16xi32>
    %min3A_2955 = arith.constant 0.141826928 : f32
    %min3A_2956 = vector.broadcast %min3A_2955 : f32 to vector<16xf32>
    %min3A_2957 = arith.minimumf %get3A_2850, %min3A_2956 : vector<16xf32>
    %min3A_2958 = arith.constant 0.286057681 : f32
    %min3A_2959 = vector.broadcast %min3A_2958 : f32 to vector<16xf32>
    %min3A_2960 = arith.minimumf %get3A_2855, %min3A_2959 : vector<16xf32>
    %mul3A_2961 = arith.mulf %min3A_2957, %min3A_2960 : vector<16xf32>
    %add3A_2962 = arith.constant 0.0405706838 : f32
    %add3A_2963 = vector.broadcast %add3A_2962 : f32 to vector<16xf32>
    %add3A_2964 = arith.addf %mul3A_2865, %add3A_2963 : vector<16xf32>
    %sub3A_2965 = arith.subf %add3A_2964, %mul3A_2961 : vector<16xf32>
    %div3A_2966 = arith.divf %mul3A_2961, %sub3A_2965 : vector<16xf32>
    %gt3A_2967 = arith.cmpf ogt, %div3A_2966, %select_n3A_2951 : vector<16xf32>
    %select_n3A_2968 = arith.select %gt3A_2967, %div3A_2966, %select_n3A_2951 : vector<16xi1>, vector<16xf32>
    %broadcast_in_dim3A_2969 = arith.constant 5 : i32
    %broadcast_in_dim3A_2970 = vector.broadcast %broadcast_in_dim3A_2969 : i32 to vector<16xi32>
    %select_n3A_2971 = arith.select %gt3A_2967, %broadcast_in_dim3A_2970, %select_n3A_2954 : vector<16xi1>, vector<16xi32>
    %min3A_2972 = arith.constant 0.024038462 : f32
    %min3A_2973 = vector.broadcast %min3A_2972 : f32 to vector<16xf32>
    %min3A_2974 = arith.minimumf %get3A_2850, %min3A_2973 : vector<16xf32>
    %min3A_2975 = arith.constant 3.125000e-02 : f32
    %min3A_2976 = vector.broadcast %min3A_2975 : f32 to vector<16xf32>
    %min3A_2977 = arith.minimumf %get3A_2855, %min3A_2976 : vector<16xf32>
    %mul3A_2978 = arith.mulf %min3A_2974, %min3A_2977 : vector<16xf32>
    %add3A_2979 = arith.constant 7.51201937E-4 : f32
    %add3A_2980 = vector.broadcast %add3A_2979 : f32 to vector<16xf32>
    %add3A_2981 = arith.addf %mul3A_2865, %add3A_2980 : vector<16xf32>
    %sub3A_2982 = arith.subf %add3A_2981, %mul3A_2978 : vector<16xf32>
    %div3A_2983 = arith.divf %mul3A_2978, %sub3A_2982 : vector<16xf32>
    %gt3A_2984 = arith.cmpf ogt, %div3A_2983, %select_n3A_2968 : vector<16xf32>
    %select_n3A_2985 = arith.select %gt3A_2984, %div3A_2983, %select_n3A_2968 : vector<16xi1>, vector<16xf32>
    %broadcast_in_dim3A_2986 = arith.constant 6 : i32
    %broadcast_in_dim3A_2987 = vector.broadcast %broadcast_in_dim3A_2986 : i32 to vector<16xi32>
    %select_n3A_2988 = arith.select %gt3A_2984, %broadcast_in_dim3A_2987, %select_n3A_2971 : vector<16xi1>, vector<16xi32>
    %min3A_2989 = arith.constant 0.0384615399 : f32
    %min3A_2990 = vector.broadcast %min3A_2989 : f32 to vector<16xf32>
    %min3A_2991 = arith.minimumf %get3A_2850, %min3A_2990 : vector<16xf32>
    %min3A_2992 = arith.constant 0.072115384 : f32
    %min3A_2993 = vector.broadcast %min3A_2992 : f32 to vector<16xf32>
    %min3A_2994 = arith.minimumf %get3A_2855, %min3A_2993 : vector<16xf32>
    %mul3A_2995 = arith.mulf %min3A_2991, %min3A_2994 : vector<16xf32>
    %add3A_2996 = arith.constant 0.00277366862 : f32
    %add3A_2997 = vector.broadcast %add3A_2996 : f32 to vector<16xf32>
    %add3A_2998 = arith.addf %mul3A_2865, %add3A_2997 : vector<16xf32>
    %sub3A_2999 = arith.subf %add3A_2998, %mul3A_2995 : vector<16xf32>
    %div3A_3000 = arith.divf %mul3A_2995, %sub3A_2999 : vector<16xf32>
    %gt3A_3001 = arith.cmpf ogt, %div3A_3000, %select_n3A_2985 : vector<16xf32>
    %select_n3A_3002 = arith.select %gt3A_3001, %div3A_3000, %select_n3A_2985 : vector<16xi1>, vector<16xf32>
    %broadcast_in_dim3A_3003 = arith.constant 7 : i32
    %broadcast_in_dim3A_3004 = vector.broadcast %broadcast_in_dim3A_3003 : i32 to vector<16xi32>
    %select_n3A_3005 = arith.select %gt3A_3001, %broadcast_in_dim3A_3004, %select_n3A_2988 : vector<16xi1>, vector<16xi32>
    %min3A_3006 = arith.constant 0.0793269202 : f32
    %min3A_3007 = vector.broadcast %min3A_3006 : f32 to vector<16xf32>
    %min3A_3008 = arith.minimumf %get3A_2850, %min3A_3007 : vector<16xf32>
    %min3A_3009 = arith.constant 0.0552884601 : f32
    %min3A_3010 = vector.broadcast %min3A_3009 : f32 to vector<16xf32>
    %min3A_3011 = arith.minimumf %get3A_2855, %min3A_3010 : vector<16xf32>
    %mul3A_3012 = arith.mulf %min3A_3008, %min3A_3011 : vector<16xf32>
    %add3A_3013 = arith.constant 0.00438586343 : f32
    %add3A_3014 = vector.broadcast %add3A_3013 : f32 to vector<16xf32>
    %add3A_3015 = arith.addf %mul3A_2865, %add3A_3014 : vector<16xf32>
    %sub3A_3016 = arith.subf %add3A_3015, %mul3A_3012 : vector<16xf32>
    %div3A_3017 = arith.divf %mul3A_3012, %sub3A_3016 : vector<16xf32>
    %gt3A_3018 = arith.cmpf ogt, %div3A_3017, %select_n3A_3002 : vector<16xf32>
    %select_n3A_3019 = arith.select %gt3A_3018, %div3A_3017, %select_n3A_3002 : vector<16xi1>, vector<16xf32>
    %broadcast_in_dim3A_3020 = arith.constant 8 : i32
    %broadcast_in_dim3A_3021 = vector.broadcast %broadcast_in_dim3A_3020 : i32 to vector<16xi32>
    %select_n3A_3022 = arith.select %gt3A_3018, %broadcast_in_dim3A_3021, %select_n3A_3005 : vector<16xi1>, vector<16xi32>
    %lt3A_3023 = arith.constant 3 : i32
    %lt3A_3024 = vector.broadcast %lt3A_3023 : i32 to vector<16xi32>
    %lt3A_3025 = arith.cmpi slt, %select_n3A_3022, %lt3A_3024 : vector<16xi32>
    %lt3A_3026 = arith.constant 50 : i32
    %lt3A_3027 = vector.broadcast %lt3A_3026 : i32 to vector<16xi32>
    %lt3A_3028 = arith.cmpi slt, %add3A_2864, %lt3A_3027 : vector<16xi32>
    %and3A_3029 = arith.andi %lt3A_3025, %lt3A_3028 : vector<16xi1>
    %mul3A_3030 = arith.constant 1.300000e+01 : f32
    %mul3A_3031 = vector.broadcast %mul3A_3030 : f32 to vector<16xf32>
    %mul3A_3032 = arith.mulf %get3A_2840, %mul3A_3031 : vector<16xf32>
    %mul3A_3033 = arith.constant 1.300000e+01 : f32
    %mul3A_3034 = vector.broadcast %mul3A_3033 : f32 to vector<16xf32>
    %mul3A_3035 = arith.mulf %get3A_2845, %mul3A_3034 : vector<16xf32>
    %convert_element_type3A_3036 = arith.fptosi %mul3A_3032 : vector<16xf32> to vector<16xi32>
    %convert_element_type3A_3037 = arith.fptosi %mul3A_3035 : vector<16xf32> to vector<16xi32>
    %convert_element_type3A_3038 = arith.sitofp %convert_element_type3A_3036 : vector<16xi32> to vector<16xf32>
    %sub3A_3039 = arith.subf %mul3A_3032, %convert_element_type3A_3038 : vector<16xf32>
    %convert_element_type3A_3040 = arith.sitofp %convert_element_type3A_3037 : vector<16xi32> to vector<16xf32>
    %sub3A_3041 = arith.subf %mul3A_3035, %convert_element_type3A_3040 : vector<16xf32>
    %convert_element_type3A_3042 = arith.fptosi %get3A_2860 : vector<16xf32> to vector<16xi32>
    %jit3A_3043 = arith.constant 0 : i32
    %jit3A_3044 = arith.constant 79 : i32
    %max3A_3045 = vector.broadcast %jit3A_3043 : i32 to vector<16xi32>
    %max3A_3046 = arith.maxsi %max3A_3045, %convert_element_type3A_3042 : vector<16xi32>
    %min3A_3047 = vector.broadcast %jit3A_3044 : i32 to vector<16xi32>
    %min3A_3048 = arith.minsi %min3A_3047, %max3A_3046 : vector<16xi32>
    %lt3A_3049 = arith.constant 8.000000e+01 : f32
    %lt3A_3050 = vector.broadcast %lt3A_3049 : f32 to vector<16xf32>
    %lt3A_3051 = arith.cmpf olt, %get3A_2860, %lt3A_3050 : vector<16xf32>
    %ge3A_3052 = arith.constant 0.000000e+00 : f32
    %ge3A_3053 = vector.broadcast %ge3A_3052 : f32 to vector<16xf32>
    %ge3A_3054 = arith.cmpf oge, %get3A_2860, %ge3A_3053 : vector<16xf32>
    %and3A_3055 = arith.andi %lt3A_3051, %ge3A_3054 : vector<16xi1>
    %mul3A_3056 = arith.constant 13 : i32
    %mul3A_3057 = vector.broadcast %mul3A_3056 : i32 to vector<16xi32>
    %mul3A_3058 = arith.muli %select_n3A_3022, %mul3A_3057 : vector<16xi32>
    %add3A_3059 = arith.addi %mul3A_3058, %convert_element_type3A_3037 : vector<16xi32>
    %mul3A_3060 = arith.constant 13 : i32
    %mul3A_3061 = vector.broadcast %mul3A_3060 : i32 to vector<16xi32>
    %mul3A_3062 = arith.muli %add3A_3059, %mul3A_3061 : vector<16xi32>
    %add3A_3063 = arith.addi %mul3A_3062, %convert_element_type3A_3036 : vector<16xi32>
    %sub3A_3064 = arith.constant -1 : i32
    %sub3A_3065 = vector.broadcast %sub3A_3064 : i32 to vector<16xi32>
    %sub3A_3066 = arith.subi %sub3A_3065, %add3A_2864 : vector<16xi32>
    %select_n3A_3067 = arith.select %and3A_3029, %add3A_3063, %sub3A_3066 : vector<16xi1>, vector<16xi32>
    %and3A_3068 = arith.andi %and3A_3029, %and3A_3055 : vector<16xi1>
    %mul3A_3069 = arith.constant 80 : i32
    %mul3A_3070 = vector.broadcast %mul3A_3069 : i32 to vector<16xi32>
    %mul3A_3071 = arith.muli %select_n3A_3067, %mul3A_3070 : vector<16xi32>
    %add3A_3072 = arith.addi %mul3A_3071, %min3A_3048 : vector<16xi32>
    %sub3A_3073 = arith.constant -1 : i32
    %sub3A_3074 = vector.broadcast %sub3A_3073 : i32 to vector<16xi32>
    %sub3A_3075 = arith.subi %sub3A_3074, %add3A_2864 : vector<16xi32>
    %select_n3A_3076 = arith.select %and3A_3068, %add3A_3072, %sub3A_3075 : vector<16xi1>, vector<16xi32>
    %eq3A_3077 = arith.constant 0 : i32
    %eq3A_3078 = vector.broadcast %eq3A_3077 : i32 to vector<16xi32>
    %eq3A_3079 = arith.cmpi eq, %select_n3A_3022, %eq3A_3078 : vector<16xi32>
    %eq3A_3080 = arith.constant 1 : i32
    %eq3A_3081 = vector.broadcast %eq3A_3080 : i32 to vector<16xi32>
    %eq3A_3082 = arith.cmpi eq, %select_n3A_3022, %eq3A_3081 : vector<16xi32>
    %jit3A_3083 = arith.constant 3.750000e-01 : f32
    %jit3A_3084 = arith.constant 0.896634638 : f32
    %broadcast_in_dim3A_3085 = vector.broadcast %jit3A_3083 : f32 to vector<16xf32>
    %broadcast_in_dim3A_3086 = vector.broadcast %jit3A_3084 : f32 to vector<16xf32>
    %select_n3A_3087 = arith.select %eq3A_3082, %broadcast_in_dim3A_3085, %broadcast_in_dim3A_3086 : vector<16xi1>, vector<16xf32>
    %jit3A_3088 = arith.constant 0.278846145 : f32
    %broadcast_in_dim3A_3089 = vector.broadcast %jit3A_3088 : f32 to vector<16xf32>
    %select_n3A_3090 = arith.select %eq3A_3079, %broadcast_in_dim3A_3089, %select_n3A_3087 : vector<16xi1>, vector<16xf32>
    %eq3A_3091 = arith.constant 0 : i32
    %eq3A_3092 = vector.broadcast %eq3A_3091 : i32 to vector<16xi32>
    %eq3A_3093 = arith.cmpi eq, %select_n3A_3022, %eq3A_3092 : vector<16xi32>
    %eq3A_3094 = arith.constant 1 : i32
    %eq3A_3095 = vector.broadcast %eq3A_3094 : i32 to vector<16xi32>
    %eq3A_3096 = arith.cmpi eq, %select_n3A_3022, %eq3A_3095 : vector<16xi32>
    %jit3A_3097 = arith.constant 0.475961536 : f32
    %jit3A_3098 = arith.constant 0.783653855 : f32
    %broadcast_in_dim3A_3099 = vector.broadcast %jit3A_3097 : f32 to vector<16xf32>
    %broadcast_in_dim3A_3100 = vector.broadcast %jit3A_3098 : f32 to vector<16xf32>
    %select_n3A_3101 = arith.select %eq3A_3096, %broadcast_in_dim3A_3099, %broadcast_in_dim3A_3100 : vector<16xi1>, vector<16xf32>
    %jit3A_3102 = arith.constant 0.21634616 : f32
    %broadcast_in_dim3A_3103 = vector.broadcast %jit3A_3102 : f32 to vector<16xf32>
    %select_n3A_3104 = arith.select %eq3A_3093, %broadcast_in_dim3A_3103, %select_n3A_3101 : vector<16xi1>, vector<16xf32>
    %max3A_3105 = arith.constant 9.99999996E-13 : f32
    %max3A_3106 = vector.broadcast %max3A_3105 : f32 to vector<16xf32>
    %max3A_3107 = arith.maximumf %get3A_2850, %max3A_3106 : vector<16xf32>
    %div3A_3108 = arith.divf %max3A_3107, %select_n3A_3090 : vector<16xf32>
    %max3A_3109 = arith.constant 9.99999996E-13 : f32
    %max3A_3110 = vector.broadcast %max3A_3109 : f32 to vector<16xf32>
    %max3A_3111 = arith.maximumf %get3A_2855, %max3A_3110 : vector<16xf32>
    %div3A_3112 = arith.divf %max3A_3111, %select_n3A_3104 : vector<16xf32>
    %mul3A_3113 = arith.constant 13 : i32
    %mul3A_3114 = vector.broadcast %mul3A_3113 : i32 to vector<16xi32>
    %mul3A_3115 = arith.muli %convert_element_type3A_3037, %mul3A_3114 : vector<16xi32>
    %add3A_3116 = arith.addi %mul3A_3115, %convert_element_type3A_3036 : vector<16xi32>
    %mul3A_3117 = arith.constant 255 : i32
    %mul3A_3118 = arith.muli %add3A_2063, %mul3A_3117 : i32
    %mul3A_3119 = arith.constant 85 : i32
    %mul3A_3120 = vector.broadcast %mul3A_3119 : i32 to vector<16xi32>
    %mul3A_3121 = arith.muli %select_n3A_3022, %mul3A_3120 : vector<16xi32>
    %add3A_3122 = vector.broadcast %mul3A_3118 : i32 to vector<16xi32>
    %add3A_3123 = arith.addi %add3A_3122, %mul3A_3121 : vector<16xi32>
    %mul3A_3124 = arith.constant 169 : i32
    %mul3A_3125 = vector.broadcast %mul3A_3124 : i32 to vector<16xi32>
    %mul3A_3126 = arith.muli %add3A_3123, %mul3A_3125 : vector<16xi32>
    %add3A_3127 = arith.addi %mul3A_3126, %add3A_3116 : vector<16xi32>
    %jit3A_3128 = arith.constant 0 : i32
    %broadcast_in_dim3A_3129 = vector.broadcast %jit3A_3128 : i32 to vector<16xi32>
    %select_n3A_3130 = arith.select %and3A_3029, %add3A_3127, %broadcast_in_dim3A_3129 : vector<16xi1>, vector<16xi32>
    %add3A_3131 = arith.constant 0 : i32
    %add3A_3132 = vector.broadcast %add3A_3131 : i32 to vector<16xi32>
    %add3A_3133 = arith.addi %select_n3A_3130, %add3A_3132 : vector<16xi32>
    %swap3A_3134 = arith.constant 0 : i32
    %swap3A_3135 = arith.index_cast %swap3A_3134 : i32 to index
    %swap3A_3136 = arith.constant 32 : index
    %swap3A_3137 = tpu.vector_load %arg7[%swap3A_3135, %swap3A_3136] {strides = array<i32>} : memref<6x64xi32, #tpu.memory_space<vmem>>, vector<1x16xi32>,
    %swap3A_3138 = vector.shape_cast %swap3A_3137 : vector<1x16xi32> to vector<16xi32>
    %swap3A_3139 = vector.shape_cast %add3A_3133 : vector<16xi32> to vector<1x16xi32>
    tpu.vector_store %arg7[%swap3A_3135, %swap3A_3136], %swap3A_3139 {strides = array<i32>} : memref<6x64xi32, #tpu.memory_space<vmem>>, vector<1x16xi32>,
    %add3A_3140 = arith.constant 169 : i32
    %add3A_3141 = vector.broadcast %add3A_3140 : i32 to vector<16xi32>
    %add3A_3142 = arith.addi %select_n3A_3130, %add3A_3141 : vector<16xi32>
    %swap3A_3143 = arith.constant 1 : i32
    %swap3A_3144 = arith.index_cast %swap3A_3143 : i32 to index
    %swap3A_3145 = arith.constant 32 : index
    %swap3A_3146 = tpu.vector_load %arg7[%swap3A_3144, %swap3A_3145] {strides = array<i32>} : memref<6x64xi32, #tpu.memory_space<vmem>>, vector<1x16xi32>,
    %swap3A_3147 = vector.shape_cast %swap3A_3146 : vector<1x16xi32> to vector<16xi32>
    %swap3A_3148 = vector.shape_cast %add3A_3142 : vector<16xi32> to vector<1x16xi32>
    tpu.vector_store %arg7[%swap3A_3144, %swap3A_3145], %swap3A_3148 {strides = array<i32>} : memref<6x64xi32, #tpu.memory_space<vmem>>, vector<1x16xi32>,
    %add3A_3149 = arith.constant 338 : i32
    %add3A_3150 = vector.broadcast %add3A_3149 : i32 to vector<16xi32>
    %add3A_3151 = arith.addi %select_n3A_3130, %add3A_3150 : vector<16xi32>
    %swap3A_3152 = arith.constant 2 : i32
    %swap3A_3153 = arith.index_cast %swap3A_3152 : i32 to index
    %swap3A_3154 = arith.constant 32 : index
    %swap3A_3155 = tpu.vector_load %arg7[%swap3A_3153, %swap3A_3154] {strides = array<i32>} : memref<6x64xi32, #tpu.memory_space<vmem>>, vector<1x16xi32>,
    %swap3A_3156 = vector.shape_cast %swap3A_3155 : vector<1x16xi32> to vector<16xi32>
    %swap3A_3157 = vector.shape_cast %add3A_3151 : vector<16xi32> to vector<1x16xi32>
    tpu.vector_store %arg7[%swap3A_3153, %swap3A_3154], %swap3A_3157 {strides = array<i32>} : memref<6x64xi32, #tpu.memory_space<vmem>>, vector<1x16xi32>,
    %add3A_3158 = arith.constant 507 : i32
    %add3A_3159 = vector.broadcast %add3A_3158 : i32 to vector<16xi32>
    %add3A_3160 = arith.addi %select_n3A_3130, %add3A_3159 : vector<16xi32>
    %swap3A_3161 = arith.constant 3 : i32
    %swap3A_3162 = arith.index_cast %swap3A_3161 : i32 to index
    %swap3A_3163 = arith.constant 32 : index
    %swap3A_3164 = tpu.vector_load %arg7[%swap3A_3162, %swap3A_3163] {strides = array<i32>} : memref<6x64xi32, #tpu.memory_space<vmem>>, vector<1x16xi32>,
    %swap3A_3165 = vector.shape_cast %swap3A_3164 : vector<1x16xi32> to vector<16xi32>
    %swap3A_3166 = vector.shape_cast %add3A_3160 : vector<16xi32> to vector<1x16xi32>
    tpu.vector_store %arg7[%swap3A_3162, %swap3A_3163], %swap3A_3166 {strides = array<i32>} : memref<6x64xi32, #tpu.memory_space<vmem>>, vector<1x16xi32>,
    %add3A_3167 = arith.constant 676 : i32
    %add3A_3168 = vector.broadcast %add3A_3167 : i32 to vector<16xi32>
    %add3A_3169 = arith.addi %select_n3A_3130, %add3A_3168 : vector<16xi32>
    %swap3A_3170 = arith.constant 4 : i32
    %swap3A_3171 = arith.index_cast %swap3A_3170 : i32 to index
    %swap3A_3172 = arith.constant 32 : index
    %swap3A_3173 = tpu.vector_load %arg7[%swap3A_3171, %swap3A_3172] {strides = array<i32>} : memref<6x64xi32, #tpu.memory_space<vmem>>, vector<1x16xi32>,
    %swap3A_3174 = vector.shape_cast %swap3A_3173 : vector<1x16xi32> to vector<16xi32>
    %swap3A_3175 = vector.shape_cast %add3A_3169 : vector<16xi32> to vector<1x16xi32>
    tpu.vector_store %arg7[%swap3A_3171, %swap3A_3172], %swap3A_3175 {strides = array<i32>} : memref<6x64xi32, #tpu.memory_space<vmem>>, vector<1x16xi32>,
    %add3A_3176 = arith.constant 5 : i32
    %add3A_3177 = vector.broadcast %add3A_3176 : i32 to vector<16xi32>
    %add3A_3178 = arith.addi %add3A_3177, %min3A_3048 : vector<16xi32>
    %mul3A_3179 = arith.constant 169 : i32
    %mul3A_3180 = vector.broadcast %mul3A_3179 : i32 to vector<16xi32>
    %mul3A_3181 = arith.muli %add3A_3178, %mul3A_3180 : vector<16xi32>
    %add3A_3182 = arith.addi %select_n3A_3130, %mul3A_3181 : vector<16xi32>
    %swap3A_3183 = arith.constant 5 : i32
    %swap3A_3184 = arith.index_cast %swap3A_3183 : i32 to index
    %swap3A_3185 = arith.constant 32 : index
    %swap3A_3186 = tpu.vector_load %arg7[%swap3A_3184, %swap3A_3185] {strides = array<i32>} : memref<6x64xi32, #tpu.memory_space<vmem>>, vector<1x16xi32>,
    %swap3A_3187 = vector.shape_cast %swap3A_3186 : vector<1x16xi32> to vector<16xi32>
    %swap3A_3188 = vector.shape_cast %add3A_3182 : vector<16xi32> to vector<1x16xi32>
    tpu.vector_store %arg7[%swap3A_3184, %swap3A_3185], %swap3A_3188 {strides = array<i32>} : memref<6x64xi32, #tpu.memory_space<vmem>>, vector<1x16xi32>,
    %swap3A_3189 = arith.constant 0 : i32
    %swap3A_3190 = arith.index_cast %swap3A_3189 : i32 to index
    %swap3A_3191 = arith.constant 32 : index
    %swap3A_3192 = tpu.vector_load %arg9[%swap3A_3190, %swap3A_3191] {strides = array<i32>} : memref<7x64xf32, #tpu.memory_space<vmem>>, vector<1x16xf32>,
    %swap3A_3193 = vector.shape_cast %swap3A_3192 : vector<1x16xf32> to vector<16xf32>
    %swap3A_3194 = vector.shape_cast %sub3A_3039 : vector<16xf32> to vector<1x16xf32>
    tpu.vector_store %arg9[%swap3A_3190, %swap3A_3191], %swap3A_3194 {strides = array<i32>} : memref<7x64xf32, #tpu.memory_space<vmem>>, vector<1x16xf32>,
    %swap3A_3195 = arith.constant 1 : i32
    %swap3A_3196 = arith.index_cast %swap3A_3195 : i32 to index
    %swap3A_3197 = arith.constant 32 : index
    %swap3A_3198 = tpu.vector_load %arg9[%swap3A_3196, %swap3A_3197] {strides = array<i32>} : memref<7x64xf32, #tpu.memory_space<vmem>>, vector<1x16xf32>,
    %swap3A_3199 = vector.shape_cast %swap3A_3198 : vector<1x16xf32> to vector<16xf32>
    %swap3A_3200 = vector.shape_cast %sub3A_3041 : vector<16xf32> to vector<1x16xf32>
    tpu.vector_store %arg9[%swap3A_3196, %swap3A_3197], %swap3A_3200 {strides = array<i32>} : memref<7x64xf32, #tpu.memory_space<vmem>>, vector<1x16xf32>,
    %swap3A_3201 = arith.constant 2 : i32
    %swap3A_3202 = arith.index_cast %swap3A_3201 : i32 to index
    %swap3A_3203 = arith.constant 32 : index
    %swap3A_3204 = tpu.vector_load %arg9[%swap3A_3202, %swap3A_3203] {strides = array<i32>} : memref<7x64xf32, #tpu.memory_space<vmem>>, vector<1x16xf32>,
    %swap3A_3205 = vector.shape_cast %swap3A_3204 : vector<1x16xf32> to vector<16xf32>
    %swap3A_3206 = vector.shape_cast %div3A_3108 : vector<16xf32> to vector<1x16xf32>
    tpu.vector_store %arg9[%swap3A_3202, %swap3A_3203], %swap3A_3206 {strides = array<i32>} : memref<7x64xf32, #tpu.memory_space<vmem>>, vector<1x16xf32>,
    %swap3A_3207 = arith.constant 3 : i32
    %swap3A_3208 = arith.index_cast %swap3A_3207 : i32 to index
    %swap3A_3209 = arith.constant 32 : index
    %swap3A_3210 = tpu.vector_load %arg9[%swap3A_3208, %swap3A_3209] {strides = array<i32>} : memref<7x64xf32, #tpu.memory_space<vmem>>, vector<1x16xf32>,
    %swap3A_3211 = vector.shape_cast %swap3A_3210 : vector<1x16xf32> to vector<16xf32>
    %swap3A_3212 = vector.shape_cast %div3A_3112 : vector<16xf32> to vector<1x16xf32>
    tpu.vector_store %arg9[%swap3A_3208, %swap3A_3209], %swap3A_3212 {strides = array<i32>} : memref<7x64xf32, #tpu.memory_space<vmem>>, vector<1x16xf32>,
    %sub3A_3213 = arith.constant 2.000000e+00 : f32
    %sub3A_3214 = vector.broadcast %sub3A_3213 : f32 to vector<16xf32>
    %sub3A_3215 = arith.subf %sub3A_3214, %mul3A_2865 : vector<16xf32>
    %swap3A_3216 = arith.constant 6 : i32
    %swap3A_3217 = arith.index_cast %swap3A_3216 : i32 to index
    %swap3A_3218 = arith.constant 32 : index
    %swap3A_3219 = tpu.vector_load %arg9[%swap3A_3217, %swap3A_3218] {strides = array<i32>} : memref<7x64xf32, #tpu.memory_space<vmem>>, vector<1x16xf32>,
    %swap3A_3220 = vector.shape_cast %swap3A_3219 : vector<1x16xf32> to vector<16xf32>
    %swap3A_3221 = vector.shape_cast %sub3A_3215 : vector<16xf32> to vector<1x16xf32>
    tpu.vector_store %arg9[%swap3A_3217, %swap3A_3218], %swap3A_3221 {strides = array<i32>} : memref<7x64xf32, #tpu.memory_space<vmem>>, vector<1x16xf32>,
    %get3A_3222 = arith.constant 0 : i32
    %get3A_3223 = arith.index_cast %get3A_3222 : i32 to index
    %get3A_3224 = arith.constant 48 : index
    %get3A_3225 = tpu.vector_load %arg6[%get3A_3223, %get3A_3224] {strides = array<i32>} : memref<5x64xf32, #tpu.memory_space<vmem>>, vector<1x16xf32>,
    %get3A_3226 = vector.shape_cast %get3A_3225 : vector<1x16xf32> to vector<16xf32>
    %get3A_3227 = arith.constant 1 : i32
    %get3A_3228 = arith.index_cast %get3A_3227 : i32 to index
    %get3A_3229 = arith.constant 48 : index
    %get3A_3230 = tpu.vector_load %arg6[%get3A_3228, %get3A_3229] {strides = array<i32>} : memref<5x64xf32, #tpu.memory_space<vmem>>, vector<1x16xf32>,
    %get3A_3231 = vector.shape_cast %get3A_3230 : vector<1x16xf32> to vector<16xf32>
    %get3A_3232 = arith.constant 2 : i32
    %get3A_3233 = arith.index_cast %get3A_3232 : i32 to index
    %get3A_3234 = arith.constant 48 : index
    %get3A_3235 = tpu.vector_load %arg6[%get3A_3233, %get3A_3234] {strides = array<i32>} : memref<5x64xf32, #tpu.memory_space<vmem>>, vector<1x16xf32>,
    %get3A_3236 = vector.shape_cast %get3A_3235 : vector<1x16xf32> to vector<16xf32>
    %get3A_3237 = arith.constant 3 : i32
    %get3A_3238 = arith.index_cast %get3A_3237 : i32 to index
    %get3A_3239 = arith.constant 48 : index
    %get3A_3240 = tpu.vector_load %arg6[%get3A_3238, %get3A_3239] {strides = array<i32>} : memref<5x64xf32, #tpu.memory_space<vmem>>, vector<1x16xf32>,
    %get3A_3241 = vector.shape_cast %get3A_3240 : vector<1x16xf32> to vector<16xf32>
    %get3A_3242 = arith.constant 4 : i32
    %get3A_3243 = arith.index_cast %get3A_3242 : i32 to index
    %get3A_3244 = arith.constant 48 : index
    %get3A_3245 = tpu.vector_load %arg6[%get3A_3243, %get3A_3244] {strides = array<i32>} : memref<5x64xf32, #tpu.memory_space<vmem>>, vector<1x16xf32>,
    %get3A_3246 = vector.shape_cast %get3A_3245 : vector<1x16xf32> to vector<16xf32>
    %iota3A_3247 = tpu.iota {dimensions = array<i32: 0>} : vector<16xi32>
    %add3A_3248 = arith.constant 48 : i32
    %add3A_3249 = vector.broadcast %add3A_3248 : i32 to vector<16xi32>
    %add3A_3250 = arith.addi %iota3A_3247, %add3A_3249 : vector<16xi32>
    %mul3A_3251 = arith.mulf %get3A_3236, %get3A_3241 : vector<16xf32>
    %broadcast_in_dim3A_3252 = arith.constant -1.000000e+00 : f32
    %broadcast_in_dim3A_3253 = vector.broadcast %broadcast_in_dim3A_3252 : f32 to vector<16xf32>
    %broadcast_in_dim3A_3254 = arith.constant 0 : i32
    %broadcast_in_dim3A_3255 = vector.broadcast %broadcast_in_dim3A_3254 : i32 to vector<16xi32>
    %min3A_3256 = arith.constant 0.278846145 : f32
    %min3A_3257 = vector.broadcast %min3A_3256 : f32 to vector<16xf32>
    %min3A_3258 = arith.minimumf %get3A_3236, %min3A_3257 : vector<16xf32>
    %min3A_3259 = arith.constant 0.21634616 : f32
    %min3A_3260 = vector.broadcast %min3A_3259 : f32 to vector<16xf32>
    %min3A_3261 = arith.minimumf %get3A_3241, %min3A_3260 : vector<16xf32>
    %mul3A_3262 = arith.mulf %min3A_3258, %min3A_3261 : vector<16xf32>
    %add3A_3263 = arith.constant 0.0603272914 : f32
    %add3A_3264 = vector.broadcast %add3A_3263 : f32 to vector<16xf32>
    %add3A_3265 = arith.addf %mul3A_3251, %add3A_3264 : vector<16xf32>
    %sub3A_3266 = arith.subf %add3A_3265, %mul3A_3262 : vector<16xf32>
    %div3A_3267 = arith.divf %mul3A_3262, %sub3A_3266 : vector<16xf32>
    %gt3A_3268 = arith.cmpf ogt, %div3A_3267, %broadcast_in_dim3A_3253 : vector<16xf32>
    %select_n3A_3269 = arith.select %gt3A_3268, %div3A_3267, %broadcast_in_dim3A_3253 : vector<16xi1>, vector<16xf32>
    %broadcast_in_dim3A_3270 = arith.constant 0 : i32
    %broadcast_in_dim3A_3271 = vector.broadcast %broadcast_in_dim3A_3270 : i32 to vector<16xi32>
    %select_n3A_3272 = arith.select %gt3A_3268, %broadcast_in_dim3A_3271, %broadcast_in_dim3A_3255 : vector<16xi1>, vector<16xi32>
    %min3A_3273 = arith.constant 3.750000e-01 : f32
    %min3A_3274 = vector.broadcast %min3A_3273 : f32 to vector<16xf32>
    %min3A_3275 = arith.minimumf %get3A_3236, %min3A_3274 : vector<16xf32>
    %min3A_3276 = arith.constant 0.475961536 : f32
    %min3A_3277 = vector.broadcast %min3A_3276 : f32 to vector<16xf32>
    %min3A_3278 = arith.minimumf %get3A_3241, %min3A_3277 : vector<16xf32>
    %mul3A_3279 = arith.mulf %min3A_3275, %min3A_3278 : vector<16xf32>
    %add3A_3280 = arith.constant 0.178485572 : f32
    %add3A_3281 = vector.broadcast %add3A_3280 : f32 to vector<16xf32>
    %add3A_3282 = arith.addf %mul3A_3251, %add3A_3281 : vector<16xf32>
    %sub3A_3283 = arith.subf %add3A_3282, %mul3A_3279 : vector<16xf32>
    %div3A_3284 = arith.divf %mul3A_3279, %sub3A_3283 : vector<16xf32>
    %gt3A_3285 = arith.cmpf ogt, %div3A_3284, %select_n3A_3269 : vector<16xf32>
    %select_n3A_3286 = arith.select %gt3A_3285, %div3A_3284, %select_n3A_3269 : vector<16xi1>, vector<16xf32>
    %broadcast_in_dim3A_3287 = arith.constant 1 : i32
    %broadcast_in_dim3A_3288 = vector.broadcast %broadcast_in_dim3A_3287 : i32 to vector<16xi32>
    %select_n3A_3289 = arith.select %gt3A_3285, %broadcast_in_dim3A_3288, %select_n3A_3272 : vector<16xi1>, vector<16xi32>
    %min3A_3290 = arith.constant 0.896634638 : f32
    %min3A_3291 = vector.broadcast %min3A_3290 : f32 to vector<16xf32>
    %min3A_3292 = arith.minimumf %get3A_3236, %min3A_3291 : vector<16xf32>
    %min3A_3293 = arith.constant 0.783653855 : f32
    %min3A_3294 = vector.broadcast %min3A_3293 : f32 to vector<16xf32>
    %min3A_3295 = arith.minimumf %get3A_3241, %min3A_3294 : vector<16xf32>
    %mul3A_3296 = arith.mulf %min3A_3292, %min3A_3295 : vector<16xf32>
    %add3A_3297 = arith.constant 0.702651143 : f32
    %add3A_3298 = vector.broadcast %add3A_3297 : f32 to vector<16xf32>
    %add3A_3299 = arith.addf %mul3A_3251, %add3A_3298 : vector<16xf32>
    %sub3A_3300 = arith.subf %add3A_3299, %mul3A_3296 : vector<16xf32>
    %div3A_3301 = arith.divf %mul3A_3296, %sub3A_3300 : vector<16xf32>
    %gt3A_3302 = arith.cmpf ogt, %div3A_3301, %select_n3A_3286 : vector<16xf32>
    %select_n3A_3303 = arith.select %gt3A_3302, %div3A_3301, %select_n3A_3286 : vector<16xi1>, vector<16xf32>
    %broadcast_in_dim3A_3304 = arith.constant 2 : i32
    %broadcast_in_dim3A_3305 = vector.broadcast %broadcast_in_dim3A_3304 : i32 to vector<16xi32>
    %select_n3A_3306 = arith.select %gt3A_3302, %broadcast_in_dim3A_3305, %select_n3A_3289 : vector<16xi1>, vector<16xi32>
    %min3A_3307 = arith.constant 0.072115384 : f32
    %min3A_3308 = vector.broadcast %min3A_3307 : f32 to vector<16xf32>
    %min3A_3309 = arith.minimumf %get3A_3236, %min3A_3308 : vector<16xf32>
    %min3A_3310 = arith.constant 0.146634609 : f32
    %min3A_3311 = vector.broadcast %min3A_3310 : f32 to vector<16xf32>
    %min3A_3312 = arith.minimumf %get3A_3241, %min3A_3311 : vector<16xf32>
    %mul3A_3313 = arith.mulf %min3A_3309, %min3A_3312 : vector<16xf32>
    %add3A_3314 = arith.constant 0.0105746118 : f32
    %add3A_3315 = vector.broadcast %add3A_3314 : f32 to vector<16xf32>
    %add3A_3316 = arith.addf %mul3A_3251, %add3A_3315 : vector<16xf32>
    %sub3A_3317 = arith.subf %add3A_3316, %mul3A_3313 : vector<16xf32>
    %div3A_3318 = arith.divf %mul3A_3313, %sub3A_3317 : vector<16xf32>
    %gt3A_3319 = arith.cmpf ogt, %div3A_3318, %select_n3A_3303 : vector<16xf32>
    %select_n3A_3320 = arith.select %gt3A_3319, %div3A_3318, %select_n3A_3303 : vector<16xi1>, vector<16xf32>
    %broadcast_in_dim3A_3321 = arith.constant 3 : i32
    %broadcast_in_dim3A_3322 = vector.broadcast %broadcast_in_dim3A_3321 : i32 to vector<16xi32>
    %select_n3A_3323 = arith.select %gt3A_3319, %broadcast_in_dim3A_3322, %select_n3A_3306 : vector<16xi1>, vector<16xi32>
    %min3A_3324 = arith.constant 0.149038464 : f32
    %min3A_3325 = vector.broadcast %min3A_3324 : f32 to vector<16xf32>
    %min3A_3326 = arith.minimumf %get3A_3236, %min3A_3325 : vector<16xf32>
    %min3A_3327 = arith.constant 0.10817308 : f32
    %min3A_3328 = vector.broadcast %min3A_3327 : f32 to vector<16xf32>
    %min3A_3329 = arith.minimumf %get3A_3241, %min3A_3328 : vector<16xf32>
    %mul3A_3330 = arith.mulf %min3A_3326, %min3A_3329 : vector<16xf32>
    %add3A_3331 = arith.constant 0.0161219481 : f32
    %add3A_3332 = vector.broadcast %add3A_3331 : f32 to vector<16xf32>
    %add3A_3333 = arith.addf %mul3A_3251, %add3A_3332 : vector<16xf32>
    %sub3A_3334 = arith.subf %add3A_3333, %mul3A_3330 : vector<16xf32>
    %div3A_3335 = arith.divf %mul3A_3330, %sub3A_3334 : vector<16xf32>
    %gt3A_3336 = arith.cmpf ogt, %div3A_3335, %select_n3A_3320 : vector<16xf32>
    %select_n3A_3337 = arith.select %gt3A_3336, %div3A_3335, %select_n3A_3320 : vector<16xi1>, vector<16xf32>
    %broadcast_in_dim3A_3338 = arith.constant 4 : i32
    %broadcast_in_dim3A_3339 = vector.broadcast %broadcast_in_dim3A_3338 : i32 to vector<16xi32>
    %select_n3A_3340 = arith.select %gt3A_3336, %broadcast_in_dim3A_3339, %select_n3A_3323 : vector<16xi1>, vector<16xi32>
    %min3A_3341 = arith.constant 0.141826928 : f32
    %min3A_3342 = vector.broadcast %min3A_3341 : f32 to vector<16xf32>
    %min3A_3343 = arith.minimumf %get3A_3236, %min3A_3342 : vector<16xf32>
    %min3A_3344 = arith.constant 0.286057681 : f32
    %min3A_3345 = vector.broadcast %min3A_3344 : f32 to vector<16xf32>
    %min3A_3346 = arith.minimumf %get3A_3241, %min3A_3345 : vector<16xf32>
    %mul3A_3347 = arith.mulf %min3A_3343, %min3A_3346 : vector<16xf32>
    %add3A_3348 = arith.constant 0.0405706838 : f32
    %add3A_3349 = vector.broadcast %add3A_3348 : f32 to vector<16xf32>
    %add3A_3350 = arith.addf %mul3A_3251, %add3A_3349 : vector<16xf32>
    %sub3A_3351 = arith.subf %add3A_3350, %mul3A_3347 : vector<16xf32>
    %div3A_3352 = arith.divf %mul3A_3347, %sub3A_3351 : vector<16xf32>
    %gt3A_3353 = arith.cmpf ogt, %div3A_3352, %select_n3A_3337 : vector<16xf32>
    %select_n3A_3354 = arith.select %gt3A_3353, %div3A_3352, %select_n3A_3337 : vector<16xi1>, vector<16xf32>
    %broadcast_in_dim3A_3355 = arith.constant 5 : i32
    %broadcast_in_dim3A_3356 = vector.broadcast %broadcast_in_dim3A_3355 : i32 to vector<16xi32>
    %select_n3A_3357 = arith.select %gt3A_3353, %broadcast_in_dim3A_3356, %select_n3A_3340 : vector<16xi1>, vector<16xi32>
    %min3A_3358 = arith.constant 0.024038462 : f32
    %min3A_3359 = vector.broadcast %min3A_3358 : f32 to vector<16xf32>
    %min3A_3360 = arith.minimumf %get3A_3236, %min3A_3359 : vector<16xf32>
    %min3A_3361 = arith.constant 3.125000e-02 : f32
    %min3A_3362 = vector.broadcast %min3A_3361 : f32 to vector<16xf32>
    %min3A_3363 = arith.minimumf %get3A_3241, %min3A_3362 : vector<16xf32>
    %mul3A_3364 = arith.mulf %min3A_3360, %min3A_3363 : vector<16xf32>
    %add3A_3365 = arith.constant 7.51201937E-4 : f32
    %add3A_3366 = vector.broadcast %add3A_3365 : f32 to vector<16xf32>
    %add3A_3367 = arith.addf %mul3A_3251, %add3A_3366 : vector<16xf32>
    %sub3A_3368 = arith.subf %add3A_3367, %mul3A_3364 : vector<16xf32>
    %div3A_3369 = arith.divf %mul3A_3364, %sub3A_3368 : vector<16xf32>
    %gt3A_3370 = arith.cmpf ogt, %div3A_3369, %select_n3A_3354 : vector<16xf32>
    %select_n3A_3371 = arith.select %gt3A_3370, %div3A_3369, %select_n3A_3354 : vector<16xi1>, vector<16xf32>
    %broadcast_in_dim3A_3372 = arith.constant 6 : i32
    %broadcast_in_dim3A_3373 = vector.broadcast %broadcast_in_dim3A_3372 : i32 to vector<16xi32>
    %select_n3A_3374 = arith.select %gt3A_3370, %broadcast_in_dim3A_3373, %select_n3A_3357 : vector<16xi1>, vector<16xi32>
    %min3A_3375 = arith.constant 0.0384615399 : f32
    %min3A_3376 = vector.broadcast %min3A_3375 : f32 to vector<16xf32>
    %min3A_3377 = arith.minimumf %get3A_3236, %min3A_3376 : vector<16xf32>
    %min3A_3378 = arith.constant 0.072115384 : f32
    %min3A_3379 = vector.broadcast %min3A_3378 : f32 to vector<16xf32>
    %min3A_3380 = arith.minimumf %get3A_3241, %min3A_3379 : vector<16xf32>
    %mul3A_3381 = arith.mulf %min3A_3377, %min3A_3380 : vector<16xf32>
    %add3A_3382 = arith.constant 0.00277366862 : f32
    %add3A_3383 = vector.broadcast %add3A_3382 : f32 to vector<16xf32>
    %add3A_3384 = arith.addf %mul3A_3251, %add3A_3383 : vector<16xf32>
    %sub3A_3385 = arith.subf %add3A_3384, %mul3A_3381 : vector<16xf32>
    %div3A_3386 = arith.divf %mul3A_3381, %sub3A_3385 : vector<16xf32>
    %gt3A_3387 = arith.cmpf ogt, %div3A_3386, %select_n3A_3371 : vector<16xf32>
    %select_n3A_3388 = arith.select %gt3A_3387, %div3A_3386, %select_n3A_3371 : vector<16xi1>, vector<16xf32>
    %broadcast_in_dim3A_3389 = arith.constant 7 : i32
    %broadcast_in_dim3A_3390 = vector.broadcast %broadcast_in_dim3A_3389 : i32 to vector<16xi32>
    %select_n3A_3391 = arith.select %gt3A_3387, %broadcast_in_dim3A_3390, %select_n3A_3374 : vector<16xi1>, vector<16xi32>
    %min3A_3392 = arith.constant 0.0793269202 : f32
    %min3A_3393 = vector.broadcast %min3A_3392 : f32 to vector<16xf32>
    %min3A_3394 = arith.minimumf %get3A_3236, %min3A_3393 : vector<16xf32>
    %min3A_3395 = arith.constant 0.0552884601 : f32
    %min3A_3396 = vector.broadcast %min3A_3395 : f32 to vector<16xf32>
    %min3A_3397 = arith.minimumf %get3A_3241, %min3A_3396 : vector<16xf32>
    %mul3A_3398 = arith.mulf %min3A_3394, %min3A_3397 : vector<16xf32>
    %add3A_3399 = arith.constant 0.00438586343 : f32
    %add3A_3400 = vector.broadcast %add3A_3399 : f32 to vector<16xf32>
    %add3A_3401 = arith.addf %mul3A_3251, %add3A_3400 : vector<16xf32>
    %sub3A_3402 = arith.subf %add3A_3401, %mul3A_3398 : vector<16xf32>
    %div3A_3403 = arith.divf %mul3A_3398, %sub3A_3402 : vector<16xf32>
    %gt3A_3404 = arith.cmpf ogt, %div3A_3403, %select_n3A_3388 : vector<16xf32>
    %select_n3A_3405 = arith.select %gt3A_3404, %div3A_3403, %select_n3A_3388 : vector<16xi1>, vector<16xf32>
    %broadcast_in_dim3A_3406 = arith.constant 8 : i32
    %broadcast_in_dim3A_3407 = vector.broadcast %broadcast_in_dim3A_3406 : i32 to vector<16xi32>
    %select_n3A_3408 = arith.select %gt3A_3404, %broadcast_in_dim3A_3407, %select_n3A_3391 : vector<16xi1>, vector<16xi32>
    %lt3A_3409 = arith.constant 3 : i32
    %lt3A_3410 = vector.broadcast %lt3A_3409 : i32 to vector<16xi32>
    %lt3A_3411 = arith.cmpi slt, %select_n3A_3408, %lt3A_3410 : vector<16xi32>
    %lt3A_3412 = arith.constant 50 : i32
    %lt3A_3413 = vector.broadcast %lt3A_3412 : i32 to vector<16xi32>
    %lt3A_3414 = arith.cmpi slt, %add3A_3250, %lt3A_3413 : vector<16xi32>
    %and3A_3415 = arith.andi %lt3A_3411, %lt3A_3414 : vector<16xi1>
    %mul3A_3416 = arith.constant 1.300000e+01 : f32
    %mul3A_3417 = vector.broadcast %mul3A_3416 : f32 to vector<16xf32>
    %mul3A_3418 = arith.mulf %get3A_3226, %mul3A_3417 : vector<16xf32>
    %mul3A_3419 = arith.constant 1.300000e+01 : f32
    %mul3A_3420 = vector.broadcast %mul3A_3419 : f32 to vector<16xf32>
    %mul3A_3421 = arith.mulf %get3A_3231, %mul3A_3420 : vector<16xf32>
    %convert_element_type3A_3422 = arith.fptosi %mul3A_3418 : vector<16xf32> to vector<16xi32>
    %convert_element_type3A_3423 = arith.fptosi %mul3A_3421 : vector<16xf32> to vector<16xi32>
    %convert_element_type3A_3424 = arith.sitofp %convert_element_type3A_3422 : vector<16xi32> to vector<16xf32>
    %sub3A_3425 = arith.subf %mul3A_3418, %convert_element_type3A_3424 : vector<16xf32>
    %convert_element_type3A_3426 = arith.sitofp %convert_element_type3A_3423 : vector<16xi32> to vector<16xf32>
    %sub3A_3427 = arith.subf %mul3A_3421, %convert_element_type3A_3426 : vector<16xf32>
    %convert_element_type3A_3428 = arith.fptosi %get3A_3246 : vector<16xf32> to vector<16xi32>
    %jit3A_3429 = arith.constant 0 : i32
    %jit3A_3430 = arith.constant 79 : i32
    %max3A_3431 = vector.broadcast %jit3A_3429 : i32 to vector<16xi32>
    %max3A_3432 = arith.maxsi %max3A_3431, %convert_element_type3A_3428 : vector<16xi32>
    %min3A_3433 = vector.broadcast %jit3A_3430 : i32 to vector<16xi32>
    %min3A_3434 = arith.minsi %min3A_3433, %max3A_3432 : vector<16xi32>
    %lt3A_3435 = arith.constant 8.000000e+01 : f32
    %lt3A_3436 = vector.broadcast %lt3A_3435 : f32 to vector<16xf32>
    %lt3A_3437 = arith.cmpf olt, %get3A_3246, %lt3A_3436 : vector<16xf32>
    %ge3A_3438 = arith.constant 0.000000e+00 : f32
    %ge3A_3439 = vector.broadcast %ge3A_3438 : f32 to vector<16xf32>
    %ge3A_3440 = arith.cmpf oge, %get3A_3246, %ge3A_3439 : vector<16xf32>
    %and3A_3441 = arith.andi %lt3A_3437, %ge3A_3440 : vector<16xi1>
    %mul3A_3442 = arith.constant 13 : i32
    %mul3A_3443 = vector.broadcast %mul3A_3442 : i32 to vector<16xi32>
    %mul3A_3444 = arith.muli %select_n3A_3408, %mul3A_3443 : vector<16xi32>
    %add3A_3445 = arith.addi %mul3A_3444, %convert_element_type3A_3423 : vector<16xi32>
    %mul3A_3446 = arith.constant 13 : i32
    %mul3A_3447 = vector.broadcast %mul3A_3446 : i32 to vector<16xi32>
    %mul3A_3448 = arith.muli %add3A_3445, %mul3A_3447 : vector<16xi32>
    %add3A_3449 = arith.addi %mul3A_3448, %convert_element_type3A_3422 : vector<16xi32>
    %sub3A_3450 = arith.constant -1 : i32
    %sub3A_3451 = vector.broadcast %sub3A_3450 : i32 to vector<16xi32>
    %sub3A_3452 = arith.subi %sub3A_3451, %add3A_3250 : vector<16xi32>
    %select_n3A_3453 = arith.select %and3A_3415, %add3A_3449, %sub3A_3452 : vector<16xi1>, vector<16xi32>
    %and3A_3454 = arith.andi %and3A_3415, %and3A_3441 : vector<16xi1>
    %mul3A_3455 = arith.constant 80 : i32
    %mul3A_3456 = vector.broadcast %mul3A_3455 : i32 to vector<16xi32>
    %mul3A_3457 = arith.muli %select_n3A_3453, %mul3A_3456 : vector<16xi32>
    %add3A_3458 = arith.addi %mul3A_3457, %min3A_3434 : vector<16xi32>
    %sub3A_3459 = arith.constant -1 : i32
    %sub3A_3460 = vector.broadcast %sub3A_3459 : i32 to vector<16xi32>
    %sub3A_3461 = arith.subi %sub3A_3460, %add3A_3250 : vector<16xi32>
    %select_n3A_3462 = arith.select %and3A_3454, %add3A_3458, %sub3A_3461 : vector<16xi1>, vector<16xi32>
    %eq3A_3463 = arith.constant 0 : i32
    %eq3A_3464 = vector.broadcast %eq3A_3463 : i32 to vector<16xi32>
    %eq3A_3465 = arith.cmpi eq, %select_n3A_3408, %eq3A_3464 : vector<16xi32>
    %eq3A_3466 = arith.constant 1 : i32
    %eq3A_3467 = vector.broadcast %eq3A_3466 : i32 to vector<16xi32>
    %eq3A_3468 = arith.cmpi eq, %select_n3A_3408, %eq3A_3467 : vector<16xi32>
    %jit3A_3469 = arith.constant 3.750000e-01 : f32
    %jit3A_3470 = arith.constant 0.896634638 : f32
    %broadcast_in_dim3A_3471 = vector.broadcast %jit3A_3469 : f32 to vector<16xf32>
    %broadcast_in_dim3A_3472 = vector.broadcast %jit3A_3470 : f32 to vector<16xf32>
    %select_n3A_3473 = arith.select %eq3A_3468, %broadcast_in_dim3A_3471, %broadcast_in_dim3A_3472 : vector<16xi1>, vector<16xf32>
    %jit3A_3474 = arith.constant 0.278846145 : f32
    %broadcast_in_dim3A_3475 = vector.broadcast %jit3A_3474 : f32 to vector<16xf32>
    %select_n3A_3476 = arith.select %eq3A_3465, %broadcast_in_dim3A_3475, %select_n3A_3473 : vector<16xi1>, vector<16xf32>
    %eq3A_3477 = arith.constant 0 : i32
    %eq3A_3478 = vector.broadcast %eq3A_3477 : i32 to vector<16xi32>
    %eq3A_3479 = arith.cmpi eq, %select_n3A_3408, %eq3A_3478 : vector<16xi32>
    %eq3A_3480 = arith.constant 1 : i32
    %eq3A_3481 = vector.broadcast %eq3A_3480 : i32 to vector<16xi32>
    %eq3A_3482 = arith.cmpi eq, %select_n3A_3408, %eq3A_3481 : vector<16xi32>
    %jit3A_3483 = arith.constant 0.475961536 : f32
    %jit3A_3484 = arith.constant 0.783653855 : f32
    %broadcast_in_dim3A_3485 = vector.broadcast %jit3A_3483 : f32 to vector<16xf32>
    %broadcast_in_dim3A_3486 = vector.broadcast %jit3A_3484 : f32 to vector<16xf32>
    %select_n3A_3487 = arith.select %eq3A_3482, %broadcast_in_dim3A_3485, %broadcast_in_dim3A_3486 : vector<16xi1>, vector<16xf32>
    %jit3A_3488 = arith.constant 0.21634616 : f32
    %broadcast_in_dim3A_3489 = vector.broadcast %jit3A_3488 : f32 to vector<16xf32>
    %select_n3A_3490 = arith.select %eq3A_3479, %broadcast_in_dim3A_3489, %select_n3A_3487 : vector<16xi1>, vector<16xf32>
    %max3A_3491 = arith.constant 9.99999996E-13 : f32
    %max3A_3492 = vector.broadcast %max3A_3491 : f32 to vector<16xf32>
    %max3A_3493 = arith.maximumf %get3A_3236, %max3A_3492 : vector<16xf32>
    %div3A_3494 = arith.divf %max3A_3493, %select_n3A_3476 : vector<16xf32>
    %max3A_3495 = arith.constant 9.99999996E-13 : f32
    %max3A_3496 = vector.broadcast %max3A_3495 : f32 to vector<16xf32>
    %max3A_3497 = arith.maximumf %get3A_3241, %max3A_3496 : vector<16xf32>
    %div3A_3498 = arith.divf %max3A_3497, %select_n3A_3490 : vector<16xf32>
    %mul3A_3499 = arith.constant 13 : i32
    %mul3A_3500 = vector.broadcast %mul3A_3499 : i32 to vector<16xi32>
    %mul3A_3501 = arith.muli %convert_element_type3A_3423, %mul3A_3500 : vector<16xi32>
    %add3A_3502 = arith.addi %mul3A_3501, %convert_element_type3A_3422 : vector<16xi32>
    %mul3A_3503 = arith.constant 255 : i32
    %mul3A_3504 = arith.muli %add3A_2063, %mul3A_3503 : i32
    %mul3A_3505 = arith.constant 85 : i32
    %mul3A_3506 = vector.broadcast %mul3A_3505 : i32 to vector<16xi32>
    %mul3A_3507 = arith.muli %select_n3A_3408, %mul3A_3506 : vector<16xi32>
    %add3A_3508 = vector.broadcast %mul3A_3504 : i32 to vector<16xi32>
    %add3A_3509 = arith.addi %add3A_3508, %mul3A_3507 : vector<16xi32>
    %mul3A_3510 = arith.constant 169 : i32
    %mul3A_3511 = vector.broadcast %mul3A_3510 : i32 to vector<16xi32>
    %mul3A_3512 = arith.muli %add3A_3509, %mul3A_3511 : vector<16xi32>
    %add3A_3513 = arith.addi %mul3A_3512, %add3A_3502 : vector<16xi32>
    %jit3A_3514 = arith.constant 0 : i32
    %broadcast_in_dim3A_3515 = vector.broadcast %jit3A_3514 : i32 to vector<16xi32>
    %select_n3A_3516 = arith.select %and3A_3415, %add3A_3513, %broadcast_in_dim3A_3515 : vector<16xi1>, vector<16xi32>
    %add3A_3517 = arith.constant 0 : i32
    %add3A_3518 = vector.broadcast %add3A_3517 : i32 to vector<16xi32>
    %add3A_3519 = arith.addi %select_n3A_3516, %add3A_3518 : vector<16xi32>
    %swap3A_3520 = arith.constant 0 : i32
    %swap3A_3521 = arith.index_cast %swap3A_3520 : i32 to index
    %swap3A_3522 = arith.constant 48 : index
    %swap3A_3523 = tpu.vector_load %arg7[%swap3A_3521, %swap3A_3522] {strides = array<i32>} : memref<6x64xi32, #tpu.memory_space<vmem>>, vector<1x16xi32>,
    %swap3A_3524 = vector.shape_cast %swap3A_3523 : vector<1x16xi32> to vector<16xi32>
    %swap3A_3525 = vector.shape_cast %add3A_3519 : vector<16xi32> to vector<1x16xi32>
    tpu.vector_store %arg7[%swap3A_3521, %swap3A_3522], %swap3A_3525 {strides = array<i32>} : memref<6x64xi32, #tpu.memory_space<vmem>>, vector<1x16xi32>,
    %add3A_3526 = arith.constant 169 : i32
    %add3A_3527 = vector.broadcast %add3A_3526 : i32 to vector<16xi32>
    %add3A_3528 = arith.addi %select_n3A_3516, %add3A_3527 : vector<16xi32>
    %swap3A_3529 = arith.constant 1 : i32
    %swap3A_3530 = arith.index_cast %swap3A_3529 : i32 to index
    %swap3A_3531 = arith.constant 48 : index
    %swap3A_3532 = tpu.vector_load %arg7[%swap3A_3530, %swap3A_3531] {strides = array<i32>} : memref<6x64xi32, #tpu.memory_space<vmem>>, vector<1x16xi32>,
    %swap3A_3533 = vector.shape_cast %swap3A_3532 : vector<1x16xi32> to vector<16xi32>
    %swap3A_3534 = vector.shape_cast %add3A_3528 : vector<16xi32> to vector<1x16xi32>
    tpu.vector_store %arg7[%swap3A_3530, %swap3A_3531], %swap3A_3534 {strides = array<i32>} : memref<6x64xi32, #tpu.memory_space<vmem>>, vector<1x16xi32>,
    %add3A_3535 = arith.constant 338 : i32
    %add3A_3536 = vector.broadcast %add3A_3535 : i32 to vector<16xi32>
    %add3A_3537 = arith.addi %select_n3A_3516, %add3A_3536 : vector<16xi32>
    %swap3A_3538 = arith.constant 2 : i32
    %swap3A_3539 = arith.index_cast %swap3A_3538 : i32 to index
    %swap3A_3540 = arith.constant 48 : index
    %swap3A_3541 = tpu.vector_load %arg7[%swap3A_3539, %swap3A_3540] {strides = array<i32>} : memref<6x64xi32, #tpu.memory_space<vmem>>, vector<1x16xi32>,
    %swap3A_3542 = vector.shape_cast %swap3A_3541 : vector<1x16xi32> to vector<16xi32>
    %swap3A_3543 = vector.shape_cast %add3A_3537 : vector<16xi32> to vector<1x16xi32>
    tpu.vector_store %arg7[%swap3A_3539, %swap3A_3540], %swap3A_3543 {strides = array<i32>} : memref<6x64xi32, #tpu.memory_space<vmem>>, vector<1x16xi32>,
    %add3A_3544 = arith.constant 507 : i32
    %add3A_3545 = vector.broadcast %add3A_3544 : i32 to vector<16xi32>
    %add3A_3546 = arith.addi %select_n3A_3516, %add3A_3545 : vector<16xi32>
    %swap3A_3547 = arith.constant 3 : i32
    %swap3A_3548 = arith.index_cast %swap3A_3547 : i32 to index
    %swap3A_3549 = arith.constant 48 : index
    %swap3A_3550 = tpu.vector_load %arg7[%swap3A_3548, %swap3A_3549] {strides = array<i32>} : memref<6x64xi32, #tpu.memory_space<vmem>>, vector<1x16xi32>,
    %swap3A_3551 = vector.shape_cast %swap3A_3550 : vector<1x16xi32> to vector<16xi32>
    %swap3A_3552 = vector.shape_cast %add3A_3546 : vector<16xi32> to vector<1x16xi32>
    tpu.vector_store %arg7[%swap3A_3548, %swap3A_3549], %swap3A_3552 {strides = array<i32>} : memref<6x64xi32, #tpu.memory_space<vmem>>, vector<1x16xi32>,
    %add3A_3553 = arith.constant 676 : i32
    %add3A_3554 = vector.broadcast %add3A_3553 : i32 to vector<16xi32>
    %add3A_3555 = arith.addi %select_n3A_3516, %add3A_3554 : vector<16xi32>
    %swap3A_3556 = arith.constant 4 : i32
    %swap3A_3557 = arith.index_cast %swap3A_3556 : i32 to index
    %swap3A_3558 = arith.constant 48 : index
    %swap3A_3559 = tpu.vector_load %arg7[%swap3A_3557, %swap3A_3558] {strides = array<i32>} : memref<6x64xi32, #tpu.memory_space<vmem>>, vector<1x16xi32>,
    %swap3A_3560 = vector.shape_cast %swap3A_3559 : vector<1x16xi32> to vector<16xi32>
    %swap3A_3561 = vector.shape_cast %add3A_3555 : vector<16xi32> to vector<1x16xi32>
    tpu.vector_store %arg7[%swap3A_3557, %swap3A_3558], %swap3A_3561 {strides = array<i32>} : memref<6x64xi32, #tpu.memory_space<vmem>>, vector<1x16xi32>,
    %add3A_3562 = arith.constant 5 : i32
    %add3A_3563 = vector.broadcast %add3A_3562 : i32 to vector<16xi32>
    %add3A_3564 = arith.addi %add3A_3563, %min3A_3434 : vector<16xi32>
    %mul3A_3565 = arith.constant 169 : i32
    %mul3A_3566 = vector.broadcast %mul3A_3565 : i32 to vector<16xi32>
    %mul3A_3567 = arith.muli %add3A_3564, %mul3A_3566 : vector<16xi32>
    %add3A_3568 = arith.addi %select_n3A_3516, %mul3A_3567 : vector<16xi32>
    %swap3A_3569 = arith.constant 5 : i32
    %swap3A_3570 = arith.index_cast %swap3A_3569 : i32 to index
    %swap3A_3571 = arith.constant 48 : index
    %swap3A_3572 = tpu.vector_load %arg7[%swap3A_3570, %swap3A_3571] {strides = array<i32>} : memref<6x64xi32, #tpu.memory_space<vmem>>, vector<1x16xi32>,
    %swap3A_3573 = vector.shape_cast %swap3A_3572 : vector<1x16xi32> to vector<16xi32>
    %swap3A_3574 = vector.shape_cast %add3A_3568 : vector<16xi32> to vector<1x16xi32>
    tpu.vector_store %arg7[%swap3A_3570, %swap3A_3571], %swap3A_3574 {strides = array<i32>} : memref<6x64xi32, #tpu.memory_space<vmem>>, vector<1x16xi32>,
    %swap3A_3575 = arith.constant 0 : i32
    %swap3A_3576 = arith.index_cast %swap3A_3575 : i32 to index
    %swap3A_3577 = arith.constant 48 : index
    %swap3A_3578 = tpu.vector_load %arg9[%swap3A_3576, %swap3A_3577] {strides = array<i32>} : memref<7x64xf32, #tpu.memory_space<vmem>>, vector<1x16xf32>,
    %swap3A_3579 = vector.shape_cast %swap3A_3578 : vector<1x16xf32> to vector<16xf32>
    %swap3A_3580 = vector.shape_cast %sub3A_3425 : vector<16xf32> to vector<1x16xf32>
    tpu.vector_store %arg9[%swap3A_3576, %swap3A_3577], %swap3A_3580 {strides = array<i32>} : memref<7x64xf32, #tpu.memory_space<vmem>>, vector<1x16xf32>,
    %swap3A_3581 = arith.constant 1 : i32
    %swap3A_3582 = arith.index_cast %swap3A_3581 : i32 to index
    %swap3A_3583 = arith.constant 48 : index
    %swap3A_3584 = tpu.vector_load %arg9[%swap3A_3582, %swap3A_3583] {strides = array<i32>} : memref<7x64xf32, #tpu.memory_space<vmem>>, vector<1x16xf32>,
    %swap3A_3585 = vector.shape_cast %swap3A_3584 : vector<1x16xf32> to vector<16xf32>
    %swap3A_3586 = vector.shape_cast %sub3A_3427 : vector<16xf32> to vector<1x16xf32>
    tpu.vector_store %arg9[%swap3A_3582, %swap3A_3583], %swap3A_3586 {strides = array<i32>} : memref<7x64xf32, #tpu.memory_space<vmem>>, vector<1x16xf32>,
    %swap3A_3587 = arith.constant 2 : i32
    %swap3A_3588 = arith.index_cast %swap3A_3587 : i32 to index
    %swap3A_3589 = arith.constant 48 : index
    %swap3A_3590 = tpu.vector_load %arg9[%swap3A_3588, %swap3A_3589] {strides = array<i32>} : memref<7x64xf32, #tpu.memory_space<vmem>>, vector<1x16xf32>,
    %swap3A_3591 = vector.shape_cast %swap3A_3590 : vector<1x16xf32> to vector<16xf32>
    %swap3A_3592 = vector.shape_cast %div3A_3494 : vector<16xf32> to vector<1x16xf32>
    tpu.vector_store %arg9[%swap3A_3588, %swap3A_3589], %swap3A_3592 {strides = array<i32>} : memref<7x64xf32, #tpu.memory_space<vmem>>, vector<1x16xf32>,
    %swap3A_3593 = arith.constant 3 : i32
    %swap3A_3594 = arith.index_cast %swap3A_3593 : i32 to index
    %swap3A_3595 = arith.constant 48 : index
    %swap3A_3596 = tpu.vector_load %arg9[%swap3A_3594, %swap3A_3595] {strides = array<i32>} : memref<7x64xf32, #tpu.memory_space<vmem>>, vector<1x16xf32>,
    %swap3A_3597 = vector.shape_cast %swap3A_3596 : vector<1x16xf32> to vector<16xf32>
    %swap3A_3598 = vector.shape_cast %div3A_3498 : vector<16xf32> to vector<1x16xf32>
    tpu.vector_store %arg9[%swap3A_3594, %swap3A_3595], %swap3A_3598 {strides = array<i32>} : memref<7x64xf32, #tpu.memory_space<vmem>>, vector<1x16xf32>,
    %sub3A_3599 = arith.constant 2.000000e+00 : f32
    %sub3A_3600 = vector.broadcast %sub3A_3599 : f32 to vector<16xf32>
    %sub3A_3601 = arith.subf %sub3A_3600, %mul3A_3251 : vector<16xf32>
    %swap3A_3602 = arith.constant 6 : i32
    %swap3A_3603 = arith.index_cast %swap3A_3602 : i32 to index
    %swap3A_3604 = arith.constant 48 : index
    %swap3A_3605 = tpu.vector_load %arg9[%swap3A_3603, %swap3A_3604] {strides = array<i32>} : memref<7x64xf32, #tpu.memory_space<vmem>>, vector<1x16xf32>,
    %swap3A_3606 = vector.shape_cast %swap3A_3605 : vector<1x16xf32> to vector<16xf32>
    %swap3A_3607 = vector.shape_cast %sub3A_3601 : vector<16xf32> to vector<1x16xf32>
    tpu.vector_store %arg9[%swap3A_3603, %swap3A_3604], %swap3A_3607 {strides = array<i32>} : memref<7x64xf32, #tpu.memory_space<vmem>>, vector<1x16xf32>,
    %dma_start3A_3608 = arith.constant 0 : i32
    %dma_start3A_3609 = arith.constant 0 : i32
    %dma_start3A_3610 = arith.constant 0 : i32
    %dma_start3A_3611 = tpu.memref_slice %arg8[%dma_start3A_3609, %dma_start3A_3610] : memref<6x64xf32, #tpu.memory_space<vmem>> -> memref<1x64xf32, #tpu.memory_space<vmem>>
    %dma_start3A_3612 = tpu.memref_squeeze %dma_start3A_3611 : memref<1x64xf32, #tpu.memory_space<vmem>> -> memref<64xf32, #tpu.memory_space<vmem>>
    %dma_start3A_3613 = arith.constant 0 : i32
    %dma_start3A_3614 = tpu.memref_slice %arg7[%dma_start3A_3608, %dma_start3A_3613] : memref<6x64xi32, #tpu.memory_space<vmem>> -> memref<1x64xi32, #tpu.memory_space<vmem>>
    %dma_start3A_3615 = tpu.memref_squeeze %dma_start3A_3614 : memref<1x64xi32, #tpu.memory_space<vmem>> -> memref<64xi32, #tpu.memory_space<vmem>>
    %dma_start3A_3616 = arith.constant 0 : i32
    %dma_start3A_3617 = tpu.memref_slice %arg3[%dma_start3A_3616] : memref<2758080xf32, #tpu.memory_space<hbm>> -> memref<2758080xf32, #tpu.memory_space<hbm>>
    tpu.enqueue_indirect_dma source(%dma_start3A_3617 : memref<2758080xf32, #tpu.memory_space<hbm>>) target(%dma_start3A_3612 : memref<64xf32, #tpu.memory_space<vmem>>) offsets(%dma_start3A_3615 : memref<64xi32, #tpu.memory_space<vmem>>) semaphore(%arg10 : memref<!tpu.dma_semaphore, #tpu.memory_space<semaphore_mem>>)
    %dma_start3A_3618 = arith.constant 1 : i32
    %dma_start3A_3619 = arith.constant 1 : i32
    %dma_start3A_3620 = arith.constant 0 : i32
    %dma_start3A_3621 = tpu.memref_slice %arg8[%dma_start3A_3619, %dma_start3A_3620] : memref<6x64xf32, #tpu.memory_space<vmem>> -> memref<1x64xf32, #tpu.memory_space<vmem>>
    %dma_start3A_3622 = tpu.memref_squeeze %dma_start3A_3621 : memref<1x64xf32, #tpu.memory_space<vmem>> -> memref<64xf32, #tpu.memory_space<vmem>>
    %dma_start3A_3623 = arith.constant 0 : i32
    %dma_start3A_3624 = tpu.memref_slice %arg7[%dma_start3A_3618, %dma_start3A_3623] : memref<6x64xi32, #tpu.memory_space<vmem>> -> memref<1x64xi32, #tpu.memory_space<vmem>>
    %dma_start3A_3625 = tpu.memref_squeeze %dma_start3A_3624 : memref<1x64xi32, #tpu.memory_space<vmem>> -> memref<64xi32, #tpu.memory_space<vmem>>
    %dma_start3A_3626 = arith.constant 0 : i32
    %dma_start3A_3627 = tpu.memref_slice %arg3[%dma_start3A_3626] : memref<2758080xf32, #tpu.memory_space<hbm>> -> memref<2758080xf32, #tpu.memory_space<hbm>>
    tpu.enqueue_indirect_dma source(%dma_start3A_3627 : memref<2758080xf32, #tpu.memory_space<hbm>>) target(%dma_start3A_3622 : memref<64xf32, #tpu.memory_space<vmem>>) offsets(%dma_start3A_3625 : memref<64xi32, #tpu.memory_space<vmem>>) semaphore(%arg10 : memref<!tpu.dma_semaphore, #tpu.memory_space<semaphore_mem>>)
    %dma_start3A_3628 = arith.constant 2 : i32
    %dma_start3A_3629 = arith.constant 2 : i32
    %dma_start3A_3630 = arith.constant 0 : i32
    %dma_start3A_3631 = tpu.memref_slice %arg8[%dma_start3A_3629, %dma_start3A_3630] : memref<6x64xf32, #tpu.memory_space<vmem>> -> memref<1x64xf32, #tpu.memory_space<vmem>>
    %dma_start3A_3632 = tpu.memref_squeeze %dma_start3A_3631 : memref<1x64xf32, #tpu.memory_space<vmem>> -> memref<64xf32, #tpu.memory_space<vmem>>
    %dma_start3A_3633 = arith.constant 0 : i32
    %dma_start3A_3634 = tpu.memref_slice %arg7[%dma_start3A_3628, %dma_start3A_3633] : memref<6x64xi32, #tpu.memory_space<vmem>> -> memref<1x64xi32, #tpu.memory_space<vmem>>
    %dma_start3A_3635 = tpu.memref_squeeze %dma_start3A_3634 : memref<1x64xi32, #tpu.memory_space<vmem>> -> memref<64xi32, #tpu.memory_space<vmem>>
    %dma_start3A_3636 = arith.constant 0 : i32
    %dma_start3A_3637 = tpu.memref_slice %arg3[%dma_start3A_3636] : memref<2758080xf32, #tpu.memory_space<hbm>> -> memref<2758080xf32, #tpu.memory_space<hbm>>
    tpu.enqueue_indirect_dma source(%dma_start3A_3637 : memref<2758080xf32, #tpu.memory_space<hbm>>) target(%dma_start3A_3632 : memref<64xf32, #tpu.memory_space<vmem>>) offsets(%dma_start3A_3635 : memref<64xi32, #tpu.memory_space<vmem>>) semaphore(%arg10 : memref<!tpu.dma_semaphore, #tpu.memory_space<semaphore_mem>>)
    %dma_start3A_3638 = arith.constant 3 : i32
    %dma_start3A_3639 = arith.constant 3 : i32
    %dma_start3A_3640 = arith.constant 0 : i32
    %dma_start3A_3641 = tpu.memref_slice %arg8[%dma_start3A_3639, %dma_start3A_3640] : memref<6x64xf32, #tpu.memory_space<vmem>> -> memref<1x64xf32, #tpu.memory_space<vmem>>
    %dma_start3A_3642 = tpu.memref_squeeze %dma_start3A_3641 : memref<1x64xf32, #tpu.memory_space<vmem>> -> memref<64xf32, #tpu.memory_space<vmem>>
    %dma_start3A_3643 = arith.constant 0 : i32
    %dma_start3A_3644 = tpu.memref_slice %arg7[%dma_start3A_3638, %dma_start3A_3643] : memref<6x64xi32, #tpu.memory_space<vmem>> -> memref<1x64xi32, #tpu.memory_space<vmem>>
    %dma_start3A_3645 = tpu.memref_squeeze %dma_start3A_3644 : memref<1x64xi32, #tpu.memory_space<vmem>> -> memref<64xi32, #tpu.memory_space<vmem>>
    %dma_start3A_3646 = arith.constant 0 : i32
    %dma_start3A_3647 = tpu.memref_slice %arg3[%dma_start3A_3646] : memref<2758080xf32, #tpu.memory_space<hbm>> -> memref<2758080xf32, #tpu.memory_space<hbm>>
    tpu.enqueue_indirect_dma source(%dma_start3A_3647 : memref<2758080xf32, #tpu.memory_space<hbm>>) target(%dma_start3A_3642 : memref<64xf32, #tpu.memory_space<vmem>>) offsets(%dma_start3A_3645 : memref<64xi32, #tpu.memory_space<vmem>>) semaphore(%arg10 : memref<!tpu.dma_semaphore, #tpu.memory_space<semaphore_mem>>)
    %dma_start3A_3648 = arith.constant 4 : i32
    %dma_start3A_3649 = arith.constant 4 : i32
    %dma_start3A_3650 = arith.constant 0 : i32
    %dma_start3A_3651 = tpu.memref_slice %arg8[%dma_start3A_3649, %dma_start3A_3650] : memref<6x64xf32, #tpu.memory_space<vmem>> -> memref<1x64xf32, #tpu.memory_space<vmem>>
    %dma_start3A_3652 = tpu.memref_squeeze %dma_start3A_3651 : memref<1x64xf32, #tpu.memory_space<vmem>> -> memref<64xf32, #tpu.memory_space<vmem>>
    %dma_start3A_3653 = arith.constant 0 : i32
    %dma_start3A_3654 = tpu.memref_slice %arg7[%dma_start3A_3648, %dma_start3A_3653] : memref<6x64xi32, #tpu.memory_space<vmem>> -> memref<1x64xi32, #tpu.memory_space<vmem>>
    %dma_start3A_3655 = tpu.memref_squeeze %dma_start3A_3654 : memref<1x64xi32, #tpu.memory_space<vmem>> -> memref<64xi32, #tpu.memory_space<vmem>>
    %dma_start3A_3656 = arith.constant 0 : i32
    %dma_start3A_3657 = tpu.memref_slice %arg3[%dma_start3A_3656] : memref<2758080xf32, #tpu.memory_space<hbm>> -> memref<2758080xf32, #tpu.memory_space<hbm>>
    tpu.enqueue_indirect_dma source(%dma_start3A_3657 : memref<2758080xf32, #tpu.memory_space<hbm>>) target(%dma_start3A_3652 : memref<64xf32, #tpu.memory_space<vmem>>) offsets(%dma_start3A_3655 : memref<64xi32, #tpu.memory_space<vmem>>) semaphore(%arg10 : memref<!tpu.dma_semaphore, #tpu.memory_space<semaphore_mem>>)
    %dma_start3A_3658 = arith.constant 5 : i32
    %dma_start3A_3659 = arith.constant 5 : i32
    %dma_start3A_3660 = arith.constant 0 : i32
    %dma_start3A_3661 = tpu.memref_slice %arg8[%dma_start3A_3659, %dma_start3A_3660] : memref<6x64xf32, #tpu.memory_space<vmem>> -> memref<1x64xf32, #tpu.memory_space<vmem>>
    %dma_start3A_3662 = tpu.memref_squeeze %dma_start3A_3661 : memref<1x64xf32, #tpu.memory_space<vmem>> -> memref<64xf32, #tpu.memory_space<vmem>>
    %dma_start3A_3663 = arith.constant 0 : i32
    %dma_start3A_3664 = tpu.memref_slice %arg7[%dma_start3A_3658, %dma_start3A_3663] : memref<6x64xi32, #tpu.memory_space<vmem>> -> memref<1x64xi32, #tpu.memory_space<vmem>>
    %dma_start3A_3665 = tpu.memref_squeeze %dma_start3A_3664 : memref<1x64xi32, #tpu.memory_space<vmem>> -> memref<64xi32, #tpu.memory_space<vmem>>
    %dma_start3A_3666 = arith.constant 0 : i32
    %dma_start3A_3667 = tpu.memref_slice %arg3[%dma_start3A_3666] : memref<2758080xf32, #tpu.memory_space<hbm>> -> memref<2758080xf32, #tpu.memory_space<hbm>>
    tpu.enqueue_indirect_dma source(%dma_start3A_3667 : memref<2758080xf32, #tpu.memory_space<hbm>>) target(%dma_start3A_3662 : memref<64xf32, #tpu.memory_space<vmem>>) offsets(%dma_start3A_3665 : memref<64xi32, #tpu.memory_space<vmem>>) semaphore(%arg10 : memref<!tpu.dma_semaphore, #tpu.memory_space<semaphore_mem>>)
    %broadcast_in_dim3A_3668 = arith.constant 1 : i32
    %broadcast_in_dim3A_3669 = vector.broadcast %broadcast_in_dim3A_3668 : i32 to vector<16xi32>
    %broadcast_in_dim3A_3670 = arith.constant 0 : i32
    %broadcast_in_dim3A_3671 = vector.broadcast %broadcast_in_dim3A_3670 : i32 to vector<16xi32>
    %ge3A_3672 = arith.constant 0 : i32
    %ge3A_3673 = vector.broadcast %ge3A_3672 : i32 to vector<16xi32>
    %ge3A_3674 = arith.cmpi sge, %select_n3A_2295, %ge3A_3673 : vector<16xi32>
    %select_n3A_3675 = arith.select %ge3A_3674, %broadcast_in_dim3A_3669, %broadcast_in_dim3A_3671 : vector<16xi1>, vector<16xi32>
    %ge3A_3676 = arith.constant 0 : i32
    %ge3A_3677 = vector.broadcast %ge3A_3676 : i32 to vector<16xi32>
    %ge3A_3678 = arith.cmpi sge, %select_n3A_2681, %ge3A_3677 : vector<16xi32>
    %select_n3A_3679 = arith.select %ge3A_3678, %broadcast_in_dim3A_3669, %broadcast_in_dim3A_3671 : vector<16xi1>, vector<16xi32>
    %ge3A_3680 = arith.constant 0 : i32
    %ge3A_3681 = vector.broadcast %ge3A_3680 : i32 to vector<16xi32>
    %ge3A_3682 = arith.cmpi sge, %select_n3A_3067, %ge3A_3681 : vector<16xi32>
    %select_n3A_3683 = arith.select %ge3A_3682, %broadcast_in_dim3A_3669, %broadcast_in_dim3A_3671 : vector<16xi1>, vector<16xi32>
    %ge3A_3684 = arith.constant 0 : i32
    %ge3A_3685 = vector.broadcast %ge3A_3684 : i32 to vector<16xi32>
    %ge3A_3686 = arith.cmpi sge, %select_n3A_3453, %ge3A_3685 : vector<16xi32>
    %select_n3A_3687 = arith.select %ge3A_3686, %broadcast_in_dim3A_3669, %broadcast_in_dim3A_3671 : vector<16xi1>, vector<16xi32>
    %ge3A_3688 = arith.constant 0 : i32
    %ge3A_3689 = vector.broadcast %ge3A_3688 : i32 to vector<16xi32>
    %ge3A_3690 = arith.cmpi sge, %select_n3A_2304, %ge3A_3689 : vector<16xi32>
    %select_n3A_3691 = arith.select %ge3A_3690, %broadcast_in_dim3A_3669, %broadcast_in_dim3A_3671 : vector<16xi1>, vector<16xi32>
    %ge3A_3692 = arith.constant 0 : i32
    %ge3A_3693 = vector.broadcast %ge3A_3692 : i32 to vector<16xi32>
    %ge3A_3694 = arith.cmpi sge, %select_n3A_2690, %ge3A_3693 : vector<16xi32>
    %select_n3A_3695 = arith.select %ge3A_3694, %broadcast_in_dim3A_3669, %broadcast_in_dim3A_3671 : vector<16xi1>, vector<16xi32>
    %ge3A_3696 = arith.constant 0 : i32
    %ge3A_3697 = vector.broadcast %ge3A_3696 : i32 to vector<16xi32>
    %ge3A_3698 = arith.cmpi sge, %select_n3A_3076, %ge3A_3697 : vector<16xi32>
    %select_n3A_3699 = arith.select %ge3A_3698, %broadcast_in_dim3A_3669, %broadcast_in_dim3A_3671 : vector<16xi1>, vector<16xi32>
    %ge3A_3700 = arith.constant 0 : i32
    %ge3A_3701 = vector.broadcast %ge3A_3700 : i32 to vector<16xi32>
    %ge3A_3702 = arith.cmpi sge, %select_n3A_3462, %ge3A_3701 : vector<16xi32>
    %select_n3A_3703 = arith.select %ge3A_3702, %broadcast_in_dim3A_3669, %broadcast_in_dim3A_3671 : vector<16xi1>, vector<16xi32>
    %scan3A_3704 = arith.constant 0 : i32
    %scan3A_3705 = arith.constant 16 : i32
    %scan3A_3706 = arith.addi %scan3A_3704, %scan3A_3705 : i32
    %scan3A_3707 = arith.constant 1 : i32
    %scan3A_3708:8 = scf.for %scan3A_4138 = %scan3A_3704 to %scan3A_3706 step %scan3A_3707 iter_args(%scan3A_4139 = %select_n3A_3675, %scan3A_4140 = %select_n3A_3679, %scan3A_4141 = %select_n3A_3683, %scan3A_4142 = %select_n3A_3687, %scan3A_4143 = %select_n3A_3691, %scan3A_4144 = %select_n3A_3695, %scan3A_4145 = %select_n3A_3699, %scan3A_4146 = %select_n3A_3703) -> (vector<16xi32>, vector<16xi32>, vector<16xi32>, vector<16xi32>, vector<16xi32>, vector<16xi32>, vector<16xi32>, vector<16xi32>)  : i32 {
      %broadcast_in_dim3A_4147 = vector.broadcast %scan3A_4138 : i32 to vector<16xi32>
      %broadcast_in_dim3A_4148 = vector.shape_cast %broadcast_in_dim3A_4147 : vector<16xi32> to vector<16x1xi32>
      %gather3A = vector.shape_cast %broadcast_in_dim3A_4148 : vector<16x1xi32> to vector<16xi32>
      %gather3A_4149 = tpu.dynamic_gather %select_n3A_2295[%gather3A] in [0] : vector<16xi32>, vector<16xi32> -> vector<16xi32>
      %broadcast_in_dim3A_4150 = vector.shape_cast %broadcast_in_dim3A_4147 : vector<16xi32> to vector<16x1xi32>
      %gather3A_4151 = vector.shape_cast %broadcast_in_dim3A_4150 : vector<16x1xi32> to vector<16xi32>
      %gather3A_4152 = tpu.dynamic_gather %select_n3A_2304[%gather3A_4151] in [0] : vector<16xi32>, vector<16xi32> -> vector<16xi32>
      %add3A_4153 = arith.constant 0 : i32
      %add3A_4154 = vector.broadcast %add3A_4153 : i32 to vector<16xi32>
      %add3A_4155 = arith.addi %broadcast_in_dim3A_4147, %add3A_4154 : vector<16xi32>
      %lt3A_4156 = arith.cmpi slt, %add3A_2092, %add3A_4155 : vector<16xi32>
      %eq3A_4157 = arith.cmpi eq, %select_n3A_2295, %gather3A_4149 : vector<16xi32>
      %and3A_4158 = arith.andi %eq3A_4157, %lt3A_4156 : vector<16xi1>
      %jit3A_4159 = arith.constant 0 : i32
      %broadcast_in_dim3A_4160 = vector.broadcast %jit3A_4159 : i32 to vector<16xi32>
      %select_n3A_4161 = arith.select %and3A_4158, %broadcast_in_dim3A_4160, %scan3A_4139 : vector<16xi1>, vector<16xi32>
      %eq3A_4162 = arith.cmpi eq, %select_n3A_2304, %gather3A_4152 : vector<16xi32>
      %and3A_4163 = arith.andi %eq3A_4162, %lt3A_4156 : vector<16xi1>
      %jit3A_4164 = arith.constant 0 : i32
      %broadcast_in_dim3A_4165 = vector.broadcast %jit3A_4164 : i32 to vector<16xi32>
      %select_n3A_4166 = arith.select %and3A_4163, %broadcast_in_dim3A_4165, %scan3A_4143 : vector<16xi1>, vector<16xi32>
      %lt3A_4167 = arith.cmpi slt, %add3A_2478, %add3A_4155 : vector<16xi32>
      %eq3A_4168 = arith.cmpi eq, %select_n3A_2681, %gather3A_4149 : vector<16xi32>
      %and3A_4169 = arith.andi %eq3A_4168, %lt3A_4167 : vector<16xi1>
      %jit3A_4170 = arith.constant 0 : i32
      %broadcast_in_dim3A_4171 = vector.broadcast %jit3A_4170 : i32 to vector<16xi32>
      %select_n3A_4172 = arith.select %and3A_4169, %broadcast_in_dim3A_4171, %scan3A_4140 : vector<16xi1>, vector<16xi32>
      %eq3A_4173 = arith.cmpi eq, %select_n3A_2690, %gather3A_4152 : vector<16xi32>
      %and3A_4174 = arith.andi %eq3A_4173, %lt3A_4167 : vector<16xi1>
      %jit3A_4175 = arith.constant 0 : i32
      %broadcast_in_dim3A_4176 = vector.broadcast %jit3A_4175 : i32 to vector<16xi32>
      %select_n3A_4177 = arith.select %and3A_4174, %broadcast_in_dim3A_4176, %scan3A_4144 : vector<16xi1>, vector<16xi32>
      %lt3A_4178 = arith.cmpi slt, %add3A_2864, %add3A_4155 : vector<16xi32>
      %eq3A_4179 = arith.cmpi eq, %select_n3A_3067, %gather3A_4149 : vector<16xi32>
      %and3A_4180 = arith.andi %eq3A_4179, %lt3A_4178 : vector<16xi1>
      %jit3A_4181 = arith.constant 0 : i32
      %broadcast_in_dim3A_4182 = vector.broadcast %jit3A_4181 : i32 to vector<16xi32>
      %select_n3A_4183 = arith.select %and3A_4180, %broadcast_in_dim3A_4182, %scan3A_4141 : vector<16xi1>, vector<16xi32>
      %eq3A_4184 = arith.cmpi eq, %select_n3A_3076, %gather3A_4152 : vector<16xi32>
      %and3A_4185 = arith.andi %eq3A_4184, %lt3A_4178 : vector<16xi1>
      %jit3A_4186 = arith.constant 0 : i32
      %broadcast_in_dim3A_4187 = vector.broadcast %jit3A_4186 : i32 to vector<16xi32>
      %select_n3A_4188 = arith.select %and3A_4185, %broadcast_in_dim3A_4187, %scan3A_4145 : vector<16xi1>, vector<16xi32>
      %lt3A_4189 = arith.cmpi slt, %add3A_3250, %add3A_4155 : vector<16xi32>
      %eq3A_4190 = arith.cmpi eq, %select_n3A_3453, %gather3A_4149 : vector<16xi32>
      %and3A_4191 = arith.andi %eq3A_4190, %lt3A_4189 : vector<16xi1>
      %jit3A_4192 = arith.constant 0 : i32
      %broadcast_in_dim3A_4193 = vector.broadcast %jit3A_4192 : i32 to vector<16xi32>
      %select_n3A_4194 = arith.select %and3A_4191, %broadcast_in_dim3A_4193, %scan3A_4142 : vector<16xi1>, vector<16xi32>
      %eq3A_4195 = arith.cmpi eq, %select_n3A_3462, %gather3A_4152 : vector<16xi32>
      %and3A_4196 = arith.andi %eq3A_4195, %lt3A_4189 : vector<16xi1>
      %jit3A_4197 = arith.constant 0 : i32
      %broadcast_in_dim3A_4198 = vector.broadcast %jit3A_4197 : i32 to vector<16xi32>
      %select_n3A_4199 = arith.select %and3A_4196, %broadcast_in_dim3A_4198, %scan3A_4146 : vector<16xi1>, vector<16xi32>
      %broadcast_in_dim3A_4200 = vector.broadcast %scan3A_4138 : i32 to vector<16xi32>
      %broadcast_in_dim3A_4201 = vector.shape_cast %broadcast_in_dim3A_4200 : vector<16xi32> to vector<16x1xi32>
      %gather3A_4202 = vector.shape_cast %broadcast_in_dim3A_4201 : vector<16x1xi32> to vector<16xi32>
      %gather3A_4203 = tpu.dynamic_gather %select_n3A_2681[%gather3A_4202] in [0] : vector<16xi32>, vector<16xi32> -> vector<16xi32>
      %broadcast_in_dim3A_4204 = vector.shape_cast %broadcast_in_dim3A_4200 : vector<16xi32> to vector<16x1xi32>
      %gather3A_4205 = vector.shape_cast %broadcast_in_dim3A_4204 : vector<16x1xi32> to vector<16xi32>
      %gather3A_4206 = tpu.dynamic_gather %select_n3A_2690[%gather3A_4205] in [0] : vector<16xi32>, vector<16xi32> -> vector<16xi32>
      %add3A_4207 = arith.constant 16 : i32
      %add3A_4208 = vector.broadcast %add3A_4207 : i32 to vector<16xi32>
      %add3A_4209 = arith.addi %broadcast_in_dim3A_4200, %add3A_4208 : vector<16xi32>
      %lt3A_4210 = arith.cmpi slt, %add3A_2092, %add3A_4209 : vector<16xi32>
      %eq3A_4211 = arith.cmpi eq, %select_n3A_2295, %gather3A_4203 : vector<16xi32>
      %and3A_4212 = arith.andi %eq3A_4211, %lt3A_4210 : vector<16xi1>
      %jit3A_4213 = arith.constant 0 : i32
      %broadcast_in_dim3A_4214 = vector.broadcast %jit3A_4213 : i32 to vector<16xi32>
      %select_n3A_4215 = arith.select %and3A_4212, %broadcast_in_dim3A_4214, %select_n3A_4161 : vector<16xi1>, vector<16xi32>
      %eq3A_4216 = arith.cmpi eq, %select_n3A_2304, %gather3A_4206 : vector<16xi32>
      %and3A_4217 = arith.andi %eq3A_4216, %lt3A_4210 : vector<16xi1>
      %jit3A_4218 = arith.constant 0 : i32
      %broadcast_in_dim3A_4219 = vector.broadcast %jit3A_4218 : i32 to vector<16xi32>
      %select_n3A_4220 = arith.select %and3A_4217, %broadcast_in_dim3A_4219, %select_n3A_4166 : vector<16xi1>, vector<16xi32>
      %lt3A_4221 = arith.cmpi slt, %add3A_2478, %add3A_4209 : vector<16xi32>
      %eq3A_4222 = arith.cmpi eq, %select_n3A_2681, %gather3A_4203 : vector<16xi32>
      %and3A_4223 = arith.andi %eq3A_4222, %lt3A_4221 : vector<16xi1>
      %jit3A_4224 = arith.constant 0 : i32
      %broadcast_in_dim3A_4225 = vector.broadcast %jit3A_4224 : i32 to vector<16xi32>
      %select_n3A_4226 = arith.select %and3A_4223, %broadcast_in_dim3A_4225, %select_n3A_4172 : vector<16xi1>, vector<16xi32>
      %eq3A_4227 = arith.cmpi eq, %select_n3A_2690, %gather3A_4206 : vector<16xi32>
      %and3A_4228 = arith.andi %eq3A_4227, %lt3A_4221 : vector<16xi1>
      %jit3A_4229 = arith.constant 0 : i32
      %broadcast_in_dim3A_4230 = vector.broadcast %jit3A_4229 : i32 to vector<16xi32>
      %select_n3A_4231 = arith.select %and3A_4228, %broadcast_in_dim3A_4230, %select_n3A_4177 : vector<16xi1>, vector<16xi32>
      %lt3A_4232 = arith.cmpi slt, %add3A_2864, %add3A_4209 : vector<16xi32>
      %eq3A_4233 = arith.cmpi eq, %select_n3A_3067, %gather3A_4203 : vector<16xi32>
      %and3A_4234 = arith.andi %eq3A_4233, %lt3A_4232 : vector<16xi1>
      %jit3A_4235 = arith.constant 0 : i32
      %broadcast_in_dim3A_4236 = vector.broadcast %jit3A_4235 : i32 to vector<16xi32>
      %select_n3A_4237 = arith.select %and3A_4234, %broadcast_in_dim3A_4236, %select_n3A_4183 : vector<16xi1>, vector<16xi32>
      %eq3A_4238 = arith.cmpi eq, %select_n3A_3076, %gather3A_4206 : vector<16xi32>
      %and3A_4239 = arith.andi %eq3A_4238, %lt3A_4232 : vector<16xi1>
      %jit3A_4240 = arith.constant 0 : i32
      %broadcast_in_dim3A_4241 = vector.broadcast %jit3A_4240 : i32 to vector<16xi32>
      %select_n3A_4242 = arith.select %and3A_4239, %broadcast_in_dim3A_4241, %select_n3A_4188 : vector<16xi1>, vector<16xi32>
      %lt3A_4243 = arith.cmpi slt, %add3A_3250, %add3A_4209 : vector<16xi32>
      %eq3A_4244 = arith.cmpi eq, %select_n3A_3453, %gather3A_4203 : vector<16xi32>
      %and3A_4245 = arith.andi %eq3A_4244, %lt3A_4243 : vector<16xi1>
      %jit3A_4246 = arith.constant 0 : i32
      %broadcast_in_dim3A_4247 = vector.broadcast %jit3A_4246 : i32 to vector<16xi32>
      %select_n3A_4248 = arith.select %and3A_4245, %broadcast_in_dim3A_4247, %select_n3A_4194 : vector<16xi1>, vector<16xi32>
      %eq3A_4249 = arith.cmpi eq, %select_n3A_3462, %gather3A_4206 : vector<16xi32>
      %and3A_4250 = arith.andi %eq3A_4249, %lt3A_4243 : vector<16xi1>
      %jit3A_4251 = arith.constant 0 : i32
      %broadcast_in_dim3A_4252 = vector.broadcast %jit3A_4251 : i32 to vector<16xi32>
      %select_n3A_4253 = arith.select %and3A_4250, %broadcast_in_dim3A_4252, %select_n3A_4199 : vector<16xi1>, vector<16xi32>
      %broadcast_in_dim3A_4254 = vector.broadcast %scan3A_4138 : i32 to vector<16xi32>
      %broadcast_in_dim3A_4255 = vector.shape_cast %broadcast_in_dim3A_4254 : vector<16xi32> to vector<16x1xi32>
      %gather3A_4256 = vector.shape_cast %broadcast_in_dim3A_4255 : vector<16x1xi32> to vector<16xi32>
      %gather3A_4257 = tpu.dynamic_gather %select_n3A_3067[%gather3A_4256] in [0] : vector<16xi32>, vector<16xi32> -> vector<16xi32>
      %broadcast_in_dim3A_4258 = vector.shape_cast %broadcast_in_dim3A_4254 : vector<16xi32> to vector<16x1xi32>
      %gather3A_4259 = vector.shape_cast %broadcast_in_dim3A_4258 : vector<16x1xi32> to vector<16xi32>
      %gather3A_4260 = tpu.dynamic_gather %select_n3A_3076[%gather3A_4259] in [0] : vector<16xi32>, vector<16xi32> -> vector<16xi32>
      %add3A_4261 = arith.constant 32 : i32
      %add3A_4262 = vector.broadcast %add3A_4261 : i32 to vector<16xi32>
      %add3A_4263 = arith.addi %broadcast_in_dim3A_4254, %add3A_4262 : vector<16xi32>
      %lt3A_4264 = arith.cmpi slt, %add3A_2092, %add3A_4263 : vector<16xi32>
      %eq3A_4265 = arith.cmpi eq, %select_n3A_2295, %gather3A_4257 : vector<16xi32>
      %and3A_4266 = arith.andi %eq3A_4265, %lt3A_4264 : vector<16xi1>
      %jit3A_4267 = arith.constant 0 : i32
      %broadcast_in_dim3A_4268 = vector.broadcast %jit3A_4267 : i32 to vector<16xi32>
      %select_n3A_4269 = arith.select %and3A_4266, %broadcast_in_dim3A_4268, %select_n3A_4215 : vector<16xi1>, vector<16xi32>
      %eq3A_4270 = arith.cmpi eq, %select_n3A_2304, %gather3A_4260 : vector<16xi32>
      %and3A_4271 = arith.andi %eq3A_4270, %lt3A_4264 : vector<16xi1>
      %jit3A_4272 = arith.constant 0 : i32
      %broadcast_in_dim3A_4273 = vector.broadcast %jit3A_4272 : i32 to vector<16xi32>
      %select_n3A_4274 = arith.select %and3A_4271, %broadcast_in_dim3A_4273, %select_n3A_4220 : vector<16xi1>, vector<16xi32>
      %lt3A_4275 = arith.cmpi slt, %add3A_2478, %add3A_4263 : vector<16xi32>
      %eq3A_4276 = arith.cmpi eq, %select_n3A_2681, %gather3A_4257 : vector<16xi32>
      %and3A_4277 = arith.andi %eq3A_4276, %lt3A_4275 : vector<16xi1>
      %jit3A_4278 = arith.constant 0 : i32
      %broadcast_in_dim3A_4279 = vector.broadcast %jit3A_4278 : i32 to vector<16xi32>
      %select_n3A_4280 = arith.select %and3A_4277, %broadcast_in_dim3A_4279, %select_n3A_4226 : vector<16xi1>, vector<16xi32>
      %eq3A_4281 = arith.cmpi eq, %select_n3A_2690, %gather3A_4260 : vector<16xi32>
      %and3A_4282 = arith.andi %eq3A_4281, %lt3A_4275 : vector<16xi1>
      %jit3A_4283 = arith.constant 0 : i32
      %broadcast_in_dim3A_4284 = vector.broadcast %jit3A_4283 : i32 to vector<16xi32>
      %select_n3A_4285 = arith.select %and3A_4282, %broadcast_in_dim3A_4284, %select_n3A_4231 : vector<16xi1>, vector<16xi32>
      %lt3A_4286 = arith.cmpi slt, %add3A_2864, %add3A_4263 : vector<16xi32>
      %eq3A_4287 = arith.cmpi eq, %select_n3A_3067, %gather3A_4257 : vector<16xi32>
      %and3A_4288 = arith.andi %eq3A_4287, %lt3A_4286 : vector<16xi1>
      %jit3A_4289 = arith.constant 0 : i32
      %broadcast_in_dim3A_4290 = vector.broadcast %jit3A_4289 : i32 to vector<16xi32>
      %select_n3A_4291 = arith.select %and3A_4288, %broadcast_in_dim3A_4290, %select_n3A_4237 : vector<16xi1>, vector<16xi32>
      %eq3A_4292 = arith.cmpi eq, %select_n3A_3076, %gather3A_4260 : vector<16xi32>
      %and3A_4293 = arith.andi %eq3A_4292, %lt3A_4286 : vector<16xi1>
      %jit3A_4294 = arith.constant 0 : i32
      %broadcast_in_dim3A_4295 = vector.broadcast %jit3A_4294 : i32 to vector<16xi32>
      %select_n3A_4296 = arith.select %and3A_4293, %broadcast_in_dim3A_4295, %select_n3A_4242 : vector<16xi1>, vector<16xi32>
      %lt3A_4297 = arith.cmpi slt, %add3A_3250, %add3A_4263 : vector<16xi32>
      %eq3A_4298 = arith.cmpi eq, %select_n3A_3453, %gather3A_4257 : vector<16xi32>
      %and3A_4299 = arith.andi %eq3A_4298, %lt3A_4297 : vector<16xi1>
      %jit3A_4300 = arith.constant 0 : i32
      %broadcast_in_dim3A_4301 = vector.broadcast %jit3A_4300 : i32 to vector<16xi32>
      %select_n3A_4302 = arith.select %and3A_4299, %broadcast_in_dim3A_4301, %select_n3A_4248 : vector<16xi1>, vector<16xi32>
      %eq3A_4303 = arith.cmpi eq, %select_n3A_3462, %gather3A_4260 : vector<16xi32>
      %and3A_4304 = arith.andi %eq3A_4303, %lt3A_4297 : vector<16xi1>
      %jit3A_4305 = arith.constant 0 : i32
      %broadcast_in_dim3A_4306 = vector.broadcast %jit3A_4305 : i32 to vector<16xi32>
      %select_n3A_4307 = arith.select %and3A_4304, %broadcast_in_dim3A_4306, %select_n3A_4253 : vector<16xi1>, vector<16xi32>
      %broadcast_in_dim3A_4308 = vector.broadcast %scan3A_4138 : i32 to vector<16xi32>
      %broadcast_in_dim3A_4309 = vector.shape_cast %broadcast_in_dim3A_4308 : vector<16xi32> to vector<16x1xi32>
      %gather3A_4310 = vector.shape_cast %broadcast_in_dim3A_4309 : vector<16x1xi32> to vector<16xi32>
      %gather3A_4311 = tpu.dynamic_gather %select_n3A_3453[%gather3A_4310] in [0] : vector<16xi32>, vector<16xi32> -> vector<16xi32>
      %broadcast_in_dim3A_4312 = vector.shape_cast %broadcast_in_dim3A_4308 : vector<16xi32> to vector<16x1xi32>
      %gather3A_4313 = vector.shape_cast %broadcast_in_dim3A_4312 : vector<16x1xi32> to vector<16xi32>
      %gather3A_4314 = tpu.dynamic_gather %select_n3A_3462[%gather3A_4313] in [0] : vector<16xi32>, vector<16xi32> -> vector<16xi32>
      %add3A_4315 = arith.constant 48 : i32
      %add3A_4316 = vector.broadcast %add3A_4315 : i32 to vector<16xi32>
      %add3A_4317 = arith.addi %broadcast_in_dim3A_4308, %add3A_4316 : vector<16xi32>
      %lt3A_4318 = arith.cmpi slt, %add3A_2092, %add3A_4317 : vector<16xi32>
      %eq3A_4319 = arith.cmpi eq, %select_n3A_2295, %gather3A_4311 : vector<16xi32>
      %and3A_4320 = arith.andi %eq3A_4319, %lt3A_4318 : vector<16xi1>
      %jit3A_4321 = arith.constant 0 : i32
      %broadcast_in_dim3A_4322 = vector.broadcast %jit3A_4321 : i32 to vector<16xi32>
      %select_n3A_4323 = arith.select %and3A_4320, %broadcast_in_dim3A_4322, %select_n3A_4269 : vector<16xi1>, vector<16xi32>
      %eq3A_4324 = arith.cmpi eq, %select_n3A_2304, %gather3A_4314 : vector<16xi32>
      %and3A_4325 = arith.andi %eq3A_4324, %lt3A_4318 : vector<16xi1>
      %jit3A_4326 = arith.constant 0 : i32
      %broadcast_in_dim3A_4327 = vector.broadcast %jit3A_4326 : i32 to vector<16xi32>
      %select_n3A_4328 = arith.select %and3A_4325, %broadcast_in_dim3A_4327, %select_n3A_4274 : vector<16xi1>, vector<16xi32>
      %lt3A_4329 = arith.cmpi slt, %add3A_2478, %add3A_4317 : vector<16xi32>
      %eq3A_4330 = arith.cmpi eq, %select_n3A_2681, %gather3A_4311 : vector<16xi32>
      %and3A_4331 = arith.andi %eq3A_4330, %lt3A_4329 : vector<16xi1>
      %jit3A_4332 = arith.constant 0 : i32
      %broadcast_in_dim3A_4333 = vector.broadcast %jit3A_4332 : i32 to vector<16xi32>
      %select_n3A_4334 = arith.select %and3A_4331, %broadcast_in_dim3A_4333, %select_n3A_4280 : vector<16xi1>, vector<16xi32>
      %eq3A_4335 = arith.cmpi eq, %select_n3A_2690, %gather3A_4314 : vector<16xi32>
      %and3A_4336 = arith.andi %eq3A_4335, %lt3A_4329 : vector<16xi1>
      %jit3A_4337 = arith.constant 0 : i32
      %broadcast_in_dim3A_4338 = vector.broadcast %jit3A_4337 : i32 to vector<16xi32>
      %select_n3A_4339 = arith.select %and3A_4336, %broadcast_in_dim3A_4338, %select_n3A_4285 : vector<16xi1>, vector<16xi32>
      %lt3A_4340 = arith.cmpi slt, %add3A_2864, %add3A_4317 : vector<16xi32>
      %eq3A_4341 = arith.cmpi eq, %select_n3A_3067, %gather3A_4311 : vector<16xi32>
      %and3A_4342 = arith.andi %eq3A_4341, %lt3A_4340 : vector<16xi1>
      %jit3A_4343 = arith.constant 0 : i32
      %broadcast_in_dim3A_4344 = vector.broadcast %jit3A_4343 : i32 to vector<16xi32>
      %select_n3A_4345 = arith.select %and3A_4342, %broadcast_in_dim3A_4344, %select_n3A_4291 : vector<16xi1>, vector<16xi32>
      %eq3A_4346 = arith.cmpi eq, %select_n3A_3076, %gather3A_4314 : vector<16xi32>
      %and3A_4347 = arith.andi %eq3A_4346, %lt3A_4340 : vector<16xi1>
      %jit3A_4348 = arith.constant 0 : i32
      %broadcast_in_dim3A_4349 = vector.broadcast %jit3A_4348 : i32 to vector<16xi32>
      %select_n3A_4350 = arith.select %and3A_4347, %broadcast_in_dim3A_4349, %select_n3A_4296 : vector<16xi1>, vector<16xi32>
      %lt3A_4351 = arith.cmpi slt, %add3A_3250, %add3A_4317 : vector<16xi32>
      %eq3A_4352 = arith.cmpi eq, %select_n3A_3453, %gather3A_4311 : vector<16xi32>
      %and3A_4353 = arith.andi %eq3A_4352, %lt3A_4351 : vector<16xi1>
      %jit3A_4354 = arith.constant 0 : i32
      %broadcast_in_dim3A_4355 = vector.broadcast %jit3A_4354 : i32 to vector<16xi32>
      %select_n3A_4356 = arith.select %and3A_4353, %broadcast_in_dim3A_4355, %select_n3A_4302 : vector<16xi1>, vector<16xi32>
      %eq3A_4357 = arith.cmpi eq, %select_n3A_3462, %gather3A_4314 : vector<16xi32>
      %and3A_4358 = arith.andi %eq3A_4357, %lt3A_4351 : vector<16xi1>
      %jit3A_4359 = arith.constant 0 : i32
      %broadcast_in_dim3A_4360 = vector.broadcast %jit3A_4359 : i32 to vector<16xi32>
      %select_n3A_4361 = arith.select %and3A_4358, %broadcast_in_dim3A_4360, %select_n3A_4307 : vector<16xi1>, vector<16xi32>
      scf.yield %select_n3A_4323, %select_n3A_4334, %select_n3A_4345, %select_n3A_4356, %select_n3A_4328, %select_n3A_4339, %select_n3A_4350, %select_n3A_4361 : vector<16xi32>, vector<16xi32>, vector<16xi32>, vector<16xi32>, vector<16xi32>, vector<16xi32>, vector<16xi32>, vector<16xi32>
    }
    %scan3A_3709 = arith.constant 16 : i32
    %gt3A_3710 = arith.constant 0 : i32
    %gt3A_3711 = vector.broadcast %gt3A_3710 : i32 to vector<16xi32>
    %gt3A_3712 = arith.cmpi sgt, %scan3A_3708#0, %gt3A_3711 : vector<16xi32>
    %jit3A_3713 = arith.constant 1.000000e+00 : f32
    %jit3A_3714 = arith.constant 0.000000e+00 : f32
    %broadcast_in_dim3A_3715 = vector.broadcast %jit3A_3713 : f32 to vector<16xf32>
    %broadcast_in_dim3A_3716 = vector.broadcast %jit3A_3714 : f32 to vector<16xf32>
    %select_n3A_3717 = arith.select %gt3A_3712, %broadcast_in_dim3A_3715, %broadcast_in_dim3A_3716 : vector<16xi1>, vector<16xf32>
    %gt3A_3718 = arith.constant 0 : i32
    %gt3A_3719 = vector.broadcast %gt3A_3718 : i32 to vector<16xi32>
    %gt3A_3720 = arith.cmpi sgt, %scan3A_3708#4, %gt3A_3719 : vector<16xi32>
    %jit3A_3721 = arith.constant 1.000000e+00 : f32
    %jit3A_3722 = arith.constant 0.000000e+00 : f32
    %broadcast_in_dim3A_3723 = vector.broadcast %jit3A_3721 : f32 to vector<16xf32>
    %broadcast_in_dim3A_3724 = vector.broadcast %jit3A_3722 : f32 to vector<16xf32>
    %select_n3A_3725 = arith.select %gt3A_3720, %broadcast_in_dim3A_3723, %broadcast_in_dim3A_3724 : vector<16xi1>, vector<16xf32>
    %get3A_3726 = arith.constant 0 : i32
    %get3A_3727 = arith.index_cast %get3A_3726 : i32 to index
    %get3A_3728 = arith.constant 0 : index
    %get3A_3729 = tpu.vector_load %arg9[%get3A_3727, %get3A_3728] {strides = array<i32>} : memref<7x64xf32, #tpu.memory_space<vmem>>, vector<1x16xf32>,
    %get3A_3730 = vector.shape_cast %get3A_3729 : vector<1x16xf32> to vector<16xf32>
    %mul3A_3731 = arith.mulf %get3A_3730, %select_n3A_3717 : vector<16xf32>
    %swap3A_3732 = arith.constant 0 : i32
    %swap3A_3733 = arith.index_cast %swap3A_3732 : i32 to index
    %swap3A_3734 = arith.constant 0 : index
    %swap3A_3735 = tpu.vector_load %arg9[%swap3A_3733, %swap3A_3734] {strides = array<i32>} : memref<7x64xf32, #tpu.memory_space<vmem>>, vector<1x16xf32>,
    %swap3A_3736 = vector.shape_cast %swap3A_3735 : vector<1x16xf32> to vector<16xf32>
    %swap3A_3737 = vector.shape_cast %mul3A_3731 : vector<16xf32> to vector<1x16xf32>
    tpu.vector_store %arg9[%swap3A_3733, %swap3A_3734], %swap3A_3737 {strides = array<i32>} : memref<7x64xf32, #tpu.memory_space<vmem>>, vector<1x16xf32>,
    %get3A_3738 = arith.constant 1 : i32
    %get3A_3739 = arith.index_cast %get3A_3738 : i32 to index
    %get3A_3740 = arith.constant 0 : index
    %get3A_3741 = tpu.vector_load %arg9[%get3A_3739, %get3A_3740] {strides = array<i32>} : memref<7x64xf32, #tpu.memory_space<vmem>>, vector<1x16xf32>,
    %get3A_3742 = vector.shape_cast %get3A_3741 : vector<1x16xf32> to vector<16xf32>
    %mul3A_3743 = arith.mulf %get3A_3742, %select_n3A_3717 : vector<16xf32>
    %swap3A_3744 = arith.constant 1 : i32
    %swap3A_3745 = arith.index_cast %swap3A_3744 : i32 to index
    %swap3A_3746 = arith.constant 0 : index
    %swap3A_3747 = tpu.vector_load %arg9[%swap3A_3745, %swap3A_3746] {strides = array<i32>} : memref<7x64xf32, #tpu.memory_space<vmem>>, vector<1x16xf32>,
    %swap3A_3748 = vector.shape_cast %swap3A_3747 : vector<1x16xf32> to vector<16xf32>
    %swap3A_3749 = vector.shape_cast %mul3A_3743 : vector<16xf32> to vector<1x16xf32>
    tpu.vector_store %arg9[%swap3A_3745, %swap3A_3746], %swap3A_3749 {strides = array<i32>} : memref<7x64xf32, #tpu.memory_space<vmem>>, vector<1x16xf32>,
    %get3A_3750 = arith.constant 2 : i32
    %get3A_3751 = arith.index_cast %get3A_3750 : i32 to index
    %get3A_3752 = arith.constant 0 : index
    %get3A_3753 = tpu.vector_load %arg9[%get3A_3751, %get3A_3752] {strides = array<i32>} : memref<7x64xf32, #tpu.memory_space<vmem>>, vector<1x16xf32>,
    %get3A_3754 = vector.shape_cast %get3A_3753 : vector<1x16xf32> to vector<16xf32>
    %jit3A_3755 = arith.constant 1.000000e+00 : f32
    %broadcast_in_dim3A_3756 = vector.broadcast %jit3A_3755 : f32 to vector<16xf32>
    %select_n3A_3757 = arith.select %gt3A_3712, %get3A_3754, %broadcast_in_dim3A_3756 : vector<16xi1>, vector<16xf32>
    %swap3A_3758 = arith.constant 2 : i32
    %swap3A_3759 = arith.index_cast %swap3A_3758 : i32 to index
    %swap3A_3760 = arith.constant 0 : index
    %swap3A_3761 = tpu.vector_load %arg9[%swap3A_3759, %swap3A_3760] {strides = array<i32>} : memref<7x64xf32, #tpu.memory_space<vmem>>, vector<1x16xf32>,
    %swap3A_3762 = vector.shape_cast %swap3A_3761 : vector<1x16xf32> to vector<16xf32>
    %swap3A_3763 = vector.shape_cast %select_n3A_3757 : vector<16xf32> to vector<1x16xf32>
    tpu.vector_store %arg9[%swap3A_3759, %swap3A_3760], %swap3A_3763 {strides = array<i32>} : memref<7x64xf32, #tpu.memory_space<vmem>>, vector<1x16xf32>,
    %get3A_3764 = arith.constant 3 : i32
    %get3A_3765 = arith.index_cast %get3A_3764 : i32 to index
    %get3A_3766 = arith.constant 0 : index
    %get3A_3767 = tpu.vector_load %arg9[%get3A_3765, %get3A_3766] {strides = array<i32>} : memref<7x64xf32, #tpu.memory_space<vmem>>, vector<1x16xf32>,
    %get3A_3768 = vector.shape_cast %get3A_3767 : vector<1x16xf32> to vector<16xf32>
    %jit3A_3769 = arith.constant 1.000000e+00 : f32
    %broadcast_in_dim3A_3770 = vector.broadcast %jit3A_3769 : f32 to vector<16xf32>
    %select_n3A_3771 = arith.select %gt3A_3712, %get3A_3768, %broadcast_in_dim3A_3770 : vector<16xi1>, vector<16xf32>
    %swap3A_3772 = arith.constant 3 : i32
    %swap3A_3773 = arith.index_cast %swap3A_3772 : i32 to index
    %swap3A_3774 = arith.constant 0 : index
    %swap3A_3775 = tpu.vector_load %arg9[%swap3A_3773, %swap3A_3774] {strides = array<i32>} : memref<7x64xf32, #tpu.memory_space<vmem>>, vector<1x16xf32>,
    %swap3A_3776 = vector.shape_cast %swap3A_3775 : vector<1x16xf32> to vector<16xf32>
    %swap3A_3777 = vector.shape_cast %select_n3A_3771 : vector<16xf32> to vector<1x16xf32>
    tpu.vector_store %arg9[%swap3A_3773, %swap3A_3774], %swap3A_3777 {strides = array<i32>} : memref<7x64xf32, #tpu.memory_space<vmem>>, vector<1x16xf32>,
    %swap3A_3778 = arith.constant 4 : i32
    %swap3A_3779 = arith.index_cast %swap3A_3778 : i32 to index
    %swap3A_3780 = arith.constant 0 : index
    %swap3A_3781 = tpu.vector_load %arg9[%swap3A_3779, %swap3A_3780] {strides = array<i32>} : memref<7x64xf32, #tpu.memory_space<vmem>>, vector<1x16xf32>,
    %swap3A_3782 = vector.shape_cast %swap3A_3781 : vector<1x16xf32> to vector<16xf32>
    %swap3A_3783 = vector.shape_cast %select_n3A_3717 : vector<16xf32> to vector<1x16xf32>
    tpu.vector_store %arg9[%swap3A_3779, %swap3A_3780], %swap3A_3783 {strides = array<i32>} : memref<7x64xf32, #tpu.memory_space<vmem>>, vector<1x16xf32>,
    %swap3A_3784 = arith.constant 5 : i32
    %swap3A_3785 = arith.index_cast %swap3A_3784 : i32 to index
    %swap3A_3786 = arith.constant 0 : index
    %swap3A_3787 = tpu.vector_load %arg9[%swap3A_3785, %swap3A_3786] {strides = array<i32>} : memref<7x64xf32, #tpu.memory_space<vmem>>, vector<1x16xf32>,
    %swap3A_3788 = vector.shape_cast %swap3A_3787 : vector<1x16xf32> to vector<16xf32>
    %swap3A_3789 = vector.shape_cast %select_n3A_3725 : vector<16xf32> to vector<1x16xf32>
    tpu.vector_store %arg9[%swap3A_3785, %swap3A_3786], %swap3A_3789 {strides = array<i32>} : memref<7x64xf32, #tpu.memory_space<vmem>>, vector<1x16xf32>,
    %get3A_3790 = arith.constant 6 : i32
    %get3A_3791 = arith.index_cast %get3A_3790 : i32 to index
    %get3A_3792 = arith.constant 0 : index
    %get3A_3793 = tpu.vector_load %arg9[%get3A_3791, %get3A_3792] {strides = array<i32>} : memref<7x64xf32, #tpu.memory_space<vmem>>, vector<1x16xf32>,
    %get3A_3794 = vector.shape_cast %get3A_3793 : vector<1x16xf32> to vector<16xf32>
    %mul3A_3795 = arith.mulf %get3A_3794, %select_n3A_3717 : vector<16xf32>
    %swap3A_3796 = arith.constant 6 : i32
    %swap3A_3797 = arith.index_cast %swap3A_3796 : i32 to index
    %swap3A_3798 = arith.constant 0 : index
    %swap3A_3799 = tpu.vector_load %arg9[%swap3A_3797, %swap3A_3798] {strides = array<i32>} : memref<7x64xf32, #tpu.memory_space<vmem>>, vector<1x16xf32>,
    %swap3A_3800 = vector.shape_cast %swap3A_3799 : vector<1x16xf32> to vector<16xf32>
    %swap3A_3801 = vector.shape_cast %mul3A_3795 : vector<16xf32> to vector<1x16xf32>
    tpu.vector_store %arg9[%swap3A_3797, %swap3A_3798], %swap3A_3801 {strides = array<i32>} : memref<7x64xf32, #tpu.memory_space<vmem>>, vector<1x16xf32>,
    %gt3A_3802 = arith.constant 0 : i32
    %gt3A_3803 = vector.broadcast %gt3A_3802 : i32 to vector<16xi32>
    %gt3A_3804 = arith.cmpi sgt, %scan3A_3708#1, %gt3A_3803 : vector<16xi32>
    %jit3A_3805 = arith.constant 1.000000e+00 : f32
    %jit3A_3806 = arith.constant 0.000000e+00 : f32
    %broadcast_in_dim3A_3807 = vector.broadcast %jit3A_3805 : f32 to vector<16xf32>
    %broadcast_in_dim3A_3808 = vector.broadcast %jit3A_3806 : f32 to vector<16xf32>
    %select_n3A_3809 = arith.select %gt3A_3804, %broadcast_in_dim3A_3807, %broadcast_in_dim3A_3808 : vector<16xi1>, vector<16xf32>
    %gt3A_3810 = arith.constant 0 : i32
    %gt3A_3811 = vector.broadcast %gt3A_3810 : i32 to vector<16xi32>
    %gt3A_3812 = arith.cmpi sgt, %scan3A_3708#5, %gt3A_3811 : vector<16xi32>
    %jit3A_3813 = arith.constant 1.000000e+00 : f32
    %jit3A_3814 = arith.constant 0.000000e+00 : f32
    %broadcast_in_dim3A_3815 = vector.broadcast %jit3A_3813 : f32 to vector<16xf32>
    %broadcast_in_dim3A_3816 = vector.broadcast %jit3A_3814 : f32 to vector<16xf32>
    %select_n3A_3817 = arith.select %gt3A_3812, %broadcast_in_dim3A_3815, %broadcast_in_dim3A_3816 : vector<16xi1>, vector<16xf32>
    %get3A_3818 = arith.constant 0 : i32
    %get3A_3819 = arith.index_cast %get3A_3818 : i32 to index
    %get3A_3820 = arith.constant 16 : index
    %get3A_3821 = tpu.vector_load %arg9[%get3A_3819, %get3A_3820] {strides = array<i32>} : memref<7x64xf32, #tpu.memory_space<vmem>>, vector<1x16xf32>,
    %get3A_3822 = vector.shape_cast %get3A_3821 : vector<1x16xf32> to vector<16xf32>
    %mul3A_3823 = arith.mulf %get3A_3822, %select_n3A_3809 : vector<16xf32>
    %swap3A_3824 = arith.constant 0 : i32
    %swap3A_3825 = arith.index_cast %swap3A_3824 : i32 to index
    %swap3A_3826 = arith.constant 16 : index
    %swap3A_3827 = tpu.vector_load %arg9[%swap3A_3825, %swap3A_3826] {strides = array<i32>} : memref<7x64xf32, #tpu.memory_space<vmem>>, vector<1x16xf32>,
    %swap3A_3828 = vector.shape_cast %swap3A_3827 : vector<1x16xf32> to vector<16xf32>
    %swap3A_3829 = vector.shape_cast %mul3A_3823 : vector<16xf32> to vector<1x16xf32>
    tpu.vector_store %arg9[%swap3A_3825, %swap3A_3826], %swap3A_3829 {strides = array<i32>} : memref<7x64xf32, #tpu.memory_space<vmem>>, vector<1x16xf32>,
    %get3A_3830 = arith.constant 1 : i32
    %get3A_3831 = arith.index_cast %get3A_3830 : i32 to index
    %get3A_3832 = arith.constant 16 : index
    %get3A_3833 = tpu.vector_load %arg9[%get3A_3831, %get3A_3832] {strides = array<i32>} : memref<7x64xf32, #tpu.memory_space<vmem>>, vector<1x16xf32>,
    %get3A_3834 = vector.shape_cast %get3A_3833 : vector<1x16xf32> to vector<16xf32>
    %mul3A_3835 = arith.mulf %get3A_3834, %select_n3A_3809 : vector<16xf32>
    %swap3A_3836 = arith.constant 1 : i32
    %swap3A_3837 = arith.index_cast %swap3A_3836 : i32 to index
    %swap3A_3838 = arith.constant 16 : index
    %swap3A_3839 = tpu.vector_load %arg9[%swap3A_3837, %swap3A_3838] {strides = array<i32>} : memref<7x64xf32, #tpu.memory_space<vmem>>, vector<1x16xf32>,
    %swap3A_3840 = vector.shape_cast %swap3A_3839 : vector<1x16xf32> to vector<16xf32>
    %swap3A_3841 = vector.shape_cast %mul3A_3835 : vector<16xf32> to vector<1x16xf32>
    tpu.vector_store %arg9[%swap3A_3837, %swap3A_3838], %swap3A_3841 {strides = array<i32>} : memref<7x64xf32, #tpu.memory_space<vmem>>, vector<1x16xf32>,
    %get3A_3842 = arith.constant 2 : i32
    %get3A_3843 = arith.index_cast %get3A_3842 : i32 to index
    %get3A_3844 = arith.constant 16 : index
    %get3A_3845 = tpu.vector_load %arg9[%get3A_3843, %get3A_3844] {strides = array<i32>} : memref<7x64xf32, #tpu.memory_space<vmem>>, vector<1x16xf32>,
    %get3A_3846 = vector.shape_cast %get3A_3845 : vector<1x16xf32> to vector<16xf32>
    %jit3A_3847 = arith.constant 1.000000e+00 : f32
    %broadcast_in_dim3A_3848 = vector.broadcast %jit3A_3847 : f32 to vector<16xf32>
    %select_n3A_3849 = arith.select %gt3A_3804, %get3A_3846, %broadcast_in_dim3A_3848 : vector<16xi1>, vector<16xf32>
    %swap3A_3850 = arith.constant 2 : i32
    %swap3A_3851 = arith.index_cast %swap3A_3850 : i32 to index
    %swap3A_3852 = arith.constant 16 : index
    %swap3A_3853 = tpu.vector_load %arg9[%swap3A_3851, %swap3A_3852] {strides = array<i32>} : memref<7x64xf32, #tpu.memory_space<vmem>>, vector<1x16xf32>,
    %swap3A_3854 = vector.shape_cast %swap3A_3853 : vector<1x16xf32> to vector<16xf32>
    %swap3A_3855 = vector.shape_cast %select_n3A_3849 : vector<16xf32> to vector<1x16xf32>
    tpu.vector_store %arg9[%swap3A_3851, %swap3A_3852], %swap3A_3855 {strides = array<i32>} : memref<7x64xf32, #tpu.memory_space<vmem>>, vector<1x16xf32>,
    %get3A_3856 = arith.constant 3 : i32
    %get3A_3857 = arith.index_cast %get3A_3856 : i32 to index
    %get3A_3858 = arith.constant 16 : index
    %get3A_3859 = tpu.vector_load %arg9[%get3A_3857, %get3A_3858] {strides = array<i32>} : memref<7x64xf32, #tpu.memory_space<vmem>>, vector<1x16xf32>,
    %get3A_3860 = vector.shape_cast %get3A_3859 : vector<1x16xf32> to vector<16xf32>
    %jit3A_3861 = arith.constant 1.000000e+00 : f32
    %broadcast_in_dim3A_3862 = vector.broadcast %jit3A_3861 : f32 to vector<16xf32>
    %select_n3A_3863 = arith.select %gt3A_3804, %get3A_3860, %broadcast_in_dim3A_3862 : vector<16xi1>, vector<16xf32>
    %swap3A_3864 = arith.constant 3 : i32
    %swap3A_3865 = arith.index_cast %swap3A_3864 : i32 to index
    %swap3A_3866 = arith.constant 16 : index
    %swap3A_3867 = tpu.vector_load %arg9[%swap3A_3865, %swap3A_3866] {strides = array<i32>} : memref<7x64xf32, #tpu.memory_space<vmem>>, vector<1x16xf32>,
    %swap3A_3868 = vector.shape_cast %swap3A_3867 : vector<1x16xf32> to vector<16xf32>
    %swap3A_3869 = vector.shape_cast %select_n3A_3863 : vector<16xf32> to vector<1x16xf32>
    tpu.vector_store %arg9[%swap3A_3865, %swap3A_3866], %swap3A_3869 {strides = array<i32>} : memref<7x64xf32, #tpu.memory_space<vmem>>, vector<1x16xf32>,
    %swap3A_3870 = arith.constant 4 : i32
    %swap3A_3871 = arith.index_cast %swap3A_3870 : i32 to index
    %swap3A_3872 = arith.constant 16 : index
    %swap3A_3873 = tpu.vector_load %arg9[%swap3A_3871, %swap3A_3872] {strides = array<i32>} : memref<7x64xf32, #tpu.memory_space<vmem>>, vector<1x16xf32>,
    %swap3A_3874 = vector.shape_cast %swap3A_3873 : vector<1x16xf32> to vector<16xf32>
    %swap3A_3875 = vector.shape_cast %select_n3A_3809 : vector<16xf32> to vector<1x16xf32>
    tpu.vector_store %arg9[%swap3A_3871, %swap3A_3872], %swap3A_3875 {strides = array<i32>} : memref<7x64xf32, #tpu.memory_space<vmem>>, vector<1x16xf32>,
    %swap3A_3876 = arith.constant 5 : i32
    %swap3A_3877 = arith.index_cast %swap3A_3876 : i32 to index
    %swap3A_3878 = arith.constant 16 : index
    %swap3A_3879 = tpu.vector_load %arg9[%swap3A_3877, %swap3A_3878] {strides = array<i32>} : memref<7x64xf32, #tpu.memory_space<vmem>>, vector<1x16xf32>,
    %swap3A_3880 = vector.shape_cast %swap3A_3879 : vector<1x16xf32> to vector<16xf32>
    %swap3A_3881 = vector.shape_cast %select_n3A_3817 : vector<16xf32> to vector<1x16xf32>
    tpu.vector_store %arg9[%swap3A_3877, %swap3A_3878], %swap3A_3881 {strides = array<i32>} : memref<7x64xf32, #tpu.memory_space<vmem>>, vector<1x16xf32>,
    %get3A_3882 = arith.constant 6 : i32
    %get3A_3883 = arith.index_cast %get3A_3882 : i32 to index
    %get3A_3884 = arith.constant 16 : index
    %get3A_3885 = tpu.vector_load %arg9[%get3A_3883, %get3A_3884] {strides = array<i32>} : memref<7x64xf32, #tpu.memory_space<vmem>>, vector<1x16xf32>,
    %get3A_3886 = vector.shape_cast %get3A_3885 : vector<1x16xf32> to vector<16xf32>
    %mul3A_3887 = arith.mulf %get3A_3886, %select_n3A_3809 : vector<16xf32>
    %swap3A_3888 = arith.constant 6 : i32
    %swap3A_3889 = arith.index_cast %swap3A_3888 : i32 to index
    %swap3A_3890 = arith.constant 16 : index
    %swap3A_3891 = tpu.vector_load %arg9[%swap3A_3889, %swap3A_3890] {strides = array<i32>} : memref<7x64xf32, #tpu.memory_space<vmem>>, vector<1x16xf32>,
    %swap3A_3892 = vector.shape_cast %swap3A_3891 : vector<1x16xf32> to vector<16xf32>
    %swap3A_3893 = vector.shape_cast %mul3A_3887 : vector<16xf32> to vector<1x16xf32>
    tpu.vector_store %arg9[%swap3A_3889, %swap3A_3890], %swap3A_3893 {strides = array<i32>} : memref<7x64xf32, #tpu.memory_space<vmem>>, vector<1x16xf32>,
    %gt3A_3894 = arith.constant 0 : i32
    %gt3A_3895 = vector.broadcast %gt3A_3894 : i32 to vector<16xi32>
    %gt3A_3896 = arith.cmpi sgt, %scan3A_3708#2, %gt3A_3895 : vector<16xi32>
    %jit3A_3897 = arith.constant 1.000000e+00 : f32
    %jit3A_3898 = arith.constant 0.000000e+00 : f32
    %broadcast_in_dim3A_3899 = vector.broadcast %jit3A_3897 : f32 to vector<16xf32>
    %broadcast_in_dim3A_3900 = vector.broadcast %jit3A_3898 : f32 to vector<16xf32>
    %select_n3A_3901 = arith.select %gt3A_3896, %broadcast_in_dim3A_3899, %broadcast_in_dim3A_3900 : vector<16xi1>, vector<16xf32>
    %gt3A_3902 = arith.constant 0 : i32
    %gt3A_3903 = vector.broadcast %gt3A_3902 : i32 to vector<16xi32>
    %gt3A_3904 = arith.cmpi sgt, %scan3A_3708#6, %gt3A_3903 : vector<16xi32>
    %jit3A_3905 = arith.constant 1.000000e+00 : f32
    %jit3A_3906 = arith.constant 0.000000e+00 : f32
    %broadcast_in_dim3A_3907 = vector.broadcast %jit3A_3905 : f32 to vector<16xf32>
    %broadcast_in_dim3A_3908 = vector.broadcast %jit3A_3906 : f32 to vector<16xf32>
    %select_n3A_3909 = arith.select %gt3A_3904, %broadcast_in_dim3A_3907, %broadcast_in_dim3A_3908 : vector<16xi1>, vector<16xf32>
    %get3A_3910 = arith.constant 0 : i32
    %get3A_3911 = arith.index_cast %get3A_3910 : i32 to index
    %get3A_3912 = arith.constant 32 : index
    %get3A_3913 = tpu.vector_load %arg9[%get3A_3911, %get3A_3912] {strides = array<i32>} : memref<7x64xf32, #tpu.memory_space<vmem>>, vector<1x16xf32>,
    %get3A_3914 = vector.shape_cast %get3A_3913 : vector<1x16xf32> to vector<16xf32>
    %mul3A_3915 = arith.mulf %get3A_3914, %select_n3A_3901 : vector<16xf32>
    %swap3A_3916 = arith.constant 0 : i32
    %swap3A_3917 = arith.index_cast %swap3A_3916 : i32 to index
    %swap3A_3918 = arith.constant 32 : index
    %swap3A_3919 = tpu.vector_load %arg9[%swap3A_3917, %swap3A_3918] {strides = array<i32>} : memref<7x64xf32, #tpu.memory_space<vmem>>, vector<1x16xf32>,
    %swap3A_3920 = vector.shape_cast %swap3A_3919 : vector<1x16xf32> to vector<16xf32>
    %swap3A_3921 = vector.shape_cast %mul3A_3915 : vector<16xf32> to vector<1x16xf32>
    tpu.vector_store %arg9[%swap3A_3917, %swap3A_3918], %swap3A_3921 {strides = array<i32>} : memref<7x64xf32, #tpu.memory_space<vmem>>, vector<1x16xf32>,
    %get3A_3922 = arith.constant 1 : i32
    %get3A_3923 = arith.index_cast %get3A_3922 : i32 to index
    %get3A_3924 = arith.constant 32 : index
    %get3A_3925 = tpu.vector_load %arg9[%get3A_3923, %get3A_3924] {strides = array<i32>} : memref<7x64xf32, #tpu.memory_space<vmem>>, vector<1x16xf32>,
    %get3A_3926 = vector.shape_cast %get3A_3925 : vector<1x16xf32> to vector<16xf32>
    %mul3A_3927 = arith.mulf %get3A_3926, %select_n3A_3901 : vector<16xf32>
    %swap3A_3928 = arith.constant 1 : i32
    %swap3A_3929 = arith.index_cast %swap3A_3928 : i32 to index
    %swap3A_3930 = arith.constant 32 : index
    %swap3A_3931 = tpu.vector_load %arg9[%swap3A_3929, %swap3A_3930] {strides = array<i32>} : memref<7x64xf32, #tpu.memory_space<vmem>>, vector<1x16xf32>,
    %swap3A_3932 = vector.shape_cast %swap3A_3931 : vector<1x16xf32> to vector<16xf32>
    %swap3A_3933 = vector.shape_cast %mul3A_3927 : vector<16xf32> to vector<1x16xf32>
    tpu.vector_store %arg9[%swap3A_3929, %swap3A_3930], %swap3A_3933 {strides = array<i32>} : memref<7x64xf32, #tpu.memory_space<vmem>>, vector<1x16xf32>,
    %get3A_3934 = arith.constant 2 : i32
    %get3A_3935 = arith.index_cast %get3A_3934 : i32 to index
    %get3A_3936 = arith.constant 32 : index
    %get3A_3937 = tpu.vector_load %arg9[%get3A_3935, %get3A_3936] {strides = array<i32>} : memref<7x64xf32, #tpu.memory_space<vmem>>, vector<1x16xf32>,
    %get3A_3938 = vector.shape_cast %get3A_3937 : vector<1x16xf32> to vector<16xf32>
    %jit3A_3939 = arith.constant 1.000000e+00 : f32
    %broadcast_in_dim3A_3940 = vector.broadcast %jit3A_3939 : f32 to vector<16xf32>
    %select_n3A_3941 = arith.select %gt3A_3896, %get3A_3938, %broadcast_in_dim3A_3940 : vector<16xi1>, vector<16xf32>
    %swap3A_3942 = arith.constant 2 : i32
    %swap3A_3943 = arith.index_cast %swap3A_3942 : i32 to index
    %swap3A_3944 = arith.constant 32 : index
    %swap3A_3945 = tpu.vector_load %arg9[%swap3A_3943, %swap3A_3944] {strides = array<i32>} : memref<7x64xf32, #tpu.memory_space<vmem>>, vector<1x16xf32>,
    %swap3A_3946 = vector.shape_cast %swap3A_3945 : vector<1x16xf32> to vector<16xf32>
    %swap3A_3947 = vector.shape_cast %select_n3A_3941 : vector<16xf32> to vector<1x16xf32>
    tpu.vector_store %arg9[%swap3A_3943, %swap3A_3944], %swap3A_3947 {strides = array<i32>} : memref<7x64xf32, #tpu.memory_space<vmem>>, vector<1x16xf32>,
    %get3A_3948 = arith.constant 3 : i32
    %get3A_3949 = arith.index_cast %get3A_3948 : i32 to index
    %get3A_3950 = arith.constant 32 : index
    %get3A_3951 = tpu.vector_load %arg9[%get3A_3949, %get3A_3950] {strides = array<i32>} : memref<7x64xf32, #tpu.memory_space<vmem>>, vector<1x16xf32>,
    %get3A_3952 = vector.shape_cast %get3A_3951 : vector<1x16xf32> to vector<16xf32>
    %jit3A_3953 = arith.constant 1.000000e+00 : f32
    %broadcast_in_dim3A_3954 = vector.broadcast %jit3A_3953 : f32 to vector<16xf32>
    %select_n3A_3955 = arith.select %gt3A_3896, %get3A_3952, %broadcast_in_dim3A_3954 : vector<16xi1>, vector<16xf32>
    %swap3A_3956 = arith.constant 3 : i32
    %swap3A_3957 = arith.index_cast %swap3A_3956 : i32 to index
    %swap3A_3958 = arith.constant 32 : index
    %swap3A_3959 = tpu.vector_load %arg9[%swap3A_3957, %swap3A_3958] {strides = array<i32>} : memref<7x64xf32, #tpu.memory_space<vmem>>, vector<1x16xf32>,
    %swap3A_3960 = vector.shape_cast %swap3A_3959 : vector<1x16xf32> to vector<16xf32>
    %swap3A_3961 = vector.shape_cast %select_n3A_3955 : vector<16xf32> to vector<1x16xf32>
    tpu.vector_store %arg9[%swap3A_3957, %swap3A_3958], %swap3A_3961 {strides = array<i32>} : memref<7x64xf32, #tpu.memory_space<vmem>>, vector<1x16xf32>,
    %swap3A_3962 = arith.constant 4 : i32
    %swap3A_3963 = arith.index_cast %swap3A_3962 : i32 to index
    %swap3A_3964 = arith.constant 32 : index
    %swap3A_3965 = tpu.vector_load %arg9[%swap3A_3963, %swap3A_3964] {strides = array<i32>} : memref<7x64xf32, #tpu.memory_space<vmem>>, vector<1x16xf32>,
    %swap3A_3966 = vector.shape_cast %swap3A_3965 : vector<1x16xf32> to vector<16xf32>
    %swap3A_3967 = vector.shape_cast %select_n3A_3901 : vector<16xf32> to vector<1x16xf32>
    tpu.vector_store %arg9[%swap3A_3963, %swap3A_3964], %swap3A_3967 {strides = array<i32>} : memref<7x64xf32, #tpu.memory_space<vmem>>, vector<1x16xf32>,
    %swap3A_3968 = arith.constant 5 : i32
    %swap3A_3969 = arith.index_cast %swap3A_3968 : i32 to index
    %swap3A_3970 = arith.constant 32 : index
    %swap3A_3971 = tpu.vector_load %arg9[%swap3A_3969, %swap3A_3970] {strides = array<i32>} : memref<7x64xf32, #tpu.memory_space<vmem>>, vector<1x16xf32>,
    %swap3A_3972 = vector.shape_cast %swap3A_3971 : vector<1x16xf32> to vector<16xf32>
    %swap3A_3973 = vector.shape_cast %select_n3A_3909 : vector<16xf32> to vector<1x16xf32>
    tpu.vector_store %arg9[%swap3A_3969, %swap3A_3970], %swap3A_3973 {strides = array<i32>} : memref<7x64xf32, #tpu.memory_space<vmem>>, vector<1x16xf32>,
    %get3A_3974 = arith.constant 6 : i32
    %get3A_3975 = arith.index_cast %get3A_3974 : i32 to index
    %get3A_3976 = arith.constant 32 : index
    %get3A_3977 = tpu.vector_load %arg9[%get3A_3975, %get3A_3976] {strides = array<i32>} : memref<7x64xf32, #tpu.memory_space<vmem>>, vector<1x16xf32>,
    %get3A_3978 = vector.shape_cast %get3A_3977 : vector<1x16xf32> to vector<16xf32>
    %mul3A_3979 = arith.mulf %get3A_3978, %select_n3A_3901 : vector<16xf32>
    %swap3A_3980 = arith.constant 6 : i32
    %swap3A_3981 = arith.index_cast %swap3A_3980 : i32 to index
    %swap3A_3982 = arith.constant 32 : index
    %swap3A_3983 = tpu.vector_load %arg9[%swap3A_3981, %swap3A_3982] {strides = array<i32>} : memref<7x64xf32, #tpu.memory_space<vmem>>, vector<1x16xf32>,
    %swap3A_3984 = vector.shape_cast %swap3A_3983 : vector<1x16xf32> to vector<16xf32>
    %swap3A_3985 = vector.shape_cast %mul3A_3979 : vector<16xf32> to vector<1x16xf32>
    tpu.vector_store %arg9[%swap3A_3981, %swap3A_3982], %swap3A_3985 {strides = array<i32>} : memref<7x64xf32, #tpu.memory_space<vmem>>, vector<1x16xf32>,
    %gt3A_3986 = arith.constant 0 : i32
    %gt3A_3987 = vector.broadcast %gt3A_3986 : i32 to vector<16xi32>
    %gt3A_3988 = arith.cmpi sgt, %scan3A_3708#3, %gt3A_3987 : vector<16xi32>
    %jit3A_3989 = arith.constant 1.000000e+00 : f32
    %jit3A_3990 = arith.constant 0.000000e+00 : f32
    %broadcast_in_dim3A_3991 = vector.broadcast %jit3A_3989 : f32 to vector<16xf32>
    %broadcast_in_dim3A_3992 = vector.broadcast %jit3A_3990 : f32 to vector<16xf32>
    %select_n3A_3993 = arith.select %gt3A_3988, %broadcast_in_dim3A_3991, %broadcast_in_dim3A_3992 : vector<16xi1>, vector<16xf32>
    %gt3A_3994 = arith.constant 0 : i32
    %gt3A_3995 = vector.broadcast %gt3A_3994 : i32 to vector<16xi32>
    %gt3A_3996 = arith.cmpi sgt, %scan3A_3708#7, %gt3A_3995 : vector<16xi32>
    %jit3A_3997 = arith.constant 1.000000e+00 : f32
    %jit3A_3998 = arith.constant 0.000000e+00 : f32
    %broadcast_in_dim3A_3999 = vector.broadcast %jit3A_3997 : f32 to vector<16xf32>
    %broadcast_in_dim3A_4000 = vector.broadcast %jit3A_3998 : f32 to vector<16xf32>
    %select_n3A_4001 = arith.select %gt3A_3996, %broadcast_in_dim3A_3999, %broadcast_in_dim3A_4000 : vector<16xi1>, vector<16xf32>
    %get3A_4002 = arith.constant 0 : i32
    %get3A_4003 = arith.index_cast %get3A_4002 : i32 to index
    %get3A_4004 = arith.constant 48 : index
    %get3A_4005 = tpu.vector_load %arg9[%get3A_4003, %get3A_4004] {strides = array<i32>} : memref<7x64xf32, #tpu.memory_space<vmem>>, vector<1x16xf32>,
    %get3A_4006 = vector.shape_cast %get3A_4005 : vector<1x16xf32> to vector<16xf32>
    %mul3A_4007 = arith.mulf %get3A_4006, %select_n3A_3993 : vector<16xf32>
    %swap3A_4008 = arith.constant 0 : i32
    %swap3A_4009 = arith.index_cast %swap3A_4008 : i32 to index
    %swap3A_4010 = arith.constant 48 : index
    %swap3A_4011 = tpu.vector_load %arg9[%swap3A_4009, %swap3A_4010] {strides = array<i32>} : memref<7x64xf32, #tpu.memory_space<vmem>>, vector<1x16xf32>,
    %swap3A_4012 = vector.shape_cast %swap3A_4011 : vector<1x16xf32> to vector<16xf32>
    %swap3A_4013 = vector.shape_cast %mul3A_4007 : vector<16xf32> to vector<1x16xf32>
    tpu.vector_store %arg9[%swap3A_4009, %swap3A_4010], %swap3A_4013 {strides = array<i32>} : memref<7x64xf32, #tpu.memory_space<vmem>>, vector<1x16xf32>,
    %get3A_4014 = arith.constant 1 : i32
    %get3A_4015 = arith.index_cast %get3A_4014 : i32 to index
    %get3A_4016 = arith.constant 48 : index
    %get3A_4017 = tpu.vector_load %arg9[%get3A_4015, %get3A_4016] {strides = array<i32>} : memref<7x64xf32, #tpu.memory_space<vmem>>, vector<1x16xf32>,
    %get3A_4018 = vector.shape_cast %get3A_4017 : vector<1x16xf32> to vector<16xf32>
    %mul3A_4019 = arith.mulf %get3A_4018, %select_n3A_3993 : vector<16xf32>
    %swap3A_4020 = arith.constant 1 : i32
    %swap3A_4021 = arith.index_cast %swap3A_4020 : i32 to index
    %swap3A_4022 = arith.constant 48 : index
    %swap3A_4023 = tpu.vector_load %arg9[%swap3A_4021, %swap3A_4022] {strides = array<i32>} : memref<7x64xf32, #tpu.memory_space<vmem>>, vector<1x16xf32>,
    %swap3A_4024 = vector.shape_cast %swap3A_4023 : vector<1x16xf32> to vector<16xf32>
    %swap3A_4025 = vector.shape_cast %mul3A_4019 : vector<16xf32> to vector<1x16xf32>
    tpu.vector_store %arg9[%swap3A_4021, %swap3A_4022], %swap3A_4025 {strides = array<i32>} : memref<7x64xf32, #tpu.memory_space<vmem>>, vector<1x16xf32>,
    %get3A_4026 = arith.constant 2 : i32
    %get3A_4027 = arith.index_cast %get3A_4026 : i32 to index
    %get3A_4028 = arith.constant 48 : index
    %get3A_4029 = tpu.vector_load %arg9[%get3A_4027, %get3A_4028] {strides = array<i32>} : memref<7x64xf32, #tpu.memory_space<vmem>>, vector<1x16xf32>,
    %get3A_4030 = vector.shape_cast %get3A_4029 : vector<1x16xf32> to vector<16xf32>
    %jit3A_4031 = arith.constant 1.000000e+00 : f32
    %broadcast_in_dim3A_4032 = vector.broadcast %jit3A_4031 : f32 to vector<16xf32>
    %select_n3A_4033 = arith.select %gt3A_3988, %get3A_4030, %broadcast_in_dim3A_4032 : vector<16xi1>, vector<16xf32>
    %swap3A_4034 = arith.constant 2 : i32
    %swap3A_4035 = arith.index_cast %swap3A_4034 : i32 to index
    %swap3A_4036 = arith.constant 48 : index
    %swap3A_4037 = tpu.vector_load %arg9[%swap3A_4035, %swap3A_4036] {strides = array<i32>} : memref<7x64xf32, #tpu.memory_space<vmem>>, vector<1x16xf32>,
    %swap3A_4038 = vector.shape_cast %swap3A_4037 : vector<1x16xf32> to vector<16xf32>
    %swap3A_4039 = vector.shape_cast %select_n3A_4033 : vector<16xf32> to vector<1x16xf32>
    tpu.vector_store %arg9[%swap3A_4035, %swap3A_4036], %swap3A_4039 {strides = array<i32>} : memref<7x64xf32, #tpu.memory_space<vmem>>, vector<1x16xf32>,
    %get3A_4040 = arith.constant 3 : i32
    %get3A_4041 = arith.index_cast %get3A_4040 : i32 to index
    %get3A_4042 = arith.constant 48 : index
    %get3A_4043 = tpu.vector_load %arg9[%get3A_4041, %get3A_4042] {strides = array<i32>} : memref<7x64xf32, #tpu.memory_space<vmem>>, vector<1x16xf32>,
    %get3A_4044 = vector.shape_cast %get3A_4043 : vector<1x16xf32> to vector<16xf32>
    %jit3A_4045 = arith.constant 1.000000e+00 : f32
    %broadcast_in_dim3A_4046 = vector.broadcast %jit3A_4045 : f32 to vector<16xf32>
    %select_n3A_4047 = arith.select %gt3A_3988, %get3A_4044, %broadcast_in_dim3A_4046 : vector<16xi1>, vector<16xf32>
    %swap3A_4048 = arith.constant 3 : i32
    %swap3A_4049 = arith.index_cast %swap3A_4048 : i32 to index
    %swap3A_4050 = arith.constant 48 : index
    %swap3A_4051 = tpu.vector_load %arg9[%swap3A_4049, %swap3A_4050] {strides = array<i32>} : memref<7x64xf32, #tpu.memory_space<vmem>>, vector<1x16xf32>,
    %swap3A_4052 = vector.shape_cast %swap3A_4051 : vector<1x16xf32> to vector<16xf32>
    %swap3A_4053 = vector.shape_cast %select_n3A_4047 : vector<16xf32> to vector<1x16xf32>
    tpu.vector_store %arg9[%swap3A_4049, %swap3A_4050], %swap3A_4053 {strides = array<i32>} : memref<7x64xf32, #tpu.memory_space<vmem>>, vector<1x16xf32>,
    %swap3A_4054 = arith.constant 4 : i32
    %swap3A_4055 = arith.index_cast %swap3A_4054 : i32 to index
    %swap3A_4056 = arith.constant 48 : index
    %swap3A_4057 = tpu.vector_load %arg9[%swap3A_4055, %swap3A_4056] {strides = array<i32>} : memref<7x64xf32, #tpu.memory_space<vmem>>, vector<1x16xf32>,
    %swap3A_4058 = vector.shape_cast %swap3A_4057 : vector<1x16xf32> to vector<16xf32>
    %swap3A_4059 = vector.shape_cast %select_n3A_3993 : vector<16xf32> to vector<1x16xf32>
    tpu.vector_store %arg9[%swap3A_4055, %swap3A_4056], %swap3A_4059 {strides = array<i32>} : memref<7x64xf32, #tpu.memory_space<vmem>>, vector<1x16xf32>,
    %swap3A_4060 = arith.constant 5 : i32
    %swap3A_4061 = arith.index_cast %swap3A_4060 : i32 to index
    %swap3A_4062 = arith.constant 48 : index
    %swap3A_4063 = tpu.vector_load %arg9[%swap3A_4061, %swap3A_4062] {strides = array<i32>} : memref<7x64xf32, #tpu.memory_space<vmem>>, vector<1x16xf32>,
    %swap3A_4064 = vector.shape_cast %swap3A_4063 : vector<1x16xf32> to vector<16xf32>
    %swap3A_4065 = vector.shape_cast %select_n3A_4001 : vector<16xf32> to vector<1x16xf32>
    tpu.vector_store %arg9[%swap3A_4061, %swap3A_4062], %swap3A_4065 {strides = array<i32>} : memref<7x64xf32, #tpu.memory_space<vmem>>, vector<1x16xf32>,
    %get3A_4066 = arith.constant 6 : i32
    %get3A_4067 = arith.index_cast %get3A_4066 : i32 to index
    %get3A_4068 = arith.constant 48 : index
    %get3A_4069 = tpu.vector_load %arg9[%get3A_4067, %get3A_4068] {strides = array<i32>} : memref<7x64xf32, #tpu.memory_space<vmem>>, vector<1x16xf32>,
    %get3A_4070 = vector.shape_cast %get3A_4069 : vector<1x16xf32> to vector<16xf32>
    %mul3A_4071 = arith.mulf %get3A_4070, %select_n3A_3993 : vector<16xf32>
    %swap3A_4072 = arith.constant 6 : i32
    %swap3A_4073 = arith.index_cast %swap3A_4072 : i32 to index
    %swap3A_4074 = arith.constant 48 : index
    %swap3A_4075 = tpu.vector_load %arg9[%swap3A_4073, %swap3A_4074] {strides = array<i32>} : memref<7x64xf32, #tpu.memory_space<vmem>>, vector<1x16xf32>,
    %swap3A_4076 = vector.shape_cast %swap3A_4075 : vector<1x16xf32> to vector<16xf32>
    %swap3A_4077 = vector.shape_cast %mul3A_4071 : vector<16xf32> to vector<1x16xf32>
    tpu.vector_store %arg9[%swap3A_4073, %swap3A_4074], %swap3A_4077 {strides = array<i32>} : memref<7x64xf32, #tpu.memory_space<vmem>>, vector<1x16xf32>,
    %dma_wait3A_4078 = arith.constant 0 : i32
    %dma_wait3A_4079 = arith.constant 0 : i32
    %dma_wait3A_4080 = arith.constant 0 : i32
    %dma_wait3A_4081 = tpu.memref_slice %arg8[%dma_wait3A_4079, %dma_wait3A_4080] : memref<6x64xf32, #tpu.memory_space<vmem>> -> memref<1x64xf32, #tpu.memory_space<vmem>>
    %dma_wait3A_4082 = tpu.memref_squeeze %dma_wait3A_4081 : memref<1x64xf32, #tpu.memory_space<vmem>> -> memref<64xf32, #tpu.memory_space<vmem>>
    %dma_wait3A_4083 = arith.constant 0 : i32
    %dma_wait3A_4084 = tpu.memref_slice %arg7[%dma_wait3A_4078, %dma_wait3A_4083] : memref<6x64xi32, #tpu.memory_space<vmem>> -> memref<1x64xi32, #tpu.memory_space<vmem>>
    %dma_wait3A_4085 = tpu.memref_squeeze %dma_wait3A_4084 : memref<1x64xi32, #tpu.memory_space<vmem>> -> memref<64xi32, #tpu.memory_space<vmem>>
    %dma_wait3A_4086 = arith.constant 0 : i32
    %dma_wait3A_4087 = tpu.memref_slice %arg3[%dma_wait3A_4086] : memref<2758080xf32, #tpu.memory_space<hbm>> -> memref<2758080xf32, #tpu.memory_space<hbm>>
    tpu.wait_indirect_dma semaphore(%arg10 : memref<!tpu.dma_semaphore, #tpu.memory_space<semaphore_mem>>) src(%dma_wait3A_4087 : memref<2758080xf32, #tpu.memory_space<hbm>>) dst(%dma_wait3A_4082 : memref<64xf32, #tpu.memory_space<vmem>>)
    %dma_wait3A_4088 = arith.constant 1 : i32
    %dma_wait3A_4089 = arith.constant 1 : i32
    %dma_wait3A_4090 = arith.constant 0 : i32
    %dma_wait3A_4091 = tpu.memref_slice %arg8[%dma_wait3A_4089, %dma_wait3A_4090] : memref<6x64xf32, #tpu.memory_space<vmem>> -> memref<1x64xf32, #tpu.memory_space<vmem>>
    %dma_wait3A_4092 = tpu.memref_squeeze %dma_wait3A_4091 : memref<1x64xf32, #tpu.memory_space<vmem>> -> memref<64xf32, #tpu.memory_space<vmem>>
    %dma_wait3A_4093 = arith.constant 0 : i32
    %dma_wait3A_4094 = tpu.memref_slice %arg7[%dma_wait3A_4088, %dma_wait3A_4093] : memref<6x64xi32, #tpu.memory_space<vmem>> -> memref<1x64xi32, #tpu.memory_space<vmem>>
    %dma_wait3A_4095 = tpu.memref_squeeze %dma_wait3A_4094 : memref<1x64xi32, #tpu.memory_space<vmem>> -> memref<64xi32, #tpu.memory_space<vmem>>
    %dma_wait3A_4096 = arith.constant 0 : i32
    %dma_wait3A_4097 = tpu.memref_slice %arg3[%dma_wait3A_4096] : memref<2758080xf32, #tpu.memory_space<hbm>> -> memref<2758080xf32, #tpu.memory_space<hbm>>
    tpu.wait_indirect_dma semaphore(%arg10 : memref<!tpu.dma_semaphore, #tpu.memory_space<semaphore_mem>>) src(%dma_wait3A_4097 : memref<2758080xf32, #tpu.memory_space<hbm>>) dst(%dma_wait3A_4092 : memref<64xf32, #tpu.memory_space<vmem>>)
    %dma_wait3A_4098 = arith.constant 2 : i32
    %dma_wait3A_4099 = arith.constant 2 : i32
    %dma_wait3A_4100 = arith.constant 0 : i32
    %dma_wait3A_4101 = tpu.memref_slice %arg8[%dma_wait3A_4099, %dma_wait3A_4100] : memref<6x64xf32, #tpu.memory_space<vmem>> -> memref<1x64xf32, #tpu.memory_space<vmem>>
    %dma_wait3A_4102 = tpu.memref_squeeze %dma_wait3A_4101 : memref<1x64xf32, #tpu.memory_space<vmem>> -> memref<64xf32, #tpu.memory_space<vmem>>
    %dma_wait3A_4103 = arith.constant 0 : i32
    %dma_wait3A_4104 = tpu.memref_slice %arg7[%dma_wait3A_4098, %dma_wait3A_4103] : memref<6x64xi32, #tpu.memory_space<vmem>> -> memref<1x64xi32, #tpu.memory_space<vmem>>
    %dma_wait3A_4105 = tpu.memref_squeeze %dma_wait3A_4104 : memref<1x64xi32, #tpu.memory_space<vmem>> -> memref<64xi32, #tpu.memory_space<vmem>>
    %dma_wait3A_4106 = arith.constant 0 : i32
    %dma_wait3A_4107 = tpu.memref_slice %arg3[%dma_wait3A_4106] : memref<2758080xf32, #tpu.memory_space<hbm>> -> memref<2758080xf32, #tpu.memory_space<hbm>>
    tpu.wait_indirect_dma semaphore(%arg10 : memref<!tpu.dma_semaphore, #tpu.memory_space<semaphore_mem>>) src(%dma_wait3A_4107 : memref<2758080xf32, #tpu.memory_space<hbm>>) dst(%dma_wait3A_4102 : memref<64xf32, #tpu.memory_space<vmem>>)
    %dma_wait3A_4108 = arith.constant 3 : i32
    %dma_wait3A_4109 = arith.constant 3 : i32
    %dma_wait3A_4110 = arith.constant 0 : i32
    %dma_wait3A_4111 = tpu.memref_slice %arg8[%dma_wait3A_4109, %dma_wait3A_4110] : memref<6x64xf32, #tpu.memory_space<vmem>> -> memref<1x64xf32, #tpu.memory_space<vmem>>
    %dma_wait3A_4112 = tpu.memref_squeeze %dma_wait3A_4111 : memref<1x64xf32, #tpu.memory_space<vmem>> -> memref<64xf32, #tpu.memory_space<vmem>>
    %dma_wait3A_4113 = arith.constant 0 : i32
    %dma_wait3A_4114 = tpu.memref_slice %arg7[%dma_wait3A_4108, %dma_wait3A_4113] : memref<6x64xi32, #tpu.memory_space<vmem>> -> memref<1x64xi32, #tpu.memory_space<vmem>>
    %dma_wait3A_4115 = tpu.memref_squeeze %dma_wait3A_4114 : memref<1x64xi32, #tpu.memory_space<vmem>> -> memref<64xi32, #tpu.memory_space<vmem>>
    %dma_wait3A_4116 = arith.constant 0 : i32
    %dma_wait3A_4117 = tpu.memref_slice %arg3[%dma_wait3A_4116] : memref<2758080xf32, #tpu.memory_space<hbm>> -> memref<2758080xf32, #tpu.memory_space<hbm>>
    tpu.wait_indirect_dma semaphore(%arg10 : memref<!tpu.dma_semaphore, #tpu.memory_space<semaphore_mem>>) src(%dma_wait3A_4117 : memref<2758080xf32, #tpu.memory_space<hbm>>) dst(%dma_wait3A_4112 : memref<64xf32, #tpu.memory_space<vmem>>)
    %dma_wait3A_4118 = arith.constant 4 : i32
    %dma_wait3A_4119 = arith.constant 4 : i32
    %dma_wait3A_4120 = arith.constant 0 : i32
    %dma_wait3A_4121 = tpu.memref_slice %arg8[%dma_wait3A_4119, %dma_wait3A_4120] : memref<6x64xf32, #tpu.memory_space<vmem>> -> memref<1x64xf32, #tpu.memory_space<vmem>>
    %dma_wait3A_4122 = tpu.memref_squeeze %dma_wait3A_4121 : memref<1x64xf32, #tpu.memory_space<vmem>> -> memref<64xf32, #tpu.memory_space<vmem>>
    %dma_wait3A_4123 = arith.constant 0 : i32
    %dma_wait3A_4124 = tpu.memref_slice %arg7[%dma_wait3A_4118, %dma_wait3A_4123] : memref<6x64xi32, #tpu.memory_space<vmem>> -> memref<1x64xi32, #tpu.memory_space<vmem>>
    %dma_wait3A_4125 = tpu.memref_squeeze %dma_wait3A_4124 : memref<1x64xi32, #tpu.memory_space<vmem>> -> memref<64xi32, #tpu.memory_space<vmem>>
    %dma_wait3A_4126 = arith.constant 0 : i32
    %dma_wait3A_4127 = tpu.memref_slice %arg3[%dma_wait3A_4126] : memref<2758080xf32, #tpu.memory_space<hbm>> -> memref<2758080xf32, #tpu.memory_space<hbm>>
    tpu.wait_indirect_dma semaphore(%arg10 : memref<!tpu.dma_semaphore, #tpu.memory_space<semaphore_mem>>) src(%dma_wait3A_4127 : memref<2758080xf32, #tpu.memory_space<hbm>>) dst(%dma_wait3A_4122 : memref<64xf32, #tpu.memory_space<vmem>>)
    %dma_wait3A_4128 = arith.constant 5 : i32
    %dma_wait3A_4129 = arith.constant 5 : i32
    %dma_wait3A_4130 = arith.constant 0 : i32
    %dma_wait3A_4131 = tpu.memref_slice %arg8[%dma_wait3A_4129, %dma_wait3A_4130] : memref<6x64xf32, #tpu.memory_space<vmem>> -> memref<1x64xf32, #tpu.memory_space<vmem>>
    %dma_wait3A_4132 = tpu.memref_squeeze %dma_wait3A_4131 : memref<1x64xf32, #tpu.memory_space<vmem>> -> memref<64xf32, #tpu.memory_space<vmem>>
    %dma_wait3A_4133 = arith.constant 0 : i32
    %dma_wait3A_4134 = tpu.memref_slice %arg7[%dma_wait3A_4128, %dma_wait3A_4133] : memref<6x64xi32, #tpu.memory_space<vmem>> -> memref<1x64xi32, #tpu.memory_space<vmem>>
    %dma_wait3A_4135 = tpu.memref_squeeze %dma_wait3A_4134 : memref<1x64xi32, #tpu.memory_space<vmem>> -> memref<64xi32, #tpu.memory_space<vmem>>
    %dma_wait3A_4136 = arith.constant 0 : i32
    %dma_wait3A_4137 = tpu.memref_slice %arg3[%dma_wait3A_4136] : memref<2758080xf32, #tpu.memory_space<hbm>> -> memref<2758080xf32, #tpu.memory_space<hbm>>
    tpu.wait_indirect_dma semaphore(%arg10 : memref<!tpu.dma_semaphore, #tpu.memory_space<semaphore_mem>>) src(%dma_wait3A_4137 : memref<2758080xf32, #tpu.memory_space<hbm>>) dst(%dma_wait3A_4132 : memref<64xf32, #tpu.memory_space<vmem>>)
    "tpu.region"() ({
      %run_scoped3A = tpu.sem_alloc : memref<!tpu.dma_semaphore, #tpu.memory_space<semaphore_mem>>
      %dma_start3A_4138 = arith.constant 0 : i32
      %dma_start3A_4139 = arith.constant 0 : i32
      %dma_start3A_4140 = tpu.memref_slice %arg4[%add3A_2063, %dma_start3A_4138, %dma_start3A_4139] : memref<64x7x64xf32, #tpu.memory_space<hbm>> -> memref<1x7x64xf32, #tpu.memory_space<hbm>>
      %dma_start3A_4141 = tpu.memref_squeeze %dma_start3A_4140 : memref<1x7x64xf32, #tpu.memory_space<hbm>> -> memref<7x64xf32, #tpu.memory_space<hbm>>
      %dma_start3A_4142 = arith.constant 0 : i32
      %dma_start3A_4143 = arith.constant 0 : i32
      %dma_start3A_4144 = tpu.memref_slice %arg4[%add3A_2063, %dma_start3A_4142, %dma_start3A_4143] : memref<64x7x64xf32, #tpu.memory_space<hbm>> -> memref<1x7x64xf32, #tpu.memory_space<hbm>>
      %dma_start3A_4145 = tpu.memref_squeeze %dma_start3A_4144 : memref<1x7x64xf32, #tpu.memory_space<hbm>> -> memref<7x64xf32, #tpu.memory_space<hbm>>
      tpu.enqueue_dma source(%arg9 : memref<7x64xf32, #tpu.memory_space<vmem>>) target(%dma_start3A_4145 : memref<7x64xf32, #tpu.memory_space<hbm>>) target_semaphore(%run_scoped3A : memref<!tpu.dma_semaphore, #tpu.memory_space<semaphore_mem>>)
      %dma_wait3A_4146 = arith.constant 0 : i32
      %dma_wait3A_4147 = arith.constant 0 : i32
      %dma_wait3A_4148 = tpu.memref_slice %arg4[%add3A_2063, %dma_wait3A_4146, %dma_wait3A_4147] : memref<64x7x64xf32, #tpu.memory_space<hbm>> -> memref<1x7x64xf32, #tpu.memory_space<hbm>>
      %dma_wait3A_4149 = tpu.memref_squeeze %dma_wait3A_4148 : memref<1x7x64xf32, #tpu.memory_space<hbm>> -> memref<7x64xf32, #tpu.memory_space<hbm>>
      %dma_wait3A_4150 = arith.constant 0 : i32
      %dma_wait3A_4151 = arith.constant 0 : i32
      %dma_wait3A_4152 = tpu.memref_slice %arg4[%add3A_2063, %dma_wait3A_4150, %dma_wait3A_4151] : memref<64x7x64xf32, #tpu.memory_space<hbm>> -> memref<1x7x64xf32, #tpu.memory_space<hbm>>
      %dma_wait3A_4153 = tpu.memref_squeeze %dma_wait3A_4152 : memref<1x7x64xf32, #tpu.memory_space<hbm>> -> memref<7x64xf32, #tpu.memory_space<hbm>>
      tpu.wait_dma2 semaphore(%run_scoped3A : memref<!tpu.dma_semaphore, #tpu.memory_space<semaphore_mem>>) src(%arg9 : memref<7x64xf32, #tpu.memory_space<vmem>>) dst(%dma_wait3A_4153 : memref<7x64xf32, #tpu.memory_space<hbm>>)
      tpu.yield
    }) : () -> ()
    "tpu.region"() ({
      %run_scoped3A = tpu.sem_alloc : memref<!tpu.dma_semaphore, #tpu.memory_space<semaphore_mem>>
      %dma_start3A_4138 = arith.constant 0 : i32
      %dma_start3A_4139 = arith.constant 0 : i32
      %dma_start3A_4140 = tpu.memref_slice %arg5[%add3A_2063, %dma_start3A_4138, %dma_start3A_4139] : memref<64x6x64xf32, #tpu.memory_space<hbm>> -> memref<1x6x64xf32, #tpu.memory_space<hbm>>
      %dma_start3A_4141 = tpu.memref_squeeze %dma_start3A_4140 : memref<1x6x64xf32, #tpu.memory_space<hbm>> -> memref<6x64xf32, #tpu.memory_space<hbm>>
      %dma_start3A_4142 = arith.constant 0 : i32
      %dma_start3A_4143 = arith.constant 0 : i32
      %dma_start3A_4144 = tpu.memref_slice %arg5[%add3A_2063, %dma_start3A_4142, %dma_start3A_4143] : memref<64x6x64xf32, #tpu.memory_space<hbm>> -> memref<1x6x64xf32, #tpu.memory_space<hbm>>
      %dma_start3A_4145 = tpu.memref_squeeze %dma_start3A_4144 : memref<1x6x64xf32, #tpu.memory_space<hbm>> -> memref<6x64xf32, #tpu.memory_space<hbm>>
      tpu.enqueue_dma source(%arg8 : memref<6x64xf32, #tpu.memory_space<vmem>>) target(%dma_start3A_4145 : memref<6x64xf32, #tpu.memory_space<hbm>>) target_semaphore(%run_scoped3A : memref<!tpu.dma_semaphore, #tpu.memory_space<semaphore_mem>>)
      %dma_wait3A_4146 = arith.constant 0 : i32
      %dma_wait3A_4147 = arith.constant 0 : i32
      %dma_wait3A_4148 = tpu.memref_slice %arg5[%add3A_2063, %dma_wait3A_4146, %dma_wait3A_4147] : memref<64x6x64xf32, #tpu.memory_space<hbm>> -> memref<1x6x64xf32, #tpu.memory_space<hbm>>
      %dma_wait3A_4149 = tpu.memref_squeeze %dma_wait3A_4148 : memref<1x6x64xf32, #tpu.memory_space<hbm>> -> memref<6x64xf32, #tpu.memory_space<hbm>>
      %dma_wait3A_4150 = arith.constant 0 : i32
      %dma_wait3A_4151 = arith.constant 0 : i32
      %dma_wait3A_4152 = tpu.memref_slice %arg5[%add3A_2063, %dma_wait3A_4150, %dma_wait3A_4151] : memref<64x6x64xf32, #tpu.memory_space<hbm>> -> memref<1x6x64xf32, #tpu.memory_space<hbm>>
      %dma_wait3A_4153 = tpu.memref_squeeze %dma_wait3A_4152 : memref<1x6x64xf32, #tpu.memory_space<hbm>> -> memref<6x64xf32, #tpu.memory_space<hbm>>
      tpu.wait_dma2 semaphore(%run_scoped3A : memref<!tpu.dma_semaphore, #tpu.memory_space<semaphore_mem>>) src(%arg8 : memref<6x64xf32, #tpu.memory_space<vmem>>) dst(%dma_wait3A_4153 : memref<6x64xf32, #tpu.memory_space<hbm>>)
      tpu.yield
    }) : () -> ()
    return
  }
}

module attributes {stable_mosaic.version = 14 : i64} {
  func.func @_tc_body(%arg0: i32, %arg1: memref<1x255x169xf32, #tpu.memory_space<vmem>>, %arg2: memref<64x7x64xf32, #tpu.memory_space<vmem>>, %arg3: memref<64x6x64xf32, #tpu.memory_space<vmem>>, %arg4: memref<1x1xf32, #tpu.memory_space<smem>>, %arg5: memref<3xf32, #tpu.memory_space<smem>>) attributes {dimension_semantics = [#tpu.dimension_semantics<arbitrary>], iteration_bounds = array<i64: 64>, scalar_prefetch = 0 : i64, scratch_operands = 1 : i64, tpu.core_type = #tpu.core_type<tc>, window_params = [{transform_indices = @transform_0, window_bounds = array<i64: 1, 255, 169>}, {pipeline_mode = #tpu.pipeline_mode<synchronous>, transform_indices = @transform_1, window_bounds = array<i64: 64, 7, 64>}, {pipeline_mode = #tpu.pipeline_mode<synchronous>, transform_indices = @transform_2, window_bounds = array<i64: 64, 6, 64>}, {transform_indices = @transform_3, window_bounds = array<i64: 1, 1>}]} {
    %eq3A = arith.constant 0 : i32
    %eq3A_0 = arith.cmpi eq, %arg0, %eq3A : i32
    %convert_element_type3A = arith.extui %eq3A_0 : i1 to i32
    %cond3A = arith.constant 0 : i32
    %cond3A_1 = arith.cmpi ne, %convert_element_type3A, %cond3A : i32
    scf.if %cond3A_1 {
      %swap3A_99 = arith.constant 0.000000e+00 : f32
      %swap3A_100 = arith.constant 0 : index
      %swap3A_101 = memref.load %arg5[%swap3A_100] : memref<3xf32, #tpu.memory_space<smem>>
      memref.store %swap3A_99, %arg5[%swap3A_100] : memref<3xf32, #tpu.memory_space<smem>>
      %swap3A_102 = arith.constant 0.000000e+00 : f32
      %swap3A_103 = arith.constant 1 : index
      %swap3A_104 = memref.load %arg5[%swap3A_103] : memref<3xf32, #tpu.memory_space<smem>>
      memref.store %swap3A_102, %arg5[%swap3A_103] : memref<3xf32, #tpu.memory_space<smem>>
      %swap3A_105 = arith.constant 0.000000e+00 : f32
      %swap3A_106 = arith.constant 2 : index
      %swap3A_107 = memref.load %arg5[%swap3A_106] : memref<3xf32, #tpu.memory_space<smem>>
      memref.store %swap3A_105, %arg5[%swap3A_106] : memref<3xf32, #tpu.memory_space<smem>>
    } else {
    }
    %get3A = arith.constant 0 : index
    %get3A_2 = arith.constant 0 : index
    %get3A_3 = arith.constant 0 : index
    %get3A_4 = vector.load %arg1[%get3A, %get3A_2, %get3A_3] : memref<1x255x169xf32, #tpu.memory_space<vmem>>, vector<1x255x169xf32>
    %get3A_5 = vector.shape_cast %get3A_4 : vector<1x255x169xf32> to vector<255x169xf32>
    %iota3A = tpu.iota {dimensions = array<i32: 0>} : vector<255x1xi32>
    %jit3A = arith.constant 85 : i32
    %eq3A_6 = arith.constant 0 : i32
    %eq3A_7 = arith.cmpi eq, %jit3A, %eq3A_6 : i32
    %jit3A_8 = arith.constant 1 : i32
    %select_n3A = arith.select %eq3A_7, %jit3A_8, %jit3A : i32
    %rem3A = vector.broadcast %select_n3A : i32 to vector<255x1xi32>
    %rem3A_9 = arith.remsi %iota3A, %rem3A : vector<255x1xi32>
    %ne3A = arith.constant 0 : i32
    %ne3A_10 = vector.broadcast %ne3A : i32 to vector<255x1xi32>
    %ne3A_11 = arith.cmpi ne, %rem3A_9, %ne3A_10 : vector<255x1xi32>
    %lt3A = arith.constant 0 : i32
    %lt3A_12 = vector.broadcast %lt3A : i32 to vector<255x1xi32>
    %lt3A_13 = arith.cmpi slt, %rem3A_9, %lt3A_12 : vector<255x1xi32>
    %lt3A_14 = arith.constant 0 : i32
    %lt3A_15 = arith.cmpi slt, %select_n3A, %lt3A_14 : i32
    %ne3A_16 = vector.broadcast %lt3A_15 : i1 to vector<255x1xi1>
    %ne3A_17 = vector.broadcast %ne3A_16 : vector<255x1xi1> to vector<255x1xi1>
    %ne3A_18 = arith.xori %lt3A_13, %ne3A_17 : vector<255x1xi1>
    %and3A = arith.andi %ne3A_18, %ne3A_11 : vector<255x1xi1>
    %add3A = vector.broadcast %select_n3A : i32 to vector<255x1xi32>
    %add3A_19 = arith.addi %rem3A_9, %add3A : vector<255x1xi32>
    %select_n3A_20 = arith.select %and3A, %add3A_19, %rem3A_9 : vector<255x1xi1>, vector<255x1xi32>
    %logistic3A = arith.negf %get3A_5 : vector<255x169xf32>
    %logistic3A_21 = math.exp %logistic3A : vector<255x169xf32>
    %logistic3A_22 = arith.constant 1.000000e+00 : f32
    %logistic3A_23 = vector.broadcast %logistic3A_22 : f32 to vector<255x169xf32>
    %logistic3A_24 = arith.addf %logistic3A_23, %logistic3A_21 : vector<255x169xf32>
    %logistic3A_25 = arith.divf %logistic3A_23, %logistic3A_24 : vector<255x169xf32>
    %sub3A = arith.constant 1.000000e+00 : f32
    %sub3A_26 = vector.broadcast %sub3A : f32 to vector<255x169xf32>
    %sub3A_27 = arith.subf %sub3A_26, %logistic3A_25 : vector<255x169xf32>
    %add3A_28 = arith.constant 9.99999996E-13 : f32
    %add3A_29 = vector.broadcast %add3A_28 : f32 to vector<255x169xf32>
    %add3A_30 = arith.addf %sub3A_27, %add3A_29 : vector<255x169xf32>
    %log3A = math.log %add3A_30 : vector<255x169xf32>
    %max3A = arith.constant -1.000000e+02 : f32
    %max3A_31 = vector.broadcast %max3A : f32 to vector<255x169xf32>
    %max3A_32 = arith.maximumf %log3A, %max3A_31 : vector<255x169xf32>
    %neg3A = arith.constant 0.000000e+00 : f32
    %neg3A_33 = vector.broadcast %neg3A : f32 to vector<255x169xf32>
    %neg3A_34 = arith.subf %neg3A_33, %max3A_32 : vector<255x169xf32>
    %mul3A = arith.mulf %get3A_5, %get3A_5 : vector<255x169xf32>
    %eq3A_35 = arith.constant 2 : i32
    %eq3A_36 = vector.broadcast %eq3A_35 : i32 to vector<255x1xi32>
    %eq3A_37 = arith.cmpi eq, %select_n3A_20, %eq3A_36 : vector<255x1xi32>
    %eq3A_38 = arith.constant 3 : i32
    %eq3A_39 = vector.broadcast %eq3A_38 : i32 to vector<255x1xi32>
    %eq3A_40 = arith.cmpi eq, %select_n3A_20, %eq3A_39 : vector<255x1xi32>
    %or3A = arith.ori %eq3A_37, %eq3A_40 : vector<255x1xi1>
    %broadcast_in_dim3A = vector.shape_cast %or3A : vector<255x1xi1> to vector<255x1xi1>
    %broadcast_in_dim3A_41 = vector.broadcast %broadcast_in_dim3A : vector<255x1xi1> to vector<255x169xi1>
    %select_n3A_42 = arith.select %broadcast_in_dim3A_41, %mul3A, %neg3A_34 : vector<255x169xi1>, vector<255x169xf32>
    %get3A_43 = arith.constant 0 : index
    %get3A_44 = memref.load %arg5[%get3A_43] : memref<3xf32, #tpu.memory_space<smem>>
    %lt3A_45 = arith.constant 4 : i32
    %lt3A_46 = vector.broadcast %lt3A_45 : i32 to vector<255x1xi32>
    %lt3A_47 = arith.cmpi slt, %select_n3A_20, %lt3A_46 : vector<255x1xi32>
    %jit3A_48 = arith.constant 0.000000e+00 : f32
    %broadcast_in_dim3A_49 = vector.shape_cast %lt3A_47 : vector<255x1xi1> to vector<255x1xi1>
    %broadcast_in_dim3A_50 = vector.broadcast %broadcast_in_dim3A_49 : vector<255x1xi1> to vector<255x169xi1>
    %broadcast_in_dim3A_51 = vector.broadcast %jit3A_48 : f32 to vector<255x169xf32>
    %select_n3A_52 = arith.select %broadcast_in_dim3A_50, %select_n3A_42, %broadcast_in_dim3A_51 : vector<255x169xi1>, vector<255x169xf32>
    %reduce_sum3A = vector.shape_cast %select_n3A_52 : vector<255x169xf32> to vector<1x255x169xf32>
    %reduce_sum3A_53 = arith.constant dense<0.000000e+00> : vector<1xf32>
    %reduce_sum3A_54 = vector.multi_reduction <add>, %reduce_sum3A, %reduce_sum3A_53 [1, 2] : vector<1x255x169xf32> to vector<1xf32>
    %reduce_sum3A_55 = vector.shape_cast %reduce_sum3A_54 : vector<1xf32> to vector<1x1x1xf32>
    %reduce_sum3A_56 = vector.extract %reduce_sum3A_55[0, 0, 0] : f32 from vector<1x1x1xf32>
    %add3A_57 = arith.addf %get3A_44, %reduce_sum3A_56 : f32
    %swap3A = arith.constant 0 : index
    %swap3A_58 = memref.load %arg5[%swap3A] : memref<3xf32, #tpu.memory_space<smem>>
    memref.store %add3A_57, %arg5[%swap3A] : memref<3xf32, #tpu.memory_space<smem>>
    %get3A_59 = arith.constant 1 : index
    %get3A_60 = memref.load %arg5[%get3A_59] : memref<3xf32, #tpu.memory_space<smem>>
    %eq3A_61 = arith.constant 4 : i32
    %eq3A_62 = vector.broadcast %eq3A_61 : i32 to vector<255x1xi32>
    %eq3A_63 = arith.cmpi eq, %select_n3A_20, %eq3A_62 : vector<255x1xi32>
    %jit3A_64 = arith.constant 0.000000e+00 : f32
    %broadcast_in_dim3A_65 = vector.shape_cast %eq3A_63 : vector<255x1xi1> to vector<255x1xi1>
    %broadcast_in_dim3A_66 = vector.broadcast %broadcast_in_dim3A_65 : vector<255x1xi1> to vector<255x169xi1>
    %broadcast_in_dim3A_67 = vector.broadcast %jit3A_64 : f32 to vector<255x169xf32>
    %select_n3A_68 = arith.select %broadcast_in_dim3A_66, %neg3A_34, %broadcast_in_dim3A_67 : vector<255x169xi1>, vector<255x169xf32>
    %reduce_sum3A_69 = vector.shape_cast %select_n3A_68 : vector<255x169xf32> to vector<1x255x169xf32>
    %reduce_sum3A_70 = arith.constant dense<0.000000e+00> : vector<1xf32>
    %reduce_sum3A_71 = vector.multi_reduction <add>, %reduce_sum3A_69, %reduce_sum3A_70 [1, 2] : vector<1x255x169xf32> to vector<1xf32>
    %reduce_sum3A_72 = vector.shape_cast %reduce_sum3A_71 : vector<1xf32> to vector<1x1x1xf32>
    %reduce_sum3A_73 = vector.extract %reduce_sum3A_72[0, 0, 0] : f32 from vector<1x1x1xf32>
    %add3A_74 = arith.addf %get3A_60, %reduce_sum3A_73 : f32
    %swap3A_75 = arith.constant 1 : index
    %swap3A_76 = memref.load %arg5[%swap3A_75] : memref<3xf32, #tpu.memory_space<smem>>
    memref.store %add3A_74, %arg5[%swap3A_75] : memref<3xf32, #tpu.memory_space<smem>>
    %get3A_77 = arith.constant 2 : index
    %get3A_78 = memref.load %arg5[%get3A_77] : memref<3xf32, #tpu.memory_space<smem>>
    %ge3A = arith.constant 5 : i32
    %ge3A_79 = vector.broadcast %ge3A : i32 to vector<255x1xi32>
    %ge3A_80 = arith.cmpi sge, %select_n3A_20, %ge3A_79 : vector<255x1xi32>
    %jit3A_81 = arith.constant 0.000000e+00 : f32
    %broadcast_in_dim3A_82 = vector.shape_cast %ge3A_80 : vector<255x1xi1> to vector<255x1xi1>
    %broadcast_in_dim3A_83 = vector.broadcast %broadcast_in_dim3A_82 : vector<255x1xi1> to vector<255x169xi1>
    %broadcast_in_dim3A_84 = vector.broadcast %jit3A_81 : f32 to vector<255x169xf32>
    %select_n3A_85 = arith.select %broadcast_in_dim3A_83, %neg3A_34, %broadcast_in_dim3A_84 : vector<255x169xi1>, vector<255x169xf32>
    %reduce_sum3A_86 = vector.shape_cast %select_n3A_85 : vector<255x169xf32> to vector<1x255x169xf32>
    %reduce_sum3A_87 = arith.constant dense<0.000000e+00> : vector<1xf32>
    %reduce_sum3A_88 = vector.multi_reduction <add>, %reduce_sum3A_86, %reduce_sum3A_87 [1, 2] : vector<1x255x169xf32> to vector<1xf32>
    %reduce_sum3A_89 = vector.shape_cast %reduce_sum3A_88 : vector<1xf32> to vector<1x1x1xf32>
    %reduce_sum3A_90 = vector.extract %reduce_sum3A_89[0, 0, 0] : f32 from vector<1x1x1xf32>
    %add3A_91 = arith.addf %get3A_78, %reduce_sum3A_90 : f32
    %swap3A_92 = arith.constant 2 : index
    %swap3A_93 = memref.load %arg5[%swap3A_92] : memref<3xf32, #tpu.memory_space<smem>>
    memref.store %add3A_91, %arg5[%swap3A_92] : memref<3xf32, #tpu.memory_space<smem>>
    %eq3A_94 = arith.constant 63 : i32
    %eq3A_95 = arith.cmpi eq, %arg0, %eq3A_94 : i32
    %convert_element_type3A_96 = arith.extui %eq3A_95 : i1 to i32
    %cond3A_97 = arith.constant 0 : i32
    %cond3A_98 = arith.cmpi ne, %convert_element_type3A_96, %cond3A_97 : i32
    scf.if %cond3A_98 {
      %get3A_99 = arith.constant 0 : index
      %get3A_100 = arith.constant 0 : index
      %get3A_101 = arith.constant 0 : index
      %get3A_102 = vector.load %arg2[%get3A_99, %get3A_100, %get3A_101] : memref<64x7x64xf32, #tpu.memory_space<vmem>>, vector<64x7x64xf32>
      %get3A_103 = arith.constant 0 : index
      %get3A_104 = arith.constant 0 : index
      %get3A_105 = arith.constant 0 : index
      %get3A_106 = vector.load %arg3[%get3A_103, %get3A_104, %get3A_105] : memref<64x6x64xf32, #tpu.memory_space<vmem>>, vector<64x6x64xf32>
      %logistic3A_107 = arith.negf %get3A_106 : vector<64x6x64xf32>
      %logistic3A_108 = math.exp %logistic3A_107 : vector<64x6x64xf32>
      %logistic3A_109 = arith.constant 1.000000e+00 : f32
      %logistic3A_110 = vector.broadcast %logistic3A_109 : f32 to vector<64x6x64xf32>
      %logistic3A_111 = arith.addf %logistic3A_110, %logistic3A_108 : vector<64x6x64xf32>
      %logistic3A_112 = arith.divf %logistic3A_110, %logistic3A_111 : vector<64x6x64xf32>
      %sub3A_113 = arith.constant 1.000000e+00 : f32
      %sub3A_114 = vector.broadcast %sub3A_113 : f32 to vector<64x6x64xf32>
      %sub3A_115 = arith.subf %sub3A_114, %logistic3A_112 : vector<64x6x64xf32>
      %add3A_116 = arith.constant 9.99999996E-13 : f32
      %add3A_117 = vector.broadcast %add3A_116 : f32 to vector<64x6x64xf32>
      %add3A_118 = arith.addf %sub3A_115, %add3A_117 : vector<64x6x64xf32>
      %log3A_119 = math.log %add3A_118 : vector<64x6x64xf32>
      %max3A_120 = arith.constant -1.000000e+02 : f32
      %max3A_121 = vector.broadcast %max3A_120 : f32 to vector<64x6x64xf32>
      %max3A_122 = arith.maximumf %log3A_119, %max3A_121 : vector<64x6x64xf32>
      %add3A_123 = arith.constant 9.99999996E-13 : f32
      %add3A_124 = vector.broadcast %add3A_123 : f32 to vector<64x6x64xf32>
      %add3A_125 = arith.addf %logistic3A_112, %add3A_124 : vector<64x6x64xf32>
      %log3A_126 = math.log %add3A_125 : vector<64x6x64xf32>
      %max3A_127 = arith.constant -1.000000e+02 : f32
      %max3A_128 = vector.broadcast %max3A_127 : f32 to vector<64x6x64xf32>
      %max3A_129 = arith.maximumf %log3A_126, %max3A_128 : vector<64x6x64xf32>
      %sub3A_130 = arith.subf %max3A_122, %max3A_129 : vector<64x6x64xf32>
      %slice3A = vector.extract_strided_slice %get3A_102 {offsets = [0, 0, 0], sizes = [64, 1, 64], strides = [1, 1, 1]} : vector<64x7x64xf32> to vector<64x1x64xf32>
      %squeeze3A = vector.shape_cast %slice3A : vector<64x1x64xf32> to vector<64x64xf32>
      %slice3A_131 = vector.extract_strided_slice %sub3A_130 {offsets = [0, 0, 0], sizes = [64, 1, 64], strides = [1, 1, 1]} : vector<64x6x64xf32> to vector<64x1x64xf32>
      %squeeze3A_132 = vector.shape_cast %slice3A_131 : vector<64x1x64xf32> to vector<64x64xf32>
      %mul3A_133 = arith.mulf %squeeze3A, %squeeze3A_132 : vector<64x64xf32>
      %reduce_sum3A_134 = vector.shape_cast %mul3A_133 : vector<64x64xf32> to vector<1x64x64xf32>
      %reduce_sum3A_135 = arith.constant dense<0.000000e+00> : vector<1xf32>
      %reduce_sum3A_136 = vector.multi_reduction <add>, %reduce_sum3A_134, %reduce_sum3A_135 [1, 2] : vector<1x64x64xf32> to vector<1xf32>
      %reduce_sum3A_137 = vector.shape_cast %reduce_sum3A_136 : vector<1xf32> to vector<1x1x1xf32>
      %reduce_sum3A_138 = vector.extract %reduce_sum3A_137[0, 0, 0] : f32 from vector<1x1x1xf32>
      %slice3A_139 = vector.extract_strided_slice %get3A_102 {offsets = [0, 1, 0], sizes = [64, 1, 64], strides = [1, 1, 1]} : vector<64x7x64xf32> to vector<64x1x64xf32>
      %squeeze3A_140 = vector.shape_cast %slice3A_139 : vector<64x1x64xf32> to vector<64x64xf32>
      %slice3A_141 = vector.extract_strided_slice %sub3A_130 {offsets = [0, 1, 0], sizes = [64, 1, 64], strides = [1, 1, 1]} : vector<64x6x64xf32> to vector<64x1x64xf32>
      %squeeze3A_142 = vector.shape_cast %slice3A_141 : vector<64x1x64xf32> to vector<64x64xf32>
      %mul3A_143 = arith.mulf %squeeze3A_140, %squeeze3A_142 : vector<64x64xf32>
      %reduce_sum3A_144 = vector.shape_cast %mul3A_143 : vector<64x64xf32> to vector<1x64x64xf32>
      %reduce_sum3A_145 = arith.constant dense<0.000000e+00> : vector<1xf32>
      %reduce_sum3A_146 = vector.multi_reduction <add>, %reduce_sum3A_144, %reduce_sum3A_145 [1, 2] : vector<1x64x64xf32> to vector<1xf32>
      %reduce_sum3A_147 = vector.shape_cast %reduce_sum3A_146 : vector<1xf32> to vector<1x1x1xf32>
      %reduce_sum3A_148 = vector.extract %reduce_sum3A_147[0, 0, 0] : f32 from vector<1x1x1xf32>
      %slice3A_149 = vector.extract_strided_slice %get3A_102 {offsets = [0, 2, 0], sizes = [64, 1, 64], strides = [1, 1, 1]} : vector<64x7x64xf32> to vector<64x1x64xf32>
      %squeeze3A_150 = vector.shape_cast %slice3A_149 : vector<64x1x64xf32> to vector<64x64xf32>
      %log3A_151 = math.log %squeeze3A_150 : vector<64x64xf32>
      %slice3A_152 = vector.extract_strided_slice %get3A_102 {offsets = [0, 3, 0], sizes = [64, 1, 64], strides = [1, 1, 1]} : vector<64x7x64xf32> to vector<64x1x64xf32>
      %squeeze3A_153 = vector.shape_cast %slice3A_152 : vector<64x1x64xf32> to vector<64x64xf32>
      %log3A_154 = math.log %squeeze3A_153 : vector<64x64xf32>
      %mul3A_155 = arith.mulf %log3A_151, %log3A_151 : vector<64x64xf32>
      %slice3A_156 = vector.extract_strided_slice %get3A_106 {offsets = [0, 2, 0], sizes = [64, 1, 64], strides = [1, 1, 1]} : vector<64x6x64xf32> to vector<64x1x64xf32>
      %squeeze3A_157 = vector.shape_cast %slice3A_156 : vector<64x1x64xf32> to vector<64x64xf32>
      %mul3A_158 = arith.constant 2.000000e+00 : f32
      %mul3A_159 = vector.broadcast %mul3A_158 : f32 to vector<64x64xf32>
      %mul3A_160 = arith.mulf %mul3A_159, %squeeze3A_157 : vector<64x64xf32>
      %mul3A_161 = arith.mulf %mul3A_160, %log3A_151 : vector<64x64xf32>
      %sub3A_162 = arith.subf %mul3A_155, %mul3A_161 : vector<64x64xf32>
      %reduce_sum3A_163 = vector.shape_cast %sub3A_162 : vector<64x64xf32> to vector<1x64x64xf32>
      %reduce_sum3A_164 = arith.constant dense<0.000000e+00> : vector<1xf32>
      %reduce_sum3A_165 = vector.multi_reduction <add>, %reduce_sum3A_163, %reduce_sum3A_164 [1, 2] : vector<1x64x64xf32> to vector<1xf32>
      %reduce_sum3A_166 = vector.shape_cast %reduce_sum3A_165 : vector<1xf32> to vector<1x1x1xf32>
      %reduce_sum3A_167 = vector.extract %reduce_sum3A_166[0, 0, 0] : f32 from vector<1x1x1xf32>
      %mul3A_168 = arith.mulf %log3A_154, %log3A_154 : vector<64x64xf32>
      %slice3A_169 = vector.extract_strided_slice %get3A_106 {offsets = [0, 3, 0], sizes = [64, 1, 64], strides = [1, 1, 1]} : vector<64x6x64xf32> to vector<64x1x64xf32>
      %squeeze3A_170 = vector.shape_cast %slice3A_169 : vector<64x1x64xf32> to vector<64x64xf32>
      %mul3A_171 = arith.constant 2.000000e+00 : f32
      %mul3A_172 = vector.broadcast %mul3A_171 : f32 to vector<64x64xf32>
      %mul3A_173 = arith.mulf %mul3A_172, %squeeze3A_170 : vector<64x64xf32>
      %mul3A_174 = arith.mulf %mul3A_173, %log3A_154 : vector<64x64xf32>
      %sub3A_175 = arith.subf %mul3A_168, %mul3A_174 : vector<64x64xf32>
      %reduce_sum3A_176 = vector.shape_cast %sub3A_175 : vector<64x64xf32> to vector<1x64x64xf32>
      %reduce_sum3A_177 = arith.constant dense<0.000000e+00> : vector<1xf32>
      %reduce_sum3A_178 = vector.multi_reduction <add>, %reduce_sum3A_176, %reduce_sum3A_177 [1, 2] : vector<1x64x64xf32> to vector<1xf32>
      %reduce_sum3A_179 = vector.shape_cast %reduce_sum3A_178 : vector<1xf32> to vector<1x1x1xf32>
      %reduce_sum3A_180 = vector.extract %reduce_sum3A_179[0, 0, 0] : f32 from vector<1x1x1xf32>
      %slice3A_181 = vector.extract_strided_slice %get3A_102 {offsets = [0, 4, 0], sizes = [64, 1, 64], strides = [1, 1, 1]} : vector<64x7x64xf32> to vector<64x1x64xf32>
      %squeeze3A_182 = vector.shape_cast %slice3A_181 : vector<64x1x64xf32> to vector<64x64xf32>
      %slice3A_183 = vector.extract_strided_slice %sub3A_130 {offsets = [0, 4, 0], sizes = [64, 1, 64], strides = [1, 1, 1]} : vector<64x6x64xf32> to vector<64x1x64xf32>
      %squeeze3A_184 = vector.shape_cast %slice3A_183 : vector<64x1x64xf32> to vector<64x64xf32>
      %mul3A_185 = arith.mulf %squeeze3A_182, %squeeze3A_184 : vector<64x64xf32>
      %reduce_sum3A_186 = vector.shape_cast %mul3A_185 : vector<64x64xf32> to vector<1x64x64xf32>
      %reduce_sum3A_187 = arith.constant dense<0.000000e+00> : vector<1xf32>
      %reduce_sum3A_188 = vector.multi_reduction <add>, %reduce_sum3A_186, %reduce_sum3A_187 [1, 2] : vector<1x64x64xf32> to vector<1xf32>
      %reduce_sum3A_189 = vector.shape_cast %reduce_sum3A_188 : vector<1xf32> to vector<1x1x1xf32>
      %reduce_sum3A_190 = vector.extract %reduce_sum3A_189[0, 0, 0] : f32 from vector<1x1x1xf32>
      %slice3A_191 = vector.extract_strided_slice %get3A_102 {offsets = [0, 5, 0], sizes = [64, 1, 64], strides = [1, 1, 1]} : vector<64x7x64xf32> to vector<64x1x64xf32>
      %squeeze3A_192 = vector.shape_cast %slice3A_191 : vector<64x1x64xf32> to vector<64x64xf32>
      %slice3A_193 = vector.extract_strided_slice %sub3A_130 {offsets = [0, 5, 0], sizes = [64, 1, 64], strides = [1, 1, 1]} : vector<64x6x64xf32> to vector<64x1x64xf32>
      %squeeze3A_194 = vector.shape_cast %slice3A_193 : vector<64x1x64xf32> to vector<64x64xf32>
      %mul3A_195 = arith.mulf %squeeze3A_192, %squeeze3A_194 : vector<64x64xf32>
      %reduce_sum3A_196 = vector.shape_cast %mul3A_195 : vector<64x64xf32> to vector<1x64x64xf32>
      %reduce_sum3A_197 = arith.constant dense<0.000000e+00> : vector<1xf32>
      %reduce_sum3A_198 = vector.multi_reduction <add>, %reduce_sum3A_196, %reduce_sum3A_197 [1, 2] : vector<1x64x64xf32> to vector<1xf32>
      %reduce_sum3A_199 = vector.shape_cast %reduce_sum3A_198 : vector<1xf32> to vector<1x1x1xf32>
      %reduce_sum3A_200 = vector.extract %reduce_sum3A_199[0, 0, 0] : f32 from vector<1x1x1xf32>
      %slice3A_201 = vector.extract_strided_slice %get3A_102 {offsets = [0, 6, 0], sizes = [64, 1, 64], strides = [1, 1, 1]} : vector<64x7x64xf32> to vector<64x1x64xf32>
      %squeeze3A_202 = vector.shape_cast %slice3A_201 : vector<64x1x64xf32> to vector<64x64xf32>
      %reduce_sum3A_203 = vector.shape_cast %squeeze3A_202 : vector<64x64xf32> to vector<1x64x64xf32>
      %reduce_sum3A_204 = arith.constant dense<0.000000e+00> : vector<1xf32>
      %reduce_sum3A_205 = vector.multi_reduction <add>, %reduce_sum3A_203, %reduce_sum3A_204 [1, 2] : vector<1x64x64xf32> to vector<1xf32>
      %reduce_sum3A_206 = vector.shape_cast %reduce_sum3A_205 : vector<1xf32> to vector<1x1x1xf32>
      %reduce_sum3A_207 = vector.extract %reduce_sum3A_206[0, 0, 0] : f32 from vector<1x1x1xf32>
      %slice3A_208 = vector.extract_strided_slice %get3A_102 {offsets = [0, 4, 0], sizes = [64, 1, 64], strides = [1, 1, 1]} : vector<64x7x64xf32> to vector<64x1x64xf32>
      %squeeze3A_209 = vector.shape_cast %slice3A_208 : vector<64x1x64xf32> to vector<64x64xf32>
      %reduce_sum3A_210 = vector.shape_cast %squeeze3A_209 : vector<64x64xf32> to vector<1x64x64xf32>
      %reduce_sum3A_211 = arith.constant dense<0.000000e+00> : vector<1xf32>
      %reduce_sum3A_212 = vector.multi_reduction <add>, %reduce_sum3A_210, %reduce_sum3A_211 [1, 2] : vector<1x64x64xf32> to vector<1xf32>
      %reduce_sum3A_213 = vector.shape_cast %reduce_sum3A_212 : vector<1xf32> to vector<1x1x1xf32>
      %reduce_sum3A_214 = vector.extract %reduce_sum3A_213[0, 0, 0] : f32 from vector<1x1x1xf32>
      %get3A_215 = arith.constant 0 : index
      %get3A_216 = memref.load %arg5[%get3A_215] : memref<3xf32, #tpu.memory_space<smem>>
      %add3A_217 = arith.addf %get3A_216, %reduce_sum3A_138 : f32
      %add3A_218 = arith.addf %add3A_217, %reduce_sum3A_148 : f32
      %add3A_219 = arith.addf %add3A_218, %reduce_sum3A_167 : f32
      %add3A_220 = arith.addf %add3A_219, %reduce_sum3A_180 : f32
      %div3A = arith.constant 3.244800e+04 : f32
      %div3A_221 = arith.divf %add3A_220, %div3A : f32
      %mul3A_222 = arith.mulf %div3A_221, %reduce_sum3A_207 : f32
      %get3A_223 = arith.constant 1 : index
      %get3A_224 = memref.load %arg5[%get3A_223] : memref<3xf32, #tpu.memory_space<smem>>
      %add3A_225 = arith.addf %get3A_224, %reduce_sum3A_190 : f32
      %add3A_226 = arith.addf %mul3A_222, %add3A_225 : f32
      %get3A_227 = arith.constant 2 : index
      %get3A_228 = memref.load %arg5[%get3A_227] : memref<3xf32, #tpu.memory_space<smem>>
      %add3A_229 = arith.addf %get3A_228, %reduce_sum3A_200 : f32
      %div3A_230 = arith.constant 2.595840e+06 : f32
      %div3A_231 = arith.divf %add3A_229, %div3A_230 : f32
      %mul3A_232 = arith.constant 5.000000e+00 : f32
      %mul3A_233 = arith.mulf %mul3A_232, %div3A_231 : f32
      %mul3A_234 = arith.mulf %mul3A_233, %reduce_sum3A_214 : f32
      %add3A_235 = arith.addf %add3A_226, %mul3A_234 : f32
      %swap3A_236 = arith.constant 0 : index
      %swap3A_237 = arith.constant 0 : index
      %swap3A_238 = memref.load %arg4[%swap3A_236, %swap3A_237] : memref<1x1xf32, #tpu.memory_space<smem>>
      memref.store %add3A_235, %arg4[%swap3A_236, %swap3A_237] : memref<1x1xf32, #tpu.memory_space<smem>>
    } else {
    }
    return
  }
  func.func @transform_0(%arg0: i32) -> (i32, i32, i32) {
    %c0_i32 = arith.constant 0 : i32
    %c0_i32_0 = arith.constant 0 : i32
    %c0_i32_1 = arith.constant 0 : i32
    return %arg0, %c0_i32, %c0_i32_0 : i32, i32, i32
  }
  func.func @transform_1(%arg0: i32) -> (i32, i32, i32) {
    %c0_i32 = arith.constant 0 : i32
    %c0_i32_0 = arith.constant 0 : i32
    %c0_i32_1 = arith.constant 0 : i32
    %c0_i32_2 = arith.constant 0 : i32
    return %c0_i32, %c0_i32_0, %c0_i32_1 : i32, i32, i32
  }
  func.func @transform_2(%arg0: i32) -> (i32, i32, i32) {
    %c0_i32 = arith.constant 0 : i32
    %c0_i32_0 = arith.constant 0 : i32
    %c0_i32_1 = arith.constant 0 : i32
    %c0_i32_2 = arith.constant 0 : i32
    return %c0_i32, %c0_i32_0, %c0_i32_1 : i32, i32, i32
  }
  func.func @transform_3(%arg0: i32) -> (i32, i32) {
    %c0_i32 = arith.constant 0 : i32
    %c0_i32_0 = arith.constant 0 : i32
    %c0_i32_1 = arith.constant 0 : i32
    return %c0_i32, %c0_i32_0 : i32, i32
  }
}

</mosaic_0001>

<sc_bundles>
// kernel: kernel.4.cloned.1.call-start
scs
__scs_entry_jumppad:
0x0: {  	(pc) =	sbr.rel $0x88, $3  }
0x1: {  	(tag) =	ssettag $0x0;
	lr =	simm.s32 $0x1  }
0x2: {  	[smem:$0x3F9F] =	sst lr;
	_ =	strace $0xD0000000  }
0x3: {  	_ = 	snop  }
0x4: {  	_ = 	snop  }
0x5: {  	_ = 	snop  }
0x6: {  	_ = 	snop  }
0x7: {  	_ = 	snop  }
__scs_overlays_trampoline_lowered:
0x8: {  	[smem:$0x3FAE] =	sst s0  }
0x9: {  	[smem:$0x3FAF] =	sst s1  }
0xa: {  	[smem:$0x3FB0] =	sst s2  }
0xb: {  	[smem:$0x3FB1] =	sst s3  }
0xc: {  	[smem:$0x3FB2] =	sst s4  }
0xd: {  	[smem:$0x3FB3] =	sst s5  }
0xe: {  	[smem:$0x3FB4] =	sst s6  }
0xf: {  	[smem:$0x3FB5] =	sst s7  }
0x10: {  	[smem:$0x3FB6] =	sst s8  }
0x11: {  	[smem:$0x3FB7] =	sst s9;
	s0 =	simm.s32 @!p0 $0x0  }
0x12: {  	s1 =	sld [smem:$0x3F9D];
	s0 =	simm.s32 @p0 $0x1  }
0x13: {  	[smem:$0x3FB8] =	sst s0;
	s0 =	simm.s32 @!p1 $0x0  }
0x14: {  	s2 =	sld [smem:$0x3F9C];
	s0 =	simm.s32 @p1 $0x1  }
0x15: {  	[smem:$0x3FB9] =	sst s0;
	s0 =	simm.s32 @!p2 $0x0  }
0x16: {  	s3 =	sld [smem:$0x3FDB];
	s0 =	simm.s32 @p2 $0x1  }
0x17: {  	s4 =	simm.s32 $0x1BF5;
	[smem:$0x3FBB] =	sst s0  }
0x18: {  	s0 =	sld [smem:$0x3F9E];
	_ =	swait.ge [sflag:s4], $0x0  }
0x19: {  	s7 =	sld [smem:$0x3F9F]  }
0x1a: {  	s8 =	sadd.s32 $0xFFFFE003, lr  }
0x1b: {  	s9 =	sadd.s32 $0xFFFFFEF7, lr;
	s5 =	simm.s32 $0xFFFFFFFF;
	p2 =	slt.u32 s8, $0xFFFFF086  }
0x1c: {  	p1 =	slt.u32 s9, $0xF7A;
	s5 =	simm.s32 @!p2 $0x0  }
0x1d: {  	s5 =	simm.s32 @p1 $0x1;
	p0 =	seq.s32 s7, s2  }
0x1e: {  	s7 =	smul.u32 @!p0 $0xF7A, s2;
	p2 =	seq.s32 @!p0 s5, $0x0  }
0x1f: {  	s9 =	smul.u32 $0xF7A, s1;
	s8 =	simm.s32 @!p0 $0x1BF5;
	p2 =	por !p2, p0  }
0x20: {  	[sflag:s8] =	ssyncset.s32 @!p0 $0xFFFFF086;
	s6 =	sadd.s32 @!p0 s3, s7;
	s7 =	simm.s32 @!p0 $0x108  }
0x21: {  	s3 =	sadd.s32 s3, s9;
	s6 =	sadd.s32 @!p0 $0x88, s6;
	s7 =	simm.s32 @p2 $0x1082  }
0x22: {  	[simem:s7], [sflag:s8] =	dma.local @!p0 [hbm:s6], $0xF7A  }
0x23: {  	s9 =	sor.u32 $0xD0000000, s2;
	s6 =	simm.s32 $0x108;
	_ =	swait.ge @!p0 [sflag:s8], $0x0  }
0x24: {  	s3 =	sadd.s32 $0x88, s3;
	s6 =	simm.s32 @!p1 $0x1082;
	[sflag:s4] =	ssyncset.s32 $0xFFFFF086  }
0x25: {  	[simem:s6], [sflag:s4] =	dma.local [hbm:s3], $0xF7A  }
0x26: {  	[smem:$0x3F9F] =	sst s1;
	(tag) =	ssettag s2;
	_ =	strace s9  }
0x27: {  	s1 =	sld [smem:$0x3FAF]  }
0x28: {  	s2 =	sld [smem:$0x3FB0]  }
0x29: {  	s4 =	sld [smem:$0x3FB2]  }
0x2a: {  	p0 =	seq.s32 s5, $0x0;
	s5 =	sld [smem:$0x3FB3]  }
0x2b: {  	s6 =	sld [smem:$0x3FB4]  }
0x2c: {  	s7 =	sld [smem:$0x3FB5]  }
0x2d: {  	s3 =	simm.s32 $0x108;
	s8 =	sld [smem:$0x3FB6]  }
0x2e: {  	s3 =	simm.s32 @!p0 $0x1082;
	s9 =	sld [smem:$0x3FB7]  }
0x2f: {  	lr =	sadd.s32 s0, s3;
	s0 =	sld [smem:$0x3FAE]  }
0x30: {  	s3 =	sld [smem:$0x3FB1]  }
0x31: {  	[smem:$0x3FBA] =	sst s10  }
0x32: {  	s10 =	sld [smem:$0x3FB8];
	_ =	sdelay $0x3  }
0x33: {  	p0 =	seq.s32 s10, $0x1;
	s10 =	sld [smem:$0x3FBA];
	_ =	sdelay $0x3  }
0x34: {  	[smem:$0x3FBA] =	sst s10  }
0x35: {  	s10 =	sld [smem:$0x3FB9];
	_ =	sdelay $0x3  }
0x36: {  	p1 =	seq.s32 s10, $0x1;
	s10 =	sld [smem:$0x3FBA];
	_ =	sdelay $0x3  }
0x37: {  	[smem:$0x3FBA] =	sst s10  }
0x38: {  	s10 =	sld [smem:$0x3FBB]  }
0x39: {  	_ = 	snop;
	(pc) =	sbr.ind lr, $3  }
0x3a: {  	_ = 	snop  }
0x3b: {  	_ = 	snop  }
0x3c: {  	p2 =	seq.s32 s10, $0x1;
	s10 =	sld [smem:$0x3FBA]  }
0x3d: {  	_ =	shalt  }
0x3e: {  	_ =	shalt  }
0x3f: {  	_ =	shalt  }
0x40: {  	_ =	shalt  }
0x41: {  	_ =	shalt  }
0x42: {  	_ =	shalt  }
0x43: {  	_ =	shalt  }
0x44: {  	_ =	shalt  }
0x45: {  	_ =	shalt  }
0x46: {  	_ =	shalt  }
0x47: {  	_ =	shalt  }
0x48: {  	_ =	shalt  }
0x49: {  	_ =	shalt  }
0x4a: {  	_ =	shalt  }
0x4b: {  	_ =	shalt  }
0x4c: {  	_ =	shalt  }
0x4d: {  	_ =	shalt  }
0x4e: {  	_ =	shalt  }
0x4f: {  	_ =	shalt  }
0x50: {  	_ =	shalt  }
0x51: {  	_ =	shalt  }
0x52: {  	_ =	shalt  }
0x53: {  	_ =	shalt  }
0x54: {  	_ =	shalt  }
0x55: {  	_ =	shalt  }
0x56: {  	_ =	shalt  }
0x57: {  	_ =	shalt  }
0x58: {  	_ =	shalt  }
0x59: {  	_ =	shalt  }
0x5a: {  	_ =	shalt  }
0x5b: {  	_ =	shalt  }
0x5c: {  	_ =	shalt  }
0x5d: {  	_ =	shalt  }
0x5e: {  	_ =	shalt  }
0x5f: {  	_ =	shalt  }
0x60: {  	_ =	shalt  }
0x61: {  	_ =	shalt  }
0x62: {  	_ =	shalt  }
0x63: {  	_ =	shalt  }
0x64: {  	_ =	shalt  }
0x65: {  	_ =	shalt  }
0x66: {  	_ =	shalt  }
0x67: {  	_ =	shalt  }
0x68: {  	_ =	shalt  }
0x69: {  	_ =	shalt  }
0x6a: {  	_ =	shalt  }
0x6b: {  	_ =	shalt  }
0x6c: {  	_ =	shalt  }
0x6d: {  	_ =	shalt  }
0x6e: {  	_ =	shalt  }
0x6f: {  	_ =	shalt  }
0x70: {  	_ =	shalt  }
0x71: {  	_ =	shalt  }
0x72: {  	_ =	shalt  }
0x73: {  	_ =	shalt  }
0x74: {  	_ =	shalt  }
0x75: {  	_ =	shalt  }
0x76: {  	_ =	shalt  }
0x77: {  	_ =	shalt  }
0x78: {  	_ =	shalt  }
0x79: {  	_ =	shalt  }
0x7a: {  	_ =	shalt  }
0x7b: {  	_ =	shalt  }
0x7c: {  	_ =	shalt  }
0x7d: {  	_ =	shalt  }
0x7e: {  	_ =	shalt  }
0x7f: {  	_ =	shalt  }
0x80: {  	_ =	shalt  }
0x81: {  	_ =	shalt  }
0x82: {  	_ =	shalt  }
0x83: {  	_ =	shalt  }
0x84: {  	_ =	shalt  }
0x85: {  	_ =	shalt  }
0x86: {  	_ =	shalt  }
0x87: {  	_ =	shalt  }
.Lfunc_end0:
.L_simem_size_0:
called_computation_lowered:
.L_overlay_start_0:
0x88: {  	s2 =	sld [smem:$0x3FD9]  }
0x89: {  	s3 =	sld [smem:$0x3FFE];
	_ =	sdelay $0x1  }
0x8a: {  	s1 =	srdreg.scid  }
0x8b: {  	s0 =	sand.u32 $0x1, s1  }
0x8c: {  	s16 =	sshll.u32 s0, $0xA;
	s2 =	sadd.s32 s3, s2  }
0x8d: {  	s2 =	sadd.s32 s2, s16  }
0x8e: {  	[smem:$0x3FC6] =	sst s2  }
0x8f: {  	_ = 	snop  }
0x90: {  	(tm) =	ssettm $0x1  }
0x91: {  	s17 =	sld [smem:$0x3FFB];
	_ =	sdelay $0x3  }
0x92: {  	_ =	strace s17  }
0x93: {  	s2 =	sld [smem:$0x3FFC];
	_ =	sdelay $0x3  }
0x94: {  	_ =	strace s2  }
0x95: {  	s2 =	sld [smem:$0x3FFD];
	_ =	sdelay $0x3  }
0x96: {  	_ =	strace s2  }
0x97: {  	_ =	strace $0x8FFFFFFF  }
0x98: {  	s18 =	sld [smem:$0x3FDB];
	_ =	sdelay $0x1  }
0x99: {  	s19 =	simm.s32 $_scs_section_size  }
0x9a: {  	s4 =	simm.s32 $_size__tile_overlayer_lowered;
	s5 =	simm.s32 $_tile_overlayer_lowered  }
0x9b: {  	s22 =	simm.s32 $0x1BFF;
	s21 =	sshll.u32 s5, $0x1;
	s2 =	sadd.s32 s19, s18  }
0x9c: {  	s6 =	simm.s32 $0x0;
	s20 =	sshll.u32 s4, $0x1;
	s4 =	sadd.s32 s21, s2  }
0x9d: {  	[timem:s6], [sflag:s22] =	dma.local [hbm:s4], s20  }
0x9e: {  	_ =	swait.ge [sflag:s22], s20  }
0x9f: {  	s3 =	ssub.s32 $0x0, s20;
	[sflag:s22] =	ssyncset.done $0x0  }
0xa0: {  	[sflag:s22] =	ssyncadd.s32 s3;
	_ =	sdelay $0x1  }
0xa1: {  	s23 =	simm.s32 $0x1B8B  }
0xa2: {  	_ =	swait.ge [sflag:s23], $0x1  }
0xa3: {  	[sflag:s23] =	ssyncset.done $0x0  }
0xa4: {  	s25 =	simm.s32 $0x1B8E;
	s24 =	sld [smem:$0x3FFE];
	[sflag:s23] =	ssyncadd.s32 $0xFFFFFFFF  }
0xa5: {  	s26 =	simm.s32 $execute0_lowered;
	[smem:$0x3FD2] =	sst s25  }
0xa6: {  	s4 =	sshll.u32 s26, $0x1;
	_ =	strace $0x80000046;
	[dreg:$0x1] =	wrdreg $0xFFFFFFFF  }
0xa7: {  	s28 =	simm.s32 $_size_execute0_lowered;
	s2 =	sadd.s32 s2, s4;
	[dreg:$0x0] =	wrdreg $0x0  }
0xa8: {  	s4 =	sshll.u32 s28, $0x1;
	[dreg:$0x2] =	wrdreg s2  }
0xa9: {  	[dreg:$0x3] =	wrdreg s4  }
0xaa: {  	[dreg:$0x4] =	wrdreg $0xC0  }
0xab: {  	_ =	task [dreg:s6], $0x5FFFF  }
0xac: {  	[dreg:$0x1] =	wrdreg $0xFFFFFFFF  }
0xad: {  	[dreg:$0x0] =	wrdreg $0x60  }
0xae: {  	[dreg:$0x2] =	wrdreg s24  }
0xaf: {  	[dreg:$0x3] =	wrdreg $0x9  }
0xb0: {  	_ =	task.clear_ibuf [dreg:s6], $0x4FFFF;
	_ =	strace $0x90000046  }
0xb1: {  	s29 =	simm.s32 $0x9;
	_ =	strace $0x80000048  }
0xb2: {  	_ =	swait.ge [sflag:s29], $0x1  }
0xb3: {  	[sflag:s29] =	ssyncadd.s32 $0xFFFFFFFF  }
0xb4: {  	_ =	strace $0x90000048  }
0xb5: {  	_ =	sfence  }
0xb6: {  	s30 =	sld [smem:$0x0];
	_ =	sdelay $0x2  }
0xb7: {  	s31 =	sshll.u32 s1, $0xD;
	s1 =	sshrl.u32 s1, $0x2  }
0xb8: {  	s3 =	sand.u32 $0x4000, s31;
	s1 =	sadd.s32 s1, s30  }
0xb9: {  	s0 =	sor.u32 s3, s0;
	s1 =	sshll.u32 s1, $0x11  }
0xba: {  	s0 =	sor.u32 s1, s0  }
0xbb: {  	s0 =	sadd.s32 $0x8F2B, s0  }
0xbc: {  	[sflag:s0] =	ssyncadd.remote.s32 $0x1  }
0xbd: {  	_ =	sfence.sel $0xFFFF  }
0xbe: {  	[dreg:$0x0] =	wrdreg $0xFFFFFFFF;
	(pc) =	sbr.abs _section_cstart, $3  }
0xbf: {  	[dreg:$0x1] =	wrdreg $0xFFFFFFFF  }
0xc0: {  	_ =	task.clear_ibuf [dreg:s6], $0x2FFFF;
	_ =	strace $0x9FFFFFFF  }
0xc1: {  	(tm) =	ssettm $0x7FFFFFFF  }
tec
execute0_lowered:
.L_overlay_start_1:
0x0: {  	(tag) =	ssettag $0x1  }
0x1: {  	s4 =	rddreg [dreg:$0x0]  }
0x2: {  	s0 =	rddreg [dreg:$0x1];
	s1 =	simm.s32 $0x0;
	s5 =	srdreg.scid  }
0x3: {  	s2 =	stileid.u32;
	s13 =	simm.s32 $0x400;
	s14 =	simm.s32 $0x800  }
0x4: {  	s15 =	simm.s32 $0x480;
	s17 =	simm.s32 $0x500;
	s18 =	simm.s32 $0x900  }
0x5: {  	s20 =	simm.s32 $0x980;
	s21 =	simm.s32 $0x600;
	s22 =	simm.s32 $0xA00  }
0x6: {  	s23 =	simm.s32 $0x680;
	s24 =	simm.s32 $0xA80;
	s25 =	simm.s32 $0x1  }
0x7: {  	s26 =	simm.s32 $0xC00;
	s28 =	simm.s32 $0x0;
	[smem:$0x7FF] =	sst s1  }
0x8: {  	s7 =	sadd.s32 $0x1A00, s4;
	s3 =	sadd.s32 $0x3FDA00, s4;
	s5 =	sand.u32 $0x1, s5  }
0x9: {  	s8 =	sadd.s32 $0x3A00, s4;
	s9 =	sshll.u32 s2, $0x1;
	s10 =	sadd.s32 $0x5A00, s4  }
0xa: {  	_ =	strace $0x80000047;
	s6 =	ssub.s32 $0x2, s5;
	s5 =	sor.u32 s5, s9  }
0xb: {  	s30 =	sshrl.u32 s6, $0x1;
	s31 =	sshll.u32 s5, $0x8;
	s9 =	sshllo.u32 s5, $0x1  }
0xc: {  	v0 =	vlaneseq.u32;
	vm0 =	vmmov $0x3;
	v10 =	vimm.s32 $0x0;
	s16 =	smul.u32 $0x1FE, s5;
	s11 =	ssub.s32 s6, s30;
	s4 =	sadd.s32 s7, s31  }
0xd: {  	v2 =	vimm.f32 $8.966346380e-01;
	v9 =	vmul.u32 $0xFFFFFFFF, v0;
	v10 =	vsel vm0, $0xFFFFFFFF, v10;
	s12 =	sshll.u32 s9, $0x7;
	s5 =	sadd.s32 s8, s31;
	s6 =	sadd.s32 s10, s31  }
0xe: {  	v4 =	vimm.s32 $0x0;
	v5 =	vimm.f32 $7.836538550e-01;
	[tilespmem:$0x1FFF0] =	vst v10;
	v10 =	vimm.f32 $1.000000000e+00;
	s19 =	smul.u32 $0xFF, s9;
	s7 =	sadd.s32 s7, s12;
	s8 =	sadd.s32 s8, s12  }
0xf: {  	v6 =	vadd.s32 $0xFFFFFFFF, v9;
	v7 =	vadd.s32 $0xFFFFFFEF, v9;
	v8 =	vadd.s32 $0xFFFFFFDF, v9;
	s9 =	sadd.s32 s10, s12;
	s10 =	smax.u32 s11, $0x1;
	s11 =	simm.s32 $0x2  }
0x10: {  	v9 =	vadd.s32 $0xFFFFFFCF, v9;
	s12 =	simm.s32 $0x40;
	v1 =	vmov s16;
	s16 =	simm.s32 $0x880;
	v3 =	vmov s19;
	s19 =	simm.s32 $0x580  }
.LBB2_1:
0x11: {  	[tilespmem:s1], [sflag:$0x2] =	stream.linear.gather [hbm4b:s4+s1], $0x280, $0x38;
	[tilespmem:$0x1000] =	vst v63  }
0x12: {  	_ =	swait.ge [sflag:s11], $0x280  }
0x13: {  	[sflag:s11] =	ssyncset.done $0x0  }
0x14: {  	[sflag:s11] =	ssyncadd.s32 $0xFFFFFD80  }
0x15: {  	v16 =	vld [tilespmem:$0x100]  }
0x16: {  	v17 =	vld [tilespmem:$0x180];
	_ =	sdelay $0x4  }
0x17: {  	v11 =	vmul.f32 v17, v16  }
0x18: {  	v12 =	vmin.f32 v16, $2.788461450e-01;
	v13 =	vmin.f32 v17, $2.163461600e-01  }
0x19: {  	v12 =	vmul.f32 v13, v12;
	v13 =	vadd.f32 $6.032729140e-02, v11;
	_ =	sdelay $0x1  }
0x1a: {  	v13 =	vsub.f32 v13, v12;
	_ =	sdelay $0x1  }
0x1b: {  	(erf) = vrcp.f32 v13;
	_ =	sdelay $0x3  }
0x1c: {  	v14 =	vmin.f32 v17, $4.759615360e-01;
	v13 =	vmin.f32 v16, $3.750000000e-01  }
0x1d: {  	v13 =	vmul.f32 v14, v13;
	v14 =	vadd.f32 $1.784855720e-01, v11;
	_ =	sdelay $0x1  }
0x1e: {  	v14 =	vsub.f32 v14, v13;
	_ =	sdelay $0x1  }
0x1f: {  	v18 =	vmin.f32 v17, $7.836538550e-01;
	(erf) = vrcp.f32 v14;
	v14 =	vmin.f32 v16, $8.966346380e-01;
	v15 =	vpop (erf)  }
0x20: {  	v14 =	vmul.f32 v18, v14;
	v12 =	vmul.f32 v15, v12;
	v15 =	vadd.f32 $7.026511430e-01, v11;
	_ =	sdelay $0x1  }
0x21: {  	v19 =	vmin.f32 v17, $1.466346090e-01;
	v18 =	vmin.f32 v16, $7.211538400e-02;
	v15 =	vsub.f32 v15, v14  }
0x22: {  	v18 =	vmul.f32 v19, v18;
	v19 =	vadd.f32 $1.057461180e-02, v11  }
0x23: {  	v20 =	vmin.f32 v16, $1.490384640e-01;
	v21 =	vmin.f32 v17, $1.081730800e-01;
	(erf) = vrcp.f32 v15  }
0x24: {  	v20 =	vmul.f32 v21, v20;
	v21 =	vadd.f32 $1.612194810e-02, v11;
	v19 =	vsub.f32 v19, v18  }
0x25: {  	v22 =	vmin.f32 v17, $2.860576810e-01;
	v23 =	vmin.f32 v17, $3.125000000e-02  }
0x26: {  	v15 =	vmin.f32 v16, $1.418269280e-01;
	(erf) = vrcp.f32 v19;
	v19 =	vsub.f32 v21, v20  }
0x27: {  	v15 =	vmul.f32 v22, v15;
	v21 =	vadd.f32 $4.057068380e-02, v11;
	v22 =	vmin.f32 v16, $2.403846200e-02  }
0x28: {  	v24 =	vpop (erf);
	v22 =	vmul.f32 v23, v22;
	v23 =	vadd.f32 $7.512019370e-04, v11;
	(erf) = vrcp.f32 v19  }
0x29: {  	vm1 =	vgt.f32 v12, $-1.000000000e+00;
	v13 =	vmul.f32 v24, v13;
	v19 =	vsub.f32 v21, v15  }
0x2a: {  	v24 =	vmin.f32 v17, $7.211538400e-02;
	v21 =	vsub.f32 v23, v22;
	v23 =	vmin.f32 v16, $3.846153990e-02  }
0x2b: {  	(erf) = vrcp.f32 v19;
	v19 =	vmul.f32 v24, v23;
	v23 =	vadd.f32 $2.773668620e-03, v11  }
0x2c: {  	v12 =	vnsel vm1, $0xBF800000, v12;
	v24 =	vmin.f32 v17, $5.528846010e-02;
	(erf) = vrcp.f32 v21;
	v25 =	vpop (erf)  }
0x2d: {  	v21 =	vmin.f32 v16, $7.932692020e-02;
	v23 =	vsub.f32 v23, v19;
	v14 =	vmul.f32 v25, v14  }
0x2e: {  	vm1 =	vgt.f32 v13, v12;
	v24 =	vmul.f32 v24, v21;
	v21 =	vadd.f32 $4.385863430e-03, v11  }
0x2f: {  	v12 =	vsel vm1, v13, v12;
	(erf) = vrcp.f32 v23;
	v13 =	vpop (erf)  }
0x30: {  	v21 =	vsub.f32 v21, v24;
	v13 =	vmul.f32 v13, v18;
	vm2 =	vgt.f32 v14, v12  }
0x31: {  	v12 =	vsel vm2, v14, v12;
	v14 =	vpop (erf)  }
0x32: {  	(erf) = vrcp.f32 v21;
	v14 =	vmul.f32 v14, v20  }
0x33: {  	vm3 =	vgt.f32 v13, v12  }
0x34: {  	v12 =	vsel vm3, v13, v12;
	v13 =	vpop (erf)  }
0x35: {  	v13 =	vmul.f32 v13, v15;
	vm4 =	vgt.f32 v14, v12  }
0x36: {  	v12 =	vsel vm4, v14, v12;
	v14 =	vpop (erf)  }
0x37: {  	v14 =	vmul.f32 v14, v22  }
0x38: {  	v15 =	vsel vm1, $0x1, v4;
	vm5 =	vgt.f32 v13, v12  }
0x39: {  	v21 =	vld [tilespmem:$0x110];
	v15 =	vsel vm2, $0x2, v15;
	v12 =	vsel vm5, v13, v12;
	v13 =	vpop (erf)  }
0x3a: {  	v15 =	vsel vm3, $0x3, v15;
	v13 =	vmul.f32 v13, v19;
	v19 =	vld [tilespmem:$0x190];
	vm2 =	vgt.f32 v14, v12  }
0x3b: {  	v15 =	vsel vm4, $0x4, v15;
	v12 =	vsel vm2, v14, v12;
	v14 =	vpop (erf)  }
0x3c: {  	v15 =	vsel vm5, $0x5, v15;
	vm5 =	vgt.f32 v13, v12;
	v14 =	vmul.f32 v14, v24  }
0x3d: {  	v15 =	vsel vm2, $0x6, v15;
	v12 =	vsel vm5, v13, v12  }
0x3e: {  	v13 =	vsel vm5, $0x7, v15;
	vm4 =	vgt.f32 v14, v12  }
0x3f: {  	v12 =	vmul.f32 v19, v21;
	v14 =	vmin.f32 v19, $2.163461600e-01;
	v20 =	vsel vm4, $0x8, v13  }
0x40: {  	v13 =	vmin.f32 v21, $2.788461450e-01;
	vm1 =	veq.s32 v20, $0x0;
	vm5 =	veq.s32 v20, $0x1  }
0x41: {  	v13 =	vmul.f32 v14, v13;
	v14 =	vadd.f32 $6.032729140e-02, v12;
	v15 =	vsel vm5, $0x3EC00000, v2  }
0x42: {  	v18 =	vsel vm5, $0x3EF3B13B, v5;
	v15 =	vsel vm1, $0x3E8EC4EC, v15  }
0x43: {  	v18 =	vsel vm1, $0x3E5D89D9, v18;
	v14 =	vsub.f32 v14, v13;
	(erf) = vrcp.f32 v15  }
0x44: {  	(erf) = vrcp.f32 v18  }
0x45: {  	(erf) = vrcp.f32 v14;
	_ =	sdelay $0x3  }
0x46: {  	v15 =	vmin.f32 v19, $4.759615360e-01;
	v14 =	vmin.f32 v21, $3.750000000e-01  }
0x47: {  	v14 =	vmul.f32 v15, v14;
	v15 =	vadd.f32 $1.784855720e-01, v12;
	_ =	sdelay $0x1  }
0x48: {  	v15 =	vsub.f32 v15, v14;
	v23 =	vpop (erf)  }
0x49: {  	v26 =	vmin.f32 v21, $1.490384640e-01;
	v22 =	vpop (erf)  }
0x4a: {  	v24 =	vmin.f32 v19, $7.836538550e-01;
	(erf) = vrcp.f32 v15;
	v15 =	vmin.f32 v21, $8.966346380e-01;
	v18 =	vpop (erf)  }
0x4b: {  	v15 =	vmul.f32 v24, v15;
	v13 =	vmul.f32 v18, v13;
	v18 =	vadd.f32 $7.026511430e-01, v12  }
0x4c: {  	v25 =	vmin.f32 v19, $1.466346090e-01;
	v27 =	vmin.f32 v19, $1.081730800e-01;
	v24 =	vmin.f32 v21, $7.211538400e-02  }
0x4d: {  	v24 =	vmul.f32 v25, v24;
	v25 =	vadd.f32 $1.057461180e-02, v12;
	v18 =	vsub.f32 v18, v15  }
0x4e: {  	v26 =	vmul.f32 v27, v26  }
0x4f: {  	v27 =	vadd.f32 $1.612194810e-02, v12;
	v25 =	vsub.f32 v25, v24;
	(erf) = vrcp.f32 v18  }
0x50: {  	v28 =	vmin.f32 v19, $2.860576810e-01;
	v29 =	vmin.f32 v19, $3.125000000e-02  }
0x51: {  	v18 =	vmin.f32 v21, $1.418269280e-01;
	(erf) = vrcp.f32 v25;
	v25 =	vsub.f32 v27, v26  }
0x52: {  	v18 =	vmul.f32 v28, v18;
	v27 =	vadd.f32 $4.057068380e-02, v12;
	v28 =	vmin.f32 v21, $2.403846200e-02  }
0x53: {  	v17 =	vmax.f32 v17, $9.999999960e-13;
	v28 =	vmul.f32 v29, v28  }
0x54: {  	v30 =	vpop (erf);
	v29 =	vadd.f32 $7.512019370e-04, v12;
	(erf) = vrcp.f32 v25;
	v25 =	vsub.f32 v27, v18  }
0x55: {  	vm4 =	vgt.f32 v13, $-1.000000000e+00;
	v14 =	vmul.f32 v30, v14;
	v30 =	vmin.f32 v19, $7.211538400e-02  }
0x56: {  	v27 =	vsub.f32 v29, v28;
	v29 =	vmin.f32 v21, $3.846153990e-02;
	(erf) = vrcp.f32 v25  }
0x57: {  	v31 =	vld [tilespmem:$0x0];
	v13 =	vnsel vm4, $0xBF800000, v13;
	v25 =	vmul.f32 v30, v29;
	v29 =	vadd.f32 $2.773668620e-03, v12  }
0x58: {  	vm2 =	vgt.f32 v14, v13;
	v30 =	vmin.f32 v19, $5.528846010e-02;
	(erf) = vrcp.f32 v27;
	v32 =	vpop (erf)  }
0x59: {  	v27 =	vmin.f32 v21, $7.932692020e-02;
	v29 =	vsub.f32 v29, v25;
	v15 =	vmul.f32 v32, v15  }
0x5a: {  	v33 =	vld [tilespmem:$0x80];
	v13 =	vsel vm2, v14, v13;
	v27 =	vmul.f32 v30, v27;
	v30 =	vadd.f32 $4.385863430e-03, v12;
	v14 =	vpop (erf)  }
0x5b: {  	vm1 =	vlt.u32 v20, $0x3;
	(erf) = vrcp.f32 v29;
	v14 =	vmul.f32 v14, v24  }
0x5c: {  	v29 =	vsub.f32 v30, v27;
	v24 =	vmul.f32 $1.300000000e+01, v31;
	v31 =	vld [tilespmem:$0x120];
	vm3 =	vgt.f32 v15, v13  }
0x5d: {  	v19 =	vmax.f32 v19, $9.999999960e-13;
	v12 =	vsub.f32 $2.000000000e+00, v12;
	v13 =	vsel vm3, v15, v13;
	v15 =	vpop (erf)  }
0x5e: {  	(erf) = vrcp.f32 v29;
	vm4 =	vgt.f32 v14, v13;
	v15 =	vmul.f32 v15, v26  }
0x5f: {  	v29 =	vtrunc.f32 v24;
	v26 =	vmul.f32 $1.300000000e+01, v33;
	v13 =	vsel vm4, v14, v13;
	v14 =	vpop (erf)  }
0x60: {  	v30 =	vsel vm2, $0x1, v4;
	v29 =	vcvt.f32.s32 v29;
	v14 =	vmul.f32 v14, v18  }
0x61: {  	v60 =	vmin.f32 v31, $1.490384640e-01;
	vm5 =	vgt.f32 v15, v13;
	v18 =	vtrunc.f32 v26  }
0x62: {  	v44 =	vmin.f32 v31, $2.403846200e-02;
	v13 =	vsel vm5, v15, v13;
	v50 =	vcvt.f32.s32 v18;
	v15 =	vpop (erf)  }
0x63: {  	v18 =	vsel vm3, $0x2, v30;
	vm2 =	vgt.f32 v14, v13;
	v15 =	vmul.f32 v15, v28  }
0x64: {  	v49 =	vld [tilespmem:$0x200];
	v46 =	vmin.f32 v31, $3.846153990e-02;
	v18 =	vsel vm4, $0x3, v18;
	v13 =	vsel vm2, v14, v13;
	v14 =	vpop (erf)  }
0x65: {  	v18 =	vsel vm5, $0x4, v18;
	v28 =	vld [tilespmem:$0x1A0];
	v14 =	vmul.f32 v14, v25;
	v25 =	vcvt.s32.f32 v29  }
0x66: {  	v52 =	vmul.u32 $0xD, v50;
	v30 =	vsel vm2, $0x5, v18;
	vm3 =	vgt.f32 v15, v13  }
0x67: {  	v13 =	vsel vm3, v15, v13;
	v18 =	vsub.f32 v24, v25;
	v24 =	vsel vm3, $0x6, v30;
	v15 =	vpop (erf)  }
0x68: {  	v25 =	vcvt.s32.f32 v50;
	vm5 =	vgt.f32 v14, v13;
	v15 =	vmul.f32 v15, v27  }
0x69: {  	v13 =	vsel vm5, v14, v13;
	v14 =	vtrunc.f32 v49;
	v24 =	vsel vm5, $0x7, v24  }
0x6a: {  	v27 =	vmin.f32 v31, $2.788461450e-01;
	v30 =	vmin.f32 v28, $2.163461600e-01;
	v53 =	vmin.f32 v28, $4.759615360e-01  }
0x6b: {  	v57 =	vmin.f32 v28, $7.836538550e-01;
	v58 =	vmin.f32 v28, $1.466346090e-01;
	v37 =	vmin.f32 v28, $1.081730800e-01  }
0x6c: {  	v38 =	vmin.f32 v28, $2.860576810e-01;
	v39 =	vmin.f32 v28, $3.125000000e-02;
	vm4 =	vgt.f32 v15, v13  }
0x6d: {  	v14 =	vcvt.f32.s32 v14;
	v15 =	vmul.f32 v28, v31;
	v13 =	vsel vm4, $0x8, v24  }
0x6e: {  	v30 =	vmul.f32 v30, v27;
	v24 =	vmul.u32 $0xD, v20;
	vm3 =	veq.s32 v13, $0x1  }
0x6f: {  	vm2 =	veq.s32 v13, $0x0;
	v27 =	vadd.f32 $6.032729140e-02, v15;
	v34 =	vsel vm3, $0x3EC00000, v2  }
0x70: {  	v24 =	vadd.s32 v50, v24;
	v35 =	vsel vm3, $0x3EF3B13B, v5;
	v34 =	vsel vm2, $0x3E8EC4EC, v34  }
0x71: {  	v35 =	vsel vm2, $0x3E5D89D9, v35;
	v27 =	vsub.f32 v27, v30;
	(erf) = vrcp.f32 v34  }
0x72: {  	v47 =	vmin.f32 v28, $7.211538400e-02;
	v51 =	vmul.u32 $0xD, v24;
	(erf) = vrcp.f32 v35  }
0x73: {  	v48 =	vmin.f32 v28, $5.528846010e-02;
	vm5 =	vgt.s32 v14, $0x0;
	(erf) = vrcp.f32 v27  }
0x74: {  	v14 =	vnsel vm5, $0x0, v14;
	v24 =	vsub.f32 v26, v25;
	v25 =	vadd.s32 v29, v51  }
0x75: {  	v26 =	vmax.f32 v16, $9.999999960e-13;
	v34 =	vmin.u32 v14, $0x4F;
	v14 =	vsel vm1, v25, v6  }
0x76: {  	v16 =	vmul.u32 $0x55, v20;
	v27 =	vmin.f32 v31, $3.750000000e-01;
	v25 =	vmul.u32 $0x50, v14  }
0x77: {  	v28 =	vmax.f32 v28, $9.999999960e-13;
	v55 =	vadd.f32 $1.784855720e-01, v15;
	v20 =	vld [tilespmem:$0x10];
	v36 =	vmul.f32 v53, v27  }
0x78: {  	v54 =	vadd.s32 v1, v16;
	v16 =	vadd.s32 v34, v25;
	v25 =	vadd.s32 v29, v52  }
0x79: {  	v27 =	vmul.f32 v23, v26;
	v23 =	vmul.u32 $0xA9, v54;
	v56 =	vsub.f32 v55, v36  }
0x7a: {  	v59 =	vadd.f32 $1.057461180e-02, v15;
	v61 =	vadd.f32 $1.612194810e-02, v15;
	vm3 =	vge.f32 v49, $0.0e+00;
	v26 =	vpop (erf)  }
0x7b: {  	v29 =	vmul.f32 v22, v17;
	v17 =	vadd.s32 v23, v25;
	(erf) = vrcp.f32 v56;
	v25 =	vpop (erf)  }
0x7c: {  	vm2 =	vlt.f32 v49, $8.000000000e+01;
	v35 =	vmul.f32 v37, v60;
	v23 =	vmul.f32 $1.300000000e+01, v20;
	v20 =	vpop (erf)  }
0x7d: {  	v22 =	vmin.f32 v31, $8.966346380e-01;
	v33 =	vnsel vm1, $0x0, v17;
	v17 =	vmul.f32 v20, v30  }
0x7e: {  	v20 =	vmul.f32 v57, v22;
	v22 =	vadd.f32 $7.026511430e-01, v15;
	v30 =	vmin.f32 v31, $7.211538400e-02  }
0x7f: {  	v45 =	vadd.f32 $7.512019370e-04, v15;
	vm2 =	vmand vm2, vm3;
	v30 =	vmul.f32 v58, v30  }
0x80: {  	v60 =	vmax.f32 v21, $9.999999960e-13;
	v62 =	vsub.f32 v61, v35;
	v22 =	vsub.f32 v22, v20  }
0x81: {  	v34 =	vmul.u32 $0xA9, v34;
	v41 =	vadd.s32 $0xA9, v33;
	v32 =	vsub.f32 v59, v30  }
0x82: {  	vm3 =	vgt.f32 v17, $-1.000000000e+00;
	(erf) = vrcp.f32 v22;
	v22 =	vmin.f32 v31, $1.418269280e-01  }
0x83: {  	(erf) = vrcp.f32 v32;
	v63 =	vmul.f32 v38, v22;
	v22 =	vadd.f32 $4.057068380e-02, v15  }
0x84: {  	v49 =	vtrunc.f32 v23;
	v40 =	vnsel vm3, $0xBF800000, v17;
	v17 =	vpop (erf);
	v38 =	vmul.f32 v39, v44  }
0x85: {  	v42 =	vld [tilespmem:$0x90];
	v34 =	vadd.s32 v33, v34;
	v36 =	vmul.f32 v17, v36;
	v17 =	vsub.f32 v22, v63  }
0x86: {  	v34 =	vadd.s32 $0x34D, v34;
	(erf) = vrcp.f32 v62;
	v22 =	vsub.f32 v45, v38  }
0x87: {  	v39 =	vmul.f32 v47, v46;
	(erf) = vrcp.f32 v17;
	v17 =	vadd.f32 $2.773668620e-03, v15  }
0x88: {  	v37 =	vmul.f32 v25, v19;
	(erf) = vrcp.f32 v22;
	v22 =	vmin.f32 v31, $7.932692020e-02  }
0x89: {  	v17 =	vsub.f32 v17, v39;
	v43 =	vmul.f32 v48, v22;
	v22 =	vadd.f32 $4.385863430e-03, v15  }
0x8a: {  	vm3 =	vgt.f32 v36, v40;
	v45 =	vmul.f32 $1.300000000e+01, v42;
	v42 =	vadd.s32 $0x152, v33  }
0x8b: {  	v44 =	vpop (erf);
	(erf) = vrcp.f32 v17;
	v22 =	vsub.f32 v22, v43;
	v17 =	vcvt.f32.s32 v49  }
0x8c: {  	v50 =	vsel vm3, v36, v40;
	v53 =	vtrunc.f32 v45;
	v44 =	vmul.f32 v44, v20;
	v51 =	vpop (erf);
	v20 =	vld [tilespmem:$0x210]  }
0x8d: {  	v54 =	vsel vm3, $0x1, v4;
	v30 =	vmul.f32 v51, v30;
	v52 =	vcvt.s32.f32 v17  }
0x8e: {  	v58 =	vld [tilespmem:$0x20];
	v15 =	vsub.f32 $2.000000000e+00, v15;
	(erf) = vrcp.f32 v22;
	vm4 =	vgt.f32 v44, v50  }
0x8f: {  	v22 =	vpop (erf);
	v40 =	vsel vm4, v44, v50;
	v32 =	vsub.f32 v23, v52;
	v36 =	vsel vm4, $0x2, v54  }
0x90: {  	vm5 =	vgt.f32 v30, v40;
	v35 =	vmul.f32 v22, v35;
	v22 =	vcvt.f32.s32 v53  }
0x91: {  	v23 =	vsel vm5, v30, v40;
	v30 =	vpop (erf);
	v56 =	vtrunc.f32 v20;
	v36 =	vsel vm5, $0x3, v36  }
0x92: {  	v59 =	vld [tilespmem:$0xA0];
	vm3 =	vgt.f32 v35, v23;
	v30 =	vmul.f32 v30, v63;
	v55 =	vcvt.s32.f32 v22  }
0x93: {  	v57 =	vpop (erf);
	v44 =	vcvt.f32.s32 v56;
	v63 =	vmul.f32 $1.300000000e+01, v58;
	v23 =	vsel vm3, v35, v23  }
0x94: {  	v38 =	vmul.f32 v57, v38;
	v21 =	vsel vm3, $0x4, v36;
	vm0 =	vgt.f32 v30, v23  }
0x95: {  	v48 =	vmul.u32 $0xD, v22;
	v23 =	vsel vm0, v30, v23;
	v62 =	vsel vm0, $0x5, v21;
	v21 =	vld [tilespmem:$0x1B0]  }
0x96: {  	v36 =	vmul.f32 v26, v60;
	v35 =	vsub.f32 v45, v55;
	v30 =	vpop (erf);
	vm5 =	vgt.f32 v38, v23  }
0x97: {  	v30 =	vmul.f32 v30, v39;
	v38 =	vsel vm5, v38, v23;
	v23 =	vld [tilespmem:$0x130];
	v39 =	vmul.f32 $1.300000000e+01, v59  }
0x98: {  	v46 =	vtrunc.f32 v63;
	v48 =	vadd.s32 v17, v48;
	v61 =	vpop (erf);
	v26 =	vsel vm5, $0x6, v62  }
0x99: {  	v43 =	vmul.f32 v61, v43;
	vm3 =	vgt.f32 v30, v38;
	v55 =	vtrunc.f32 v39  }
0x9a: {  	v30 =	vsel vm3, v30, v38;
	v26 =	vsel vm3, $0x7, v26;
	v51 =	vmin.f32 v21, $2.163461600e-01  }
0x9b: {  	v47 =	vmin.f32 v21, $4.759615360e-01;
	v49 =	vmin.f32 v21, $7.836538550e-01;
	vm3 =	vgt.f32 v43, v30  }
0x9c: {  	v30 =	vmul.u32 $0x55, v13;
	v25 =	vsel vm3, $0x8, v26;
	v19 =	vmul.f32 v21, v23  }
0x9d: {  	v50 =	vmin.f32 v23, $2.788461450e-01;
	v59 =	vmin.f32 v23, $8.966346380e-01;
	vm3 =	veq.s32 v25, $0x1  }
0x9e: {  	vm0 =	veq.s32 v25, $0x0;
	v43 =	vmul.f32 v51, v50;
	v26 =	vsel vm3, $0x3EC00000, v2  }
0x9f: {  	v30 =	vadd.s32 v1, v30;
	v52 =	vsel vm3, $0x3EF3B13B, v5;
	v26 =	vsel vm0, $0x3E8EC4EC, v26  }
0xa0: {  	v50 =	vmin.f32 v21, $1.466346090e-01;
	v45 =	vsel vm0, $0x3E5D89D9, v52;
	(erf) = vrcp.f32 v26  }
0xa1: {  	v53 =	vadd.f32 $6.032729140e-02, v19;
	v26 =	vmin.f32 v23, $3.750000000e-01;
	(erf) = vrcp.f32 v45  }
0xa2: {  	v54 =	vadd.f32 $1.784855720e-01, v19;
	v45 =	vmul.f32 v47, v26;
	v26 =	vcvt.f32.s32 v46  }
0xa3: {  	v51 =	vmax.f32 v31, $9.999999960e-13;
	v57 =	vmul.u32 $0xA9, v30;
	v40 =	vsub.f32 v53, v43  }
0xa4: {  	v30 =	vcvt.f32.s32 v55;
	v56 =	vsub.f32 v54, v45;
	v58 =	vcvt.s32.f32 v26  }
0xa5: {  	v60 =	vadd.f32 $7.026511430e-01, v19;
	v46 =	vmul.f32 v49, v59;
	(erf) = vrcp.f32 v40  }
0xa6: {  	(erf) = vrcp.f32 v56;
	v38 =	vsub.f32 v63, v58;
	v63 =	vmin.f32 v23, $7.211538400e-02  }
0xa7: {  	vm3 =	vgt.s32 v44, $0x0;
	v56 =	vadd.f32 $1.057461180e-02, v19;
	v49 =	vmul.f32 v50, v63  }
0xa8: {  	v31 =	vld [tilespmem:$0x220];
	v44 =	vnsel vm3, $0x0, v44;
	v61 =	vcvt.s32.f32 v30;
	v62 =	vsub.f32 v60, v46  }
0xa9: {  	v53 =	vmin.f32 v21, $1.081730800e-01;
	v47 =	vadd.s32 v57, v48;
	v50 =	vsub.f32 v56, v49  }
0xaa: {  	v59 =	vadd.f32 $1.612194810e-02, v19;
	v40 =	vsub.f32 v39, v61;
	v52 =	vpop (erf);
	(erf) = vrcp.f32 v62  }
0xab: {  	v58 =	vmin.f32 v23, $1.490384640e-01;
	v39 =	vmul.f32 v52, v51;
	v51 =	vpop (erf);
	(erf) = vrcp.f32 v50  }
0xac: {  	v61 =	vmin.f32 v21, $2.860576810e-01;
	v60 =	vmin.f32 v23, $1.418269280e-01;
	v48 =	vmul.f32 v53, v58  }
0xad: {  	[tilespmem:$0x400] =	vst v33;
	v63 =	vtrunc.f32 v31;
	v53 =	vadd.s32 $0x1FB, v33;
	v33 =	vadd.s32 $0x2A4, v33  }
0xae: {  	v62 =	vadd.f32 $4.057068380e-02, v19;
	v52 =	vsub.f32 v59, v48;
	v50 =	vmul.f32 v61, v60;
	v57 =	vpop (erf)  }
0xaf: {  	v59 =	vmin.f32 v23, $2.403846200e-02;
	v60 =	vmin.f32 v21, $3.125000000e-02;
	v43 =	vmul.f32 v57, v43;
	v54 =	vpop (erf)  }
0xb0: {  	v57 =	vsub.f32 v62, v50;
	v45 =	vmul.f32 v54, v45;
	v54 =	vcvt.f32.s32 v63  }
0xb1: {  	(erf) = vrcp.f32 v52;
	v62 =	vadd.f32 $7.512019370e-04, v19;
	vm0 =	vgt.f32 v43, $-1.000000000e+00  }
0xb2: {  	(erf) = vrcp.f32 v57;
	v43 =	vnsel vm0, $0xBF800000, v43;
	vm3 =	vgt.s32 v54, $0x0  }
0xb3: {  	v57 =	vmin.f32 v23, $3.846153990e-02;
	v58 =	vpop (erf);
	v54 =	vnsel vm3, $0x0, v54;
	vm3 =	vgt.f32 v45, v43  }
0xb4: {  	v46 =	vmul.f32 v58, v46;
	v43 =	vsel vm3, v45, v43;
	v61 =	vpop (erf);
	v45 =	vmul.f32 v60, v59  }
0xb5: {  	v58 =	vmin.f32 v21, $7.211538400e-02;
	v59 =	vadd.f32 $2.773668620e-03, v19;
	v63 =	vmul.f32 v61, v49  }
0xb6: {  	[tilespmem:$0x480] =	vst v41;
	v41 =	vmul.f32 v58, v57;
	v58 =	vsub.f32 $2.000000000e+00, v11;
	vm0 =	vgt.f32 v46, v43  }
0xb7: {  	v11 =	vsel vm3, $0x1, v4;
	v56 =	vsub.f32 v62, v45;
	v43 =	vsel vm0, v46, v43  }
0xb8: {  	vm3 =	vlt.u32 v13, $0x3;
	v62 =	vmin.f32 v23, $7.932692020e-02;
	vm4 =	vgt.f32 v63, v43  }
0xb9: {  	(erf) = vrcp.f32 v56;
	v43 =	vsel vm4, v63, v43;
	v63 =	vmin.f32 v21, $5.528846010e-02  }
0xba: {  	[tilespmem:$0xC00] =	vst v18;
	v61 =	vsub.f32 v59, v41;
	v56 =	vadd.f32 $4.385863430e-03, v19;
	v49 =	vmul.f32 v63, v62  }
0xbb: {  	[tilespmem:$0xC80] =	vst v24;
	v28 =	vmul.f32 v51, v28;
	v60 =	vpop (erf);
	v24 =	vnsel vm3, $0x0, v47;
	v47 =	vmul.u32 $0xD, v30  }
0xbc: {  	[tilespmem:$0x500] =	vst v42;
	v42 =	vmul.f32 v60, v48;
	(erf) = vrcp.f32 v61;
	v59 =	vsub.f32 v56, v49  }
0xbd: {  	[tilespmem:$0xD00] =	vst v27;
	v18 =	vsel vm0, $0x2, v11;
	v11 =	vmin.u32 v44, $0x4F;
	v27 =	vadd.s32 $0xA9, v24  }
0xbe: {  	[tilespmem:$0xD80] =	vst v29;
	v60 =	vadd.s32 $0x152, v24;
	v55 =	vpop (erf);
	v29 =	vmul.u32 $0xA9, v11;
	(erf) = vrcp.f32 v59  }
0xbf: {  	v57 =	vmul.f32 v55, v50;
	v18 =	vsel vm4, $0x3, v18;
	v61 =	vmul.u32 $0x55, v25  }
0xc0: {  	[tilespmem:$0x680] =	vst v34;
	vm4 =	vlt.u32 v25, $0x3;
	vm5 =	vgt.f32 v42, v43;
	v63 =	vadd.s32 $0x1FB, v24  }
0xc1: {  	[tilespmem:$0x410] =	vst v24;
	v29 =	vadd.s32 v24, v29;
	v24 =	vadd.s32 $0x2A4, v24;
	v42 =	vsel vm5, v42, v43  }
0xc2: {  	[tilespmem:$0x600] =	vst v33;
	v48 =	vld [tilespmem:$0xB0];
	v18 =	vsel vm5, $0x4, v18;
	v34 =	vadd.s32 v1, v61;
	v29 =	vadd.s32 $0x34D, v29;
	v62 =	vpop (erf)  }
0xc3: {  	[tilespmem:$0x490] =	vst v27;
	vm0 =	vgt.f32 v57, v42;
	v34 =	vmul.u32 $0xA9, v34;
	v27 =	vmul.f32 v62, v45  }
0xc4: {  	[tilespmem:$0x690] =	vst v29;
	v29 =	vmin.u32 v54, $0x4F;
	v33 =	vsel vm0, v57, v42;
	v42 =	vadd.s32 v26, v47  }
0xc5: {  	v50 =	vld [tilespmem:$0x30];
	[tilespmem:$0x610] =	vst v24;
	v18 =	vsel vm0, $0x5, v18;
	v24 =	vadd.s32 v34, v42;
	v51 =	vpop (erf);
	vm0 =	vgt.f32 v27, v33  }
0xc6: {  	v24 =	vnsel vm4, $0x0, v24;
	v27 =	vsel vm0, v27, v33;
	v33 =	vmul.f32 v51, v41  }
0xc7: {  	[tilespmem:$0x580] =	vst v53;
	v56 =	vmul.u32 $0xA9, v29;
	v57 =	vmul.f32 $1.300000000e+01, v48;
	v53 =	vadd.s32 $0xA9, v24;
	v52 =	vpop (erf)  }
0xc8: {  	[tilespmem:$0xF10] =	vst v12;
	v18 =	vsel vm0, $0x6, v18;
	vm0 =	vgt.f32 v33, v27;
	v41 =	vmul.f32 v52, v49  }
0xc9: {  	[tilespmem:$0xD90] =	vst v37;
	v54 =	vadd.s32 $0x152, v24;
	v55 =	vadd.s32 $0x1FB, v24;
	v27 =	vsel vm0, v33, v27  }
0xca: {  	[tilespmem:$0xF20] =	vst v15;
	v18 =	vsel vm0, $0x7, v18;
	vm0 =	vgt.f32 v41, v27;
	v27 =	vmul.f32 $1.300000000e+01, v50  }
0xcb: {  	[tilespmem:$0xF00] =	vst v58;
	v12 =	vadd.s32 v24, v56;
	v58 =	vsel vm0, $0x8, v18;
	v18 =	vtrunc.f32 v57  }
0xcc: {  	[tilespmem:$0x510] =	vst v60;
	v34 =	vtrunc.f32 v27;
	v60 =	vcvt.f32.s32 v18;
	vm5 =	veq.s32 v58, $0x1  }
0xcd: {  	[tilespmem:$0x590] =	vst v63;
	vm0 =	veq.s32 v58, $0x0;
	v63 =	vmul.u32 $0x55, v58;
	v18 =	vsel vm5, $0x3EC00000, v2  }
0xce: {  	v59 =	vld [tilespmem:$0x230];
	[tilespmem:$0x420] =	vst v24;
	v24 =	vadd.s32 $0x2A4, v24;
	v34 =	vcvt.f32.s32 v34;
	v18 =	vsel vm0, $0x3E8EC4EC, v18  }
0xcf: {  	[tilespmem:$0x620] =	vst v24;
	v24 =	vadd.s32 v1, v63;
	(erf) = vrcp.f32 v18;
	v18 =	vmul.u32 $0xD, v60  }
0xd0: {  	[tilespmem:$0xC10] =	vst v32;
	v24 =	vmul.u32 $0xA9, v24  }
0xd1: {  	vm1 =	vmand vm2, vm1;
	[tilespmem:$0xD10] =	vst v36;
	v13 =	vmul.u32 $0xD, v13;
	v18 =	vadd.s32 v34, v18  }
0xd2: {  	[tilespmem:$0xC90] =	vst v35;
	v12 =	vadd.s32 $0x34D, v12;
	v24 =	vadd.s32 v24, v18;
	v18 =	vsel vm1, v16, v6;
	v16 =	vld [tilespmem:$0x1FFF0]  }
0xd3: {  	[tilespmem:$0x6A0] =	vst v12;
	v12 =	vtrunc.f32 v59  }
0xd4: {  	[tilespmem:$0xCA0] =	vst v40;
	v13 =	vadd.s32 v22, v13;
	v12 =	vcvt.f32.s32 v12  }
0xd5: {  	[tilespmem:$0xC20] =	vst v38;
	v13 =	vmul.u32 $0xD, v13;
	v61 =	vsel vm5, $0x3EF3B13B, v5  }
0xd6: {  	[tilespmem:$0xD20] =	vst v39;
	v21 =	vmax.f32 v21, $9.999999960e-13;
	vm2 =	vgt.s32 v12, $0x0;
	v62 =	vsel vm0, $0x3E5D89D9, v61  }
0xd7: {  	[tilespmem:$0xDA0] =	vst v28;
	(erf) = vrcp.f32 v62;
	vm1 =	vlt.u32 v58, $0x3;
	vm0 =	vnez.u8 v16  }
0xd8: {  	v13 =	vadd.s32 v17, v13;
	[tilespmem:$0x4A0] =	vst v53;
	v12 =	vnsel vm2, $0x0, v12;
	vm1 =	vmand vm1, vm0  }
0xd9: {  	[tilespmem:$0x520] =	vst v54;
	vm2 =	vge.f32 v20, $0.0e+00;
	v12 =	vmin.u32 v12, $0x4F;
	v15 =	vnsel vm1, $0x0, v24  }
0xda: {  	vm5 =	vlt.f32 v20, $8.000000000e+01;
	v20 =	vcvt.s32.f32 v34;
	[tilespmem:$0x430] =	vst v15;
	v16 =	vadd.s32 $0xA9, v15  }
0xdb: {  	v22 =	vmul.u32 $0xA9, v12;
	v17 =	vcvt.s32.f32 v60;
	[tilespmem:$0x4B0] =	vst v16;
	v16 =	vadd.s32 $0x152, v15  }
0xdc: {  	vm2 =	vmand vm5, vm2;
	v20 =	vsub.f32 v27, v20;
	[tilespmem:$0x530] =	vst v16;
	v16 =	vadd.s32 $0x1FB, v15  }
0xdd: {  	vm5 =	vge.f32 v59, $0.0e+00;
	vm2 =	vmand vm2, vm3;
	[tilespmem:$0x5B0] =	vst v16;
	v16 =	vadd.s32 $0x2A4, v15  }
0xde: {  	v17 =	vsub.f32 v57, v17;
	v15 =	vadd.s32 v15, v22;
	[tilespmem:$0x630] =	vst v16;
	v16 =	vmax.f32 v23, $9.999999960e-13  }
0xdf: {  	[tilespmem:$0xC30] =	vst v20;
	v22 =	vpop (erf);
	v15 =	vadd.s32 $0x34D, v15;
	v23 =	vsel vm3, v13, v7;
	v13 =	vmul.u32 $0xD, v58  }
0xe0: {  	v20 =	vpop (erf);
	v16 =	vmul.f32 v22, v16;
	[tilespmem:$0x6B0] =	vst v15;
	v15 =	vmul.u32 $0xD, v25;
	v22 =	vmul.u32 $0x50, v23  }
0xe1: {  	[tilespmem:$0x5A0] =	vst v55;
	vm3 =	vge.f32 v31, $0.0e+00;
	v20 =	vmul.f32 v20, v21;
	v13 =	vadd.s32 v60, v13  }
0xe2: {  	v15 =	vadd.s32 v30, v15;
	[tilespmem:$0xD30] =	vst v16;
	v16 =	vsub.f32 $2.000000000e+00, v19;
	v11 =	vadd.s32 v11, v22  }
0xe3: {  	[tilespmem:$0xCB0] =	vst v17;
	v13 =	vmul.u32 $0xD, v13;
	v22 =	vsel vm2, v11, v7;
	vm2 =	vlt.f32 v31, $8.000000000e+01  }
0xe4: {  	[tilespmem:$0xDB0] =	vst v20;
	v15 =	vmul.u32 $0xD, v15;
	v31 =	vmov s1;
	vm2 =	vmand vm2, vm3  }
0xe5: {  	[tilespmem:$0xF30] =	vst v16;
	vm3 =	vlt.f32 v59, $8.000000000e+01;
	v27 =	vperm.xlane v18, v31;
	vm8 =	vgt.u32 v31, v0  }
0xe6: {  	v11 =	vadd.s32 v26, v15;
	[tilespmem:s14], [sflag:$0x1] =	stream.indirect.gather [hbm4b:s3+s12], $0x1, s13, s12, $0xb8;
	vm2 =	vmand vm2, vm4;
	vm3 =	vmand vm3, vm5;
	[tilespmem:$0x1000] =	vst v63  }
0xe7: {  	vm5 =	vgt.s32 v23, $0xFFFFFFFF;
	v26 =	vsel vm4, v11, v8;
	v11 =	vadd.s32 v34, v13  }
0xe8: {  	vm4 =	vgt.s32 v14, $0xFFFFFFFF;
	v28 =	vsel vm5, $0x1, v4;
	v13 =	vmul.u32 $0x50, v26;
	[tilespmem:s16], [sflag:$0x1] =	stream.indirect.gather [hbm4b:s3+s12], $0x1, s15, s12, $0xb8;
	[tilespmem:$0x1000] =	vst v63  }
0xe9: {  	v17 =	vsel vm1, v11, v9;
	v30 =	vsel vm4, $0x1, v4;
	vm4 =	vgt.s32 v26, $0xFFFFFFFF  }
0xea: {  	vm1 =	vmand vm3, vm1;
	v11 =	vmul.u32 $0x50, v17;
	v24 =	vsel vm4, $0x1, v4;
	[tilespmem:s18], [sflag:$0x1] =	stream.indirect.gather [hbm4b:s3+s12], $0x1, s17, s12, $0xb8;
	[tilespmem:$0x1000] =	vst v63  }
0xeb: {  	vm5 =	vgt.s32 v17, $0xFFFFFFFF;
	vm4 =	vgt.s32 v18, $0xFFFFFFFF;
	v13 =	vadd.s32 v29, v13  }
0xec: {  	v19 =	vsel vm5, $0x1, v4;
	v29 =	vsel vm4, $0x1, v4;
	vm5 =	vgt.s32 v22, $0xFFFFFFFF;
	[tilespmem:s20], [sflag:$0x1] =	stream.indirect.gather [hbm4b:s3+s12], $0x1, s19, s12, $0xb8;
	[tilespmem:$0x1000] =	vst v63  }
0xed: {  	v20 =	vsel vm2, v13, v8;
	v11 =	vadd.s32 v12, v11;
	v25 =	vsel vm5, $0x1, v4  }
0xee: {  	v13 =	vor.u32 $0x10, v0;
	v12 =	vor.u32 $0x20, v0;
	v15 =	vsel vm1, v11, v9;
	[tilespmem:s22], [sflag:$0x1] =	stream.indirect.gather [hbm4b:s3+s12], $0x1, s21, s12, $0xb8;
	[tilespmem:$0x1000] =	vst v63  }
0xef: {  	s29 =	simm.s32 $0x1;
	vm4 =	vgt.s32 v20, $0xFFFFFFFF;
	v11 =	vor.u32 $0x30, v0;
	vm5 =	vgt.s32 v15, $0xFFFFFFFF  }
0xf0: {  	v21 =	vsel vm4, $0x1, v4;
	vm15 =	vgt.u32 v31, v11;
	v16 =	vsel vm5, $0x1, v4;
	[tilespmem:s24], [sflag:$0x1] =	stream.indirect.gather [hbm4b:s3+s12], $0x1, s23, s12, $0xb8;
	[tilespmem:$0x1000] =	vst v63  }
.LBB2_2:
0xf1: {  	v32 =	vimm.s32 $0x0;
	v33 =	vperm.xlane v20, v31  }
0xf2: {  	v63 =	vor.u32 $0x10, v31;
	v34 =	vperm.xlane v15, v31;
	v35 =	vperm.xlane v22, v31  }
0xf3: {  	v36 =	vimm.s32 $0x0;
	v43 =	vor.u32 $0x20, v31;
	vm0 =	vmmov vm8  }
0xf4: {  	v37 =	vimm.s32 $0x0;
	v44 =	vperm.xlane v26, v31;
	v38 =	vperm.xlane v23, v31  }
0xf5: {  	v39 =	vperm.xlane v17, v31;
	vm1 =	vgt.u32 v63, v11;
	vm4 =	vgt.u32 v43, v11  }
0xf6: {  	v37 =	vsel vm8, $0xFFFFFFFF, v37;
	vm5 =	veq.s32 v15, v33;
	vm6 =	veq.s32 v15, v34  }
0xf7: {  	vm7 =	veq.s32 v15, v35;
	vm5 =	vmand vm4, vm5;
	vm6 =	vmand vm8, vm6  }
0xf8: {  	vm8 =	veq.s32 v15, v27;
	vm7 =	vmand vm1, vm7;
	vm5 =	vmor vm6, vm5  }
0xf9: {  	v45 =	vperm.xlane v14, v31;
	vm6 =	vmand vm15, vm8;
	vm5 =	vmor vm5, vm7  }
0xfa: {  	v40 =	vimm.s32 $0x0;
	v46 =	vimm.s32 $0x0;
	vm5 =	vmor vm5, vm6  }
0xfb: {  	vm6 =	veq.s32 v26, v44;
	v16 =	vsel vm5, $0x0, v16;
	vm5 =	vgt.u32 v43, v12  }
0xfc: {  	v47 =	vimm.s32 $0x0;
	v36 =	vsel vm1, $0xFFFFFFFF, v36;
	vm1 =	vmand vm5, vm6  }
0xfd: {  	v48 =	vimm.s32 $0x0;
	vm7 =	veq.s32 v20, v33;
	v40 =	vsel vm1, $0xFFFFFFFF, v40  }
0xfe: {  	v49 =	vimm.s32 $0x0;
	v50 =	vimm.s32 $0x0;
	vm5 =	vmand vm5, vm7;
	[tilespmem:$0x1FEE0] =	vst v40  }
0xff: {  	v52 =	vimm.s32 $0x0;
	v54 =	vimm.s32 $0x0;
	v40 =	vsel vm5, $0xFFFFFFFF, v46;
	v51 =	vld [tilespmem:$0x1FEE0]  }
0x100: {  	v56 =	vimm.s32 $0x0;
	v57 =	vimm.s32 $0x0;
	vm5 =	veq.s32 v23, v38;
	[tilespmem:$0x1FEF0] =	vst v40  }
0x101: {  	v60 =	vimm.s32 $0x0;
	vm8 =	veq.s32 v17, v44;
	v40 =	vsel vm5, $0xFFFFFFFF, v47;
	v53 =	vld [tilespmem:$0x1FEF0]  }
0x102: {  	v62 =	vimm.s32 $0x0;
	vm9 =	veq.s32 v17, v39;
	vm4 =	vmand vm4, vm8;
	[tilespmem:$0x1FF00] =	vst v40  }
0x103: {  	v32 =	vsel vm15, $0xFFFFFFFF, v32;
	vm0 =	vmand vm0, vm9;
	v40 =	vsel vm4, $0xFFFFFFFF, v48;
	v55 =	vld [tilespmem:$0x1FF00]  }
0x104: {  	vm3 =	veq.s32 v26, v39;
	[tilespmem:$0x1FF10] =	vst v40;
	v40 =	vsel vm0, $0xFFFFFFFF, v49;
	vm9 =	vnez.u8 v51  }
0x105: {  	vm10 =	veq.s32 v26, v38;
	vm2 =	veq.s32 v20, v34;
	[tilespmem:$0x1FF20] =	vst v40;
	v58 =	vld [tilespmem:$0x1FF10];
	vm3 =	vmor vm3, vm9  }
0x106: {  	[tilespmem:$0x1FFD0] =	vst v32;
	vm5 =	veq.s32 v22, v33;
	v59 =	vld [tilespmem:$0x1FF20];
	v32 =	vsel vm3, $0xFFFFFFFF, v52;
	vm3 =	vnez.u8 v53  }
0x107: {  	vm14 =	veq.s32 v18, v33;
	[tilespmem:$0x1FF30] =	vst v36;
	v33 =	vsel vm5, $0xFFFFFFFF, v50;
	vm2 =	vmor vm2, vm3  }
0x108: {  	v61 =	vld [tilespmem:$0x1FF30];
	vm0 =	vgt.u32 v63, v13;
	[tilespmem:$0x1FF50] =	vst v32;
	v32 =	vsel vm2, $0xFFFFFFFF, v54;
	vm2 =	vnez.u8 v55  }
0x109: {  	vm12 =	veq.s32 v17, v38;
	vm8 =	veq.s32 v22, v35;
	[tilespmem:$0x1FF40] =	vst v33;
	vm2 =	vmand vm0, vm2  }
0x10a: {  	vm1 =	vgt.u32 v63, v12;
	v63 =	vld [tilespmem:$0x1FF40];
	[tilespmem:$0x1FF60] =	vst v32;
	vm0 =	vmand vm0, vm8;
	v32 =	vsel vm2, $0xFFFFFFFF, v56  }
0x10b: {  	vm2 =	vnez.u8 v59;
	[tilespmem:$0x1FF90] =	vst v32;
	v32 =	vsel vm0, $0xFFFFFFFF, v57;
	vm0 =	vnez.u8 v58  }
0x10c: {  	vm7 =	veq.s32 v22, v34;
	vm4 =	veq.s32 v18, v34;
	vm0 =	vmor vm2, vm0  }
0x10d: {  	vm4 =	vmor vm4, vm14;
	[tilespmem:$0x1FFB0] =	vst v32;
	v32 =	vsel vm0, $0xFFFFFFFF, v60;
	vm0 =	vnez.u8 v61  }
0x10e: {  	vm14 =	veq.s32 v22, v27;
	vm9 =	vmand vm1, vm10;
	vm10 =	vmand vm0, vm12  }
0x10f: {  	[tilespmem:$0x1FF70] =	vst v32;
	v32 =	vsel vm4, $0xFFFFFFFF, v62;
	vm12 =	veq.s32 v18, v27;
	vm4 =	vnez.u8 v63  }
0x110: {  	vm7 =	vmor vm7, vm4;
	vm4 =	veq.s32 v20, v27;
	v27 =	vimm.s32 $0x0  }
0x111: {  	v27 =	vsel vm4, $0xFFFFFFFF, v27  }
0x112: {  	vm4 =	veq.s32 v17, v45;
	[tilespmem:$0x1FFC0] =	vst v27;
	v27 =	vimm.s32 $0x0  }
0x113: {  	v27 =	vsel vm4, $0xFFFFFFFF, v27  }
0x114: {  	[tilespmem:$0x1FFE0] =	vst v27;
	v27 =	vld [tilespmem:$0x1FF50];
	_ =	sdelay $0x4  }
0x115: {  	vm4 =	vnez.u8 v27;
	v27 =	vld [tilespmem:$0x1FF60];
	_ =	sdelay $0x4  }
0x116: {  	vm9 =	vmor vm4, vm9;
	vm4 =	vnez.u8 v27;
	v27 =	vld [tilespmem:$0x1FF70];
	_ =	sdelay $0x2  }
0x117: {  	vm11 =	veq.s32 v20, v35  }
0x118: {  	vm8 =	vmand vm1, vm11;
	[tilespmem:$0x1FF80] =	vst v32  }
0x119: {  	vm8 =	vmor vm4, vm8;
	vm4 =	vnez.u8 v27;
	v27 =	vld [tilespmem:$0x1FF80];
	_ =	sdelay $0x4  }
0x11a: {  	vm10 =	vmor vm4, vm10;
	vm4 =	vnez.u8 v27;
	v27 =	vld [tilespmem:$0x1FF90];
	_ =	sdelay $0x3  }
0x11b: {  	[tilespmem:$0x1FFA0] =	vst v37;
	vm2 =	veq.s32 v18, v35  }
0x11c: {  	vm2 =	vmor vm4, vm2;
	vm4 =	vnez.u8 v27;
	v27 =	vld [tilespmem:$0x1FFA0];
	_ =	sdelay $0x2  }
0x11d: {  	vm13 =	veq.s32 v14, v44;
	vm6 =	veq.s32 v14, v39  }
0x11e: {  	vm6 =	vmor vm6, vm13;
	vm3 =	veq.s32 v14, v38  }
0x11f: {  	vm3 =	vmor vm6, vm3;
	vm6 =	vnez.u8 v27;
	v27 =	vld [tilespmem:$0x1FFB0];
	_ =	sdelay $0x2  }
0x120: {  	vm15 =	veq.s32 v23, v44;
	vm5 =	veq.s32 v23, v39  }
0x121: {  	vm5 =	vmor vm5, vm15;
	vm11 =	veq.s32 v14, v45  }
0x122: {  	vm4 =	vmor vm5, vm4;
	vm5 =	vmand vm6, vm11;
	vm11 =	vnez.u8 v27;
	v27 =	vld [tilespmem:$0x1FFC0];
	_ =	sdelay $0x3  }
0x123: {  	vm13 =	veq.s32 v23, v45;
	vm0 =	vgt.u32 v31, v13  }
0x124: {  	vm7 =	vmor vm7, vm11;
	vm11 =	vmand vm0, vm13;
	vm13 =	vnez.u8 v27;
	v27 =	vld [tilespmem:$0x1FFD0];
	_ =	sdelay $0x3  }
0x125: {  	vm15 =	veq.s32 v26, v45;
	vm1 =	vgt.u32 v31, v12;
	vm6 =	vmand vm6, vm12  }
0x126: {  	vm12 =	vmand vm1, vm15;
	vm1 =	vmand vm1, vm13;
	vm13 =	vnez.u8 v27;
	v27 =	vld [tilespmem:$0x1FFE0]  }
0x127: {  	v31 =	vmov s29  }
0x128: {  	vm15 =	vgt.u32 v31, v11;
	vm9 =	vmor vm9, vm12  }
0x129: {  	p0 =	sne.s32 s29, $0xF;
	vm3 =	vmor vm3, vm5;
	vm2 =	vmor vm2, vm6;
	v24 =	vsel vm9, $0x0, v24  }
.Ltmp0:
0x12a: {  	v30 =	vsel vm3, $0x0, v30;
	v29 =	vsel vm2, $0x0, v29;
	vm0 =	vmand vm0, vm14;
	(pc) =	sbr.rel @p0 .LBB2_2-.Ltmp0, $4  }
0x12b: {  	vm4 =	vmor vm4, vm11;
	vm0 =	vmor vm7, vm0;
	vm14 =	vnez.u8 v27  }
0x12c: {  	v28 =	vsel vm4, $0x0, v28;
	v25 =	vsel vm0, $0x0, v25;
	vm13 =	vmand vm13, vm14  }
0x12d: {  	vm1 =	vmor vm8, vm1;
	vm8 =	vgt.u32 v31, v0;
	vm5 =	vmor vm10, vm13  }
0x12e: {  	s29 =	sadd.s32 $0x1, s29;
	v21 =	vsel vm1, $0x0, v21;
	v27 =	vperm.xlane v18, v31;
	v19 =	vsel vm5, $0x0, v19  }
0x12f: {  	v35 =	vor.u32 $0x10, v31  }
0x130: {  	v34 =	vperm.xlane v20, v31;
	v33 =	vperm.xlane v15, v31;
	v36 =	vor.u32 $0x20, v31  }
0x131: {  	v37 =	vperm.xlane v26, v31;
	v32 =	vperm.xlane v22, v31;
	v38 =	vimm.s32 $0x0  }
0x132: {  	v48 =	vperm.xlane v17, v31;
	v39 =	vperm.xlane v23, v31;
	vm3 =	vgt.u32 v36, v11  }
0x133: {  	v49 =	vperm.xlane v14, v31;
	vm2 =	vgt.u32 v36, v12;
	v38 =	vsel vm3, $0xFFFFFFFF, v38  }
0x134: {  	vm0 =	veq.s32 v26, v37;
	vm1 =	veq.s32 v20, v34;
	vm4 =	veq.s32 v17, v37  }
0x135: {  	vm5 =	veq.s32 v17, v48;
	vm6 =	veq.s32 v22, v32;
	vm9 =	veq.s32 v20, v32  }
0x136: {  	vm10 =	veq.s32 v14, v37;
	vm11 =	veq.s32 v18, v34;
	vm12 =	veq.s32 v23, v37  }
0x137: {  	vm13 =	veq.s32 v20, v33;
	vm14 =	veq.s32 v14, v48;
	vm0 =	vmand vm2, vm0  }
0x138: {  	vm1 =	vmand vm2, vm1;
	vm2 =	veq.s32 v23, v39;
	vm4 =	vmand vm3, vm4  }
0x139: {  	vm7 =	vmand vm8, vm5;
	vm3 =	vmmov vm8;
	vm5 =	veq.s32 v26, v48  }
0x13a: {  	vm8 =	veq.s32 v26, v39;
	vm10 =	vmor vm14, vm10;
	vm0 =	vmor vm5, vm0  }
0x13b: {  	vm5 =	vmor vm13, vm1;
	vm1 =	vgt.u32 v35, v13;
	vm4 =	vmor vm7, vm4  }
0x13c: {  	vm7 =	veq.s32 v18, v33;
	vm13 =	veq.s32 v14, v39;
	vm2 =	vmand vm1, vm2  }
0x13d: {  	vm6 =	vmand vm1, vm6;
	vm1 =	vgt.u32 v35, v12;
	vm7 =	vmor vm7, vm11  }
0x13e: {  	vm11 =	veq.s32 v14, v49;
	vm10 =	vmor vm10, vm13;
	vm8 =	vmand vm1, vm8  }
0x13f: {  	vm1 =	vmand vm1, vm9;
	vm9 =	veq.s32 v23, v48;
	vm11 =	vmand vm3, vm11  }
0x140: {  	v50 =	vld [tilespmem:$0xC80];
	vm9 =	vmor vm9, vm12;
	vm12 =	veq.s32 v22, v34;
	vm10 =	vmor vm10, vm11  }
0x141: {  	v14 =	vld [tilespmem:$0xC00];
	vm11 =	veq.s32 v22, v33;
	vm8 =	vmor vm0, vm8;
	vm5 =	vmor vm5, vm1  }
0x142: {  	v51 =	vld [tilespmem:$0xF00];
	vm1 =	veq.s32 v26, v49;
	vm11 =	vmor vm11, vm12;
	vm12 =	veq.s32 v18, v27  }
0x143: {  	v30 =	vsel vm10, $0x0, v30;
	vm10 =	veq.s32 v18, v32;
	v18 =	vld [tilespmem:$0xD00];
	vm2 =	vmor vm9, vm2  }
0x144: {  	vm9 =	vgt.u32 v31, v13;
	vm0 =	veq.s32 v30, $0x0;
	vm7 =	vmor vm7, vm10;
	v30 =	vld [tilespmem:$0xD80]  }
0x145: {  	vm10 =	veq.s32 v23, v49;
	vm12 =	vmand vm3, vm12;
	v23 =	vsel vm0, $0x0, v10  }
0x146: {  	vm10 =	vmand vm9, vm10;
	vm7 =	vmor vm7, vm12;
	v14 =	vmul.f32 v14, v23  }
0x147: {  	v26 =	vld [tilespmem:$0xC90];
	v37 =	vmul.f32 v50, v23;
	vm2 =	vmor vm2, vm10;
	v29 =	vsel vm7, $0x0, v29;
	[tilespmem:$0xE00] =	vst v23  }
0x148: {  	vm7 =	vgt.u32 v31, v12;
	v23 =	vmul.f32 v51, v23;
	[tilespmem:$0xC00] =	vst v14;
	v18 =	vsel vm0, $0x3F800000, v18  }
0x149: {  	v28 =	vsel vm2, $0x0, v28;
	vm1 =	vmand vm7, vm1;
	v14 =	vld [tilespmem:$0xC10];
	[tilespmem:$0xD00] =	vst v18;
	v18 =	vsel vm0, $0x3F800000, v30  }
0x14a: {  	vm10 =	veq.s32 v28, $0x0;
	vm0 =	vmor vm11, vm6;
	vm6 =	veq.s32 v29, $0x0;
	[tilespmem:$0xD80] =	vst v18;
	v18 =	vld [tilespmem:$0xD10]  }
0x14b: {  	v29 =	vsel vm10, $0x0, v10;
	v28 =	vsel vm6, $0x0, v10;
	vm6 =	veq.s32 v22, v27  }
0x14c: {  	[tilespmem:$0x1FED0] =	vst v38;
	vm1 =	vmor vm8, vm1;
	v22 =	vmul.f32 v26, v29;
	vm2 =	vmand vm9, vm6  }
0x14d: {  	[tilespmem:$0xF00] =	vst v23;
	v23 =	vld [tilespmem:$0xF10];
	v24 =	vsel vm1, $0x0, v24;
	vm0 =	vmor vm0, vm2  }
0x14e: {  	vm6 =	vgt.u32 v35, v11;
	[tilespmem:$0xC90] =	vst v22;
	v22 =	vld [tilespmem:$0xCA0];
	v14 =	vmul.f32 v14, v29;
	v25 =	vsel vm0, $0x0, v25  }
0x14f: {  	[tilespmem:$0xC80] =	vst v37;
	vm0 =	veq.s32 v17, v39;
	vm1 =	veq.s32 v25, $0x0;
	v18 =	vsel vm10, $0x3F800000, v18  }
0x150: {  	vm0 =	vmand vm6, vm0;
	[tilespmem:$0xD10] =	vst v18;
	v18 =	vsel vm1, $0x0, v10;
	vm1 =	veq.s32 v24, $0x0;
	v24 =	vld [tilespmem:$0xD20]  }
0x151: {  	[tilespmem:$0xC10] =	vst v14;
	v14 =	vld [tilespmem:$0xC20];
	vm0 =	vmor vm4, vm0  }
0x152: {  	v30 =	vld [tilespmem:$0xD90];
	[tilespmem:$0xE10] =	vst v29;
	vm4 =	veq.s32 v20, v27;
	v20 =	vmul.f32 v23, v29;
	v23 =	vsel vm1, $0x0, v10  }
0x153: {  	[tilespmem:$0xE80] =	vst v28;
	vm2 =	vmand vm7, vm4;
	vm4 =	veq.s32 v17, v49;
	v17 =	vmul.f32 v22, v23  }
0x154: {  	v25 =	vld [tilespmem:$0xDA0];
	[tilespmem:$0xE90] =	vst v18  }
0x155: {  	v18 =	vld [tilespmem:$0xF20];
	[tilespmem:$0xCA0] =	vst v17;
	v17 =	vsel vm1, $0x3F800000, v24  }
0x156: {  	vm13 =	vmmov vm3;
	vm4 =	vmand vm15, vm4;
	v14 =	vmul.f32 v14, v23;
	[tilespmem:$0xD20] =	vst v17;
	v17 =	vld [tilespmem:$0x1FED0]  }
0x157: {  	v26 =	vsel vm10, $0x3F800000, v30;
	vm2 =	vmor vm5, vm2;
	[tilespmem:$0xF10] =	vst v20;
	vm0 =	vmor vm0, vm4  }
0x158: {  	v20 =	vsel vm2, $0x0, v21;
	vm2 =	veq.s32 v15, v34;
	vm4 =	veq.s32 v15, v27;
	[tilespmem:$0xC20] =	vst v14;
	v14 =	vld [tilespmem:$0xC30]  }
0x159: {  	[tilespmem:$0xD90] =	vst v26;
	v21 =	vld [tilespmem:$0xCB0];
	v19 =	vsel vm0, $0x0, v19;
	vm0 =	veq.s32 v15, v33;
	v22 =	vsel vm1, $0x3F800000, v25  }
0x15a: {  	[tilespmem:$0xE20] =	vst v23;
	vm0 =	vmand vm13, vm0;
	vm1 =	veq.s32 v20, $0x0;
	v18 =	vmul.f32 v18, v23  }
0x15b: {  	[tilespmem:$0xDA0] =	vst v22;
	vm7 =	vnez.u8 v17;
	v17 =	vsel vm1, $0x0, v10;
	vm1 =	veq.s32 v19, $0x0;
	v19 =	vld [tilespmem:$0xD30]  }
0x15c: {  	v22 =	vld [tilespmem:$0xDB0];
	[tilespmem:$0xF20] =	vst v18;
	vm2 =	vmand vm7, vm2;
	vm7 =	veq.s32 v15, v32;
	v20 =	vsel vm1, $0x0, v10  }
0x15d: {  	[tilespmem:$0xEA0] =	vst v17;
	v17 =	vld [tilespmem:$0xF30];
	vm3 =	vmand vm6, vm7;
	v14 =	vmul.f32 v14, v20;
	vm0 =	vmor vm0, vm2  }
0x15e: {  	v15 =	vmul.f32 v21, v20;
	vm2 =	vmand vm15, vm4;
	[tilespmem:$0xE30] =	vst v20;
	vm0 =	vmor vm0, vm3  }
0x15f: {  	[tilespmem:$0xC30] =	vst v14;
	vm0 =	vmor vm0, vm2  }
0x160: {  	[tilespmem:$0xCB0] =	vst v15;
	v14 =	vsel vm1, $0x3F800000, v19;
	v15 =	vsel vm0, $0x0, v16  }
0x161: {  	[tilespmem:$0xD30] =	vst v14;
	v14 =	vsel vm1, $0x3F800000, v22;
	vm0 =	veq.s32 v15, $0x0  }
0x162: {  	v15 =	vmul.f32 v17, v20;
	[tilespmem:$0xDB0] =	vst v14;
	v14 =	vsel vm0, $0x0, v10  }
0x163: {  	[tilespmem:$0xEB0] =	vst v14  }
0x164: {  	[tilespmem:$0xF30] =	vst v15  }
0x165: {  	_ =	swait.ge [sflag:s25], $0x40  }
0x166: {  	[sflag:s25] =	ssyncset.done $0x0  }
0x167: {  	[sflag:s25] =	ssyncadd.s32 $0xFFFFFFC0  }
0x168: {  	_ =	swait.ge [sflag:s25], $0x40  }
0x169: {  	[sflag:s25] =	ssyncset.done $0x0  }
0x16a: {  	[sflag:s25] =	ssyncadd.s32 $0xFFFFFFC0  }
0x16b: {  	_ =	swait.ge [sflag:s25], $0x40  }
0x16c: {  	[sflag:s25] =	ssyncset.done $0x0  }
0x16d: {  	[sflag:s25] =	ssyncadd.s32 $0xFFFFFFC0  }
0x16e: {  	_ =	swait.ge [sflag:s25], $0x40  }
0x16f: {  	[sflag:s25] =	ssyncset.done $0x0  }
0x170: {  	[sflag:s25] =	ssyncadd.s32 $0xFFFFFFC0  }
0x171: {  	_ =	swait.ge [sflag:s25], $0x40  }
0x172: {  	[sflag:s25] =	ssyncset.done $0x0  }
0x173: {  	[sflag:s25] =	ssyncadd.s32 $0xFFFFFFC0  }
0x174: {  	_ =	swait.ge [sflag:s25], $0x40  }
0x175: {  	[sflag:s25] =	ssyncset.done $0x0  }
0x176: {  	s29 =	simm.s32 $0x0;
	[sflag:s25] =	ssyncadd.s32 $0xFFFFFFC0  }
0x177: {  	[hbm4b:s5+s29] =	stream.linear.scatter [tilespmem:s26], [sflag:$0x2], $0x380, $0x38;
	[tilespmem:$0x1000] =	vst v63  }
0x178: {  	_ =	swait.ge [sflag:s11], $0x380  }
0x179: {  	[sflag:s11] =	ssyncset.done $0x0  }
0x17a: {  	[sflag:s11] =	ssyncadd.s32 $0xFFFFFC80  }
0x17b: {  	[hbm4b:s6+s29] =	stream.linear.scatter [tilespmem:s14], [sflag:$0x2], $0x300, $0x38;
	[tilespmem:$0x1000] =	vst v63  }
0x17c: {  	_ =	swait.ge [sflag:s11], $0x300  }
0x17d: {  	[sflag:s11] =	ssyncset.done $0x0  }
0x17e: {  	[sflag:s11] =	ssyncadd.s32 $0xFFFFFD00  }
0x17f: {  	[tilespmem:s29], [sflag:$0x2] =	stream.linear.gather [hbm4b:s7+s29], $0x280, $0x38;
	[tilespmem:$0x1000] =	vst v63  }
0x180: {  	_ =	swait.ge [sflag:s11], $0x280  }
0x181: {  	[sflag:s11] =	ssyncset.done $0x0  }
0x182: {  	[sflag:s11] =	ssyncadd.s32 $0xFFFFFD80  }
0x183: {  	v23 =	vld [tilespmem:$0x100]  }
0x184: {  	v19 =	vld [tilespmem:$0x180];
	_ =	sdelay $0x4  }
0x185: {  	v15 =	vmul.f32 v19, v23  }
0x186: {  	v14 =	vmin.f32 v23, $2.788461450e-01;
	v16 =	vmin.f32 v19, $2.163461600e-01  }
0x187: {  	v14 =	vmul.f32 v16, v14;
	v16 =	vadd.f32 $6.032729140e-02, v15;
	_ =	sdelay $0x1  }
0x188: {  	v16 =	vsub.f32 v16, v14;
	_ =	sdelay $0x1  }
0x189: {  	(erf) = vrcp.f32 v16;
	_ =	sdelay $0x3  }
0x18a: {  	v17 =	vmin.f32 v19, $4.759615360e-01;
	v16 =	vmin.f32 v23, $3.750000000e-01  }
0x18b: {  	v16 =	vmul.f32 v17, v16;
	v17 =	vadd.f32 $1.784855720e-01, v15;
	_ =	sdelay $0x1  }
0x18c: {  	v17 =	vsub.f32 v17, v16;
	_ =	sdelay $0x1  }
0x18d: {  	v20 =	vmin.f32 v19, $7.836538550e-01;
	(erf) = vrcp.f32 v17;
	v17 =	vmin.f32 v23, $8.966346380e-01;
	v18 =	vpop (erf)  }
0x18e: {  	v17 =	vmul.f32 v20, v17;
	v14 =	vmul.f32 v18, v14;
	v18 =	vadd.f32 $7.026511430e-01, v15;
	_ =	sdelay $0x1  }
0x18f: {  	v21 =	vmin.f32 v19, $1.466346090e-01;
	v20 =	vmin.f32 v23, $7.211538400e-02;
	v18 =	vsub.f32 v18, v17  }
0x190: {  	v20 =	vmul.f32 v21, v20;
	v21 =	vadd.f32 $1.057461180e-02, v15  }
0x191: {  	v22 =	vmin.f32 v23, $1.490384640e-01;
	v24 =	vmin.f32 v19, $1.081730800e-01;
	(erf) = vrcp.f32 v18  }
0x192: {  	v22 =	vmul.f32 v24, v22;
	v24 =	vadd.f32 $1.612194810e-02, v15;
	v21 =	vsub.f32 v21, v20  }
0x193: {  	v25 =	vmin.f32 v19, $2.860576810e-01;
	v26 =	vmin.f32 v19, $3.125000000e-02  }
0x194: {  	v18 =	vmin.f32 v23, $1.418269280e-01;
	(erf) = vrcp.f32 v21;
	v21 =	vsub.f32 v24, v22  }
0x195: {  	v18 =	vmul.f32 v25, v18;
	v24 =	vadd.f32 $4.057068380e-02, v15;
	v25 =	vmin.f32 v23, $2.403846200e-02  }
0x196: {  	v27 =	vpop (erf);
	v25 =	vmul.f32 v26, v25;
	v26 =	vadd.f32 $7.512019370e-04, v15;
	(erf) = vrcp.f32 v21  }
0x197: {  	vm5 =	vgt.f32 v14, $-1.000000000e+00;
	v16 =	vmul.f32 v27, v16;
	v21 =	vsub.f32 v24, v18  }
0x198: {  	v27 =	vmin.f32 v19, $7.211538400e-02;
	v24 =	vsub.f32 v26, v25;
	v26 =	vmin.f32 v23, $3.846153990e-02  }
0x199: {  	(erf) = vrcp.f32 v21;
	v21 =	vmul.f32 v27, v26;
	v26 =	vadd.f32 $2.773668620e-03, v15  }
0x19a: {  	v14 =	vnsel vm5, $0xBF800000, v14;
	v27 =	vmin.f32 v19, $5.528846010e-02;
	(erf) = vrcp.f32 v24;
	v28 =	vpop (erf)  }
0x19b: {  	v24 =	vmin.f32 v23, $7.932692020e-02;
	v26 =	vsub.f32 v26, v21;
	v17 =	vmul.f32 v28, v17  }
0x19c: {  	vm0 =	vgt.f32 v16, v14;
	v24 =	vmul.f32 v27, v24;
	v27 =	vadd.f32 $4.385863430e-03, v15  }
0x19d: {  	v14 =	vsel vm0, v16, v14;
	(erf) = vrcp.f32 v26;
	v16 =	vpop (erf)  }
0x19e: {  	v26 =	vsub.f32 v27, v24;
	v16 =	vmul.f32 v16, v20;
	vm1 =	vgt.f32 v17, v14  }
0x19f: {  	v14 =	vsel vm1, v17, v14;
	v17 =	vpop (erf)  }
0x1a0: {  	(erf) = vrcp.f32 v26;
	v17 =	vmul.f32 v17, v22  }
0x1a1: {  	vm6 =	vgt.f32 v16, v14  }
0x1a2: {  	v14 =	vsel vm6, v16, v14;
	v16 =	vpop (erf)  }
0x1a3: {  	v16 =	vmul.f32 v16, v18;
	vm7 =	vgt.f32 v17, v14  }
0x1a4: {  	v14 =	vsel vm7, v17, v14;
	v17 =	vpop (erf)  }
0x1a5: {  	v17 =	vmul.f32 v17, v25  }
0x1a6: {  	v18 =	vsel vm0, $0x1, v4;
	vm4 =	vgt.f32 v16, v14  }
0x1a7: {  	v20 =	vld [tilespmem:$0x110];
	v18 =	vsel vm1, $0x2, v18;
	v14 =	vsel vm4, v16, v14;
	v16 =	vpop (erf)  }
0x1a8: {  	v22 =	vld [tilespmem:$0x190];
	v18 =	vsel vm6, $0x3, v18;
	v16 =	vmul.f32 v16, v21;
	vm5 =	vgt.f32 v17, v14  }
0x1a9: {  	v18 =	vsel vm7, $0x4, v18;
	v14 =	vsel vm5, v17, v14;
	v17 =	vpop (erf)  }
0x1aa: {  	v18 =	vsel vm4, $0x5, v18;
	vm6 =	vgt.f32 v16, v14;
	v17 =	vmul.f32 v17, v24  }
0x1ab: {  	v18 =	vsel vm5, $0x6, v18;
	v14 =	vsel vm6, v16, v14  }
0x1ac: {  	v16 =	vsel vm6, $0x7, v18;
	vm7 =	vgt.f32 v17, v14;
	v14 =	vmin.f32 v20, $2.788461450e-01  }
0x1ad: {  	v17 =	vmin.f32 v22, $2.163461600e-01;
	v25 =	vsel vm7, $0x8, v16;
	v16 =	vmul.f32 v22, v20  }
0x1ae: {  	v14 =	vmul.f32 v17, v14;
	vm4 =	veq.s32 v25, $0x1  }
0x1af: {  	vm0 =	veq.s32 v25, $0x0;
	v18 =	vsel vm4, $0x3EC00000, v2;
	v17 =	vadd.f32 $6.032729140e-02, v16  }
0x1b0: {  	v21 =	vsel vm4, $0x3EF3B13B, v5;
	v18 =	vsel vm0, $0x3E8EC4EC, v18  }
0x1b1: {  	v21 =	vsel vm0, $0x3E5D89D9, v21;
	(erf) = vrcp.f32 v18;
	v17 =	vsub.f32 v17, v14  }
0x1b2: {  	(erf) = vrcp.f32 v21  }
0x1b3: {  	(erf) = vrcp.f32 v17;
	_ =	sdelay $0x3  }
0x1b4: {  	v18 =	vmin.f32 v22, $4.759615360e-01;
	v17 =	vmin.f32 v20, $3.750000000e-01  }
0x1b5: {  	v17 =	vmul.f32 v18, v17;
	v18 =	vadd.f32 $1.784855720e-01, v16;
	_ =	sdelay $0x1  }
0x1b6: {  	v18 =	vsub.f32 v18, v17;
	v27 =	vpop (erf)  }
0x1b7: {  	v26 =	vpop (erf)  }
0x1b8: {  	v24 =	vmin.f32 v22, $7.836538550e-01;
	(erf) = vrcp.f32 v18;
	v18 =	vmin.f32 v20, $8.966346380e-01;
	v21 =	vpop (erf)  }
0x1b9: {  	v18 =	vmul.f32 v24, v18;
	v14 =	vmul.f32 v21, v14;
	v21 =	vadd.f32 $7.026511430e-01, v16;
	_ =	sdelay $0x1  }
0x1ba: {  	v28 =	vmin.f32 v22, $1.466346090e-01;
	v24 =	vmin.f32 v20, $7.211538400e-02;
	v21 =	vsub.f32 v21, v18  }
0x1bb: {  	v24 =	vmul.f32 v28, v24;
	v28 =	vadd.f32 $1.057461180e-02, v16  }
0x1bc: {  	v29 =	vmin.f32 v20, $1.490384640e-01;
	v30 =	vmin.f32 v22, $1.081730800e-01;
	(erf) = vrcp.f32 v21  }
0x1bd: {  	v29 =	vmul.f32 v30, v29;
	v30 =	vadd.f32 $1.612194810e-02, v16;
	v28 =	vsub.f32 v28, v24  }
0x1be: {  	v31 =	vmin.f32 v22, $2.860576810e-01;
	v52 =	vmin.f32 v22, $3.125000000e-02  }
0x1bf: {  	v21 =	vmin.f32 v20, $1.418269280e-01;
	(erf) = vrcp.f32 v28;
	v28 =	vsub.f32 v30, v29  }
0x1c0: {  	v21 =	vmul.f32 v31, v21;
	v30 =	vadd.f32 $4.057068380e-02, v16;
	v31 =	vmin.f32 v20, $2.403846200e-02  }
0x1c1: {  	v54 =	vadd.f32 $7.512019370e-04, v16;
	v31 =	vmul.f32 v52, v31;
	(erf) = vrcp.f32 v28  }
0x1c2: {  	v55 =	vmin.f32 v20, $3.846153990e-02;
	v56 =	vmin.f32 v22, $7.211538400e-02;
	v53 =	vpop (erf);
	v28 =	vsub.f32 v30, v21  }
0x1c3: {  	v57 =	vadd.f32 $2.773668620e-03, v16;
	v17 =	vmul.f32 v53, v17;
	v30 =	vsub.f32 v54, v31  }
0x1c4: {  	vm5 =	vgt.f32 v14, $-1.000000000e+00;
	(erf) = vrcp.f32 v28;
	v28 =	vmul.f32 v56, v55  }
0x1c5: {  	v58 =	vmin.f32 v22, $5.528846010e-02;
	v14 =	vnsel vm5, $0xBF800000, v14;
	(erf) = vrcp.f32 v30;
	v60 =	vpop (erf)  }
0x1c6: {  	v30 =	vmin.f32 v20, $7.932692020e-02;
	v32 =	vsub.f32 v57, v28;
	v18 =	vmul.f32 v60, v18  }
0x1c7: {  	v59 =	vadd.f32 $4.385863430e-03, v16;
	vm0 =	vgt.f32 v17, v14;
	v30 =	vmul.f32 v58, v30  }
0x1c8: {  	v14 =	vsel vm0, v17, v14;
	(erf) = vrcp.f32 v32;
	v17 =	vpop (erf)  }
0x1c9: {  	v61 =	vsub.f32 v59, v30;
	v17 =	vmul.f32 v17, v24;
	vm1 =	vgt.f32 v18, v14  }
0x1ca: {  	v14 =	vsel vm1, v18, v14;
	v18 =	vpop (erf)  }
0x1cb: {  	(erf) = vrcp.f32 v61;
	v18 =	vmul.f32 v18, v29  }
0x1cc: {  	vm6 =	vgt.f32 v17, v14  }
0x1cd: {  	v14 =	vsel vm6, v17, v14;
	v17 =	vpop (erf)  }
0x1ce: {  	v17 =	vmul.f32 v17, v21;
	v21 =	vsel vm0, $0x1, v4;
	vm7 =	vgt.f32 v18, v14  }
0x1cf: {  	v21 =	vsel vm1, $0x2, v21;
	v14 =	vsel vm7, v18, v14;
	v18 =	vpop (erf)  }
0x1d0: {  	v21 =	vsel vm6, $0x3, v21;
	v18 =	vmul.f32 v18, v31  }
0x1d1: {  	v19 =	vmax.f32 v19, $9.999999960e-13;
	vm4 =	vgt.f32 v17, v14;
	v31 =	vsel vm7, $0x4, v21;
	v21 =	vld [tilespmem:$0x1A0]  }
0x1d2: {  	v23 =	vmax.f32 v23, $9.999999960e-13;
	v43 =	vmul.u32 $0xD, v25;
	v24 =	vld [tilespmem:$0x0];
	v14 =	vsel vm4, v17, v14;
	v17 =	vpop (erf)  }
0x1d3: {  	v22 =	vmax.f32 v22, $9.999999960e-13;
	v29 =	vld [tilespmem:$0x80];
	v17 =	vmul.f32 v17, v28;
	vm5 =	vgt.f32 v18, v14  }
0x1d4: {  	v20 =	vmax.f32 v20, $9.999999960e-13;
	vm1 =	vlt.u32 v25, $0x3;
	v28 =	vld [tilespmem:$0x120];
	v14 =	vsel vm5, v18, v14;
	v18 =	vpop (erf)  }
0x1d5: {  	v31 =	vsel vm4, $0x5, v31;
	vm6 =	vgt.f32 v17, v14;
	v18 =	vmul.f32 v18, v30  }
0x1d6: {  	v30 =	vsel vm5, $0x6, v31;
	v14 =	vsel vm6, v17, v14;
	v45 =	vmin.f32 v21, $4.759615360e-01  }
0x1d7: {  	v40 =	vmin.f32 v21, $7.836538550e-01;
	v17 =	vsel vm6, $0x7, v30;
	v30 =	vmin.f32 v21, $2.163461600e-01  }
0x1d8: {  	vm7 =	vgt.f32 v18, v14;
	v14 =	vmul.f32 $1.300000000e+01, v24;
	v24 =	vmul.f32 $1.300000000e+01, v29  }
0x1d9: {  	v18 =	vmul.f32 v21, v28;
	v29 =	vmin.f32 v28, $2.788461450e-01;
	v17 =	vsel vm7, $0x8, v17  }
0x1da: {  	v62 =	vld [tilespmem:$0x200];
	v51 =	vmin.f32 v21, $1.466346090e-01;
	v63 =	vmul.f32 v30, v29;
	vm4 =	veq.s32 v17, $0x1  }
0x1db: {  	vm0 =	veq.s32 v17, $0x0;
	v29 =	vadd.f32 $6.032729140e-02, v18;
	v31 =	vsel vm4, $0x3EC00000, v2  }
0x1dc: {  	v30 =	vtrunc.f32 v14;
	v42 =	vsel vm4, $0x3EF3B13B, v5;
	v31 =	vsel vm0, $0x3E8EC4EC, v31  }
0x1dd: {  	v34 =	vsel vm0, $0x3E5D89D9, v42;
	v29 =	vsub.f32 v29, v63;
	(erf) = vrcp.f32 v31  }
0x1de: {  	v61 =	vmin.f32 v21, $7.211538400e-02;
	v37 =	vcvt.f32.s32 v30;
	(erf) = vrcp.f32 v34  }
0x1df: {  	v44 =	vmin.f32 v28, $3.750000000e-01;
	(erf) = vrcp.f32 v29;
	v29 =	vtrunc.f32 v62  }
0x1e0: {  	vm6 =	vlt.f32 v62, $8.000000000e+01;
	v30 =	vtrunc.f32 v24;
	v29 =	vcvt.f32.s32 v29  }
0x1e1: {  	v48 =	vmin.f32 v28, $8.966346380e-01;
	v38 =	vcvt.f32.s32 v30;
	v30 =	vcvt.s32.f32 v37  }
0x1e2: {  	v36 =	vmul.f32 v45, v44;
	v46 =	vadd.f32 $1.784855720e-01, v18;
	vm5 =	vgt.s32 v29, $0x0  }
0x1e3: {  	v31 =	vcvt.s32.f32 v38;
	v30 =	vsub.f32 v14, v30;
	v14 =	vnsel vm5, $0x0, v29  }
0x1e4: {  	v34 =	vadd.s32 v38, v43;
	v35 =	vmin.u32 v14, $0x4F;
	v14 =	vsub.f32 v46, v36  }
0x1e5: {  	v50 =	vmin.f32 v28, $7.211538400e-02;
	v41 =	vmin.f32 v28, $1.490384640e-01;
	v34 =	vmul.u32 $0xD, v34  }
0x1e6: {  	v54 =	vmin.f32 v28, $1.418269280e-01;
	v57 =	vmin.f32 v28, $2.403846200e-02;
	(erf) = vrcp.f32 v14  }
0x1e7: {  	v60 =	vmin.f32 v28, $3.846153990e-02;
	v32 =	vmul.f32 v40, v48;
	v39 =	vmul.f32 v51, v50  }
0x1e8: {  	v44 =	vmin.f32 v21, $3.125000000e-02;
	v49 =	vadd.f32 $7.026511430e-01, v18;
	v29 =	vsub.f32 v24, v31;
	v31 =	vpop (erf)  }
0x1e9: {  	vm7 =	vge.f32 v62, $0.0e+00;
	v52 =	vadd.f32 $1.057461180e-02, v18;
	v24 =	vadd.s32 v37, v34;
	v34 =	vpop (erf)  }
0x1ea: {  	v53 =	vadd.f32 $1.612194810e-02, v18;
	v33 =	vsub.f32 v49, v32;
	v42 =	vmin.f32 v21, $1.081730800e-01;
	v47 =	vpop (erf)  }
0x1eb: {  	v40 =	vsub.f32 v52, v39;
	v14 =	vsel vm1, v24, v6;
	v24 =	vmul.f32 v47, v63  }
0x1ec: {  	v56 =	vadd.f32 $4.057068380e-02, v18;
	v41 =	vmul.f32 v42, v41;
	(erf) = vrcp.f32 v33  }
0x1ed: {  	v58 =	vadd.f32 $7.512019370e-04, v18;
	v43 =	vmin.f32 v21, $2.860576810e-01;
	(erf) = vrcp.f32 v40  }
0x1ee: {  	v55 =	vsub.f32 v53, v41;
	v33 =	vmul.f32 v43, v54;
	vm4 =	vgt.f32 v24, $-1.000000000e+00  }
0x1ef: {  	v48 =	vadd.f32 $4.385863430e-03, v18;
	vm2 =	vmand vm6, vm7;
	v53 =	vld [tilespmem:$0x10];
	v45 =	vnsel vm4, $0xBF800000, v24;
	v24 =	vpop (erf)  }
0x1f0: {  	(erf) = vrcp.f32 v55;
	v36 =	vmul.f32 v24, v36;
	v24 =	vsub.f32 v56, v33  }
0x1f1: {  	v42 =	vmul.f32 v61, v60;
	v50 =	vmul.u32 $0xD, v38;
	v43 =	vmul.f32 v44, v57  }
0x1f2: {  	v62 =	vmin.f32 v28, $7.932692020e-02;
	v28 =	vmax.f32 v28, $9.999999960e-13;
	(erf) = vrcp.f32 v24  }
0x1f3: {  	v59 =	vsub.f32 v58, v43;
	v63 =	vmin.f32 v21, $5.528846010e-02;
	v24 =	vadd.f32 $2.773668620e-03, v18  }
0x1f4: {  	v38 =	vmul.f32 $1.300000000e+01, v53;
	v46 =	vmul.u32 $0x50, v14;
	v40 =	vmul.f32 v63, v62  }
0x1f5: {  	v21 =	vmax.f32 v21, $9.999999960e-13;
	v47 =	vpop (erf);
	(erf) = vrcp.f32 v59;
	v24 =	vsub.f32 v24, v42  }
0x1f6: {  	v44 =	vsub.f32 v48, v40;
	v32 =	vmul.f32 v47, v32;
	v49 =	vpop (erf);
	vm0 =	vgt.f32 v36, v45  }
0x1f7: {  	v39 =	vmul.f32 v49, v39;
	v45 =	vsel vm0, v36, v45;
	(erf) = vrcp.f32 v24  }
0x1f8: {  	v36 =	vmul.f32 v27, v23;
	v23 =	vmul.u32 $0x55, v25;
	vm3 =	vgt.f32 v32, v45  }
0x1f9: {  	v27 =	vpop (erf);
	v52 =	vsel vm0, $0x1, v4;
	v25 =	vsel vm3, v32, v45;
	(erf) = vrcp.f32 v44  }
0x1fa: {  	v27 =	vmul.f32 v27, v41;
	v23 =	vadd.s32 v3, v23;
	vm4 =	vgt.f32 v39, v25  }
0x1fb: {  	v32 =	vadd.s32 v37, v50;
	v37 =	vmul.f32 v26, v19;
	v26 =	vld [tilespmem:$0x90];
	v25 =	vsel vm4, v39, v25;
	v51 =	vpop (erf)  }
0x1fc: {  	v23 =	vmul.u32 $0xA9, v23;
	vm0 =	vgt.f32 v27, v25;
	v33 =	vmul.f32 v51, v33  }
0x1fd: {  	v18 =	vsub.f32 $2.000000000e+00, v18;
	v24 =	vadd.s32 v35, v46;
	v25 =	vsel vm0, v27, v25  }
0x1fe: {  	v39 =	vsel vm3, $0x2, v52;
	v19 =	vadd.s32 v23, v32;
	v27 =	vpop (erf);
	vm3 =	vgt.f32 v33, v25  }
0x1ff: {  	v54 =	vsel vm4, $0x3, v39;
	v27 =	vmul.f32 v27, v43;
	v23 =	vsel vm3, v33, v25  }
0x200: {  	v35 =	vmul.u32 $0xA9, v35;
	v32 =	vsel vm0, $0x4, v54;
	v39 =	vmul.f32 $1.300000000e+01, v26;
	v25 =	vpop (erf)  }
0x201: {  	vm4 =	vgt.f32 v27, v23;
	v25 =	vmul.f32 v25, v42;
	v42 =	vnsel vm1, $0x0, v19;
	v19 =	vld [tilespmem:$0x130]  }
0x202: {  	v56 =	vtrunc.f32 v39;
	v32 =	vsel vm3, $0x5, v32;
	v27 =	vsel vm4, v27, v23;
	v23 =	vpop (erf)  }
0x203: {  	v33 =	vcvt.f32.s32 v56;
	vm5 =	vgt.f32 v25, v27;
	v55 =	vmul.f32 v23, v40  }
0x204: {  	v32 =	vsel vm4, $0x6, v32;
	v43 =	vadd.s32 $0xA9, v42;
	v23 =	vld [tilespmem:$0x1B0];
	v25 =	vsel vm5, v25, v27  }
0x205: {  	v46 =	vadd.s32 $0x152, v42;
	v26 =	vsel vm5, $0x7, v32;
	vm6 =	vgt.f32 v55, v25  }
0x206: {  	v25 =	vtrunc.f32 v38;
	v58 =	vmin.f32 v19, $2.788461450e-01;
	v26 =	vsel vm6, $0x8, v26  }
0x207: {  	v51 =	vmin.f32 v19, $3.750000000e-01;
	v54 =	vmin.f32 v19, $8.966346380e-01;
	vm0 =	veq.s32 v26, $0x1  }
0x208: {  	v56 =	vld [tilespmem:$0x20];
	v27 =	vcvt.f32.s32 v25;
	vm7 =	veq.s32 v26, $0x0;
	v57 =	vsel vm0, $0x3EC00000, v2  }
0x209: {  	v25 =	vmul.f32 v23, v19;
	v59 =	vmin.f32 v23, $2.163461600e-01;
	v60 =	vsel vm0, $0x3EF3B13B, v5  }
0x20a: {  	v52 =	vmin.f32 v23, $4.759615360e-01;
	v48 =	vmin.f32 v23, $7.836538550e-01;
	v49 =	vcvt.s32.f32 v27  }
0x20b: {  	v32 =	vsel vm7, $0x3E8EC4EC, v57;
	v61 =	vmul.f32 v59, v58;
	v44 =	vmul.f32 v52, v51  }
0x20c: {  	v63 =	vsel vm7, $0x3E5D89D9, v60;
	v47 =	vmul.f32 v48, v54;
	v52 =	vcvt.s32.f32 v33  }
0x20d: {  	v58 =	vmul.u32 $0x55, v17;
	v48 =	vmul.f32 $1.300000000e+01, v56;
	v59 =	vmin.f32 v19, $7.211538400e-02  }
0x20e: {  	v54 =	vmin.f32 v23, $1.466346090e-01;
	v62 =	vadd.f32 $6.032729140e-02, v25;
	v53 =	vadd.f32 $1.784855720e-01, v25  }
0x20f: {  	(erf) = vrcp.f32 v32;
	v55 =	vadd.f32 $7.026511430e-01, v25;
	v41 =	vsub.f32 v38, v49  }
0x210: {  	v38 =	vmul.f32 v34, v22;
	v22 =	vmul.u32 $0xD, v33;
	v40 =	vsub.f32 v62, v61  }
0x211: {  	v54 =	vmul.f32 v54, v59;
	(erf) = vrcp.f32 v63;
	v57 =	vsub.f32 v53, v44  }
0x212: {  	v32 =	vld [tilespmem:$0x210];
	v60 =	vadd.f32 $1.057461180e-02, v25;
	v50 =	vsub.f32 v55, v47;
	(erf) = vrcp.f32 v40  }
0x213: {  	v63 =	vadd.f32 $1.612194810e-02, v25;
	v22 =	vadd.s32 v27, v22;
	(erf) = vrcp.f32 v57  }
0x214: {  	v40 =	vmul.f32 v31, v20;
	v20 =	vadd.s32 v3, v58;
	(erf) = vrcp.f32 v50  }
0x215: {  	v58 =	vmin.f32 v23, $1.081730800e-01;
	v20 =	vmul.u32 $0xA9, v20;
	v57 =	vmin.f32 v19, $1.490384640e-01  }
0x216: {  	v34 =	vsub.f32 v60, v54;
	v31 =	vtrunc.f32 v48;
	v57 =	vmul.f32 v58, v57  }
0x217: {  	v49 =	vtrunc.f32 v32;
	v31 =	vcvt.f32.s32 v31;
	v56 =	vadd.s32 v20, v22;
	v22 =	vld [tilespmem:$0xA0]  }
0x218: {  	v49 =	vcvt.f32.s32 v49;
	v60 =	vsub.f32 v63, v57;
	v50 =	vpop (erf);
	(erf) = vrcp.f32 v34;
	v34 =	vld [tilespmem:$0x220]  }
0x219: {  	v51 =	vadd.s32 $0x1FB, v42;
	v39 =	vsub.f32 v39, v52;
	v20 =	vcvt.s32.f32 v31  }
0x21a: {  	v53 =	vadd.s32 $0x2A4, v42;
	vm4 =	vgt.s32 v49, $0x0;
	v52 =	vpop (erf);
	(erf) = vrcp.f32 v60  }
0x21b: {  	v20 =	vsub.f32 v48, v20;
	v28 =	vmul.f32 v50, v28;
	v21 =	vmul.f32 v52, v21;
	v55 =	vpop (erf)  }
0x21c: {  	v49 =	vnsel vm4, $0x0, v49;
	v59 =	vmul.f32 $1.300000000e+01, v22;
	v45 =	vmul.f32 v55, v61;
	v61 =	vpop (erf)  }
0x21d: {  	v22 =	vadd.f32 $4.057068380e-02, v25;
	v60 =	vtrunc.f32 v34;
	v44 =	vmul.f32 v61, v44;
	v62 =	vpop (erf)  }
0x21e: {  	v61 =	vmin.f32 v19, $1.418269280e-01;
	v47 =	vmul.f32 v62, v47;
	v62 =	vmin.f32 v23, $2.860576810e-01  }
0x21f: {  	v48 =	vcvt.f32.s32 v60;
	vm0 =	vgt.f32 v45, $-1.000000000e+00;
	v55 =	vmul.f32 v62, v61  }
0x220: {  	v52 =	vmul.u32 $0x55, v26;
	v63 =	vtrunc.f32 v59;
	v45 =	vnsel vm0, $0xBF800000, v45  }
0x221: {  	vm5 =	vgt.s32 v48, $0x0;
	v58 =	vsub.f32 v22, v55;
	v22 =	vcvt.f32.s32 v63  }
0x222: {  	v60 =	vadd.f32 $7.512019370e-04, v25;
	vm3 =	vgt.f32 v44, v45;
	v48 =	vnsel vm5, $0x0, v48  }
0x223: {  	v44 =	vsel vm3, v44, v45;
	v63 =	vmin.f32 v19, $2.403846200e-02;
	v61 =	vcvt.s32.f32 v22  }
0x224: {  	[tilespmem:$0xC00] =	vst v30;
	v30 =	vsel vm3, $0x1, v4;
	vm4 =	vgt.f32 v47, v44;
	(erf) = vrcp.f32 v58  }
0x225: {  	v62 =	vpop (erf);
	v58 =	vadd.s32 v42, v35;
	v35 =	vsub.f32 v59, v61;
	v59 =	vmin.f32 v23, $3.125000000e-02  }
0x226: {  	v45 =	vmul.f32 v62, v54;
	v44 =	vsel vm4, v47, v44;
	v47 =	vmul.f32 v59, v63  }
0x227: {  	vm3 =	vlt.u32 v17, $0x3;
	v62 =	vmin.f32 v19, $3.846153990e-02;
	v54 =	vadd.f32 $2.773668620e-03, v25  }
0x228: {  	[tilespmem:$0xC80] =	vst v29;
	vm5 =	vgt.f32 v45, v44;
	v63 =	vmin.f32 v23, $7.211538400e-02;
	v61 =	vsub.f32 v60, v47  }
0x229: {  	[tilespmem:$0x480] =	vst v43;
	v29 =	vnsel vm3, $0x0, v56;
	v43 =	vsel vm5, v45, v44;
	v44 =	vmul.f32 v63, v62  }
0x22a: {  	v60 =	vmin.f32 v19, $7.932692020e-02;
	(erf) = vrcp.f32 v61;
	v61 =	vmin.f32 v23, $5.528846010e-02  }
0x22b: {  	[tilespmem:$0x400] =	vst v42;
	v63 =	vadd.f32 $4.385863430e-03, v25;
	v45 =	vsub.f32 v54, v44;
	v42 =	vmul.f32 v61, v60  }
0x22c: {  	v30 =	vsel vm4, $0x2, v30;
	v56 =	vmul.u32 $0xD, v22;
	v58 =	vadd.s32 $0x34D, v58  }
0x22d: {  	vm4 =	vlt.u32 v26, $0x3;
	[tilespmem:$0x680] =	vst v58;
	v58 =	vld [tilespmem:$0xB0];
	v59 =	vpop (erf);
	(erf) = vrcp.f32 v45;
	v50 =	vsub.f32 v63, v42  }
0x22e: {  	[tilespmem:$0x500] =	vst v46;
	v30 =	vsel vm5, $0x3, v30;
	v46 =	vmul.f32 v59, v57;
	v59 =	vsub.f32 $2.000000000e+00, v15  }
0x22f: {  	v15 =	vmin.u32 v49, $0x4F;
	v54 =	vadd.s32 $0x1FB, v29;
	v62 =	vpop (erf);
	(erf) = vrcp.f32 v50  }
0x230: {  	[tilespmem:$0xF20] =	vst v18;
	v57 =	vsub.f32 $2.000000000e+00, v16;
	v16 =	vmin.u32 v48, $0x4F;
	v49 =	vmul.u32 $0xA9, v15  }
0x231: {  	[tilespmem:$0xD80] =	vst v37;
	v60 =	vadd.s32 $0xA9, v29;
	vm0 =	vgt.f32 v46, v43;
	v45 =	vadd.s32 v3, v52  }
0x232: {  	[tilespmem:$0x580] =	vst v51;
	v52 =	vmul.f32 $1.300000000e+01, v58;
	v61 =	vsel vm0, v46, v43;
	v45 =	vmul.u32 $0xA9, v45  }
0x233: {  	[tilespmem:$0x600] =	vst v53;
	v30 =	vsel vm0, $0x4, v30;
	v51 =	vmul.f32 v62, v55;
	v63 =	vadd.s32 v29, v49  }
0x234: {  	[tilespmem:$0x410] =	vst v29;
	v62 =	vadd.s32 $0x152, v29;
	v29 =	vadd.s32 $0x2A4, v29;
	v46 =	vadd.s32 $0x34D, v63;
	v53 =	vpop (erf)  }
0x235: {  	[tilespmem:$0x610] =	vst v29;
	v29 =	vadd.s32 v31, v56;
	vm5 =	vgt.f32 v51, v61;
	v55 =	vmul.f32 v53, v47  }
0x236: {  	[tilespmem:$0xF00] =	vst v59;
	v29 =	vadd.s32 v45, v29;
	v37 =	vsel vm5, v51, v61;
	v30 =	vsel vm5, $0x5, v30;
	v59 =	vpop (erf)  }
0x237: {  	[tilespmem:$0x490] =	vst v60;
	v60 =	vld [tilespmem:$0x30];
	v29 =	vnsel vm4, $0x0, v29;
	v61 =	vmul.f32 v59, v44;
	vm6 =	vgt.f32 v55, v37  }
0x238: {  	[tilespmem:$0x510] =	vst v62;
	v51 =	vmul.u32 $0xA9, v16;
	v63 =	vadd.s32 $0xA9, v29;
	v37 =	vsel vm6, v55, v37;
	v62 =	vpop (erf)  }
0x239: {  	[tilespmem:$0xD00] =	vst v36;
	v48 =	vadd.s32 $0x152, v29;
	vm7 =	vgt.f32 v61, v37;
	v42 =	vmul.f32 v62, v42  }
0x23a: {  	[tilespmem:$0xC10] =	vst v41;
	v49 =	vadd.s32 $0x1FB, v29;
	v30 =	vsel vm6, $0x6, v30;
	v37 =	vsel vm7, v61, v37  }
0x23b: {  	[tilespmem:$0xD90] =	vst v38;
	v50 =	vadd.s32 $0x2A4, v29;
	v30 =	vsel vm7, $0x7, v30;
	vm5 =	vgt.f32 v42, v37  }
0x23c: {  	[tilespmem:$0xC90] =	vst v39;
	v53 =	vmul.f32 $1.300000000e+01, v60;
	v55 =	vtrunc.f32 v52;
	v30 =	vsel vm5, $0x8, v30  }
0x23d: {  	[tilespmem:$0x420] =	vst v29;
	v29 =	vadd.s32 v29, v51;
	v41 =	vcvt.f32.s32 v55;
	v59 =	vmul.u32 $0x55, v30  }
0x23e: {  	v17 =	vmul.u32 $0xD, v17;
	[tilespmem:$0x590] =	vst v54;
	v29 =	vadd.s32 $0x34D, v29;
	v56 =	vtrunc.f32 v53  }
0x23f: {  	v54 =	vld [tilespmem:$0x230];
	[tilespmem:$0x6A0] =	vst v29;
	v60 =	vcvt.f32.s32 v56;
	v29 =	vmul.u32 $0xD, v41;
	v62 =	vadd.s32 v3, v59  }
0x240: {  	v17 =	vadd.s32 v33, v17;
	[tilespmem:$0x4A0] =	vst v63;
	v63 =	vmul.u32 $0xA9, v62  }
0x241: {  	[tilespmem:$0xD10] =	vst v40;
	v17 =	vmul.u32 $0xD, v17;
	v29 =	vadd.s32 v60, v29  }
0x242: {  	[tilespmem:$0xD20] =	vst v28;
	v28 =	vadd.s32 v63, v29;
	v29 =	vld [tilespmem:$0x1FFF0]  }
0x243: {  	[tilespmem:$0xC20] =	vst v20;
	v17 =	vadd.s32 v27, v17  }
0x244: {  	[tilespmem:$0xDA0] =	vst v21;
	v19 =	vmax.f32 v19, $9.999999960e-13;
	v20 =	vtrunc.f32 v54;
	vm0 =	veq.s32 v30, $0x1  }
0x245: {  	[tilespmem:$0xF10] =	vst v57;
	v20 =	vcvt.f32.s32 v20;
	vm6 =	veq.s32 v30, $0x0;
	v57 =	vsel vm0, $0x3EC00000, v2  }
0x246: {  	[tilespmem:$0xCA0] =	vst v35;
	v58 =	vsel vm0, $0x3EF3B13B, v5;
	vm0 =	vlt.u32 v30, $0x3;
	v61 =	vsel vm6, $0x3E8EC4EC, v57  }
0x247: {  	[tilespmem:$0x690] =	vst v46;
	v40 =	vsel vm6, $0x3E5D89D9, v58;
	(erf) = vrcp.f32 v61;
	vm5 =	vnez.u8 v29  }
0x248: {  	[tilespmem:$0x520] =	vst v48;
	vm6 =	vgt.s32 v20, $0x0;
	(erf) = vrcp.f32 v40;
	vm5 =	vmand vm0, vm5  }
0x249: {  	[tilespmem:$0x5A0] =	vst v49;
	vm7 =	vmand vm2, vm1;
	v18 =	vnsel vm6, $0x0, v20;
	v21 =	vnsel vm5, $0x0, v28  }
0x24a: {  	[tilespmem:$0x620] =	vst v50;
	v20 =	vsel vm7, v24, v6;
	v18 =	vmin.u32 v18, $0x4F;
	v28 =	vadd.s32 $0xA9, v21  }
0x24b: {  	vm7 =	vlt.f32 v32, $8.000000000e+01;
	v24 =	vadd.s32 $0x152, v21;
	[tilespmem:$0x4B0] =	vst v28;
	v28 =	vmul.u32 $0xA9, v18  }
0x24c: {  	vm6 =	vge.f32 v32, $0.0e+00;
	v29 =	vcvt.s32.f32 v60;
	[tilespmem:$0x530] =	vst v24;
	v24 =	vadd.s32 $0x1FB, v21  }
0x24d: {  	vm0 =	vmand vm7, vm6;
	[tilespmem:$0x5B0] =	vst v24;
	v24 =	vcvt.s32.f32 v41;
	v28 =	vadd.s32 v21, v28  }
0x24e: {  	vm7 =	vlt.f32 v34, $8.000000000e+01;
	vm6 =	vge.f32 v34, $0.0e+00;
	[tilespmem:$0x430] =	vst v21;
	v21 =	vadd.s32 $0x2A4, v21  }
0x24f: {  	v29 =	vsub.f32 v53, v29;
	[tilespmem:$0x630] =	vst v21;
	v21 =	vadd.s32 $0x34D, v28;
	v24 =	vsub.f32 v52, v24  }
0x250: {  	[tilespmem:$0x6B0] =	vst v21;
	v21 =	vmul.u32 $0xD, v26;
	v26 =	vmax.f32 v23, $9.999999960e-13;
	v23 =	vsel vm3, v17, v7;
	v28 =	vpop (erf)  }
0x251: {  	v17 =	vmul.u32 $0xD, v30;
	[tilespmem:$0xCB0] =	vst v24;
	v24 =	vmul.u32 $0x50, v23;
	v19 =	vmul.f32 v28, v19;
	v27 =	vpop (erf)  }
0x252: {  	vm0 =	vmand vm0, vm3;
	[tilespmem:$0xC30] =	vst v29;
	v21 =	vadd.s32 v22, v21;
	v26 =	vmul.f32 v27, v26  }
0x253: {  	v17 =	vadd.s32 v41, v17;
	v15 =	vadd.s32 v15, v24;
	[tilespmem:$0xD30] =	vst v19;
	v19 =	vsub.f32 $2.000000000e+00, v25  }
0x254: {  	v21 =	vmul.u32 $0xD, v21;
	v17 =	vmul.u32 $0xD, v17;
	v22 =	vsel vm0, v15, v7;
	[tilespmem:$0xDB0] =	vst v26  }
0x255: {  	vm0 =	vmand vm7, vm6;
	vm7 =	vlt.f32 v54, $8.000000000e+01;
	vm6 =	vge.f32 v54, $0.0e+00;
	[tilespmem:$0xF30] =	vst v19  }
0x256: {  	v15 =	vadd.s32 v31, v21;
	vm0 =	vmand vm0, vm4;
	vm1 =	vmand vm7, vm6;
	[tilespmem:s14], [sflag:$0x1] =	stream.indirect.gather [hbm4b:s3+s12], $0x1, s13, s12, $0xb8;
	[tilespmem:$0x1000] =	vst v63  }
0x257: {  	v31 =	vmov s29;
	v27 =	vsel vm4, v15, v8;
	v15 =	vadd.s32 v60, v17  }
0x258: {  	vm7 =	vmand vm1, vm5;
	vm4 =	vgt.s32 v14, $0xFFFFFFFF;
	v24 =	vperm.xlane v20, v31;
	[tilespmem:s16], [sflag:$0x1] =	stream.indirect.gather [hbm4b:s3+s12], $0x1, s15, s12, $0xb8;
	[tilespmem:$0x1000] =	vst v63  }
0x259: {  	vm9 =	vgt.u32 v31, v0;
	vm15 =	vgt.u32 v31, v11;
	v19 =	vmul.u32 $0x50, v27  }
0x25a: {  	v17 =	vsel vm5, v15, v9;
	vm5 =	vgt.s32 v23, $0xFFFFFFFF;
	v30 =	vsel vm4, $0x1, v4;
	[tilespmem:s18], [sflag:$0x1] =	stream.indirect.gather [hbm4b:s3+s12], $0x1, s17, s12, $0xb8;
	[tilespmem:$0x1000] =	vst v63  }
0x25b: {  	vm6 =	vgt.s32 v27, $0xFFFFFFFF;
	vm4 =	vgt.s32 v20, $0xFFFFFFFF;
	v15 =	vmul.u32 $0x50, v17  }
0x25c: {  	v28 =	vsel vm5, $0x1, v4;
	v25 =	vsel vm6, $0x1, v4;
	v29 =	vsel vm4, $0x1, v4;
	[tilespmem:s20], [sflag:$0x1] =	stream.indirect.gather [hbm4b:s3+s12], $0x1, s19, s12, $0xb8;
	[tilespmem:$0x1000] =	vst v63  }
0x25d: {  	vm5 =	vgt.s32 v22, $0xFFFFFFFF;
	v16 =	vadd.s32 v16, v19;
	v15 =	vadd.s32 v18, v15  }
0x25e: {  	v19 =	vsel vm0, v16, v8;
	v15 =	vsel vm7, v15, v9;
	vm7 =	vgt.s32 v17, $0xFFFFFFFF;
	[tilespmem:s22], [sflag:$0x1] =	stream.indirect.gather [hbm4b:s3+s12], $0x1, s21, s12, $0xb8;
	[tilespmem:$0x1000] =	vst v63  }
0x25f: {  	s29 =	simm.s32 $0x1;
	vm6 =	vgt.s32 v19, $0xFFFFFFFF;
	v18 =	vsel vm7, $0x1, v4;
	vm7 =	vgt.s32 v15, $0xFFFFFFFF  }
0x260: {  	v26 =	vsel vm5, $0x1, v4;
	v21 =	vsel vm6, $0x1, v4;
	v16 =	vsel vm7, $0x1, v4;
	[tilespmem:s24], [sflag:$0x1] =	stream.indirect.gather [hbm4b:s3+s12], $0x1, s23, s12, $0xb8;
	[tilespmem:$0x1000] =	vst v63  }
.LBB2_4:
0x261: {  	v32 =	vimm.s32 $0x0;
	v62 =	vimm.s32 $0x0  }
0x262: {  	v63 =	vor.u32 $0x10, v31;
	v33 =	vperm.xlane v19, v31;
	v34 =	vperm.xlane v15, v31  }
0x263: {  	v35 =	vperm.xlane v22, v31;
	v36 =	vimm.s32 $0x0;
	v37 =	vperm.xlane v27, v31  }
0x264: {  	v44 =	vor.u32 $0x20, v31;
	v38 =	vperm.xlane v23, v31;
	v39 =	vperm.xlane v17, v31  }
0x265: {  	v45 =	vperm.xlane v14, v31;
	v40 =	vimm.s32 $0x0;
	v46 =	vimm.s32 $0x0  }
0x266: {  	v47 =	vimm.s32 $0x0;
	v48 =	vimm.s32 $0x0;
	vm1 =	vgt.u32 v63, v11  }
0x267: {  	vm4 =	vgt.u32 v44, v11;
	vm0 =	veq.s32 v15, v33;
	vm5 =	veq.s32 v15, v34  }
0x268: {  	vm6 =	veq.s32 v15, v35;
	vm0 =	vmand vm4, vm0;
	vm5 =	vmand vm9, vm5  }
0x269: {  	vm7 =	veq.s32 v15, v24;
	vm6 =	vmand vm1, vm6;
	vm0 =	vmor vm5, vm0  }
0x26a: {  	v49 =	vimm.s32 $0x0;
	vm5 =	vmand vm15, vm7;
	vm0 =	vmor vm0, vm6  }
0x26b: {  	v50 =	vimm.s32 $0x0;
	v52 =	vimm.s32 $0x0;
	vm0 =	vmor vm0, vm5  }
0x26c: {  	vm5 =	veq.s32 v27, v37;
	v16 =	vsel vm0, $0x0, v16;
	vm0 =	vgt.u32 v44, v12  }
0x26d: {  	v54 =	vimm.s32 $0x0;
	v56 =	vimm.s32 $0x0;
	vm5 =	vmand vm0, vm5  }
0x26e: {  	v57 =	vimm.s32 $0x0;
	vm6 =	veq.s32 v19, v33;
	v40 =	vsel vm5, $0xFFFFFFFF, v40  }
0x26f: {  	v60 =	vimm.s32 $0x0;
	v32 =	vsel vm9, $0xFFFFFFFF, v32;
	vm0 =	vmand vm0, vm6;
	[tilespmem:$0x1FDC0] =	vst v40  }
0x270: {  	[tilespmem:$0x1FE80] =	vst v32;
	v32 =	vsel vm15, $0xFFFFFFFF, v62;
	v36 =	vsel vm1, $0xFFFFFFFF, v36;
	v40 =	vsel vm0, $0xFFFFFFFF, v46;
	v51 =	vld [tilespmem:$0x1FDC0]  }
0x271: {  	vm8 =	veq.s32 v17, v39;
	vm12 =	veq.s32 v14, v37;
	vm6 =	veq.s32 v23, v38;
	[tilespmem:$0x1FDD0] =	vst v40  }
0x272: {  	vm13 =	veq.s32 v20, v33;
	vm7 =	veq.s32 v17, v37;
	v40 =	vsel vm6, $0xFFFFFFFF, v47;
	v53 =	vld [tilespmem:$0x1FDD0]  }
0x273: {  	vm14 =	veq.s32 v23, v37;
	vm3 =	veq.s32 v27, v39;
	vm5 =	vmand vm4, vm7;
	[tilespmem:$0x1FDE0] =	vst v40  }
0x274: {  	vm2 =	veq.s32 v19, v34;
	vm6 =	vmand vm9, vm8;
	v40 =	vsel vm5, $0xFFFFFFFF, v48;
	v55 =	vld [tilespmem:$0x1FDE0]  }
0x275: {  	v62 =	vimm.s32 $0x0;
	[tilespmem:$0x1FDF0] =	vst v40;
	v40 =	vsel vm6, $0xFFFFFFFF, v49;
	vm15 =	vnez.u8 v51  }
0x276: {  	vm1 =	vgt.u32 v63, v12;
	vm7 =	veq.s32 v22, v33;
	[tilespmem:$0x1FE00] =	vst v40;
	v58 =	vld [tilespmem:$0x1FDF0];
	vm3 =	vmor vm3, vm15  }
0x277: {  	[tilespmem:$0x1FEB0] =	vst v32;
	v33 =	vsel vm7, $0xFFFFFFFF, v50;
	v59 =	vld [tilespmem:$0x1FE00];
	v32 =	vsel vm3, $0xFFFFFFFF, v52;
	vm3 =	vnez.u8 v53  }
0x278: {  	vm4 =	veq.s32 v20, v34;
	vm7 =	veq.s32 v22, v34;
	[tilespmem:$0x1FE20] =	vst v33;
	vm2 =	vmor vm2, vm3  }
0x279: {  	vm0 =	vgt.u32 v63, v13;
	[tilespmem:$0x1FE30] =	vst v32;
	v32 =	vsel vm2, $0xFFFFFFFF, v54;
	vm2 =	vnez.u8 v55  }
0x27a: {  	vm4 =	vmor vm4, vm13;
	vm8 =	veq.s32 v22, v35;
	v63 =	vld [tilespmem:$0x1FE20];
	vm2 =	vmand vm0, vm2  }
0x27b: {  	vm5 =	veq.s32 v23, v39;
	[tilespmem:$0x1FE40] =	vst v32;
	vm0 =	vmand vm0, vm8;
	v32 =	vsel vm2, $0xFFFFFFFF, v56  }
0x27c: {  	vm2 =	vnez.u8 v59;
	[tilespmem:$0x1FE70] =	vst v32;
	v32 =	vsel vm0, $0xFFFFFFFF, v57;
	vm0 =	vnez.u8 v58  }
0x27d: {  	vm6 =	veq.s32 v14, v39;
	vm5 =	vmor vm5, vm14;
	vm0 =	vmor vm2, vm0  }
0x27e: {  	vm14 =	veq.s32 v22, v24;
	vm6 =	vmor vm6, vm12;
	[tilespmem:$0x1FE90] =	vst v32;
	v32 =	vsel vm0, $0xFFFFFFFF, v60  }
0x27f: {  	vm12 =	veq.s32 v20, v24;
	[tilespmem:$0x1FE50] =	vst v32;
	v32 =	vsel vm4, $0xFFFFFFFF, v62;
	vm4 =	vnez.u8 v63  }
0x280: {  	vm7 =	vmor vm7, vm4;
	vm4 =	veq.s32 v19, v24;
	v24 =	vimm.s32 $0x0  }
0x281: {  	v24 =	vsel vm4, $0xFFFFFFFF, v24  }
0x282: {  	vm4 =	veq.s32 v17, v45;
	[tilespmem:$0x1FEA0] =	vst v24;
	v24 =	vimm.s32 $0x0  }
0x283: {  	v24 =	vsel vm4, $0xFFFFFFFF, v24  }
0x284: {  	[tilespmem:$0x1FEC0] =	vst v24;
	v24 =	vld [tilespmem:$0x1FE30];
	_ =	sdelay $0x4  }
0x285: {  	vm4 =	vnez.u8 v24;
	v24 =	vld [tilespmem:$0x1FE40];
	_ =	sdelay $0x2  }
0x286: {  	vm9 =	veq.s32 v27, v38  }
0x287: {  	vm9 =	vmand vm1, vm9  }
0x288: {  	vm9 =	vmor vm4, vm9;
	vm4 =	vnez.u8 v24;
	v24 =	vld [tilespmem:$0x1FE50];
	_ =	sdelay $0x1  }
0x289: {  	[tilespmem:$0x1FE10] =	vst v36  }
0x28a: {  	vm10 =	veq.s32 v19, v35;
	v61 =	vld [tilespmem:$0x1FE10]  }
0x28b: {  	vm15 =	vmand vm1, vm10;
	[tilespmem:$0x1FE60] =	vst v32  }
0x28c: {  	vm15 =	vmor vm4, vm15;
	vm4 =	vnez.u8 v24;
	v24 =	vld [tilespmem:$0x1FE60];
	_ =	sdelay $0x2  }
0x28d: {  	vm11 =	veq.s32 v17, v38;
	vm0 =	vnez.u8 v61  }
0x28e: {  	vm10 =	vmand vm0, vm11  }
0x28f: {  	vm10 =	vmor vm4, vm10;
	vm4 =	vnez.u8 v24;
	v24 =	vld [tilespmem:$0x1FE70];
	_ =	sdelay $0x3  }
0x290: {  	vm2 =	veq.s32 v20, v35  }
0x291: {  	vm2 =	vmor vm4, vm2;
	vm4 =	vnez.u8 v24;
	v24 =	vld [tilespmem:$0x1FE80];
	_ =	sdelay $0x3  }
0x292: {  	vm3 =	veq.s32 v14, v38  }
0x293: {  	vm3 =	vmor vm6, vm3;
	vm6 =	vnez.u8 v24;
	v24 =	vld [tilespmem:$0x1FE90];
	_ =	sdelay $0x3  }
0x294: {  	vm11 =	veq.s32 v14, v45  }
0x295: {  	vm4 =	vmor vm5, vm4;
	vm5 =	vmand vm6, vm11;
	vm11 =	vnez.u8 v24;
	v24 =	vld [tilespmem:$0x1FEA0];
	_ =	sdelay $0x4  }
0x296: {  	vm6 =	vmand vm6, vm12;
	vm12 =	vnez.u8 v24;
	v24 =	vld [tilespmem:$0x1FEB0];
	_ =	sdelay $0x3  }
0x297: {  	vm13 =	veq.s32 v23, v45;
	vm1 =	vgt.u32 v31, v12;
	vm8 =	veq.s32 v27, v45  }
0x298: {  	vm8 =	vmand vm1, vm8;
	vm1 =	vmand vm1, vm12;
	vm12 =	vnez.u8 v24;
	v24 =	vld [tilespmem:$0x1FEC0]  }
0x299: {  	vm0 =	vgt.u32 v31, v13;
	v31 =	vmov s29;
	vm8 =	vmor vm9, vm8  }
0x29a: {  	vm9 =	vgt.u32 v31, v0;
	vm3 =	vmor vm3, vm5;
	vm2 =	vmor vm2, vm6  }
0x29b: {  	p0 =	sne.s32 s29, $0xF;
	v25 =	vsel vm8, $0x0, v25;
	v30 =	vsel vm3, $0x0, v30;
	v29 =	vsel vm2, $0x0, v29  }
.Ltmp1:
0x29c: {  	vm7 =	vmor vm7, vm11;
	vm11 =	vmand vm0, vm13;
	vm0 =	vmand vm0, vm14;
	(pc) =	sbr.rel @p0 .LBB2_4-.Ltmp1, $4  }
0x29d: {  	vm4 =	vmor vm4, vm11;
	vm0 =	vmor vm7, vm0;
	vm13 =	vnez.u8 v24  }
0x29e: {  	v28 =	vsel vm4, $0x0, v28;
	v26 =	vsel vm0, $0x0, v26;
	vm12 =	vmand vm12, vm13  }
0x29f: {  	vm1 =	vmor vm15, vm1;
	vm15 =	vgt.u32 v31, v11;
	vm5 =	vmor vm10, vm12  }
0x2a0: {  	s29 =	sadd.s32 $0x1, s29;
	v21 =	vsel vm1, $0x0, v21;
	v24 =	vperm.xlane v20, v31;
	v18 =	vsel vm5, $0x0, v18  }
0x2a1: {  	v35 =	vor.u32 $0x10, v31;
	v34 =	vperm.xlane v19, v31;
	v33 =	vperm.xlane v15, v31  }
0x2a2: {  	v36 =	vor.u32 $0x20, v31;
	v37 =	vperm.xlane v27, v31;
	v32 =	vperm.xlane v22, v31  }
0x2a3: {  	v38 =	vimm.s32 $0x0;
	v47 =	vperm.xlane v17, v31;
	vm3 =	vgt.u32 v36, v11  }
0x2a4: {  	v48 =	vperm.xlane v23, v31;
	vm0 =	vgt.u32 v36, v12;
	v38 =	vsel vm3, $0xFFFFFFFF, v38  }
0x2a5: {  	vm1 =	veq.s32 v27, v37;
	vm2 =	veq.s32 v19, v34;
	vm4 =	veq.s32 v17, v37  }
0x2a6: {  	vm5 =	veq.s32 v17, v47;
	vm7 =	veq.s32 v14, v37;
	vm8 =	veq.s32 v23, v37  }
0x2a7: {  	v37 =	vperm.xlane v14, v31;
	vm6 =	veq.s32 v22, v32;
	vm10 =	veq.s32 v27, v48  }
0x2a8: {  	vm11 =	veq.s32 v19, v32;
	vm12 =	veq.s32 v20, v34;
	vm13 =	veq.s32 v19, v33  }
0x2a9: {  	vm14 =	veq.s32 v14, v47;
	vm1 =	vmand vm0, vm1;
	vm0 =	vmand vm0, vm2  }
0x2aa: {  	vm2 =	veq.s32 v23, v48;
	vm4 =	vmand vm3, vm4;
	vm3 =	vmmov vm9  }
0x2ab: {  	vm9 =	vmand vm9, vm5;
	vm5 =	veq.s32 v27, v47;
	vm7 =	vmor vm14, vm7  }
0x2ac: {  	vm14 =	veq.s32 v20, v32;
	vm1 =	vmor vm5, vm1;
	vm5 =	vmor vm13, vm0  }
0x2ad: {  	vm13 =	vgt.u32 v35, v13;
	vm0 =	vgt.u32 v35, v12;
	vm4 =	vmor vm9, vm4  }
0x2ae: {  	vm2 =	vmand vm13, vm2;
	vm6 =	vmand vm13, vm6;
	vm13 =	veq.s32 v20, v33  }
0x2af: {  	vm10 =	vmand vm0, vm10;
	vm0 =	vmand vm0, vm11;
	vm11 =	veq.s32 v23, v47  }
0x2b0: {  	vm9 =	vmor vm13, vm12;
	vm12 =	veq.s32 v14, v37;
	vm13 =	veq.s32 v14, v48  }
0x2b1: {  	v51 =	vld [tilespmem:$0xD00];
	vm11 =	vmor vm11, vm8;
	vm5 =	vmor vm5, vm0;
	vm0 =	veq.s32 v27, v37  }
0x2b2: {  	v53 =	vld [tilespmem:$0xD80];
	vm7 =	vmor vm7, vm13;
	vm8 =	vmand vm3, vm12;
	vm12 =	veq.s32 v22, v34  }
0x2b3: {  	v49 =	vld [tilespmem:$0xC00];
	vm13 =	veq.s32 v22, v33;
	vm2 =	vmor vm11, vm2;
	vm7 =	vmor vm7, vm8  }
0x2b4: {  	v50 =	vld [tilespmem:$0xC80];
	vm12 =	vmor vm13, vm12;
	vm13 =	veq.s32 v20, v24;
	v30 =	vsel vm7, $0x0, v30  }
0x2b5: {  	vm8 =	vmor vm1, vm10;
	vm10 =	veq.s32 v23, v37;
	vm1 =	veq.s32 v30, $0x0  }
0x2b6: {  	v56 =	vld [tilespmem:$0xF00];
	[tilespmem:$0x1FDB0] =	vst v38;
	vm7 =	vmor vm9, vm14;
	vm9 =	vgt.u32 v31, v13;
	v58 =	vsel vm1, $0x3F800000, v51  }
0x2b7: {  	vm11 =	vmand vm3, vm13;
	v52 =	vsel vm1, $0x0, v10;
	v61 =	vsel vm1, $0x3F800000, v53;
	[tilespmem:$0xD00] =	vst v58  }
0x2b8: {  	v62 =	vld [tilespmem:$0xD10];
	vm10 =	vmand vm9, vm10;
	vm11 =	vmor vm7, vm11;
	v54 =	vmul.f32 v49, v52;
	[tilespmem:$0xD80] =	vst v61  }
0x2b9: {  	v38 =	vld [tilespmem:$0xD90];
	vm7 =	vgt.u32 v31, v12;
	v29 =	vsel vm11, $0x0, v29;
	v55 =	vmul.f32 v50, v52;
	[tilespmem:$0xE00] =	vst v52  }
0x2ba: {  	vm2 =	vmor vm2, vm10;
	vm1 =	vmor vm12, vm6;
	vm12 =	veq.s32 v29, $0x0;
	[tilespmem:$0xC00] =	vst v54  }
0x2bb: {  	v46 =	vld [tilespmem:$0xD20];
	v60 =	vsel vm2, $0x0, v28;
	v23 =	vmul.f32 v56, v52;
	v63 =	vsel vm12, $0x0, v10;
	[tilespmem:$0xC80] =	vst v55  }
0x2bc: {  	v57 =	vld [tilespmem:$0xC10];
	vm13 =	vmmov vm3;
	vm0 =	vmand vm7, vm0;
	vm14 =	veq.s32 v60, $0x0;
	[tilespmem:$0xE80] =	vst v63  }
0x2bd: {  	v59 =	vld [tilespmem:$0xC90];
	vm6 =	veq.s32 v22, v24;
	vm0 =	vmor vm8, vm0;
	[tilespmem:$0xF00] =	vst v23;
	v12 =	vsel vm14, $0x3F800000, v62  }
0x2be: {  	vm2 =	vmand vm9, vm6;
	v41 =	vsel vm0, $0x0, v25;
	v44 =	vsel vm14, $0x3F800000, v38;
	[tilespmem:$0xD10] =	vst v12  }
0x2bf: {  	v40 =	vld [tilespmem:$0xF10];
	vm6 =	vgt.u32 v35, v11;
	v27 =	vsel vm14, $0x0, v10;
	vm11 =	veq.s32 v41, $0x0;
	[tilespmem:$0xD90] =	vst v44  }
0x2c0: {  	v43 =	vld [tilespmem:$0xCA0];
	vm9 =	veq.s32 v17, v48;
	vm8 =	veq.s32 v15, v33;
	[tilespmem:$0xE10] =	vst v27;
	v53 =	vsel vm11, $0x3F800000, v46  }
0x2c1: {  	v11 =	vld [tilespmem:$0xC20];
	vm1 =	vmor vm1, vm2;
	v13 =	vmul.f32 v57, v27;
	v48 =	vsel vm11, $0x0, v10;
	[tilespmem:$0xD20] =	vst v53  }
0x2c2: {  	v51 =	vld [tilespmem:$0xF20];
	vm0 =	vmand vm6, vm9;
	v42 =	vsel vm1, $0x0, v26;
	v39 =	vmul.f32 v59, v27;
	[tilespmem:$0xE20] =	vst v48  }
0x2c3: {  	v49 =	vld [tilespmem:$0xDA0];
	vm12 =	veq.s32 v19, v24;
	vm0 =	vmor vm4, vm0;
	vm1 =	veq.s32 v42, $0x0;
	[tilespmem:$0xC10] =	vst v13  }
0x2c4: {  	vm2 =	vmand vm7, vm12;
	v47 =	vmul.f32 v40, v27;
	v45 =	vsel vm1, $0x0, v10;
	[tilespmem:$0xC90] =	vst v39  }
0x2c5: {  	v56 =	vld [tilespmem:$0x1FDB0];
	vm14 =	veq.s32 v17, v37;
	vm7 =	veq.s32 v15, v34;
	v50 =	vmul.f32 v43, v48;
	[tilespmem:$0xE90] =	vst v45  }
0x2c6: {  	v54 =	vld [tilespmem:$0xCB0];
	vm2 =	vmor vm5, vm2;
	vm4 =	vmand vm15, vm14;
	v11 =	vmul.f32 v11, v48;
	[tilespmem:$0xF10] =	vst v47  }
0x2c7: {  	v61 =	vld [tilespmem:$0xF30];
	vm12 =	veq.s32 v15, v32;
	vm0 =	vmor vm0, vm4;
	v52 =	vsel vm2, $0x0, v21;
	[tilespmem:$0xCA0] =	vst v50  }
0x2c8: {  	v14 =	vmul.f32 v51, v48;
	v18 =	vsel vm0, $0x0, v18;
	v55 =	vsel vm11, $0x3F800000, v49;
	[tilespmem:$0xC20] =	vst v11;
	v11 =	vld [tilespmem:$0xC30]  }
0x2c9: {  	vm3 =	vmand vm6, vm12;
	vm9 =	veq.s32 v52, $0x0;
	[tilespmem:$0xDA0] =	vst v55;
	vm11 =	veq.s32 v18, $0x0  }
0x2ca: {  	v58 =	vld [tilespmem:$0xD30];
	vm10 =	vnez.u8 v56;
	v57 =	vsel vm9, $0x0, v10;
	[tilespmem:$0xF20] =	vst v14;
	v18 =	vsel vm11, $0x0, v10  }
0x2cb: {  	v59 =	vld [tilespmem:$0xDB0];
	vm0 =	vmand vm13, vm8;
	vm2 =	vmand vm10, vm7;
	[tilespmem:$0xEA0] =	vst v57;
	v60 =	vmul.f32 v54, v18  }
0x2cc: {  	vm14 =	veq.s32 v15, v24;
	vm0 =	vmor vm0, vm2;
	[tilespmem:$0xE30] =	vst v18;
	v63 =	vmul.f32 v61, v18  }
0x2cd: {  	vm2 =	vmand vm15, vm14;
	vm0 =	vmor vm0, vm3;
	[tilespmem:$0xCB0] =	vst v60;
	v11 =	vmul.f32 v11, v18  }
0x2ce: {  	vm0 =	vmor vm0, vm2;
	[tilespmem:$0xF30] =	vst v63  }
0x2cf: {  	v62 =	vsel vm0, $0x0, v16;
	[tilespmem:$0xC30] =	vst v11;
	v11 =	vsel vm11, $0x3F800000, v58  }
0x2d0: {  	vm0 =	veq.s32 v62, $0x0;
	[tilespmem:$0xD30] =	vst v11;
	v11 =	vsel vm11, $0x3F800000, v59  }
0x2d1: {  	[tilespmem:$0xDB0] =	vst v11;
	v11 =	vsel vm0, $0x0, v10  }
0x2d2: {  	[tilespmem:$0xEB0] =	vst v11  }
0x2d3: {  	_ =	swait.ge [sflag:s25], $0x40  }
0x2d4: {  	[sflag:s25] =	ssyncset.done $0x0  }
0x2d5: {  	[sflag:s25] =	ssyncadd.s32 $0xFFFFFFC0  }
0x2d6: {  	_ =	swait.ge [sflag:s25], $0x40  }
0x2d7: {  	[sflag:s25] =	ssyncset.done $0x0  }
0x2d8: {  	[sflag:s25] =	ssyncadd.s32 $0xFFFFFFC0  }
0x2d9: {  	_ =	swait.ge [sflag:s25], $0x40  }
0x2da: {  	[sflag:s25] =	ssyncset.done $0x0  }
0x2db: {  	[sflag:s25] =	ssyncadd.s32 $0xFFFFFFC0  }
0x2dc: {  	_ =	swait.ge [sflag:s25], $0x40  }
0x2dd: {  	[sflag:s25] =	ssyncset.done $0x0  }
0x2de: {  	[sflag:s25] =	ssyncadd.s32 $0xFFFFFFC0  }
0x2df: {  	_ =	swait.ge [sflag:s25], $0x40  }
0x2e0: {  	[sflag:s25] =	ssyncset.done $0x0  }
0x2e1: {  	[sflag:s25] =	ssyncadd.s32 $0xFFFFFFC0  }
0x2e2: {  	_ =	swait.ge [sflag:s25], $0x40  }
0x2e3: {  	[sflag:s25] =	ssyncset.done $0x0  }
0x2e4: {  	[sflag:s25] =	ssyncadd.s32 $0xFFFFFFC0  }
0x2e5: {  	[hbm4b:s8+s1] =	stream.linear.scatter [tilespmem:s26], [sflag:$0x2], $0x380, $0x38;
	[tilespmem:$0x1000] =	vst v63  }
0x2e6: {  	s28 =	sadd.s32 $0x1, s28;
	_ =	swait.ge [sflag:s11], $0x380  }
0x2e7: {  	p0 =	sne.s32 s28, s10;
	[sflag:s11] =	ssyncset.done $0x0  }
.Ltmp2:
0x2e8: {  	[sflag:s11] =	ssyncadd.s32 $0xFFFFFC80;
	(pc) =	sbr.rel @p0 .LBB2_1-.Ltmp2, $4  }
0x2e9: {  	[hbm4b:s9+s1] =	stream.linear.scatter [tilespmem:s14], [sflag:$0x2], $0x300, $0x38;
	[tilespmem:$0x1000] =	vst v63  }
0x2ea: {  	_ =	swait.ge [sflag:s11], $0x300  }
0x2eb: {  	[sflag:s11] =	ssyncset.done $0x0  }
0x2ec: {  	[sflag:s11] =	ssyncadd.s32 $0xFFFFFD00  }
0x2ed: {  	_ =	sfence.sel $0x180000  }
0x2ee: {  	[bflag:$0x0] =	sbarrier.arrive $0xFFFF  }
0x2ef: {  	p0 =	sne.s32 s2, $0x0;
	_ =	strace $0x90000047  }
0x2f0: {  	s0 =	sadd.s32 @!p0 $0x100000, s0;
	[bflag:$0x2] =	sbarrier.arrive $0xFFFF  }
0x2f1: {  	[sflag:s0] =	ssyncadd.tile.s32 @!p0 $0x1;
	_ =	shalt  }
.Lfunc_end2:
_tile_overlayer_lowered:
.L_overlay_start_2:
0x2f2: {  	(tag) =	ssettag $0x2  }
0x2f3: {  	s0 =	rddreg [dreg:$0x0];
	s2 =	stileid.u32  }
0x2f4: {  	s1 =	rddreg [dreg:$0x1];
	p0 =	sne.s32 s2, $0x0  }
0x2f5: {  	s3 =	rddreg [dreg:$0x2];
	[bflag:$0x3] =	sbarrier.arrive $0xFFFF;
	s2 =	simm.s32 @!p0 $0x1C02  }
0x2f6: {  	[timem:s3], [sflag:s2] =	dma.local @!p0 [hbm:s0], s1  }
0x2f7: {  	s0 =	simm.s32 @!p0 $0x2  }
0x2f8: {  	_ =	swait.ge @!p0 [sflag:s0], s1  }
0x2f9: {  	s1 =	ssub.s32 @!p0 $0x0, s1;
	[sflag:s0] =	ssyncset.done @!p0 $0x0  }
0x2fa: {  	[sflag:s0] =	ssyncadd.s32 @!p0 s1  }
0x2fb: {  	[bflag:$0x3] =	sbarrier.arrive $0xFFFF  }
0x2fc: {  	_ =	shalt  }

</sc_bundles>
